<compile_context>
chip_gen: v7x
topology: tpu7x:2x2x1
jax: 0.10.2.dev20260603
libtpu: 0.0.44.dev20260713+nightly
codegen_flags: <defaults>
</compile_context>

<pallas_src>
import functools

import jax
import jax.numpy as jnp
from jax import lax
from jax.experimental import pallas as pl
from jax.experimental.pallas import tpu as pltpu
from jax.experimental.pallas import tpu_sc as plsc

N = 10000
E = 320000
D = 128
ED = 16
CW = 8

NC = 2
NS = 16
NW = NC * NS
EPW = E // NW

CA = 125
GA = 40
NGA = EPW // (CA * GA)

CC = 40
GC = 50
NGC = EPW // (CC * GC)

RPS = 624
TAIL = N - NS * RPS


def _sc_mesh():
    return plsc.VectorSubcoreMesh(
        core_axis_name="c", subcore_axis_name="s", num_cores=NC, num_subcores=NS
    )



def _sc_scatter_attr(edge_attr, col4a, zeros16, ones8, zeros8):
    @functools.partial(
        pl.kernel,
        out_type=(
            jax.ShapeDtypeStruct((NC, N, ED), jnp.float32),
            jax.ShapeDtypeStruct((NC, N, CW), jnp.float32),
        ),
        mesh=_sc_mesh(),
        compiler_params=pltpu.CompilerParams(use_tc_tiling_on_sc=False),
        scratch_types=[
            pltpu.VMEM((GA, CA), jnp.int32),
            pltpu.VMEM((CA, ED), jnp.float32),
            pltpu.VMEM((CA, ED), jnp.float32),
            pltpu.VMEM((CA, CW), jnp.float32),
            pltpu.VMEM((CA, CW), jnp.float32),
            pltpu.VMEM_SHARED((N, ED), jnp.float32),
            pltpu.VMEM_SHARED((N, CW), jnp.float32),
            pltpu.SemaphoreType.DMA,
            pltpu.SemaphoreType.DMA,
            pltpu.SemaphoreType.DMA,
            pltpu.SemaphoreType.DMA,
            pltpu.SemaphoreType.DMA,
        ],
    )
    def k(ea, col4_h, zeros_h, ones_h, zeros8_h, aggp, cntp,
          colv, abuf0, abuf1, onesv, zb8, acc16, acccnt,
          lsem0, lsem1, ssem0, ssem1, osem):
        cid = lax.axis_index("c")
        sid = lax.axis_index("s")
        wid = cid * NS + sid

        pltpu.sync_copy(zeros_h, abuf0)
        pltpu.sync_copy(ones_h, onesv)
        pltpu.sync_copy(zeros8_h, zb8)

        r0 = sid * RPS

        @pl.loop(0, 15)
        def _(i):
            pltpu.sync_copy(abuf0.at[pl.ds(0, 40)], acc16.at[pl.ds(r0 + i * 40, 40)])
            pltpu.sync_copy(zb8.at[pl.ds(0, 40)], acccnt.at[pl.ds(r0 + i * 40, 40)])
        pltpu.sync_copy(abuf0.at[pl.ds(0, 24)], acc16.at[pl.ds(r0 + 600, 24)])
        pltpu.sync_copy(zb8.at[pl.ds(0, 24)], acccnt.at[pl.ds(r0 + 600, 24)])

        @pl.when(sid == NS - 1)
        def _():
            pltpu.sync_copy(abuf0.at[pl.ds(0, TAIL)], acc16.at[pl.ds(NS * RPS, TAIL)])
            pltpu.sync_copy(zb8.at[pl.ds(0, TAIL)], acccnt.at[pl.ds(NS * RPS, TAIL)])

        plsc.subcore_barrier()

        base = wid * EPW

        def load(j, buf, sem):
            pltpu.async_copy(ea.at[pl.ds(base + j * CA, CA)], buf, sem)

        def wait_load(buf, sem):
            pltpu.make_async_copy(ea.at[pl.ds(0, CA)], buf, sem).wait()

        def scat(j, buf, sem):
            pltpu.async_copy(buf, acc16.at[colv.at[j]], sem, add=True)

        def wait_scat(buf, sem):
            pltpu.make_async_copy(buf, acc16.at[colv.at[0]], sem).wait()

        def ones_scat(j):
            pltpu.async_copy(onesv, acccnt.at[colv.at[j]], osem, add=True)

        def wait_ones():
            pltpu.make_async_copy(onesv, acccnt.at[colv.at[0]], osem).wait()

        for g in range(NGA):
            gbase = g * GA
            pltpu.sync_copy(col4_h.at[wid, g], colv)
            load(gbase + 0, abuf0, lsem0)
            load(gbase + 1, abuf1, lsem1)

            @pl.loop(0, GA // 2 - 1)
            def _(t):
                a = gbase + 2 * t
                wait_load(abuf0, lsem0)
                scat(2 * t, abuf0, ssem0)
                ones_scat(2 * t)
                wait_load(abuf1, lsem1)
                scat(2 * t + 1, abuf1, ssem1)
                ones_scat(2 * t + 1)
                wait_scat(abuf0, ssem0)
                load(a + 2, abuf0, lsem0)
                wait_scat(abuf1, ssem1)
                load(a + 3, abuf1, lsem1)
                wait_ones()
                wait_ones()

            wait_load(abuf0, lsem0)
            scat(GA - 2, abuf0, ssem0)
            ones_scat(GA - 2)
            wait_load(abuf1, lsem1)
            scat(GA - 1, abuf1, ssem1)
            ones_scat(GA - 1)
            wait_scat(abuf0, ssem0)
            wait_scat(abuf1, ssem1)
            wait_ones()
            wait_ones()

        plsc.subcore_barrier()

        @pl.loop(0, 15)
        def _(i):
            pltpu.sync_copy(acc16.at[pl.ds(r0 + i * 40, 40)], abuf0.at[pl.ds(0, 40)])
            pltpu.sync_copy(abuf0.at[pl.ds(0, 40)], aggp.at[cid, pl.ds(r0 + i * 40, 40)])
            pltpu.sync_copy(acccnt.at[pl.ds(r0 + i * 40, 40)], zb8.at[pl.ds(0, 40)])
            pltpu.sync_copy(zb8.at[pl.ds(0, 40)], cntp.at[cid, pl.ds(r0 + i * 40, 40)])
        pltpu.sync_copy(acc16.at[pl.ds(r0 + 600, 24)], abuf0.at[pl.ds(0, 24)])
        pltpu.sync_copy(abuf0.at[pl.ds(0, 24)], aggp.at[cid, pl.ds(r0 + 600, 24)])
        pltpu.sync_copy(acccnt.at[pl.ds(r0 + 600, 24)], zb8.at[pl.ds(0, 24)])
        pltpu.sync_copy(zb8.at[pl.ds(0, 24)], cntp.at[cid, pl.ds(r0 + 600, 24)])

        @pl.when(sid == NS - 1)
        def _():
            pltpu.sync_copy(acc16.at[pl.ds(NS * RPS, TAIL)], abuf0.at[pl.ds(0, TAIL)])
            pltpu.sync_copy(abuf0.at[pl.ds(0, TAIL)], aggp.at[cid, pl.ds(NS * RPS, TAIL)])
            pltpu.sync_copy(acccnt.at[pl.ds(NS * RPS, TAIL)], zb8.at[pl.ds(0, TAIL)])
            pltpu.sync_copy(zb8.at[pl.ds(0, TAIL)], cntp.at[cid, pl.ds(NS * RPS, TAIL)])

    return k(edge_attr, col4a, zeros16, ones8, zeros8)



def _sc_gather_scatter(y, row4, col4, zeros128):
    @functools.partial(
        pl.kernel,
        out_type=jax.ShapeDtypeStruct((NC, N, D), jnp.float32),
        mesh=_sc_mesh(),
        compiler_params=pltpu.CompilerParams(use_tc_tiling_on_sc=False),
        scratch_types=[
            pltpu.VMEM((GC, CC), jnp.int32),
            pltpu.VMEM((GC, CC), jnp.int32),
            pltpu.VMEM((CC, D), jnp.float32),
            pltpu.VMEM((CC, D), jnp.float32),
            pltpu.VMEM((CC, D), jnp.float32),
            pltpu.VMEM((CC, D), jnp.float32),
            pltpu.VMEM_SHARED((N, D), jnp.float32),
            pltpu.SemaphoreType.DMA,
            pltpu.SemaphoreType.DMA,
            pltpu.SemaphoreType.DMA,
            pltpu.SemaphoreType.DMA,
            pltpu.SemaphoreType.DMA,
            pltpu.SemaphoreType.DMA,
            pltpu.SemaphoreType.DMA,
            pltpu.SemaphoreType.DMA,
        ],
    )
    def k(y_h, row4_h, col4_h, zeros_h, sp, rowv, colv,
          gbuf0, gbuf1, gbuf2, gbuf3, acc,
          gsem0, gsem1, gsem2, gsem3, ssem0, ssem1, ssem2, ssem3):
        cid = lax.axis_index("c")
        sid = lax.axis_index("s")
        wid = cid * NS + sid

        pltpu.sync_copy(zeros_h, gbuf0)

        r0 = sid * RPS

        @pl.loop(0, 15)
        def _(i):
            pltpu.sync_copy(gbuf0.at[pl.ds(0, 40)], acc.at[pl.ds(r0 + i * 40, 40)])
        pltpu.sync_copy(gbuf0.at[pl.ds(0, 24)], acc.at[pl.ds(r0 + 600, 24)])

        @pl.when(sid == NS - 1)
        def _():
            pltpu.sync_copy(gbuf0.at[pl.ds(0, TAIL)], acc.at[pl.ds(NS * RPS, TAIL)])

        plsc.subcore_barrier()

        def gath(j, buf, sem):
            pltpu.async_copy(y_h.at[rowv.at[j]], buf, sem)

        def wait_gath(buf, sem):
            pltpu.make_async_copy(y_h.at[rowv.at[0]], buf, sem).wait()

        def scat(j, buf, sem):
            pltpu.async_copy(buf, acc.at[colv.at[j]], sem, add=True)

        def wait_scat(buf, sem):
            pltpu.make_async_copy(buf, acc.at[colv.at[0]], sem).wait()

        bufs = (gbuf0, gbuf1, gbuf2, gbuf3)
        gsems = (gsem0, gsem1, gsem2, gsem3)
        ssems = (ssem0, ssem1, ssem2, ssem3)

        for g in range(NGC):
            pltpu.sync_copy(row4_h.at[wid, g], rowv)
            pltpu.sync_copy(col4_h.at[wid, g], colv)
            for i in range(4):
                gath(i, bufs[i], gsems[i])

            @pl.loop(0, GC // 4 - 1)
            def _(q):
                for i in range(4):
                    wait_gath(bufs[i], gsems[i])
                    scat(4 * q + i, bufs[i], ssems[i])
                for i in range(4):
                    wait_scat(bufs[i], ssems[i])
                    gath(4 * q + 4 + i, bufs[i], gsems[i])

            for i in range(4):
                wait_gath(bufs[i], gsems[i])
                scat(GC - 6 + i, bufs[i], ssems[i])
            wait_scat(gbuf0, ssem0)
            gath(GC - 2, gbuf0, gsem0)
            wait_scat(gbuf1, ssem1)
            gath(GC - 1, gbuf1, gsem1)
            wait_scat(gbuf2, ssem2)
            wait_scat(gbuf3, ssem3)
            wait_gath(gbuf0, gsem0)
            scat(GC - 2, gbuf0, ssem0)
            wait_gath(gbuf1, gsem1)
            scat(GC - 1, gbuf1, ssem1)
            wait_scat(gbuf0, ssem0)
            wait_scat(gbuf1, ssem1)

        plsc.subcore_barrier()

        @pl.loop(0, 15)
        def _(i):
            pltpu.sync_copy(acc.at[pl.ds(r0 + i * 40, 40)], gbuf0.at[pl.ds(0, 40)])
            pltpu.sync_copy(gbuf0.at[pl.ds(0, 40)], sp.at[cid, pl.ds(r0 + i * 40, 40)])
        pltpu.sync_copy(acc.at[pl.ds(r0 + 600, 24)], gbuf0.at[pl.ds(0, 24)])
        pltpu.sync_copy(gbuf0.at[pl.ds(0, 24)], sp.at[cid, pl.ds(r0 + 600, 24)])

        @pl.when(sid == NS - 1)
        def _():
            pltpu.sync_copy(acc.at[pl.ds(NS * RPS, TAIL)], gbuf0.at[pl.ds(0, TAIL)])
            pltpu.sync_copy(gbuf0.at[pl.ds(0, TAIL)], sp.at[cid, pl.ds(NS * RPS, TAIL)])

    return k(y, row4, col4, zeros128)



def _tc_dense1(x, aggp, cntp, W_edge, b_edge2, W_conv):
    def body(x_ref, aggp_ref, cntp_ref, we_ref, be_ref, wc_ref, y_ref, dinv_ref):
        agg16 = aggp_ref[0] + aggp_ref[1]
        cnt = cntp_ref[0, :, 0:1] + cntp_ref[1, :, 0:1]
        agg = jnp.dot(agg16, we_ref[...], preferred_element_type=jnp.float32)
        agg = agg + cnt * be_ref[...]
        x1 = x_ref[...] + agg
        xl = jnp.dot(x1, wc_ref[...], preferred_element_type=jnp.float32)
        dinv = lax.rsqrt(cnt + 1.0)
        y_ref[...] = dinv * xl
        dinv_ref[...] = dinv

    return pl.pallas_call(
        body,
        out_shape=(
            jax.ShapeDtypeStruct((N, D), jnp.float32),
            jax.ShapeDtypeStruct((N, 1), jnp.float32),
        ),
    )(x, aggp, cntp, W_edge, b_edge2, W_conv)



def _tc_dense2(sp, y, dinv, b_conv2):
    def body(sp_ref, y_ref, dinv_ref, bc_ref, out_ref):
        s = sp_ref[0] + sp_ref[1] + y_ref[...]
        out_ref[...] = jnp.maximum(dinv_ref[...] * s + bc_ref[...], 0.0)

    return pl.pallas_call(
        body,
        out_shape=jax.ShapeDtypeStruct((N, D), jnp.float32),
    )(sp, y, dinv, b_conv2)


def kernel(x, edge_index, edge_attr, W_edge, b_edge, W_conv, b_conv):
    col4a = edge_index[1].reshape(NW, NGA, GA, CA)
    row4 = edge_index[0].reshape(NW, NGC, GC, CC)
    col4 = edge_index[1].reshape(NW, NGC, GC, CC)
    zeros16 = jnp.zeros((CA, ED), jnp.float32)
    ones8 = jnp.ones((CA, CW), jnp.float32)
    zeros8 = jnp.zeros((CA, CW), jnp.float32)
    zeros128 = jnp.zeros((CC, D), jnp.float32)

    aggp, cntp = _sc_scatter_attr(edge_attr, col4a, zeros16, ones8, zeros8)
    y, dinv = _tc_dense1(x, aggp, cntp, W_edge, b_edge.reshape(1, D), W_conv)
    sp = _sc_gather_scatter(y, row4, col4, zeros128)
    return _tc_dense2(sp, y, dinv, b_conv.reshape(1, D))

# --- scband reference (transcript-rebuilt; emitter-appended) ---
"""Pipeline reference for scband-gcnwrapper-53257594471012 (READ-ONLY COPY).

The authoritative reference and input builder live on the scoring server;
editing this copy changes nothing except your own understanding.
"""

import jax, jax.numpy as jnp
import numpy as np

N = 10000
E = 320000
D = 128
ED = 16

def setup_inputs(seed: int = 0) -> dict:
    key = jax.random.key(seed)
    ks = jax.random.split(key, 7)
    x = jax.random.normal(ks[0], (N, D), dtype=jnp.float32)
    edge_index = jax.random.randint(ks[1], (2, E), 0, N, dtype=jnp.int32)
    edge_attr = jax.random.normal(ks[2], (E, ED), dtype=jnp.float32)
    W_edge = jax.random.normal(ks[3], (ED, D), dtype=jnp.float32) * 0.05
    b_edge = jnp.zeros((D,), dtype=jnp.float32)
    W_conv = jax.random.normal(ks[4], (D, D), dtype=jnp.float32) * 0.05
    b_conv = jnp.zeros((D,), dtype=jnp.float32)
    return {"x": x, "edge_index": edge_index, "edge_attr": edge_attr,
            "W_edge": W_edge, "b_edge": b_edge, "W_conv": W_conv, "b_conv": b_conv}

def reference(x, edge_index, edge_attr, W_edge, b_edge, W_conv, b_conv):
    # edge_mlp: Linear(edge_dim -> input_dim)
    edge_emb = edge_attr @ W_edge + b_edge
    row = edge_index[0]
    col = edge_index[1]
    # x = x + scatter_add over dst nodes (col) of edge embeddings
    agg = jax.ops.segment_sum(edge_emb, col, num_segments=N)
    x = x + agg
    # GCNConv: linear transform, add self-loops, symmetric normalization, aggregate, bias
    xl = x @ W_conv
    loop = jnp.arange(N, dtype=row.dtype)
    row2 = jnp.concatenate([row, loop])
    col2 = jnp.concatenate([col, loop])
    ew = jnp.ones((row2.shape[0],), dtype=jnp.float32)
    deg = jax.ops.segment_sum(ew, col2, num_segments=N)
    dinv = jnp.where(deg > 0, deg ** -0.5, 0.0)
    norm = dinv[row2] * dinv[col2]
    msg = xl[row2] * norm[:, None]
    out = jax.ops.segment_sum(msg, col2, num_segments=N) + b_conv
    return jax.nn.relu(out)

if __name__ == "__main__":
    import jax
    _d = setup_inputs()
    print(jax.jit(kernel)(*tuple(_d.values())))

</pallas_src>

<mosaic_0001>
#map = affine_map<(d0, d1) -> (0, 0)>
#map1 = affine_map<(d0, d1) -> (0, 0, 0, 0)>
#map2 = affine_map<(d0, d1) -> (0, 0, 0)>
module attributes {stable_mosaic.version = 14 : i64} {
  func.func @k(%arg0: i32, %arg1: i32, %arg2: memref<10000x128xf32, #tpu.memory_space<hbm>>, %arg3: memref<32x5x50x40xi32, #tpu.memory_space<hbm>>, %arg4: memref<32x5x50x40xi32, #tpu.memory_space<hbm>>, %arg5: memref<40x128xf32, #tpu.memory_space<hbm>>, %arg6: memref<2x10000x128xf32, #tpu.memory_space<hbm>>, %arg7: memref<50x40xi32, #tpu.memory_space<vmem>>, %arg8: memref<50x40xi32, #tpu.memory_space<vmem>>, %arg9: memref<40x128xf32, #tpu.memory_space<vmem>>, %arg10: memref<40x128xf32, #tpu.memory_space<vmem>>, %arg11: memref<40x128xf32, #tpu.memory_space<vmem>>, %arg12: memref<40x128xf32, #tpu.memory_space<vmem>>, %arg13: memref<10000x128xf32, #tpu.memory_space<vmem_shared>>, %arg14: memref<!tpu.dma_semaphore, #tpu.memory_space<semaphore_mem>>, %arg15: memref<!tpu.dma_semaphore, #tpu.memory_space<semaphore_mem>>, %arg16: memref<!tpu.dma_semaphore, #tpu.memory_space<semaphore_mem>>, %arg17: memref<!tpu.dma_semaphore, #tpu.memory_space<semaphore_mem>>, %arg18: memref<!tpu.dma_semaphore, #tpu.memory_space<semaphore_mem>>, %arg19: memref<!tpu.dma_semaphore, #tpu.memory_space<semaphore_mem>>, %arg20: memref<!tpu.dma_semaphore, #tpu.memory_space<semaphore_mem>>, %arg21: memref<!tpu.dma_semaphore, #tpu.memory_space<semaphore_mem>>) attributes {dimension_semantics = [#tpu.dimension_semantics<core_parallel>, #tpu.dimension_semantics<subcore_parallel>], iteration_bounds = array<i64: 2, 16>, scalar_prefetch = 0 : i64, scratch_operands = 15 : i64, tpu.core_type = #tpu.core_type<sc_vector_subcore>, window_params = [{transform_indices = #map}, {transform_indices = #map1}, {transform_indices = #map1}, {transform_indices = #map}, {transform_indices = #map2}]} {
    %mul3A = arith.constant 16 : i32
    %mul3A_0 = arith.muli %arg0, %mul3A : i32
    %add3A = arith.addi %mul3A_0, %arg1 : i32
    "tpu.region"() ({
      %run_scoped3A_898 = tpu.sem_alloc : memref<!tpu.dma_semaphore, #tpu.memory_space<semaphore_mem>>
      tpu.enqueue_dma source(%arg5 : memref<40x128xf32, #tpu.memory_space<hbm>>) target(%arg9 : memref<40x128xf32, #tpu.memory_space<vmem>>) target_semaphore(%run_scoped3A_898 : memref<!tpu.dma_semaphore, #tpu.memory_space<semaphore_mem>>)
      tpu.wait_dma2 semaphore(%run_scoped3A_898 : memref<!tpu.dma_semaphore, #tpu.memory_space<semaphore_mem>>) src(%arg5 : memref<40x128xf32, #tpu.memory_space<hbm>>) dst(%arg9 : memref<40x128xf32, #tpu.memory_space<vmem>>)
      tpu.yield
    }) : () -> ()
    %mul3A_1 = arith.constant 624 : i32
    %mul3A_2 = arith.muli %arg1, %mul3A_1 : i32
    %scan3A = arith.constant 0 : i32
    %scan3A_3 = arith.constant 15 : i32
    %scan3A_4 = arith.addi %scan3A, %scan3A_3 : i32
    %scan3A_5 = arith.constant 1 : i32
    scf.for %scan3A_898 = %scan3A to %scan3A_4 step %scan3A_5  : i32 {
      %mul3A_899 = arith.constant 1 : i32
      %mul3A_900 = arith.muli %scan3A_898, %mul3A_899 : i32
      %add3A_901 = arith.constant 0 : i32
      %add3A_902 = arith.addi %add3A_901, %mul3A_900 : i32
      %mul3A_903 = arith.constant 40 : i32
      %mul3A_904 = arith.muli %add3A_902, %mul3A_903 : i32
      %add3A_905 = arith.addi %mul3A_2, %mul3A_904 : i32
      "tpu.region"() ({
        %run_scoped3A_906 = tpu.sem_alloc : memref<!tpu.dma_semaphore, #tpu.memory_space<semaphore_mem>>
        %dma_start3A_907 = arith.constant 0 : i32
        %dma_start3A_908 = arith.constant 0 : i32
        %dma_start3A_909 = tpu.memref_slice %arg9[%dma_start3A_907, %dma_start3A_908] : memref<40x128xf32, #tpu.memory_space<vmem>> -> memref<40x128xf32, #tpu.memory_space<vmem>>
        %dma_start3A_910 = arith.constant 0 : i32
        %dma_start3A_911 = tpu.memref_slice %arg13[%add3A_905, %dma_start3A_910] : memref<10000x128xf32, #tpu.memory_space<vmem_shared>> -> memref<40x128xf32, #tpu.memory_space<vmem_shared>>
        %dma_start3A_912 = arith.constant 0 : i32
        %dma_start3A_913 = tpu.memref_slice %arg13[%add3A_905, %dma_start3A_912] : memref<10000x128xf32, #tpu.memory_space<vmem_shared>> -> memref<40x128xf32, #tpu.memory_space<vmem_shared>>
        %dma_start3A_914 = arith.constant 0 : i32
        %dma_start3A_915 = arith.constant 0 : i32
        %dma_start3A_916 = tpu.memref_slice %arg9[%dma_start3A_914, %dma_start3A_915] : memref<40x128xf32, #tpu.memory_space<vmem>> -> memref<40x128xf32, #tpu.memory_space<vmem>>
        tpu.enqueue_dma source(%dma_start3A_916 : memref<40x128xf32, #tpu.memory_space<vmem>>) target(%dma_start3A_913 : memref<40x128xf32, #tpu.memory_space<vmem_shared>>) target_semaphore(%run_scoped3A_906 : memref<!tpu.dma_semaphore, #tpu.memory_space<semaphore_mem>>)
        %dma_wait3A_917 = arith.constant 0 : i32
        %dma_wait3A_918 = arith.constant 0 : i32
        %dma_wait3A_919 = tpu.memref_slice %arg9[%dma_wait3A_917, %dma_wait3A_918] : memref<40x128xf32, #tpu.memory_space<vmem>> -> memref<40x128xf32, #tpu.memory_space<vmem>>
        %dma_wait3A_920 = arith.constant 0 : i32
        %dma_wait3A_921 = tpu.memref_slice %arg13[%add3A_905, %dma_wait3A_920] : memref<10000x128xf32, #tpu.memory_space<vmem_shared>> -> memref<40x128xf32, #tpu.memory_space<vmem_shared>>
        %dma_wait3A_922 = arith.constant 0 : i32
        %dma_wait3A_923 = tpu.memref_slice %arg13[%add3A_905, %dma_wait3A_922] : memref<10000x128xf32, #tpu.memory_space<vmem_shared>> -> memref<40x128xf32, #tpu.memory_space<vmem_shared>>
        %dma_wait3A_924 = arith.constant 0 : i32
        %dma_wait3A_925 = arith.constant 0 : i32
        %dma_wait3A_926 = tpu.memref_slice %arg9[%dma_wait3A_924, %dma_wait3A_925] : memref<40x128xf32, #tpu.memory_space<vmem>> -> memref<40x128xf32, #tpu.memory_space<vmem>>
        tpu.wait_dma2 semaphore(%run_scoped3A_906 : memref<!tpu.dma_semaphore, #tpu.memory_space<semaphore_mem>>) src(%dma_wait3A_926 : memref<40x128xf32, #tpu.memory_space<vmem>>) dst(%dma_wait3A_923 : memref<40x128xf32, #tpu.memory_space<vmem_shared>>)
        tpu.yield
      }) : () -> ()
    }
    %scan3A_6 = arith.constant 15 : i32
    %add3A_7 = arith.constant 600 : i32
    %add3A_8 = arith.addi %mul3A_2, %add3A_7 : i32
    "tpu.region"() ({
      %run_scoped3A_898 = tpu.sem_alloc : memref<!tpu.dma_semaphore, #tpu.memory_space<semaphore_mem>>
      %dma_start3A_899 = arith.constant 0 : i32
      %dma_start3A_900 = arith.constant 0 : i32
      %dma_start3A_901 = tpu.memref_slice %arg9[%dma_start3A_899, %dma_start3A_900] : memref<40x128xf32, #tpu.memory_space<vmem>> -> memref<24x128xf32, #tpu.memory_space<vmem>>
      %dma_start3A_902 = arith.constant 0 : i32
      %dma_start3A_903 = tpu.memref_slice %arg13[%add3A_8, %dma_start3A_902] : memref<10000x128xf32, #tpu.memory_space<vmem_shared>> -> memref<24x128xf32, #tpu.memory_space<vmem_shared>>
      %dma_start3A_904 = arith.constant 0 : i32
      %dma_start3A_905 = tpu.memref_slice %arg13[%add3A_8, %dma_start3A_904] : memref<10000x128xf32, #tpu.memory_space<vmem_shared>> -> memref<24x128xf32, #tpu.memory_space<vmem_shared>>
      %dma_start3A_906 = arith.constant 0 : i32
      %dma_start3A_907 = arith.constant 0 : i32
      %dma_start3A_908 = tpu.memref_slice %arg9[%dma_start3A_906, %dma_start3A_907] : memref<40x128xf32, #tpu.memory_space<vmem>> -> memref<24x128xf32, #tpu.memory_space<vmem>>
      tpu.enqueue_dma source(%dma_start3A_908 : memref<24x128xf32, #tpu.memory_space<vmem>>) target(%dma_start3A_905 : memref<24x128xf32, #tpu.memory_space<vmem_shared>>) target_semaphore(%run_scoped3A_898 : memref<!tpu.dma_semaphore, #tpu.memory_space<semaphore_mem>>)
      %dma_wait3A_909 = arith.constant 0 : i32
      %dma_wait3A_910 = arith.constant 0 : i32
      %dma_wait3A_911 = tpu.memref_slice %arg9[%dma_wait3A_909, %dma_wait3A_910] : memref<40x128xf32, #tpu.memory_space<vmem>> -> memref<24x128xf32, #tpu.memory_space<vmem>>
      %dma_wait3A_912 = arith.constant 0 : i32
      %dma_wait3A_913 = tpu.memref_slice %arg13[%add3A_8, %dma_wait3A_912] : memref<10000x128xf32, #tpu.memory_space<vmem_shared>> -> memref<24x128xf32, #tpu.memory_space<vmem_shared>>
      %dma_wait3A_914 = arith.constant 0 : i32
      %dma_wait3A_915 = tpu.memref_slice %arg13[%add3A_8, %dma_wait3A_914] : memref<10000x128xf32, #tpu.memory_space<vmem_shared>> -> memref<24x128xf32, #tpu.memory_space<vmem_shared>>
      %dma_wait3A_916 = arith.constant 0 : i32
      %dma_wait3A_917 = arith.constant 0 : i32
      %dma_wait3A_918 = tpu.memref_slice %arg9[%dma_wait3A_916, %dma_wait3A_917] : memref<40x128xf32, #tpu.memory_space<vmem>> -> memref<24x128xf32, #tpu.memory_space<vmem>>
      tpu.wait_dma2 semaphore(%run_scoped3A_898 : memref<!tpu.dma_semaphore, #tpu.memory_space<semaphore_mem>>) src(%dma_wait3A_918 : memref<24x128xf32, #tpu.memory_space<vmem>>) dst(%dma_wait3A_915 : memref<24x128xf32, #tpu.memory_space<vmem_shared>>)
      tpu.yield
    }) : () -> ()
    %eq3A = arith.constant 15 : i32
    %eq3A_9 = arith.cmpi eq, %arg1, %eq3A : i32
    %convert_element_type3A = arith.extui %eq3A_9 : i1 to i32
    %cond3A = arith.constant 0 : i32
    %cond3A_10 = arith.cmpi ne, %convert_element_type3A, %cond3A : i32
    scf.if %cond3A_10 {
      "tpu.region"() ({
        %run_scoped3A_898 = tpu.sem_alloc : memref<!tpu.dma_semaphore, #tpu.memory_space<semaphore_mem>>
        %dma_start3A_899 = arith.constant 0 : i32
        %dma_start3A_900 = arith.constant 0 : i32
        %dma_start3A_901 = tpu.memref_slice %arg9[%dma_start3A_899, %dma_start3A_900] : memref<40x128xf32, #tpu.memory_space<vmem>> -> memref<16x128xf32, #tpu.memory_space<vmem>>
        %dma_start3A_902 = arith.constant 9984 : i32
        %dma_start3A_903 = arith.constant 0 : i32
        %dma_start3A_904 = tpu.memref_slice %arg13[%dma_start3A_902, %dma_start3A_903] : memref<10000x128xf32, #tpu.memory_space<vmem_shared>> -> memref<16x128xf32, #tpu.memory_space<vmem_shared>>
        %dma_start3A_905 = arith.constant 9984 : i32
        %dma_start3A_906 = arith.constant 0 : i32
        %dma_start3A_907 = tpu.memref_slice %arg13[%dma_start3A_905, %dma_start3A_906] : memref<10000x128xf32, #tpu.memory_space<vmem_shared>> -> memref<16x128xf32, #tpu.memory_space<vmem_shared>>
        %dma_start3A_908 = arith.constant 0 : i32
        %dma_start3A_909 = arith.constant 0 : i32
        %dma_start3A_910 = tpu.memref_slice %arg9[%dma_start3A_908, %dma_start3A_909] : memref<40x128xf32, #tpu.memory_space<vmem>> -> memref<16x128xf32, #tpu.memory_space<vmem>>
        tpu.enqueue_dma source(%dma_start3A_910 : memref<16x128xf32, #tpu.memory_space<vmem>>) target(%dma_start3A_907 : memref<16x128xf32, #tpu.memory_space<vmem_shared>>) target_semaphore(%run_scoped3A_898 : memref<!tpu.dma_semaphore, #tpu.memory_space<semaphore_mem>>)
        %dma_wait3A_911 = arith.constant 0 : i32
        %dma_wait3A_912 = arith.constant 0 : i32
        %dma_wait3A_913 = tpu.memref_slice %arg9[%dma_wait3A_911, %dma_wait3A_912] : memref<40x128xf32, #tpu.memory_space<vmem>> -> memref<16x128xf32, #tpu.memory_space<vmem>>
        %dma_wait3A_914 = arith.constant 9984 : i32
        %dma_wait3A_915 = arith.constant 0 : i32
        %dma_wait3A_916 = tpu.memref_slice %arg13[%dma_wait3A_914, %dma_wait3A_915] : memref<10000x128xf32, #tpu.memory_space<vmem_shared>> -> memref<16x128xf32, #tpu.memory_space<vmem_shared>>
        %dma_wait3A_917 = arith.constant 9984 : i32
        %dma_wait3A_918 = arith.constant 0 : i32
        %dma_wait3A_919 = tpu.memref_slice %arg13[%dma_wait3A_917, %dma_wait3A_918] : memref<10000x128xf32, #tpu.memory_space<vmem_shared>> -> memref<16x128xf32, #tpu.memory_space<vmem_shared>>
        %dma_wait3A_920 = arith.constant 0 : i32
        %dma_wait3A_921 = arith.constant 0 : i32
        %dma_wait3A_922 = tpu.memref_slice %arg9[%dma_wait3A_920, %dma_wait3A_921] : memref<40x128xf32, #tpu.memory_space<vmem>> -> memref<16x128xf32, #tpu.memory_space<vmem>>
        tpu.wait_dma2 semaphore(%run_scoped3A_898 : memref<!tpu.dma_semaphore, #tpu.memory_space<semaphore_mem>>) src(%dma_wait3A_922 : memref<16x128xf32, #tpu.memory_space<vmem>>) dst(%dma_wait3A_919 : memref<16x128xf32, #tpu.memory_space<vmem_shared>>)
        tpu.yield
      }) : () -> ()
    } else {
    }
    %barrier3A = arith.constant 0 : index
    tpu.barrier barrier_id(%barrier3A)
    %run_scoped3A = arith.constant 0 : i32
    "tpu.region"() ({
      %run_scoped3A_898 = tpu.sem_alloc : memref<!tpu.dma_semaphore, #tpu.memory_space<semaphore_mem>>
      %dma_start3A_899 = arith.constant 0 : i32
      %dma_start3A_900 = arith.constant 0 : i32
      %dma_start3A_901 = tpu.memref_slice %arg3[%add3A, %run_scoped3A, %dma_start3A_899, %dma_start3A_900] : memref<32x5x50x40xi32, #tpu.memory_space<hbm>> -> memref<1x1x50x40xi32, #tpu.memory_space<hbm>>
      %dma_start3A_902 = tpu.memref_squeeze %dma_start3A_901 : memref<1x1x50x40xi32, #tpu.memory_space<hbm>> -> memref<50x40xi32, #tpu.memory_space<hbm>>
      %dma_start3A_903 = arith.constant 0 : i32
      %dma_start3A_904 = arith.constant 0 : i32
      %dma_start3A_905 = tpu.memref_slice %arg3[%add3A, %run_scoped3A, %dma_start3A_903, %dma_start3A_904] : memref<32x5x50x40xi32, #tpu.memory_space<hbm>> -> memref<1x1x50x40xi32, #tpu.memory_space<hbm>>
      %dma_start3A_906 = tpu.memref_squeeze %dma_start3A_905 : memref<1x1x50x40xi32, #tpu.memory_space<hbm>> -> memref<50x40xi32, #tpu.memory_space<hbm>>
      tpu.enqueue_dma source(%dma_start3A_906 : memref<50x40xi32, #tpu.memory_space<hbm>>) target(%arg7 : memref<50x40xi32, #tpu.memory_space<vmem>>) target_semaphore(%run_scoped3A_898 : memref<!tpu.dma_semaphore, #tpu.memory_space<semaphore_mem>>)
      %dma_wait3A_907 = arith.constant 0 : i32
      %dma_wait3A_908 = arith.constant 0 : i32
      %dma_wait3A_909 = tpu.memref_slice %arg3[%add3A, %run_scoped3A, %dma_wait3A_907, %dma_wait3A_908] : memref<32x5x50x40xi32, #tpu.memory_space<hbm>> -> memref<1x1x50x40xi32, #tpu.memory_space<hbm>>
      %dma_wait3A_910 = tpu.memref_squeeze %dma_wait3A_909 : memref<1x1x50x40xi32, #tpu.memory_space<hbm>> -> memref<50x40xi32, #tpu.memory_space<hbm>>
      %dma_wait3A_911 = arith.constant 0 : i32
      %dma_wait3A_912 = arith.constant 0 : i32
      %dma_wait3A_913 = tpu.memref_slice %arg3[%add3A, %run_scoped3A, %dma_wait3A_911, %dma_wait3A_912] : memref<32x5x50x40xi32, #tpu.memory_space<hbm>> -> memref<1x1x50x40xi32, #tpu.memory_space<hbm>>
      %dma_wait3A_914 = tpu.memref_squeeze %dma_wait3A_913 : memref<1x1x50x40xi32, #tpu.memory_space<hbm>> -> memref<50x40xi32, #tpu.memory_space<hbm>>
      tpu.wait_dma2 semaphore(%run_scoped3A_898 : memref<!tpu.dma_semaphore, #tpu.memory_space<semaphore_mem>>) src(%dma_wait3A_914 : memref<50x40xi32, #tpu.memory_space<hbm>>) dst(%arg7 : memref<50x40xi32, #tpu.memory_space<vmem>>)
      tpu.yield
    }) : () -> ()
    %run_scoped3A_11 = arith.constant 0 : i32
    "tpu.region"() ({
      %run_scoped3A_898 = tpu.sem_alloc : memref<!tpu.dma_semaphore, #tpu.memory_space<semaphore_mem>>
      %dma_start3A_899 = arith.constant 0 : i32
      %dma_start3A_900 = arith.constant 0 : i32
      %dma_start3A_901 = tpu.memref_slice %arg4[%add3A, %run_scoped3A_11, %dma_start3A_899, %dma_start3A_900] : memref<32x5x50x40xi32, #tpu.memory_space<hbm>> -> memref<1x1x50x40xi32, #tpu.memory_space<hbm>>
      %dma_start3A_902 = tpu.memref_squeeze %dma_start3A_901 : memref<1x1x50x40xi32, #tpu.memory_space<hbm>> -> memref<50x40xi32, #tpu.memory_space<hbm>>
      %dma_start3A_903 = arith.constant 0 : i32
      %dma_start3A_904 = arith.constant 0 : i32
      %dma_start3A_905 = tpu.memref_slice %arg4[%add3A, %run_scoped3A_11, %dma_start3A_903, %dma_start3A_904] : memref<32x5x50x40xi32, #tpu.memory_space<hbm>> -> memref<1x1x50x40xi32, #tpu.memory_space<hbm>>
      %dma_start3A_906 = tpu.memref_squeeze %dma_start3A_905 : memref<1x1x50x40xi32, #tpu.memory_space<hbm>> -> memref<50x40xi32, #tpu.memory_space<hbm>>
      tpu.enqueue_dma source(%dma_start3A_906 : memref<50x40xi32, #tpu.memory_space<hbm>>) target(%arg8 : memref<50x40xi32, #tpu.memory_space<vmem>>) target_semaphore(%run_scoped3A_898 : memref<!tpu.dma_semaphore, #tpu.memory_space<semaphore_mem>>)
      %dma_wait3A_907 = arith.constant 0 : i32
      %dma_wait3A_908 = arith.constant 0 : i32
      %dma_wait3A_909 = tpu.memref_slice %arg4[%add3A, %run_scoped3A_11, %dma_wait3A_907, %dma_wait3A_908] : memref<32x5x50x40xi32, #tpu.memory_space<hbm>> -> memref<1x1x50x40xi32, #tpu.memory_space<hbm>>
      %dma_wait3A_910 = tpu.memref_squeeze %dma_wait3A_909 : memref<1x1x50x40xi32, #tpu.memory_space<hbm>> -> memref<50x40xi32, #tpu.memory_space<hbm>>
      %dma_wait3A_911 = arith.constant 0 : i32
      %dma_wait3A_912 = arith.constant 0 : i32
      %dma_wait3A_913 = tpu.memref_slice %arg4[%add3A, %run_scoped3A_11, %dma_wait3A_911, %dma_wait3A_912] : memref<32x5x50x40xi32, #tpu.memory_space<hbm>> -> memref<1x1x50x40xi32, #tpu.memory_space<hbm>>
      %dma_wait3A_914 = tpu.memref_squeeze %dma_wait3A_913 : memref<1x1x50x40xi32, #tpu.memory_space<hbm>> -> memref<50x40xi32, #tpu.memory_space<hbm>>
      tpu.wait_dma2 semaphore(%run_scoped3A_898 : memref<!tpu.dma_semaphore, #tpu.memory_space<semaphore_mem>>) src(%dma_wait3A_914 : memref<50x40xi32, #tpu.memory_space<hbm>>) dst(%arg8 : memref<50x40xi32, #tpu.memory_space<vmem>>)
      tpu.yield
    }) : () -> ()
    %dma_start3A = arith.constant 0 : i32
    %dma_start3A_12 = arith.constant 0 : i32
    %dma_start3A_13 = tpu.memref_slice %arg7[%dma_start3A, %dma_start3A_12] : memref<50x40xi32, #tpu.memory_space<vmem>> -> memref<1x40xi32, #tpu.memory_space<vmem>>
    %dma_start3A_14 = tpu.memref_squeeze %dma_start3A_13 : memref<1x40xi32, #tpu.memory_space<vmem>> -> memref<40xi32, #tpu.memory_space<vmem>>
    %dma_start3A_15 = arith.constant 0 : i32
    %dma_start3A_16 = arith.constant 0 : i32
    %dma_start3A_17 = tpu.memref_slice %arg2[%dma_start3A_15, %dma_start3A_16] : memref<10000x128xf32, #tpu.memory_space<hbm>> -> memref<10000x128xf32, #tpu.memory_space<hbm>>
    tpu.enqueue_indirect_dma source(%dma_start3A_17 : memref<10000x128xf32, #tpu.memory_space<hbm>>) target(%arg9 : memref<40x128xf32, #tpu.memory_space<vmem>>) offsets(%dma_start3A_14 : memref<40xi32, #tpu.memory_space<vmem>>) semaphore(%arg14 : memref<!tpu.dma_semaphore, #tpu.memory_space<semaphore_mem>>)
    %dma_start3A_18 = arith.constant 1 : i32
    %dma_start3A_19 = arith.constant 0 : i32
    %dma_start3A_20 = tpu.memref_slice %arg7[%dma_start3A_18, %dma_start3A_19] : memref<50x40xi32, #tpu.memory_space<vmem>> -> memref<1x40xi32, #tpu.memory_space<vmem>>
    %dma_start3A_21 = tpu.memref_squeeze %dma_start3A_20 : memref<1x40xi32, #tpu.memory_space<vmem>> -> memref<40xi32, #tpu.memory_space<vmem>>
    %dma_start3A_22 = arith.constant 0 : i32
    %dma_start3A_23 = arith.constant 0 : i32
    %dma_start3A_24 = tpu.memref_slice %arg2[%dma_start3A_22, %dma_start3A_23] : memref<10000x128xf32, #tpu.memory_space<hbm>> -> memref<10000x128xf32, #tpu.memory_space<hbm>>
    tpu.enqueue_indirect_dma source(%dma_start3A_24 : memref<10000x128xf32, #tpu.memory_space<hbm>>) target(%arg10 : memref<40x128xf32, #tpu.memory_space<vmem>>) offsets(%dma_start3A_21 : memref<40xi32, #tpu.memory_space<vmem>>) semaphore(%arg15 : memref<!tpu.dma_semaphore, #tpu.memory_space<semaphore_mem>>)
    %dma_start3A_25 = arith.constant 2 : i32
    %dma_start3A_26 = arith.constant 0 : i32
    %dma_start3A_27 = tpu.memref_slice %arg7[%dma_start3A_25, %dma_start3A_26] : memref<50x40xi32, #tpu.memory_space<vmem>> -> memref<1x40xi32, #tpu.memory_space<vmem>>
    %dma_start3A_28 = tpu.memref_squeeze %dma_start3A_27 : memref<1x40xi32, #tpu.memory_space<vmem>> -> memref<40xi32, #tpu.memory_space<vmem>>
    %dma_start3A_29 = arith.constant 0 : i32
    %dma_start3A_30 = arith.constant 0 : i32
    %dma_start3A_31 = tpu.memref_slice %arg2[%dma_start3A_29, %dma_start3A_30] : memref<10000x128xf32, #tpu.memory_space<hbm>> -> memref<10000x128xf32, #tpu.memory_space<hbm>>
    tpu.enqueue_indirect_dma source(%dma_start3A_31 : memref<10000x128xf32, #tpu.memory_space<hbm>>) target(%arg11 : memref<40x128xf32, #tpu.memory_space<vmem>>) offsets(%dma_start3A_28 : memref<40xi32, #tpu.memory_space<vmem>>) semaphore(%arg16 : memref<!tpu.dma_semaphore, #tpu.memory_space<semaphore_mem>>)
    %dma_start3A_32 = arith.constant 3 : i32
    %dma_start3A_33 = arith.constant 0 : i32
    %dma_start3A_34 = tpu.memref_slice %arg7[%dma_start3A_32, %dma_start3A_33] : memref<50x40xi32, #tpu.memory_space<vmem>> -> memref<1x40xi32, #tpu.memory_space<vmem>>
    %dma_start3A_35 = tpu.memref_squeeze %dma_start3A_34 : memref<1x40xi32, #tpu.memory_space<vmem>> -> memref<40xi32, #tpu.memory_space<vmem>>
    %dma_start3A_36 = arith.constant 0 : i32
    %dma_start3A_37 = arith.constant 0 : i32
    %dma_start3A_38 = tpu.memref_slice %arg2[%dma_start3A_36, %dma_start3A_37] : memref<10000x128xf32, #tpu.memory_space<hbm>> -> memref<10000x128xf32, #tpu.memory_space<hbm>>
    tpu.enqueue_indirect_dma source(%dma_start3A_38 : memref<10000x128xf32, #tpu.memory_space<hbm>>) target(%arg12 : memref<40x128xf32, #tpu.memory_space<vmem>>) offsets(%dma_start3A_35 : memref<40xi32, #tpu.memory_space<vmem>>) semaphore(%arg17 : memref<!tpu.dma_semaphore, #tpu.memory_space<semaphore_mem>>)
    %scan3A_39 = arith.constant 0 : i32
    %scan3A_40 = arith.constant 11 : i32
    %scan3A_41 = arith.addi %scan3A_39, %scan3A_40 : i32
    %scan3A_42 = arith.constant 1 : i32
    scf.for %scan3A_898 = %scan3A_39 to %scan3A_41 step %scan3A_42  : i32 {
      %mul3A_899 = arith.constant 1 : i32
      %mul3A_900 = arith.muli %scan3A_898, %mul3A_899 : i32
      %add3A_901 = arith.constant 0 : i32
      %add3A_902 = arith.addi %add3A_901, %mul3A_900 : i32
      %dma_wait3A_903 = arith.constant 0 : i32
      %dma_wait3A_904 = arith.constant 0 : i32
      %dma_wait3A_905 = tpu.memref_slice %arg7[%dma_wait3A_903, %dma_wait3A_904] : memref<50x40xi32, #tpu.memory_space<vmem>> -> memref<1x40xi32, #tpu.memory_space<vmem>>
      %dma_wait3A_906 = tpu.memref_squeeze %dma_wait3A_905 : memref<1x40xi32, #tpu.memory_space<vmem>> -> memref<40xi32, #tpu.memory_space<vmem>>
      %dma_wait3A_907 = arith.constant 0 : i32
      %dma_wait3A_908 = arith.constant 0 : i32
      %dma_wait3A_909 = tpu.memref_slice %arg2[%dma_wait3A_907, %dma_wait3A_908] : memref<10000x128xf32, #tpu.memory_space<hbm>> -> memref<10000x128xf32, #tpu.memory_space<hbm>>
      tpu.wait_indirect_dma semaphore(%arg14 : memref<!tpu.dma_semaphore, #tpu.memory_space<semaphore_mem>>) src(%dma_wait3A_909 : memref<10000x128xf32, #tpu.memory_space<hbm>>) dst(%arg9 : memref<40x128xf32, #tpu.memory_space<vmem>>)
      %mul3A_910 = arith.constant 4 : i32
      %mul3A_911 = arith.muli %mul3A_910, %add3A_902 : i32
      %add3A_912 = arith.constant 0 : i32
      %add3A_913 = arith.addi %mul3A_911, %add3A_912 : i32
      %dma_start3A_914 = arith.constant 0 : i32
      %dma_start3A_915 = tpu.memref_slice %arg8[%add3A_913, %dma_start3A_914] : memref<50x40xi32, #tpu.memory_space<vmem>> -> memref<1x40xi32, #tpu.memory_space<vmem>>
      %dma_start3A_916 = tpu.memref_squeeze %dma_start3A_915 : memref<1x40xi32, #tpu.memory_space<vmem>> -> memref<40xi32, #tpu.memory_space<vmem>>
      %dma_start3A_917 = arith.constant 0 : i32
      %dma_start3A_918 = arith.constant 0 : i32
      %dma_start3A_919 = tpu.memref_slice %arg13[%dma_start3A_917, %dma_start3A_918] : memref<10000x128xf32, #tpu.memory_space<vmem_shared>> -> memref<10000x128xf32, #tpu.memory_space<vmem_shared>>
      tpu.enqueue_indirect_dma source(%arg9 : memref<40x128xf32, #tpu.memory_space<vmem>>) target(%dma_start3A_919 : memref<10000x128xf32, #tpu.memory_space<vmem_shared>>) offsets(%dma_start3A_916 : memref<40xi32, #tpu.memory_space<vmem>>) semaphore(%arg18 : memref<!tpu.dma_semaphore, #tpu.memory_space<semaphore_mem>>) {add = true}
      %dma_wait3A_920 = arith.constant 0 : i32
      %dma_wait3A_921 = arith.constant 0 : i32
      %dma_wait3A_922 = tpu.memref_slice %arg7[%dma_wait3A_920, %dma_wait3A_921] : memref<50x40xi32, #tpu.memory_space<vmem>> -> memref<1x40xi32, #tpu.memory_space<vmem>>
      %dma_wait3A_923 = tpu.memref_squeeze %dma_wait3A_922 : memref<1x40xi32, #tpu.memory_space<vmem>> -> memref<40xi32, #tpu.memory_space<vmem>>
      %dma_wait3A_924 = arith.constant 0 : i32
      %dma_wait3A_925 = arith.constant 0 : i32
      %dma_wait3A_926 = tpu.memref_slice %arg2[%dma_wait3A_924, %dma_wait3A_925] : memref<10000x128xf32, #tpu.memory_space<hbm>> -> memref<10000x128xf32, #tpu.memory_space<hbm>>
      tpu.wait_indirect_dma semaphore(%arg15 : memref<!tpu.dma_semaphore, #tpu.memory_space<semaphore_mem>>) src(%dma_wait3A_926 : memref<10000x128xf32, #tpu.memory_space<hbm>>) dst(%arg10 : memref<40x128xf32, #tpu.memory_space<vmem>>)
      %mul3A_927 = arith.constant 4 : i32
      %mul3A_928 = arith.muli %mul3A_927, %add3A_902 : i32
      %add3A_929 = arith.constant 1 : i32
      %add3A_930 = arith.addi %mul3A_928, %add3A_929 : i32
      %dma_start3A_931 = arith.constant 0 : i32
      %dma_start3A_932 = tpu.memref_slice %arg8[%add3A_930, %dma_start3A_931] : memref<50x40xi32, #tpu.memory_space<vmem>> -> memref<1x40xi32, #tpu.memory_space<vmem>>
      %dma_start3A_933 = tpu.memref_squeeze %dma_start3A_932 : memref<1x40xi32, #tpu.memory_space<vmem>> -> memref<40xi32, #tpu.memory_space<vmem>>
      %dma_start3A_934 = arith.constant 0 : i32
      %dma_start3A_935 = arith.constant 0 : i32
      %dma_start3A_936 = tpu.memref_slice %arg13[%dma_start3A_934, %dma_start3A_935] : memref<10000x128xf32, #tpu.memory_space<vmem_shared>> -> memref<10000x128xf32, #tpu.memory_space<vmem_shared>>
      tpu.enqueue_indirect_dma source(%arg10 : memref<40x128xf32, #tpu.memory_space<vmem>>) target(%dma_start3A_936 : memref<10000x128xf32, #tpu.memory_space<vmem_shared>>) offsets(%dma_start3A_933 : memref<40xi32, #tpu.memory_space<vmem>>) semaphore(%arg19 : memref<!tpu.dma_semaphore, #tpu.memory_space<semaphore_mem>>) {add = true}
      %dma_wait3A_937 = arith.constant 0 : i32
      %dma_wait3A_938 = arith.constant 0 : i32
      %dma_wait3A_939 = tpu.memref_slice %arg7[%dma_wait3A_937, %dma_wait3A_938] : memref<50x40xi32, #tpu.memory_space<vmem>> -> memref<1x40xi32, #tpu.memory_space<vmem>>
      %dma_wait3A_940 = tpu.memref_squeeze %dma_wait3A_939 : memref<1x40xi32, #tpu.memory_space<vmem>> -> memref<40xi32, #tpu.memory_space<vmem>>
      %dma_wait3A_941 = arith.constant 0 : i32
      %dma_wait3A_942 = arith.constant 0 : i32
      %dma_wait3A_943 = tpu.memref_slice %arg2[%dma_wait3A_941, %dma_wait3A_942] : memref<10000x128xf32, #tpu.memory_space<hbm>> -> memref<10000x128xf32, #tpu.memory_space<hbm>>
      tpu.wait_indirect_dma semaphore(%arg16 : memref<!tpu.dma_semaphore, #tpu.memory_space<semaphore_mem>>) src(%dma_wait3A_943 : memref<10000x128xf32, #tpu.memory_space<hbm>>) dst(%arg11 : memref<40x128xf32, #tpu.memory_space<vmem>>)
      %mul3A_944 = arith.constant 4 : i32
      %mul3A_945 = arith.muli %mul3A_944, %add3A_902 : i32
      %add3A_946 = arith.constant 2 : i32
      %add3A_947 = arith.addi %mul3A_945, %add3A_946 : i32
      %dma_start3A_948 = arith.constant 0 : i32
      %dma_start3A_949 = tpu.memref_slice %arg8[%add3A_947, %dma_start3A_948] : memref<50x40xi32, #tpu.memory_space<vmem>> -> memref<1x40xi32, #tpu.memory_space<vmem>>
      %dma_start3A_950 = tpu.memref_squeeze %dma_start3A_949 : memref<1x40xi32, #tpu.memory_space<vmem>> -> memref<40xi32, #tpu.memory_space<vmem>>
      %dma_start3A_951 = arith.constant 0 : i32
      %dma_start3A_952 = arith.constant 0 : i32
      %dma_start3A_953 = tpu.memref_slice %arg13[%dma_start3A_951, %dma_start3A_952] : memref<10000x128xf32, #tpu.memory_space<vmem_shared>> -> memref<10000x128xf32, #tpu.memory_space<vmem_shared>>
      tpu.enqueue_indirect_dma source(%arg11 : memref<40x128xf32, #tpu.memory_space<vmem>>) target(%dma_start3A_953 : memref<10000x128xf32, #tpu.memory_space<vmem_shared>>) offsets(%dma_start3A_950 : memref<40xi32, #tpu.memory_space<vmem>>) semaphore(%arg20 : memref<!tpu.dma_semaphore, #tpu.memory_space<semaphore_mem>>) {add = true}
      %dma_wait3A_954 = arith.constant 0 : i32
      %dma_wait3A_955 = arith.constant 0 : i32
      %dma_wait3A_956 = tpu.memref_slice %arg7[%dma_wait3A_954, %dma_wait3A_955] : memref<50x40xi32, #tpu.memory_space<vmem>> -> memref<1x40xi32, #tpu.memory_space<vmem>>
      %dma_wait3A_957 = tpu.memref_squeeze %dma_wait3A_956 : memref<1x40xi32, #tpu.memory_space<vmem>> -> memref<40xi32, #tpu.memory_space<vmem>>
      %dma_wait3A_958 = arith.constant 0 : i32
      %dma_wait3A_959 = arith.constant 0 : i32
      %dma_wait3A_960 = tpu.memref_slice %arg2[%dma_wait3A_958, %dma_wait3A_959] : memref<10000x128xf32, #tpu.memory_space<hbm>> -> memref<10000x128xf32, #tpu.memory_space<hbm>>
      tpu.wait_indirect_dma semaphore(%arg17 : memref<!tpu.dma_semaphore, #tpu.memory_space<semaphore_mem>>) src(%dma_wait3A_960 : memref<10000x128xf32, #tpu.memory_space<hbm>>) dst(%arg12 : memref<40x128xf32, #tpu.memory_space<vmem>>)
      %mul3A_961 = arith.constant 4 : i32
      %mul3A_962 = arith.muli %mul3A_961, %add3A_902 : i32
      %add3A_963 = arith.constant 3 : i32
      %add3A_964 = arith.addi %mul3A_962, %add3A_963 : i32
      %dma_start3A_965 = arith.constant 0 : i32
      %dma_start3A_966 = tpu.memref_slice %arg8[%add3A_964, %dma_start3A_965] : memref<50x40xi32, #tpu.memory_space<vmem>> -> memref<1x40xi32, #tpu.memory_space<vmem>>
      %dma_start3A_967 = tpu.memref_squeeze %dma_start3A_966 : memref<1x40xi32, #tpu.memory_space<vmem>> -> memref<40xi32, #tpu.memory_space<vmem>>
      %dma_start3A_968 = arith.constant 0 : i32
      %dma_start3A_969 = arith.constant 0 : i32
      %dma_start3A_970 = tpu.memref_slice %arg13[%dma_start3A_968, %dma_start3A_969] : memref<10000x128xf32, #tpu.memory_space<vmem_shared>> -> memref<10000x128xf32, #tpu.memory_space<vmem_shared>>
      tpu.enqueue_indirect_dma source(%arg12 : memref<40x128xf32, #tpu.memory_space<vmem>>) target(%dma_start3A_970 : memref<10000x128xf32, #tpu.memory_space<vmem_shared>>) offsets(%dma_start3A_967 : memref<40xi32, #tpu.memory_space<vmem>>) semaphore(%arg21 : memref<!tpu.dma_semaphore, #tpu.memory_space<semaphore_mem>>) {add = true}
      %dma_wait3A_971 = arith.constant 0 : i32
      %dma_wait3A_972 = arith.constant 0 : i32
      %dma_wait3A_973 = tpu.memref_slice %arg8[%dma_wait3A_971, %dma_wait3A_972] : memref<50x40xi32, #tpu.memory_space<vmem>> -> memref<1x40xi32, #tpu.memory_space<vmem>>
      %dma_wait3A_974 = tpu.memref_squeeze %dma_wait3A_973 : memref<1x40xi32, #tpu.memory_space<vmem>> -> memref<40xi32, #tpu.memory_space<vmem>>
      %dma_wait3A_975 = arith.constant 0 : i32
      %dma_wait3A_976 = arith.constant 0 : i32
      %dma_wait3A_977 = tpu.memref_slice %arg13[%dma_wait3A_975, %dma_wait3A_976] : memref<10000x128xf32, #tpu.memory_space<vmem_shared>> -> memref<10000x128xf32, #tpu.memory_space<vmem_shared>>
      tpu.wait_indirect_dma semaphore(%arg18 : memref<!tpu.dma_semaphore, #tpu.memory_space<semaphore_mem>>) src(%arg9 : memref<40x128xf32, #tpu.memory_space<vmem>>) dst(%dma_wait3A_977 : memref<10000x128xf32, #tpu.memory_space<vmem_shared>>)
      %mul3A_978 = arith.constant 4 : i32
      %mul3A_979 = arith.muli %mul3A_978, %add3A_902 : i32
      %add3A_980 = arith.constant 4 : i32
      %add3A_981 = arith.addi %mul3A_979, %add3A_980 : i32
      %add3A_982 = arith.constant 0 : i32
      %add3A_983 = arith.addi %add3A_981, %add3A_982 : i32
      %dma_start3A_984 = arith.constant 0 : i32
      %dma_start3A_985 = tpu.memref_slice %arg7[%add3A_983, %dma_start3A_984] : memref<50x40xi32, #tpu.memory_space<vmem>> -> memref<1x40xi32, #tpu.memory_space<vmem>>
      %dma_start3A_986 = tpu.memref_squeeze %dma_start3A_985 : memref<1x40xi32, #tpu.memory_space<vmem>> -> memref<40xi32, #tpu.memory_space<vmem>>
      %dma_start3A_987 = arith.constant 0 : i32
      %dma_start3A_988 = arith.constant 0 : i32
      %dma_start3A_989 = tpu.memref_slice %arg2[%dma_start3A_987, %dma_start3A_988] : memref<10000x128xf32, #tpu.memory_space<hbm>> -> memref<10000x128xf32, #tpu.memory_space<hbm>>
      tpu.enqueue_indirect_dma source(%dma_start3A_989 : memref<10000x128xf32, #tpu.memory_space<hbm>>) target(%arg9 : memref<40x128xf32, #tpu.memory_space<vmem>>) offsets(%dma_start3A_986 : memref<40xi32, #tpu.memory_space<vmem>>) semaphore(%arg14 : memref<!tpu.dma_semaphore, #tpu.memory_space<semaphore_mem>>)
      %dma_wait3A_990 = arith.constant 0 : i32
      %dma_wait3A_991 = arith.constant 0 : i32
      %dma_wait3A_992 = tpu.memref_slice %arg8[%dma_wait3A_990, %dma_wait3A_991] : memref<50x40xi32, #tpu.memory_space<vmem>> -> memref<1x40xi32, #tpu.memory_space<vmem>>
      %dma_wait3A_993 = tpu.memref_squeeze %dma_wait3A_992 : memref<1x40xi32, #tpu.memory_space<vmem>> -> memref<40xi32, #tpu.memory_space<vmem>>
      %dma_wait3A_994 = arith.constant 0 : i32
      %dma_wait3A_995 = arith.constant 0 : i32
      %dma_wait3A_996 = tpu.memref_slice %arg13[%dma_wait3A_994, %dma_wait3A_995] : memref<10000x128xf32, #tpu.memory_space<vmem_shared>> -> memref<10000x128xf32, #tpu.memory_space<vmem_shared>>
      tpu.wait_indirect_dma semaphore(%arg19 : memref<!tpu.dma_semaphore, #tpu.memory_space<semaphore_mem>>) src(%arg10 : memref<40x128xf32, #tpu.memory_space<vmem>>) dst(%dma_wait3A_996 : memref<10000x128xf32, #tpu.memory_space<vmem_shared>>)
      %mul3A_997 = arith.constant 4 : i32
      %mul3A_998 = arith.muli %mul3A_997, %add3A_902 : i32
      %add3A_999 = arith.constant 4 : i32
      %add3A_1000 = arith.addi %mul3A_998, %add3A_999 : i32
      %add3A_1001 = arith.constant 1 : i32
      %add3A_1002 = arith.addi %add3A_1000, %add3A_1001 : i32
      %dma_start3A_1003 = arith.constant 0 : i32
      %dma_start3A_1004 = tpu.memref_slice %arg7[%add3A_1002, %dma_start3A_1003] : memref<50x40xi32, #tpu.memory_space<vmem>> -> memref<1x40xi32, #tpu.memory_space<vmem>>
      %dma_start3A_1005 = tpu.memref_squeeze %dma_start3A_1004 : memref<1x40xi32, #tpu.memory_space<vmem>> -> memref<40xi32, #tpu.memory_space<vmem>>
      %dma_start3A_1006 = arith.constant 0 : i32
      %dma_start3A_1007 = arith.constant 0 : i32
      %dma_start3A_1008 = tpu.memref_slice %arg2[%dma_start3A_1006, %dma_start3A_1007] : memref<10000x128xf32, #tpu.memory_space<hbm>> -> memref<10000x128xf32, #tpu.memory_space<hbm>>
      tpu.enqueue_indirect_dma source(%dma_start3A_1008 : memref<10000x128xf32, #tpu.memory_space<hbm>>) target(%arg10 : memref<40x128xf32, #tpu.memory_space<vmem>>) offsets(%dma_start3A_1005 : memref<40xi32, #tpu.memory_space<vmem>>) semaphore(%arg15 : memref<!tpu.dma_semaphore, #tpu.memory_space<semaphore_mem>>)
      %dma_wait3A_1009 = arith.constant 0 : i32
      %dma_wait3A_1010 = arith.constant 0 : i32
      %dma_wait3A_1011 = tpu.memref_slice %arg8[%dma_wait3A_1009, %dma_wait3A_1010] : memref<50x40xi32, #tpu.memory_space<vmem>> -> memref<1x40xi32, #tpu.memory_space<vmem>>
      %dma_wait3A_1012 = tpu.memref_squeeze %dma_wait3A_1011 : memref<1x40xi32, #tpu.memory_space<vmem>> -> memref<40xi32, #tpu.memory_space<vmem>>
      %dma_wait3A_1013 = arith.constant 0 : i32
      %dma_wait3A_1014 = arith.constant 0 : i32
      %dma_wait3A_1015 = tpu.memref_slice %arg13[%dma_wait3A_1013, %dma_wait3A_1014] : memref<10000x128xf32, #tpu.memory_space<vmem_shared>> -> memref<10000x128xf32, #tpu.memory_space<vmem_shared>>
      tpu.wait_indirect_dma semaphore(%arg20 : memref<!tpu.dma_semaphore, #tpu.memory_space<semaphore_mem>>) src(%arg11 : memref<40x128xf32, #tpu.memory_space<vmem>>) dst(%dma_wait3A_1015 : memref<10000x128xf32, #tpu.memory_space<vmem_shared>>)
      %mul3A_1016 = arith.constant 4 : i32
      %mul3A_1017 = arith.muli %mul3A_1016, %add3A_902 : i32
      %add3A_1018 = arith.constant 4 : i32
      %add3A_1019 = arith.addi %mul3A_1017, %add3A_1018 : i32
      %add3A_1020 = arith.constant 2 : i32
      %add3A_1021 = arith.addi %add3A_1019, %add3A_1020 : i32
      %dma_start3A_1022 = arith.constant 0 : i32
      %dma_start3A_1023 = tpu.memref_slice %arg7[%add3A_1021, %dma_start3A_1022] : memref<50x40xi32, #tpu.memory_space<vmem>> -> memref<1x40xi32, #tpu.memory_space<vmem>>
      %dma_start3A_1024 = tpu.memref_squeeze %dma_start3A_1023 : memref<1x40xi32, #tpu.memory_space<vmem>> -> memref<40xi32, #tpu.memory_space<vmem>>
      %dma_start3A_1025 = arith.constant 0 : i32
      %dma_start3A_1026 = arith.constant 0 : i32
      %dma_start3A_1027 = tpu.memref_slice %arg2[%dma_start3A_1025, %dma_start3A_1026] : memref<10000x128xf32, #tpu.memory_space<hbm>> -> memref<10000x128xf32, #tpu.memory_space<hbm>>
      tpu.enqueue_indirect_dma source(%dma_start3A_1027 : memref<10000x128xf32, #tpu.memory_space<hbm>>) target(%arg11 : memref<40x128xf32, #tpu.memory_space<vmem>>) offsets(%dma_start3A_1024 : memref<40xi32, #tpu.memory_space<vmem>>) semaphore(%arg16 : memref<!tpu.dma_semaphore, #tpu.memory_space<semaphore_mem>>)
      %dma_wait3A_1028 = arith.constant 0 : i32
      %dma_wait3A_1029 = arith.constant 0 : i32
      %dma_wait3A_1030 = tpu.memref_slice %arg8[%dma_wait3A_1028, %dma_wait3A_1029] : memref<50x40xi32, #tpu.memory_space<vmem>> -> memref<1x40xi32, #tpu.memory_space<vmem>>
      %dma_wait3A_1031 = tpu.memref_squeeze %dma_wait3A_1030 : memref<1x40xi32, #tpu.memory_space<vmem>> -> memref<40xi32, #tpu.memory_space<vmem>>
      %dma_wait3A_1032 = arith.constant 0 : i32
      %dma_wait3A_1033 = arith.constant 0 : i32
      %dma_wait3A_1034 = tpu.memref_slice %arg13[%dma_wait3A_1032, %dma_wait3A_1033] : memref<10000x128xf32, #tpu.memory_space<vmem_shared>> -> memref<10000x128xf32, #tpu.memory_space<vmem_shared>>
      tpu.wait_indirect_dma semaphore(%arg21 : memref<!tpu.dma_semaphore, #tpu.memory_space<semaphore_mem>>) src(%arg12 : memref<40x128xf32, #tpu.memory_space<vmem>>) dst(%dma_wait3A_1034 : memref<10000x128xf32, #tpu.memory_space<vmem_shared>>)
      %mul3A_1035 = arith.constant 4 : i32
      %mul3A_1036 = arith.muli %mul3A_1035, %add3A_902 : i32
      %add3A_1037 = arith.constant 4 : i32
      %add3A_1038 = arith.addi %mul3A_1036, %add3A_1037 : i32
      %add3A_1039 = arith.constant 3 : i32
      %add3A_1040 = arith.addi %add3A_1038, %add3A_1039 : i32
      %dma_start3A_1041 = arith.constant 0 : i32
      %dma_start3A_1042 = tpu.memref_slice %arg7[%add3A_1040, %dma_start3A_1041] : memref<50x40xi32, #tpu.memory_space<vmem>> -> memref<1x40xi32, #tpu.memory_space<vmem>>
      %dma_start3A_1043 = tpu.memref_squeeze %dma_start3A_1042 : memref<1x40xi32, #tpu.memory_space<vmem>> -> memref<40xi32, #tpu.memory_space<vmem>>
      %dma_start3A_1044 = arith.constant 0 : i32
      %dma_start3A_1045 = arith.constant 0 : i32
      %dma_start3A_1046 = tpu.memref_slice %arg2[%dma_start3A_1044, %dma_start3A_1045] : memref<10000x128xf32, #tpu.memory_space<hbm>> -> memref<10000x128xf32, #tpu.memory_space<hbm>>
      tpu.enqueue_indirect_dma source(%dma_start3A_1046 : memref<10000x128xf32, #tpu.memory_space<hbm>>) target(%arg12 : memref<40x128xf32, #tpu.memory_space<vmem>>) offsets(%dma_start3A_1043 : memref<40xi32, #tpu.memory_space<vmem>>) semaphore(%arg17 : memref<!tpu.dma_semaphore, #tpu.memory_space<semaphore_mem>>)
    }
    %scan3A_43 = arith.constant 11 : i32
    %dma_wait3A = arith.constant 0 : i32
    %dma_wait3A_44 = arith.constant 0 : i32
    %dma_wait3A_45 = tpu.memref_slice %arg7[%dma_wait3A, %dma_wait3A_44] : memref<50x40xi32, #tpu.memory_space<vmem>> -> memref<1x40xi32, #tpu.memory_space<vmem>>
    %dma_wait3A_46 = tpu.memref_squeeze %dma_wait3A_45 : memref<1x40xi32, #tpu.memory_space<vmem>> -> memref<40xi32, #tpu.memory_space<vmem>>
    %dma_wait3A_47 = arith.constant 0 : i32
    %dma_wait3A_48 = arith.constant 0 : i32
    %dma_wait3A_49 = tpu.memref_slice %arg2[%dma_wait3A_47, %dma_wait3A_48] : memref<10000x128xf32, #tpu.memory_space<hbm>> -> memref<10000x128xf32, #tpu.memory_space<hbm>>
    tpu.wait_indirect_dma semaphore(%arg14 : memref<!tpu.dma_semaphore, #tpu.memory_space<semaphore_mem>>) src(%dma_wait3A_49 : memref<10000x128xf32, #tpu.memory_space<hbm>>) dst(%arg9 : memref<40x128xf32, #tpu.memory_space<vmem>>)
    %dma_start3A_50 = arith.constant 44 : i32
    %dma_start3A_51 = arith.constant 0 : i32
    %dma_start3A_52 = tpu.memref_slice %arg8[%dma_start3A_50, %dma_start3A_51] : memref<50x40xi32, #tpu.memory_space<vmem>> -> memref<1x40xi32, #tpu.memory_space<vmem>>
    %dma_start3A_53 = tpu.memref_squeeze %dma_start3A_52 : memref<1x40xi32, #tpu.memory_space<vmem>> -> memref<40xi32, #tpu.memory_space<vmem>>
    %dma_start3A_54 = arith.constant 0 : i32
    %dma_start3A_55 = arith.constant 0 : i32
    %dma_start3A_56 = tpu.memref_slice %arg13[%dma_start3A_54, %dma_start3A_55] : memref<10000x128xf32, #tpu.memory_space<vmem_shared>> -> memref<10000x128xf32, #tpu.memory_space<vmem_shared>>
    tpu.enqueue_indirect_dma source(%arg9 : memref<40x128xf32, #tpu.memory_space<vmem>>) target(%dma_start3A_56 : memref<10000x128xf32, #tpu.memory_space<vmem_shared>>) offsets(%dma_start3A_53 : memref<40xi32, #tpu.memory_space<vmem>>) semaphore(%arg18 : memref<!tpu.dma_semaphore, #tpu.memory_space<semaphore_mem>>) {add = true}
    %dma_wait3A_57 = arith.constant 0 : i32
    %dma_wait3A_58 = arith.constant 0 : i32
    %dma_wait3A_59 = tpu.memref_slice %arg7[%dma_wait3A_57, %dma_wait3A_58] : memref<50x40xi32, #tpu.memory_space<vmem>> -> memref<1x40xi32, #tpu.memory_space<vmem>>
    %dma_wait3A_60 = tpu.memref_squeeze %dma_wait3A_59 : memref<1x40xi32, #tpu.memory_space<vmem>> -> memref<40xi32, #tpu.memory_space<vmem>>
    %dma_wait3A_61 = arith.constant 0 : i32
    %dma_wait3A_62 = arith.constant 0 : i32
    %dma_wait3A_63 = tpu.memref_slice %arg2[%dma_wait3A_61, %dma_wait3A_62] : memref<10000x128xf32, #tpu.memory_space<hbm>> -> memref<10000x128xf32, #tpu.memory_space<hbm>>
    tpu.wait_indirect_dma semaphore(%arg15 : memref<!tpu.dma_semaphore, #tpu.memory_space<semaphore_mem>>) src(%dma_wait3A_63 : memref<10000x128xf32, #tpu.memory_space<hbm>>) dst(%arg10 : memref<40x128xf32, #tpu.memory_space<vmem>>)
    %dma_start3A_64 = arith.constant 45 : i32
    %dma_start3A_65 = arith.constant 0 : i32
    %dma_start3A_66 = tpu.memref_slice %arg8[%dma_start3A_64, %dma_start3A_65] : memref<50x40xi32, #tpu.memory_space<vmem>> -> memref<1x40xi32, #tpu.memory_space<vmem>>
    %dma_start3A_67 = tpu.memref_squeeze %dma_start3A_66 : memref<1x40xi32, #tpu.memory_space<vmem>> -> memref<40xi32, #tpu.memory_space<vmem>>
    %dma_start3A_68 = arith.constant 0 : i32
    %dma_start3A_69 = arith.constant 0 : i32
    %dma_start3A_70 = tpu.memref_slice %arg13[%dma_start3A_68, %dma_start3A_69] : memref<10000x128xf32, #tpu.memory_space<vmem_shared>> -> memref<10000x128xf32, #tpu.memory_space<vmem_shared>>
    tpu.enqueue_indirect_dma source(%arg10 : memref<40x128xf32, #tpu.memory_space<vmem>>) target(%dma_start3A_70 : memref<10000x128xf32, #tpu.memory_space<vmem_shared>>) offsets(%dma_start3A_67 : memref<40xi32, #tpu.memory_space<vmem>>) semaphore(%arg19 : memref<!tpu.dma_semaphore, #tpu.memory_space<semaphore_mem>>) {add = true}
    %dma_wait3A_71 = arith.constant 0 : i32
    %dma_wait3A_72 = arith.constant 0 : i32
    %dma_wait3A_73 = tpu.memref_slice %arg7[%dma_wait3A_71, %dma_wait3A_72] : memref<50x40xi32, #tpu.memory_space<vmem>> -> memref<1x40xi32, #tpu.memory_space<vmem>>
    %dma_wait3A_74 = tpu.memref_squeeze %dma_wait3A_73 : memref<1x40xi32, #tpu.memory_space<vmem>> -> memref<40xi32, #tpu.memory_space<vmem>>
    %dma_wait3A_75 = arith.constant 0 : i32
    %dma_wait3A_76 = arith.constant 0 : i32
    %dma_wait3A_77 = tpu.memref_slice %arg2[%dma_wait3A_75, %dma_wait3A_76] : memref<10000x128xf32, #tpu.memory_space<hbm>> -> memref<10000x128xf32, #tpu.memory_space<hbm>>
    tpu.wait_indirect_dma semaphore(%arg16 : memref<!tpu.dma_semaphore, #tpu.memory_space<semaphore_mem>>) src(%dma_wait3A_77 : memref<10000x128xf32, #tpu.memory_space<hbm>>) dst(%arg11 : memref<40x128xf32, #tpu.memory_space<vmem>>)
    %dma_start3A_78 = arith.constant 46 : i32
    %dma_start3A_79 = arith.constant 0 : i32
    %dma_start3A_80 = tpu.memref_slice %arg8[%dma_start3A_78, %dma_start3A_79] : memref<50x40xi32, #tpu.memory_space<vmem>> -> memref<1x40xi32, #tpu.memory_space<vmem>>
    %dma_start3A_81 = tpu.memref_squeeze %dma_start3A_80 : memref<1x40xi32, #tpu.memory_space<vmem>> -> memref<40xi32, #tpu.memory_space<vmem>>
    %dma_start3A_82 = arith.constant 0 : i32
    %dma_start3A_83 = arith.constant 0 : i32
    %dma_start3A_84 = tpu.memref_slice %arg13[%dma_start3A_82, %dma_start3A_83] : memref<10000x128xf32, #tpu.memory_space<vmem_shared>> -> memref<10000x128xf32, #tpu.memory_space<vmem_shared>>
    tpu.enqueue_indirect_dma source(%arg11 : memref<40x128xf32, #tpu.memory_space<vmem>>) target(%dma_start3A_84 : memref<10000x128xf32, #tpu.memory_space<vmem_shared>>) offsets(%dma_start3A_81 : memref<40xi32, #tpu.memory_space<vmem>>) semaphore(%arg20 : memref<!tpu.dma_semaphore, #tpu.memory_space<semaphore_mem>>) {add = true}
    %dma_wait3A_85 = arith.constant 0 : i32
    %dma_wait3A_86 = arith.constant 0 : i32
    %dma_wait3A_87 = tpu.memref_slice %arg7[%dma_wait3A_85, %dma_wait3A_86] : memref<50x40xi32, #tpu.memory_space<vmem>> -> memref<1x40xi32, #tpu.memory_space<vmem>>
    %dma_wait3A_88 = tpu.memref_squeeze %dma_wait3A_87 : memref<1x40xi32, #tpu.memory_space<vmem>> -> memref<40xi32, #tpu.memory_space<vmem>>
    %dma_wait3A_89 = arith.constant 0 : i32
    %dma_wait3A_90 = arith.constant 0 : i32
    %dma_wait3A_91 = tpu.memref_slice %arg2[%dma_wait3A_89, %dma_wait3A_90] : memref<10000x128xf32, #tpu.memory_space<hbm>> -> memref<10000x128xf32, #tpu.memory_space<hbm>>
    tpu.wait_indirect_dma semaphore(%arg17 : memref<!tpu.dma_semaphore, #tpu.memory_space<semaphore_mem>>) src(%dma_wait3A_91 : memref<10000x128xf32, #tpu.memory_space<hbm>>) dst(%arg12 : memref<40x128xf32, #tpu.memory_space<vmem>>)
    %dma_start3A_92 = arith.constant 47 : i32
    %dma_start3A_93 = arith.constant 0 : i32
    %dma_start3A_94 = tpu.memref_slice %arg8[%dma_start3A_92, %dma_start3A_93] : memref<50x40xi32, #tpu.memory_space<vmem>> -> memref<1x40xi32, #tpu.memory_space<vmem>>
    %dma_start3A_95 = tpu.memref_squeeze %dma_start3A_94 : memref<1x40xi32, #tpu.memory_space<vmem>> -> memref<40xi32, #tpu.memory_space<vmem>>
    %dma_start3A_96 = arith.constant 0 : i32
    %dma_start3A_97 = arith.constant 0 : i32
    %dma_start3A_98 = tpu.memref_slice %arg13[%dma_start3A_96, %dma_start3A_97] : memref<10000x128xf32, #tpu.memory_space<vmem_shared>> -> memref<10000x128xf32, #tpu.memory_space<vmem_shared>>
    tpu.enqueue_indirect_dma source(%arg12 : memref<40x128xf32, #tpu.memory_space<vmem>>) target(%dma_start3A_98 : memref<10000x128xf32, #tpu.memory_space<vmem_shared>>) offsets(%dma_start3A_95 : memref<40xi32, #tpu.memory_space<vmem>>) semaphore(%arg21 : memref<!tpu.dma_semaphore, #tpu.memory_space<semaphore_mem>>) {add = true}
    %dma_wait3A_99 = arith.constant 0 : i32
    %dma_wait3A_100 = arith.constant 0 : i32
    %dma_wait3A_101 = tpu.memref_slice %arg8[%dma_wait3A_99, %dma_wait3A_100] : memref<50x40xi32, #tpu.memory_space<vmem>> -> memref<1x40xi32, #tpu.memory_space<vmem>>
    %dma_wait3A_102 = tpu.memref_squeeze %dma_wait3A_101 : memref<1x40xi32, #tpu.memory_space<vmem>> -> memref<40xi32, #tpu.memory_space<vmem>>
    %dma_wait3A_103 = arith.constant 0 : i32
    %dma_wait3A_104 = arith.constant 0 : i32
    %dma_wait3A_105 = tpu.memref_slice %arg13[%dma_wait3A_103, %dma_wait3A_104] : memref<10000x128xf32, #tpu.memory_space<vmem_shared>> -> memref<10000x128xf32, #tpu.memory_space<vmem_shared>>
    tpu.wait_indirect_dma semaphore(%arg18 : memref<!tpu.dma_semaphore, #tpu.memory_space<semaphore_mem>>) src(%arg9 : memref<40x128xf32, #tpu.memory_space<vmem>>) dst(%dma_wait3A_105 : memref<10000x128xf32, #tpu.memory_space<vmem_shared>>)
    %dma_start3A_106 = arith.constant 48 : i32
    %dma_start3A_107 = arith.constant 0 : i32
    %dma_start3A_108 = tpu.memref_slice %arg7[%dma_start3A_106, %dma_start3A_107] : memref<50x40xi32, #tpu.memory_space<vmem>> -> memref<1x40xi32, #tpu.memory_space<vmem>>
    %dma_start3A_109 = tpu.memref_squeeze %dma_start3A_108 : memref<1x40xi32, #tpu.memory_space<vmem>> -> memref<40xi32, #tpu.memory_space<vmem>>
    %dma_start3A_110 = arith.constant 0 : i32
    %dma_start3A_111 = arith.constant 0 : i32
    %dma_start3A_112 = tpu.memref_slice %arg2[%dma_start3A_110, %dma_start3A_111] : memref<10000x128xf32, #tpu.memory_space<hbm>> -> memref<10000x128xf32, #tpu.memory_space<hbm>>
    tpu.enqueue_indirect_dma source(%dma_start3A_112 : memref<10000x128xf32, #tpu.memory_space<hbm>>) target(%arg9 : memref<40x128xf32, #tpu.memory_space<vmem>>) offsets(%dma_start3A_109 : memref<40xi32, #tpu.memory_space<vmem>>) semaphore(%arg14 : memref<!tpu.dma_semaphore, #tpu.memory_space<semaphore_mem>>)
    %dma_wait3A_113 = arith.constant 0 : i32
    %dma_wait3A_114 = arith.constant 0 : i32
    %dma_wait3A_115 = tpu.memref_slice %arg8[%dma_wait3A_113, %dma_wait3A_114] : memref<50x40xi32, #tpu.memory_space<vmem>> -> memref<1x40xi32, #tpu.memory_space<vmem>>
    %dma_wait3A_116 = tpu.memref_squeeze %dma_wait3A_115 : memref<1x40xi32, #tpu.memory_space<vmem>> -> memref<40xi32, #tpu.memory_space<vmem>>
    %dma_wait3A_117 = arith.constant 0 : i32
    %dma_wait3A_118 = arith.constant 0 : i32
    %dma_wait3A_119 = tpu.memref_slice %arg13[%dma_wait3A_117, %dma_wait3A_118] : memref<10000x128xf32, #tpu.memory_space<vmem_shared>> -> memref<10000x128xf32, #tpu.memory_space<vmem_shared>>
    tpu.wait_indirect_dma semaphore(%arg19 : memref<!tpu.dma_semaphore, #tpu.memory_space<semaphore_mem>>) src(%arg10 : memref<40x128xf32, #tpu.memory_space<vmem>>) dst(%dma_wait3A_119 : memref<10000x128xf32, #tpu.memory_space<vmem_shared>>)
    %dma_start3A_120 = arith.constant 49 : i32
    %dma_start3A_121 = arith.constant 0 : i32
    %dma_start3A_122 = tpu.memref_slice %arg7[%dma_start3A_120, %dma_start3A_121] : memref<50x40xi32, #tpu.memory_space<vmem>> -> memref<1x40xi32, #tpu.memory_space<vmem>>
    %dma_start3A_123 = tpu.memref_squeeze %dma_start3A_122 : memref<1x40xi32, #tpu.memory_space<vmem>> -> memref<40xi32, #tpu.memory_space<vmem>>
    %dma_start3A_124 = arith.constant 0 : i32
    %dma_start3A_125 = arith.constant 0 : i32
    %dma_start3A_126 = tpu.memref_slice %arg2[%dma_start3A_124, %dma_start3A_125] : memref<10000x128xf32, #tpu.memory_space<hbm>> -> memref<10000x128xf32, #tpu.memory_space<hbm>>
    tpu.enqueue_indirect_dma source(%dma_start3A_126 : memref<10000x128xf32, #tpu.memory_space<hbm>>) target(%arg10 : memref<40x128xf32, #tpu.memory_space<vmem>>) offsets(%dma_start3A_123 : memref<40xi32, #tpu.memory_space<vmem>>) semaphore(%arg15 : memref<!tpu.dma_semaphore, #tpu.memory_space<semaphore_mem>>)
    %dma_wait3A_127 = arith.constant 0 : i32
    %dma_wait3A_128 = arith.constant 0 : i32
    %dma_wait3A_129 = tpu.memref_slice %arg8[%dma_wait3A_127, %dma_wait3A_128] : memref<50x40xi32, #tpu.memory_space<vmem>> -> memref<1x40xi32, #tpu.memory_space<vmem>>
    %dma_wait3A_130 = tpu.memref_squeeze %dma_wait3A_129 : memref<1x40xi32, #tpu.memory_space<vmem>> -> memref<40xi32, #tpu.memory_space<vmem>>
    %dma_wait3A_131 = arith.constant 0 : i32
    %dma_wait3A_132 = arith.constant 0 : i32
    %dma_wait3A_133 = tpu.memref_slice %arg13[%dma_wait3A_131, %dma_wait3A_132] : memref<10000x128xf32, #tpu.memory_space<vmem_shared>> -> memref<10000x128xf32, #tpu.memory_space<vmem_shared>>
    tpu.wait_indirect_dma semaphore(%arg20 : memref<!tpu.dma_semaphore, #tpu.memory_space<semaphore_mem>>) src(%arg11 : memref<40x128xf32, #tpu.memory_space<vmem>>) dst(%dma_wait3A_133 : memref<10000x128xf32, #tpu.memory_space<vmem_shared>>)
    %dma_wait3A_134 = arith.constant 0 : i32
    %dma_wait3A_135 = arith.constant 0 : i32
    %dma_wait3A_136 = tpu.memref_slice %arg8[%dma_wait3A_134, %dma_wait3A_135] : memref<50x40xi32, #tpu.memory_space<vmem>> -> memref<1x40xi32, #tpu.memory_space<vmem>>
    %dma_wait3A_137 = tpu.memref_squeeze %dma_wait3A_136 : memref<1x40xi32, #tpu.memory_space<vmem>> -> memref<40xi32, #tpu.memory_space<vmem>>
    %dma_wait3A_138 = arith.constant 0 : i32
    %dma_wait3A_139 = arith.constant 0 : i32
    %dma_wait3A_140 = tpu.memref_slice %arg13[%dma_wait3A_138, %dma_wait3A_139] : memref<10000x128xf32, #tpu.memory_space<vmem_shared>> -> memref<10000x128xf32, #tpu.memory_space<vmem_shared>>
    tpu.wait_indirect_dma semaphore(%arg21 : memref<!tpu.dma_semaphore, #tpu.memory_space<semaphore_mem>>) src(%arg12 : memref<40x128xf32, #tpu.memory_space<vmem>>) dst(%dma_wait3A_140 : memref<10000x128xf32, #tpu.memory_space<vmem_shared>>)
    %dma_wait3A_141 = arith.constant 0 : i32
    %dma_wait3A_142 = arith.constant 0 : i32
    %dma_wait3A_143 = tpu.memref_slice %arg7[%dma_wait3A_141, %dma_wait3A_142] : memref<50x40xi32, #tpu.memory_space<vmem>> -> memref<1x40xi32, #tpu.memory_space<vmem>>
    %dma_wait3A_144 = tpu.memref_squeeze %dma_wait3A_143 : memref<1x40xi32, #tpu.memory_space<vmem>> -> memref<40xi32, #tpu.memory_space<vmem>>
    %dma_wait3A_145 = arith.constant 0 : i32
    %dma_wait3A_146 = arith.constant 0 : i32
    %dma_wait3A_147 = tpu.memref_slice %arg2[%dma_wait3A_145, %dma_wait3A_146] : memref<10000x128xf32, #tpu.memory_space<hbm>> -> memref<10000x128xf32, #tpu.memory_space<hbm>>
    tpu.wait_indirect_dma semaphore(%arg14 : memref<!tpu.dma_semaphore, #tpu.memory_space<semaphore_mem>>) src(%dma_wait3A_147 : memref<10000x128xf32, #tpu.memory_space<hbm>>) dst(%arg9 : memref<40x128xf32, #tpu.memory_space<vmem>>)
    %dma_start3A_148 = arith.constant 48 : i32
    %dma_start3A_149 = arith.constant 0 : i32
    %dma_start3A_150 = tpu.memref_slice %arg8[%dma_start3A_148, %dma_start3A_149] : memref<50x40xi32, #tpu.memory_space<vmem>> -> memref<1x40xi32, #tpu.memory_space<vmem>>
    %dma_start3A_151 = tpu.memref_squeeze %dma_start3A_150 : memref<1x40xi32, #tpu.memory_space<vmem>> -> memref<40xi32, #tpu.memory_space<vmem>>
    %dma_start3A_152 = arith.constant 0 : i32
    %dma_start3A_153 = arith.constant 0 : i32
    %dma_start3A_154 = tpu.memref_slice %arg13[%dma_start3A_152, %dma_start3A_153] : memref<10000x128xf32, #tpu.memory_space<vmem_shared>> -> memref<10000x128xf32, #tpu.memory_space<vmem_shared>>
    tpu.enqueue_indirect_dma source(%arg9 : memref<40x128xf32, #tpu.memory_space<vmem>>) target(%dma_start3A_154 : memref<10000x128xf32, #tpu.memory_space<vmem_shared>>) offsets(%dma_start3A_151 : memref<40xi32, #tpu.memory_space<vmem>>) semaphore(%arg18 : memref<!tpu.dma_semaphore, #tpu.memory_space<semaphore_mem>>) {add = true}
    %dma_wait3A_155 = arith.constant 0 : i32
    %dma_wait3A_156 = arith.constant 0 : i32
    %dma_wait3A_157 = tpu.memref_slice %arg7[%dma_wait3A_155, %dma_wait3A_156] : memref<50x40xi32, #tpu.memory_space<vmem>> -> memref<1x40xi32, #tpu.memory_space<vmem>>
    %dma_wait3A_158 = tpu.memref_squeeze %dma_wait3A_157 : memref<1x40xi32, #tpu.memory_space<vmem>> -> memref<40xi32, #tpu.memory_space<vmem>>
    %dma_wait3A_159 = arith.constant 0 : i32
    %dma_wait3A_160 = arith.constant 0 : i32
    %dma_wait3A_161 = tpu.memref_slice %arg2[%dma_wait3A_159, %dma_wait3A_160] : memref<10000x128xf32, #tpu.memory_space<hbm>> -> memref<10000x128xf32, #tpu.memory_space<hbm>>
    tpu.wait_indirect_dma semaphore(%arg15 : memref<!tpu.dma_semaphore, #tpu.memory_space<semaphore_mem>>) src(%dma_wait3A_161 : memref<10000x128xf32, #tpu.memory_space<hbm>>) dst(%arg10 : memref<40x128xf32, #tpu.memory_space<vmem>>)
    %dma_start3A_162 = arith.constant 49 : i32
    %dma_start3A_163 = arith.constant 0 : i32
    %dma_start3A_164 = tpu.memref_slice %arg8[%dma_start3A_162, %dma_start3A_163] : memref<50x40xi32, #tpu.memory_space<vmem>> -> memref<1x40xi32, #tpu.memory_space<vmem>>
    %dma_start3A_165 = tpu.memref_squeeze %dma_start3A_164 : memref<1x40xi32, #tpu.memory_space<vmem>> -> memref<40xi32, #tpu.memory_space<vmem>>
    %dma_start3A_166 = arith.constant 0 : i32
    %dma_start3A_167 = arith.constant 0 : i32
    %dma_start3A_168 = tpu.memref_slice %arg13[%dma_start3A_166, %dma_start3A_167] : memref<10000x128xf32, #tpu.memory_space<vmem_shared>> -> memref<10000x128xf32, #tpu.memory_space<vmem_shared>>
    tpu.enqueue_indirect_dma source(%arg10 : memref<40x128xf32, #tpu.memory_space<vmem>>) target(%dma_start3A_168 : memref<10000x128xf32, #tpu.memory_space<vmem_shared>>) offsets(%dma_start3A_165 : memref<40xi32, #tpu.memory_space<vmem>>) semaphore(%arg19 : memref<!tpu.dma_semaphore, #tpu.memory_space<semaphore_mem>>) {add = true}
    %dma_wait3A_169 = arith.constant 0 : i32
    %dma_wait3A_170 = arith.constant 0 : i32
    %dma_wait3A_171 = tpu.memref_slice %arg8[%dma_wait3A_169, %dma_wait3A_170] : memref<50x40xi32, #tpu.memory_space<vmem>> -> memref<1x40xi32, #tpu.memory_space<vmem>>
    %dma_wait3A_172 = tpu.memref_squeeze %dma_wait3A_171 : memref<1x40xi32, #tpu.memory_space<vmem>> -> memref<40xi32, #tpu.memory_space<vmem>>
    %dma_wait3A_173 = arith.constant 0 : i32
    %dma_wait3A_174 = arith.constant 0 : i32
    %dma_wait3A_175 = tpu.memref_slice %arg13[%dma_wait3A_173, %dma_wait3A_174] : memref<10000x128xf32, #tpu.memory_space<vmem_shared>> -> memref<10000x128xf32, #tpu.memory_space<vmem_shared>>
    tpu.wait_indirect_dma semaphore(%arg18 : memref<!tpu.dma_semaphore, #tpu.memory_space<semaphore_mem>>) src(%arg9 : memref<40x128xf32, #tpu.memory_space<vmem>>) dst(%dma_wait3A_175 : memref<10000x128xf32, #tpu.memory_space<vmem_shared>>)
    %dma_wait3A_176 = arith.constant 0 : i32
    %dma_wait3A_177 = arith.constant 0 : i32
    %dma_wait3A_178 = tpu.memref_slice %arg8[%dma_wait3A_176, %dma_wait3A_177] : memref<50x40xi32, #tpu.memory_space<vmem>> -> memref<1x40xi32, #tpu.memory_space<vmem>>
    %dma_wait3A_179 = tpu.memref_squeeze %dma_wait3A_178 : memref<1x40xi32, #tpu.memory_space<vmem>> -> memref<40xi32, #tpu.memory_space<vmem>>
    %dma_wait3A_180 = arith.constant 0 : i32
    %dma_wait3A_181 = arith.constant 0 : i32
    %dma_wait3A_182 = tpu.memref_slice %arg13[%dma_wait3A_180, %dma_wait3A_181] : memref<10000x128xf32, #tpu.memory_space<vmem_shared>> -> memref<10000x128xf32, #tpu.memory_space<vmem_shared>>
    tpu.wait_indirect_dma semaphore(%arg19 : memref<!tpu.dma_semaphore, #tpu.memory_space<semaphore_mem>>) src(%arg10 : memref<40x128xf32, #tpu.memory_space<vmem>>) dst(%dma_wait3A_182 : memref<10000x128xf32, #tpu.memory_space<vmem_shared>>)
    %run_scoped3A_183 = arith.constant 1 : i32
    "tpu.region"() ({
      %run_scoped3A_898 = tpu.sem_alloc : memref<!tpu.dma_semaphore, #tpu.memory_space<semaphore_mem>>
      %dma_start3A_899 = arith.constant 0 : i32
      %dma_start3A_900 = arith.constant 0 : i32
      %dma_start3A_901 = tpu.memref_slice %arg3[%add3A, %run_scoped3A_183, %dma_start3A_899, %dma_start3A_900] : memref<32x5x50x40xi32, #tpu.memory_space<hbm>> -> memref<1x1x50x40xi32, #tpu.memory_space<hbm>>
      %dma_start3A_902 = tpu.memref_squeeze %dma_start3A_901 : memref<1x1x50x40xi32, #tpu.memory_space<hbm>> -> memref<50x40xi32, #tpu.memory_space<hbm>>
      %dma_start3A_903 = arith.constant 0 : i32
      %dma_start3A_904 = arith.constant 0 : i32
      %dma_start3A_905 = tpu.memref_slice %arg3[%add3A, %run_scoped3A_183, %dma_start3A_903, %dma_start3A_904] : memref<32x5x50x40xi32, #tpu.memory_space<hbm>> -> memref<1x1x50x40xi32, #tpu.memory_space<hbm>>
      %dma_start3A_906 = tpu.memref_squeeze %dma_start3A_905 : memref<1x1x50x40xi32, #tpu.memory_space<hbm>> -> memref<50x40xi32, #tpu.memory_space<hbm>>
      tpu.enqueue_dma source(%dma_start3A_906 : memref<50x40xi32, #tpu.memory_space<hbm>>) target(%arg7 : memref<50x40xi32, #tpu.memory_space<vmem>>) target_semaphore(%run_scoped3A_898 : memref<!tpu.dma_semaphore, #tpu.memory_space<semaphore_mem>>)
      %dma_wait3A_907 = arith.constant 0 : i32
      %dma_wait3A_908 = arith.constant 0 : i32
      %dma_wait3A_909 = tpu.memref_slice %arg3[%add3A, %run_scoped3A_183, %dma_wait3A_907, %dma_wait3A_908] : memref<32x5x50x40xi32, #tpu.memory_space<hbm>> -> memref<1x1x50x40xi32, #tpu.memory_space<hbm>>
      %dma_wait3A_910 = tpu.memref_squeeze %dma_wait3A_909 : memref<1x1x50x40xi32, #tpu.memory_space<hbm>> -> memref<50x40xi32, #tpu.memory_space<hbm>>
      %dma_wait3A_911 = arith.constant 0 : i32
      %dma_wait3A_912 = arith.constant 0 : i32
      %dma_wait3A_913 = tpu.memref_slice %arg3[%add3A, %run_scoped3A_183, %dma_wait3A_911, %dma_wait3A_912] : memref<32x5x50x40xi32, #tpu.memory_space<hbm>> -> memref<1x1x50x40xi32, #tpu.memory_space<hbm>>
      %dma_wait3A_914 = tpu.memref_squeeze %dma_wait3A_913 : memref<1x1x50x40xi32, #tpu.memory_space<hbm>> -> memref<50x40xi32, #tpu.memory_space<hbm>>
      tpu.wait_dma2 semaphore(%run_scoped3A_898 : memref<!tpu.dma_semaphore, #tpu.memory_space<semaphore_mem>>) src(%dma_wait3A_914 : memref<50x40xi32, #tpu.memory_space<hbm>>) dst(%arg7 : memref<50x40xi32, #tpu.memory_space<vmem>>)
      tpu.yield
    }) : () -> ()
    %run_scoped3A_184 = arith.constant 1 : i32
    "tpu.region"() ({
      %run_scoped3A_898 = tpu.sem_alloc : memref<!tpu.dma_semaphore, #tpu.memory_space<semaphore_mem>>
      %dma_start3A_899 = arith.constant 0 : i32
      %dma_start3A_900 = arith.constant 0 : i32
      %dma_start3A_901 = tpu.memref_slice %arg4[%add3A, %run_scoped3A_184, %dma_start3A_899, %dma_start3A_900] : memref<32x5x50x40xi32, #tpu.memory_space<hbm>> -> memref<1x1x50x40xi32, #tpu.memory_space<hbm>>
      %dma_start3A_902 = tpu.memref_squeeze %dma_start3A_901 : memref<1x1x50x40xi32, #tpu.memory_space<hbm>> -> memref<50x40xi32, #tpu.memory_space<hbm>>
      %dma_start3A_903 = arith.constant 0 : i32
      %dma_start3A_904 = arith.constant 0 : i32
      %dma_start3A_905 = tpu.memref_slice %arg4[%add3A, %run_scoped3A_184, %dma_start3A_903, %dma_start3A_904] : memref<32x5x50x40xi32, #tpu.memory_space<hbm>> -> memref<1x1x50x40xi32, #tpu.memory_space<hbm>>
      %dma_start3A_906 = tpu.memref_squeeze %dma_start3A_905 : memref<1x1x50x40xi32, #tpu.memory_space<hbm>> -> memref<50x40xi32, #tpu.memory_space<hbm>>
      tpu.enqueue_dma source(%dma_start3A_906 : memref<50x40xi32, #tpu.memory_space<hbm>>) target(%arg8 : memref<50x40xi32, #tpu.memory_space<vmem>>) target_semaphore(%run_scoped3A_898 : memref<!tpu.dma_semaphore, #tpu.memory_space<semaphore_mem>>)
      %dma_wait3A_907 = arith.constant 0 : i32
      %dma_wait3A_908 = arith.constant 0 : i32
      %dma_wait3A_909 = tpu.memref_slice %arg4[%add3A, %run_scoped3A_184, %dma_wait3A_907, %dma_wait3A_908] : memref<32x5x50x40xi32, #tpu.memory_space<hbm>> -> memref<1x1x50x40xi32, #tpu.memory_space<hbm>>
      %dma_wait3A_910 = tpu.memref_squeeze %dma_wait3A_909 : memref<1x1x50x40xi32, #tpu.memory_space<hbm>> -> memref<50x40xi32, #tpu.memory_space<hbm>>
      %dma_wait3A_911 = arith.constant 0 : i32
      %dma_wait3A_912 = arith.constant 0 : i32
      %dma_wait3A_913 = tpu.memref_slice %arg4[%add3A, %run_scoped3A_184, %dma_wait3A_911, %dma_wait3A_912] : memref<32x5x50x40xi32, #tpu.memory_space<hbm>> -> memref<1x1x50x40xi32, #tpu.memory_space<hbm>>
      %dma_wait3A_914 = tpu.memref_squeeze %dma_wait3A_913 : memref<1x1x50x40xi32, #tpu.memory_space<hbm>> -> memref<50x40xi32, #tpu.memory_space<hbm>>
      tpu.wait_dma2 semaphore(%run_scoped3A_898 : memref<!tpu.dma_semaphore, #tpu.memory_space<semaphore_mem>>) src(%dma_wait3A_914 : memref<50x40xi32, #tpu.memory_space<hbm>>) dst(%arg8 : memref<50x40xi32, #tpu.memory_space<vmem>>)
      tpu.yield
    }) : () -> ()
    %dma_start3A_185 = arith.constant 0 : i32
    %dma_start3A_186 = arith.constant 0 : i32
    %dma_start3A_187 = tpu.memref_slice %arg7[%dma_start3A_185, %dma_start3A_186] : memref<50x40xi32, #tpu.memory_space<vmem>> -> memref<1x40xi32, #tpu.memory_space<vmem>>
    %dma_start3A_188 = tpu.memref_squeeze %dma_start3A_187 : memref<1x40xi32, #tpu.memory_space<vmem>> -> memref<40xi32, #tpu.memory_space<vmem>>
    %dma_start3A_189 = arith.constant 0 : i32
    %dma_start3A_190 = arith.constant 0 : i32
    %dma_start3A_191 = tpu.memref_slice %arg2[%dma_start3A_189, %dma_start3A_190] : memref<10000x128xf32, #tpu.memory_space<hbm>> -> memref<10000x128xf32, #tpu.memory_space<hbm>>
    tpu.enqueue_indirect_dma source(%dma_start3A_191 : memref<10000x128xf32, #tpu.memory_space<hbm>>) target(%arg9 : memref<40x128xf32, #tpu.memory_space<vmem>>) offsets(%dma_start3A_188 : memref<40xi32, #tpu.memory_space<vmem>>) semaphore(%arg14 : memref<!tpu.dma_semaphore, #tpu.memory_space<semaphore_mem>>)
    %dma_start3A_192 = arith.constant 1 : i32
    %dma_start3A_193 = arith.constant 0 : i32
    %dma_start3A_194 = tpu.memref_slice %arg7[%dma_start3A_192, %dma_start3A_193] : memref<50x40xi32, #tpu.memory_space<vmem>> -> memref<1x40xi32, #tpu.memory_space<vmem>>
    %dma_start3A_195 = tpu.memref_squeeze %dma_start3A_194 : memref<1x40xi32, #tpu.memory_space<vmem>> -> memref<40xi32, #tpu.memory_space<vmem>>
    %dma_start3A_196 = arith.constant 0 : i32
    %dma_start3A_197 = arith.constant 0 : i32
    %dma_start3A_198 = tpu.memref_slice %arg2[%dma_start3A_196, %dma_start3A_197] : memref<10000x128xf32, #tpu.memory_space<hbm>> -> memref<10000x128xf32, #tpu.memory_space<hbm>>
    tpu.enqueue_indirect_dma source(%dma_start3A_198 : memref<10000x128xf32, #tpu.memory_space<hbm>>) target(%arg10 : memref<40x128xf32, #tpu.memory_space<vmem>>) offsets(%dma_start3A_195 : memref<40xi32, #tpu.memory_space<vmem>>) semaphore(%arg15 : memref<!tpu.dma_semaphore, #tpu.memory_space<semaphore_mem>>)
    %dma_start3A_199 = arith.constant 2 : i32
    %dma_start3A_200 = arith.constant 0 : i32
    %dma_start3A_201 = tpu.memref_slice %arg7[%dma_start3A_199, %dma_start3A_200] : memref<50x40xi32, #tpu.memory_space<vmem>> -> memref<1x40xi32, #tpu.memory_space<vmem>>
    %dma_start3A_202 = tpu.memref_squeeze %dma_start3A_201 : memref<1x40xi32, #tpu.memory_space<vmem>> -> memref<40xi32, #tpu.memory_space<vmem>>
    %dma_start3A_203 = arith.constant 0 : i32
    %dma_start3A_204 = arith.constant 0 : i32
    %dma_start3A_205 = tpu.memref_slice %arg2[%dma_start3A_203, %dma_start3A_204] : memref<10000x128xf32, #tpu.memory_space<hbm>> -> memref<10000x128xf32, #tpu.memory_space<hbm>>
    tpu.enqueue_indirect_dma source(%dma_start3A_205 : memref<10000x128xf32, #tpu.memory_space<hbm>>) target(%arg11 : memref<40x128xf32, #tpu.memory_space<vmem>>) offsets(%dma_start3A_202 : memref<40xi32, #tpu.memory_space<vmem>>) semaphore(%arg16 : memref<!tpu.dma_semaphore, #tpu.memory_space<semaphore_mem>>)
    %dma_start3A_206 = arith.constant 3 : i32
    %dma_start3A_207 = arith.constant 0 : i32
    %dma_start3A_208 = tpu.memref_slice %arg7[%dma_start3A_206, %dma_start3A_207] : memref<50x40xi32, #tpu.memory_space<vmem>> -> memref<1x40xi32, #tpu.memory_space<vmem>>
    %dma_start3A_209 = tpu.memref_squeeze %dma_start3A_208 : memref<1x40xi32, #tpu.memory_space<vmem>> -> memref<40xi32, #tpu.memory_space<vmem>>
    %dma_start3A_210 = arith.constant 0 : i32
    %dma_start3A_211 = arith.constant 0 : i32
    %dma_start3A_212 = tpu.memref_slice %arg2[%dma_start3A_210, %dma_start3A_211] : memref<10000x128xf32, #tpu.memory_space<hbm>> -> memref<10000x128xf32, #tpu.memory_space<hbm>>
    tpu.enqueue_indirect_dma source(%dma_start3A_212 : memref<10000x128xf32, #tpu.memory_space<hbm>>) target(%arg12 : memref<40x128xf32, #tpu.memory_space<vmem>>) offsets(%dma_start3A_209 : memref<40xi32, #tpu.memory_space<vmem>>) semaphore(%arg17 : memref<!tpu.dma_semaphore, #tpu.memory_space<semaphore_mem>>)
    %scan3A_213 = arith.constant 0 : i32
    %scan3A_214 = arith.constant 11 : i32
    %scan3A_215 = arith.addi %scan3A_213, %scan3A_214 : i32
    %scan3A_216 = arith.constant 1 : i32
    scf.for %scan3A_898 = %scan3A_213 to %scan3A_215 step %scan3A_216  : i32 {
      %mul3A_899 = arith.constant 1 : i32
      %mul3A_900 = arith.muli %scan3A_898, %mul3A_899 : i32
      %add3A_901 = arith.constant 0 : i32
      %add3A_902 = arith.addi %add3A_901, %mul3A_900 : i32
      %dma_wait3A_903 = arith.constant 0 : i32
      %dma_wait3A_904 = arith.constant 0 : i32
      %dma_wait3A_905 = tpu.memref_slice %arg7[%dma_wait3A_903, %dma_wait3A_904] : memref<50x40xi32, #tpu.memory_space<vmem>> -> memref<1x40xi32, #tpu.memory_space<vmem>>
      %dma_wait3A_906 = tpu.memref_squeeze %dma_wait3A_905 : memref<1x40xi32, #tpu.memory_space<vmem>> -> memref<40xi32, #tpu.memory_space<vmem>>
      %dma_wait3A_907 = arith.constant 0 : i32
      %dma_wait3A_908 = arith.constant 0 : i32
      %dma_wait3A_909 = tpu.memref_slice %arg2[%dma_wait3A_907, %dma_wait3A_908] : memref<10000x128xf32, #tpu.memory_space<hbm>> -> memref<10000x128xf32, #tpu.memory_space<hbm>>
      tpu.wait_indirect_dma semaphore(%arg14 : memref<!tpu.dma_semaphore, #tpu.memory_space<semaphore_mem>>) src(%dma_wait3A_909 : memref<10000x128xf32, #tpu.memory_space<hbm>>) dst(%arg9 : memref<40x128xf32, #tpu.memory_space<vmem>>)
      %mul3A_910 = arith.constant 4 : i32
      %mul3A_911 = arith.muli %mul3A_910, %add3A_902 : i32
      %add3A_912 = arith.constant 0 : i32
      %add3A_913 = arith.addi %mul3A_911, %add3A_912 : i32
      %dma_start3A_914 = arith.constant 0 : i32
      %dma_start3A_915 = tpu.memref_slice %arg8[%add3A_913, %dma_start3A_914] : memref<50x40xi32, #tpu.memory_space<vmem>> -> memref<1x40xi32, #tpu.memory_space<vmem>>
      %dma_start3A_916 = tpu.memref_squeeze %dma_start3A_915 : memref<1x40xi32, #tpu.memory_space<vmem>> -> memref<40xi32, #tpu.memory_space<vmem>>
      %dma_start3A_917 = arith.constant 0 : i32
      %dma_start3A_918 = arith.constant 0 : i32
      %dma_start3A_919 = tpu.memref_slice %arg13[%dma_start3A_917, %dma_start3A_918] : memref<10000x128xf32, #tpu.memory_space<vmem_shared>> -> memref<10000x128xf32, #tpu.memory_space<vmem_shared>>
      tpu.enqueue_indirect_dma source(%arg9 : memref<40x128xf32, #tpu.memory_space<vmem>>) target(%dma_start3A_919 : memref<10000x128xf32, #tpu.memory_space<vmem_shared>>) offsets(%dma_start3A_916 : memref<40xi32, #tpu.memory_space<vmem>>) semaphore(%arg18 : memref<!tpu.dma_semaphore, #tpu.memory_space<semaphore_mem>>) {add = true}
      %dma_wait3A_920 = arith.constant 0 : i32
      %dma_wait3A_921 = arith.constant 0 : i32
      %dma_wait3A_922 = tpu.memref_slice %arg7[%dma_wait3A_920, %dma_wait3A_921] : memref<50x40xi32, #tpu.memory_space<vmem>> -> memref<1x40xi32, #tpu.memory_space<vmem>>
      %dma_wait3A_923 = tpu.memref_squeeze %dma_wait3A_922 : memref<1x40xi32, #tpu.memory_space<vmem>> -> memref<40xi32, #tpu.memory_space<vmem>>
      %dma_wait3A_924 = arith.constant 0 : i32
      %dma_wait3A_925 = arith.constant 0 : i32
      %dma_wait3A_926 = tpu.memref_slice %arg2[%dma_wait3A_924, %dma_wait3A_925] : memref<10000x128xf32, #tpu.memory_space<hbm>> -> memref<10000x128xf32, #tpu.memory_space<hbm>>
      tpu.wait_indirect_dma semaphore(%arg15 : memref<!tpu.dma_semaphore, #tpu.memory_space<semaphore_mem>>) src(%dma_wait3A_926 : memref<10000x128xf32, #tpu.memory_space<hbm>>) dst(%arg10 : memref<40x128xf32, #tpu.memory_space<vmem>>)
      %mul3A_927 = arith.constant 4 : i32
      %mul3A_928 = arith.muli %mul3A_927, %add3A_902 : i32
      %add3A_929 = arith.constant 1 : i32
      %add3A_930 = arith.addi %mul3A_928, %add3A_929 : i32
      %dma_start3A_931 = arith.constant 0 : i32
      %dma_start3A_932 = tpu.memref_slice %arg8[%add3A_930, %dma_start3A_931] : memref<50x40xi32, #tpu.memory_space<vmem>> -> memref<1x40xi32, #tpu.memory_space<vmem>>
      %dma_start3A_933 = tpu.memref_squeeze %dma_start3A_932 : memref<1x40xi32, #tpu.memory_space<vmem>> -> memref<40xi32, #tpu.memory_space<vmem>>
      %dma_start3A_934 = arith.constant 0 : i32
      %dma_start3A_935 = arith.constant 0 : i32
      %dma_start3A_936 = tpu.memref_slice %arg13[%dma_start3A_934, %dma_start3A_935] : memref<10000x128xf32, #tpu.memory_space<vmem_shared>> -> memref<10000x128xf32, #tpu.memory_space<vmem_shared>>
      tpu.enqueue_indirect_dma source(%arg10 : memref<40x128xf32, #tpu.memory_space<vmem>>) target(%dma_start3A_936 : memref<10000x128xf32, #tpu.memory_space<vmem_shared>>) offsets(%dma_start3A_933 : memref<40xi32, #tpu.memory_space<vmem>>) semaphore(%arg19 : memref<!tpu.dma_semaphore, #tpu.memory_space<semaphore_mem>>) {add = true}
      %dma_wait3A_937 = arith.constant 0 : i32
      %dma_wait3A_938 = arith.constant 0 : i32
      %dma_wait3A_939 = tpu.memref_slice %arg7[%dma_wait3A_937, %dma_wait3A_938] : memref<50x40xi32, #tpu.memory_space<vmem>> -> memref<1x40xi32, #tpu.memory_space<vmem>>
      %dma_wait3A_940 = tpu.memref_squeeze %dma_wait3A_939 : memref<1x40xi32, #tpu.memory_space<vmem>> -> memref<40xi32, #tpu.memory_space<vmem>>
      %dma_wait3A_941 = arith.constant 0 : i32
      %dma_wait3A_942 = arith.constant 0 : i32
      %dma_wait3A_943 = tpu.memref_slice %arg2[%dma_wait3A_941, %dma_wait3A_942] : memref<10000x128xf32, #tpu.memory_space<hbm>> -> memref<10000x128xf32, #tpu.memory_space<hbm>>
      tpu.wait_indirect_dma semaphore(%arg16 : memref<!tpu.dma_semaphore, #tpu.memory_space<semaphore_mem>>) src(%dma_wait3A_943 : memref<10000x128xf32, #tpu.memory_space<hbm>>) dst(%arg11 : memref<40x128xf32, #tpu.memory_space<vmem>>)
      %mul3A_944 = arith.constant 4 : i32
      %mul3A_945 = arith.muli %mul3A_944, %add3A_902 : i32
      %add3A_946 = arith.constant 2 : i32
      %add3A_947 = arith.addi %mul3A_945, %add3A_946 : i32
      %dma_start3A_948 = arith.constant 0 : i32
      %dma_start3A_949 = tpu.memref_slice %arg8[%add3A_947, %dma_start3A_948] : memref<50x40xi32, #tpu.memory_space<vmem>> -> memref<1x40xi32, #tpu.memory_space<vmem>>
      %dma_start3A_950 = tpu.memref_squeeze %dma_start3A_949 : memref<1x40xi32, #tpu.memory_space<vmem>> -> memref<40xi32, #tpu.memory_space<vmem>>
      %dma_start3A_951 = arith.constant 0 : i32
      %dma_start3A_952 = arith.constant 0 : i32
      %dma_start3A_953 = tpu.memref_slice %arg13[%dma_start3A_951, %dma_start3A_952] : memref<10000x128xf32, #tpu.memory_space<vmem_shared>> -> memref<10000x128xf32, #tpu.memory_space<vmem_shared>>
      tpu.enqueue_indirect_dma source(%arg11 : memref<40x128xf32, #tpu.memory_space<vmem>>) target(%dma_start3A_953 : memref<10000x128xf32, #tpu.memory_space<vmem_shared>>) offsets(%dma_start3A_950 : memref<40xi32, #tpu.memory_space<vmem>>) semaphore(%arg20 : memref<!tpu.dma_semaphore, #tpu.memory_space<semaphore_mem>>) {add = true}
      %dma_wait3A_954 = arith.constant 0 : i32
      %dma_wait3A_955 = arith.constant 0 : i32
      %dma_wait3A_956 = tpu.memref_slice %arg7[%dma_wait3A_954, %dma_wait3A_955] : memref<50x40xi32, #tpu.memory_space<vmem>> -> memref<1x40xi32, #tpu.memory_space<vmem>>
      %dma_wait3A_957 = tpu.memref_squeeze %dma_wait3A_956 : memref<1x40xi32, #tpu.memory_space<vmem>> -> memref<40xi32, #tpu.memory_space<vmem>>
      %dma_wait3A_958 = arith.constant 0 : i32
      %dma_wait3A_959 = arith.constant 0 : i32
      %dma_wait3A_960 = tpu.memref_slice %arg2[%dma_wait3A_958, %dma_wait3A_959] : memref<10000x128xf32, #tpu.memory_space<hbm>> -> memref<10000x128xf32, #tpu.memory_space<hbm>>
      tpu.wait_indirect_dma semaphore(%arg17 : memref<!tpu.dma_semaphore, #tpu.memory_space<semaphore_mem>>) src(%dma_wait3A_960 : memref<10000x128xf32, #tpu.memory_space<hbm>>) dst(%arg12 : memref<40x128xf32, #tpu.memory_space<vmem>>)
      %mul3A_961 = arith.constant 4 : i32
      %mul3A_962 = arith.muli %mul3A_961, %add3A_902 : i32
      %add3A_963 = arith.constant 3 : i32
      %add3A_964 = arith.addi %mul3A_962, %add3A_963 : i32
      %dma_start3A_965 = arith.constant 0 : i32
      %dma_start3A_966 = tpu.memref_slice %arg8[%add3A_964, %dma_start3A_965] : memref<50x40xi32, #tpu.memory_space<vmem>> -> memref<1x40xi32, #tpu.memory_space<vmem>>
      %dma_start3A_967 = tpu.memref_squeeze %dma_start3A_966 : memref<1x40xi32, #tpu.memory_space<vmem>> -> memref<40xi32, #tpu.memory_space<vmem>>
      %dma_start3A_968 = arith.constant 0 : i32
      %dma_start3A_969 = arith.constant 0 : i32
      %dma_start3A_970 = tpu.memref_slice %arg13[%dma_start3A_968, %dma_start3A_969] : memref<10000x128xf32, #tpu.memory_space<vmem_shared>> -> memref<10000x128xf32, #tpu.memory_space<vmem_shared>>
      tpu.enqueue_indirect_dma source(%arg12 : memref<40x128xf32, #tpu.memory_space<vmem>>) target(%dma_start3A_970 : memref<10000x128xf32, #tpu.memory_space<vmem_shared>>) offsets(%dma_start3A_967 : memref<40xi32, #tpu.memory_space<vmem>>) semaphore(%arg21 : memref<!tpu.dma_semaphore, #tpu.memory_space<semaphore_mem>>) {add = true}
      %dma_wait3A_971 = arith.constant 0 : i32
      %dma_wait3A_972 = arith.constant 0 : i32
      %dma_wait3A_973 = tpu.memref_slice %arg8[%dma_wait3A_971, %dma_wait3A_972] : memref<50x40xi32, #tpu.memory_space<vmem>> -> memref<1x40xi32, #tpu.memory_space<vmem>>
      %dma_wait3A_974 = tpu.memref_squeeze %dma_wait3A_973 : memref<1x40xi32, #tpu.memory_space<vmem>> -> memref<40xi32, #tpu.memory_space<vmem>>
      %dma_wait3A_975 = arith.constant 0 : i32
      %dma_wait3A_976 = arith.constant 0 : i32
      %dma_wait3A_977 = tpu.memref_slice %arg13[%dma_wait3A_975, %dma_wait3A_976] : memref<10000x128xf32, #tpu.memory_space<vmem_shared>> -> memref<10000x128xf32, #tpu.memory_space<vmem_shared>>
      tpu.wait_indirect_dma semaphore(%arg18 : memref<!tpu.dma_semaphore, #tpu.memory_space<semaphore_mem>>) src(%arg9 : memref<40x128xf32, #tpu.memory_space<vmem>>) dst(%dma_wait3A_977 : memref<10000x128xf32, #tpu.memory_space<vmem_shared>>)
      %mul3A_978 = arith.constant 4 : i32
      %mul3A_979 = arith.muli %mul3A_978, %add3A_902 : i32
      %add3A_980 = arith.constant 4 : i32
      %add3A_981 = arith.addi %mul3A_979, %add3A_980 : i32
      %add3A_982 = arith.constant 0 : i32
      %add3A_983 = arith.addi %add3A_981, %add3A_982 : i32
      %dma_start3A_984 = arith.constant 0 : i32
      %dma_start3A_985 = tpu.memref_slice %arg7[%add3A_983, %dma_start3A_984] : memref<50x40xi32, #tpu.memory_space<vmem>> -> memref<1x40xi32, #tpu.memory_space<vmem>>
      %dma_start3A_986 = tpu.memref_squeeze %dma_start3A_985 : memref<1x40xi32, #tpu.memory_space<vmem>> -> memref<40xi32, #tpu.memory_space<vmem>>
      %dma_start3A_987 = arith.constant 0 : i32
      %dma_start3A_988 = arith.constant 0 : i32
      %dma_start3A_989 = tpu.memref_slice %arg2[%dma_start3A_987, %dma_start3A_988] : memref<10000x128xf32, #tpu.memory_space<hbm>> -> memref<10000x128xf32, #tpu.memory_space<hbm>>
      tpu.enqueue_indirect_dma source(%dma_start3A_989 : memref<10000x128xf32, #tpu.memory_space<hbm>>) target(%arg9 : memref<40x128xf32, #tpu.memory_space<vmem>>) offsets(%dma_start3A_986 : memref<40xi32, #tpu.memory_space<vmem>>) semaphore(%arg14 : memref<!tpu.dma_semaphore, #tpu.memory_space<semaphore_mem>>)
      %dma_wait3A_990 = arith.constant 0 : i32
      %dma_wait3A_991 = arith.constant 0 : i32
      %dma_wait3A_992 = tpu.memref_slice %arg8[%dma_wait3A_990, %dma_wait3A_991] : memref<50x40xi32, #tpu.memory_space<vmem>> -> memref<1x40xi32, #tpu.memory_space<vmem>>
      %dma_wait3A_993 = tpu.memref_squeeze %dma_wait3A_992 : memref<1x40xi32, #tpu.memory_space<vmem>> -> memref<40xi32, #tpu.memory_space<vmem>>
      %dma_wait3A_994 = arith.constant 0 : i32
      %dma_wait3A_995 = arith.constant 0 : i32
      %dma_wait3A_996 = tpu.memref_slice %arg13[%dma_wait3A_994, %dma_wait3A_995] : memref<10000x128xf32, #tpu.memory_space<vmem_shared>> -> memref<10000x128xf32, #tpu.memory_space<vmem_shared>>
      tpu.wait_indirect_dma semaphore(%arg19 : memref<!tpu.dma_semaphore, #tpu.memory_space<semaphore_mem>>) src(%arg10 : memref<40x128xf32, #tpu.memory_space<vmem>>) dst(%dma_wait3A_996 : memref<10000x128xf32, #tpu.memory_space<vmem_shared>>)
      %mul3A_997 = arith.constant 4 : i32
      %mul3A_998 = arith.muli %mul3A_997, %add3A_902 : i32
      %add3A_999 = arith.constant 4 : i32
      %add3A_1000 = arith.addi %mul3A_998, %add3A_999 : i32
      %add3A_1001 = arith.constant 1 : i32
      %add3A_1002 = arith.addi %add3A_1000, %add3A_1001 : i32
      %dma_start3A_1003 = arith.constant 0 : i32
      %dma_start3A_1004 = tpu.memref_slice %arg7[%add3A_1002, %dma_start3A_1003] : memref<50x40xi32, #tpu.memory_space<vmem>> -> memref<1x40xi32, #tpu.memory_space<vmem>>
      %dma_start3A_1005 = tpu.memref_squeeze %dma_start3A_1004 : memref<1x40xi32, #tpu.memory_space<vmem>> -> memref<40xi32, #tpu.memory_space<vmem>>
      %dma_start3A_1006 = arith.constant 0 : i32
      %dma_start3A_1007 = arith.constant 0 : i32
      %dma_start3A_1008 = tpu.memref_slice %arg2[%dma_start3A_1006, %dma_start3A_1007] : memref<10000x128xf32, #tpu.memory_space<hbm>> -> memref<10000x128xf32, #tpu.memory_space<hbm>>
      tpu.enqueue_indirect_dma source(%dma_start3A_1008 : memref<10000x128xf32, #tpu.memory_space<hbm>>) target(%arg10 : memref<40x128xf32, #tpu.memory_space<vmem>>) offsets(%dma_start3A_1005 : memref<40xi32, #tpu.memory_space<vmem>>) semaphore(%arg15 : memref<!tpu.dma_semaphore, #tpu.memory_space<semaphore_mem>>)
      %dma_wait3A_1009 = arith.constant 0 : i32
      %dma_wait3A_1010 = arith.constant 0 : i32
      %dma_wait3A_1011 = tpu.memref_slice %arg8[%dma_wait3A_1009, %dma_wait3A_1010] : memref<50x40xi32, #tpu.memory_space<vmem>> -> memref<1x40xi32, #tpu.memory_space<vmem>>
      %dma_wait3A_1012 = tpu.memref_squeeze %dma_wait3A_1011 : memref<1x40xi32, #tpu.memory_space<vmem>> -> memref<40xi32, #tpu.memory_space<vmem>>
      %dma_wait3A_1013 = arith.constant 0 : i32
      %dma_wait3A_1014 = arith.constant 0 : i32
      %dma_wait3A_1015 = tpu.memref_slice %arg13[%dma_wait3A_1013, %dma_wait3A_1014] : memref<10000x128xf32, #tpu.memory_space<vmem_shared>> -> memref<10000x128xf32, #tpu.memory_space<vmem_shared>>
      tpu.wait_indirect_dma semaphore(%arg20 : memref<!tpu.dma_semaphore, #tpu.memory_space<semaphore_mem>>) src(%arg11 : memref<40x128xf32, #tpu.memory_space<vmem>>) dst(%dma_wait3A_1015 : memref<10000x128xf32, #tpu.memory_space<vmem_shared>>)
      %mul3A_1016 = arith.constant 4 : i32
      %mul3A_1017 = arith.muli %mul3A_1016, %add3A_902 : i32
      %add3A_1018 = arith.constant 4 : i32
      %add3A_1019 = arith.addi %mul3A_1017, %add3A_1018 : i32
      %add3A_1020 = arith.constant 2 : i32
      %add3A_1021 = arith.addi %add3A_1019, %add3A_1020 : i32
      %dma_start3A_1022 = arith.constant 0 : i32
      %dma_start3A_1023 = tpu.memref_slice %arg7[%add3A_1021, %dma_start3A_1022] : memref<50x40xi32, #tpu.memory_space<vmem>> -> memref<1x40xi32, #tpu.memory_space<vmem>>
      %dma_start3A_1024 = tpu.memref_squeeze %dma_start3A_1023 : memref<1x40xi32, #tpu.memory_space<vmem>> -> memref<40xi32, #tpu.memory_space<vmem>>
      %dma_start3A_1025 = arith.constant 0 : i32
      %dma_start3A_1026 = arith.constant 0 : i32
      %dma_start3A_1027 = tpu.memref_slice %arg2[%dma_start3A_1025, %dma_start3A_1026] : memref<10000x128xf32, #tpu.memory_space<hbm>> -> memref<10000x128xf32, #tpu.memory_space<hbm>>
      tpu.enqueue_indirect_dma source(%dma_start3A_1027 : memref<10000x128xf32, #tpu.memory_space<hbm>>) target(%arg11 : memref<40x128xf32, #tpu.memory_space<vmem>>) offsets(%dma_start3A_1024 : memref<40xi32, #tpu.memory_space<vmem>>) semaphore(%arg16 : memref<!tpu.dma_semaphore, #tpu.memory_space<semaphore_mem>>)
      %dma_wait3A_1028 = arith.constant 0 : i32
      %dma_wait3A_1029 = arith.constant 0 : i32
      %dma_wait3A_1030 = tpu.memref_slice %arg8[%dma_wait3A_1028, %dma_wait3A_1029] : memref<50x40xi32, #tpu.memory_space<vmem>> -> memref<1x40xi32, #tpu.memory_space<vmem>>
      %dma_wait3A_1031 = tpu.memref_squeeze %dma_wait3A_1030 : memref<1x40xi32, #tpu.memory_space<vmem>> -> memref<40xi32, #tpu.memory_space<vmem>>
      %dma_wait3A_1032 = arith.constant 0 : i32
      %dma_wait3A_1033 = arith.constant 0 : i32
      %dma_wait3A_1034 = tpu.memref_slice %arg13[%dma_wait3A_1032, %dma_wait3A_1033] : memref<10000x128xf32, #tpu.memory_space<vmem_shared>> -> memref<10000x128xf32, #tpu.memory_space<vmem_shared>>
      tpu.wait_indirect_dma semaphore(%arg21 : memref<!tpu.dma_semaphore, #tpu.memory_space<semaphore_mem>>) src(%arg12 : memref<40x128xf32, #tpu.memory_space<vmem>>) dst(%dma_wait3A_1034 : memref<10000x128xf32, #tpu.memory_space<vmem_shared>>)
      %mul3A_1035 = arith.constant 4 : i32
      %mul3A_1036 = arith.muli %mul3A_1035, %add3A_902 : i32
      %add3A_1037 = arith.constant 4 : i32
      %add3A_1038 = arith.addi %mul3A_1036, %add3A_1037 : i32
      %add3A_1039 = arith.constant 3 : i32
      %add3A_1040 = arith.addi %add3A_1038, %add3A_1039 : i32
      %dma_start3A_1041 = arith.constant 0 : i32
      %dma_start3A_1042 = tpu.memref_slice %arg7[%add3A_1040, %dma_start3A_1041] : memref<50x40xi32, #tpu.memory_space<vmem>> -> memref<1x40xi32, #tpu.memory_space<vmem>>
      %dma_start3A_1043 = tpu.memref_squeeze %dma_start3A_1042 : memref<1x40xi32, #tpu.memory_space<vmem>> -> memref<40xi32, #tpu.memory_space<vmem>>
      %dma_start3A_1044 = arith.constant 0 : i32
      %dma_start3A_1045 = arith.constant 0 : i32
      %dma_start3A_1046 = tpu.memref_slice %arg2[%dma_start3A_1044, %dma_start3A_1045] : memref<10000x128xf32, #tpu.memory_space<hbm>> -> memref<10000x128xf32, #tpu.memory_space<hbm>>
      tpu.enqueue_indirect_dma source(%dma_start3A_1046 : memref<10000x128xf32, #tpu.memory_space<hbm>>) target(%arg12 : memref<40x128xf32, #tpu.memory_space<vmem>>) offsets(%dma_start3A_1043 : memref<40xi32, #tpu.memory_space<vmem>>) semaphore(%arg17 : memref<!tpu.dma_semaphore, #tpu.memory_space<semaphore_mem>>)
    }
    %scan3A_217 = arith.constant 11 : i32
    %dma_wait3A_218 = arith.constant 0 : i32
    %dma_wait3A_219 = arith.constant 0 : i32
    %dma_wait3A_220 = tpu.memref_slice %arg7[%dma_wait3A_218, %dma_wait3A_219] : memref<50x40xi32, #tpu.memory_space<vmem>> -> memref<1x40xi32, #tpu.memory_space<vmem>>
    %dma_wait3A_221 = tpu.memref_squeeze %dma_wait3A_220 : memref<1x40xi32, #tpu.memory_space<vmem>> -> memref<40xi32, #tpu.memory_space<vmem>>
    %dma_wait3A_222 = arith.constant 0 : i32
    %dma_wait3A_223 = arith.constant 0 : i32
    %dma_wait3A_224 = tpu.memref_slice %arg2[%dma_wait3A_222, %dma_wait3A_223] : memref<10000x128xf32, #tpu.memory_space<hbm>> -> memref<10000x128xf32, #tpu.memory_space<hbm>>
    tpu.wait_indirect_dma semaphore(%arg14 : memref<!tpu.dma_semaphore, #tpu.memory_space<semaphore_mem>>) src(%dma_wait3A_224 : memref<10000x128xf32, #tpu.memory_space<hbm>>) dst(%arg9 : memref<40x128xf32, #tpu.memory_space<vmem>>)
    %dma_start3A_225 = arith.constant 44 : i32
    %dma_start3A_226 = arith.constant 0 : i32
    %dma_start3A_227 = tpu.memref_slice %arg8[%dma_start3A_225, %dma_start3A_226] : memref<50x40xi32, #tpu.memory_space<vmem>> -> memref<1x40xi32, #tpu.memory_space<vmem>>
    %dma_start3A_228 = tpu.memref_squeeze %dma_start3A_227 : memref<1x40xi32, #tpu.memory_space<vmem>> -> memref<40xi32, #tpu.memory_space<vmem>>
    %dma_start3A_229 = arith.constant 0 : i32
    %dma_start3A_230 = arith.constant 0 : i32
    %dma_start3A_231 = tpu.memref_slice %arg13[%dma_start3A_229, %dma_start3A_230] : memref<10000x128xf32, #tpu.memory_space<vmem_shared>> -> memref<10000x128xf32, #tpu.memory_space<vmem_shared>>
    tpu.enqueue_indirect_dma source(%arg9 : memref<40x128xf32, #tpu.memory_space<vmem>>) target(%dma_start3A_231 : memref<10000x128xf32, #tpu.memory_space<vmem_shared>>) offsets(%dma_start3A_228 : memref<40xi32, #tpu.memory_space<vmem>>) semaphore(%arg18 : memref<!tpu.dma_semaphore, #tpu.memory_space<semaphore_mem>>) {add = true}
    %dma_wait3A_232 = arith.constant 0 : i32
    %dma_wait3A_233 = arith.constant 0 : i32
    %dma_wait3A_234 = tpu.memref_slice %arg7[%dma_wait3A_232, %dma_wait3A_233] : memref<50x40xi32, #tpu.memory_space<vmem>> -> memref<1x40xi32, #tpu.memory_space<vmem>>
    %dma_wait3A_235 = tpu.memref_squeeze %dma_wait3A_234 : memref<1x40xi32, #tpu.memory_space<vmem>> -> memref<40xi32, #tpu.memory_space<vmem>>
    %dma_wait3A_236 = arith.constant 0 : i32
    %dma_wait3A_237 = arith.constant 0 : i32
    %dma_wait3A_238 = tpu.memref_slice %arg2[%dma_wait3A_236, %dma_wait3A_237] : memref<10000x128xf32, #tpu.memory_space<hbm>> -> memref<10000x128xf32, #tpu.memory_space<hbm>>
    tpu.wait_indirect_dma semaphore(%arg15 : memref<!tpu.dma_semaphore, #tpu.memory_space<semaphore_mem>>) src(%dma_wait3A_238 : memref<10000x128xf32, #tpu.memory_space<hbm>>) dst(%arg10 : memref<40x128xf32, #tpu.memory_space<vmem>>)
    %dma_start3A_239 = arith.constant 45 : i32
    %dma_start3A_240 = arith.constant 0 : i32
    %dma_start3A_241 = tpu.memref_slice %arg8[%dma_start3A_239, %dma_start3A_240] : memref<50x40xi32, #tpu.memory_space<vmem>> -> memref<1x40xi32, #tpu.memory_space<vmem>>
    %dma_start3A_242 = tpu.memref_squeeze %dma_start3A_241 : memref<1x40xi32, #tpu.memory_space<vmem>> -> memref<40xi32, #tpu.memory_space<vmem>>
    %dma_start3A_243 = arith.constant 0 : i32
    %dma_start3A_244 = arith.constant 0 : i32
    %dma_start3A_245 = tpu.memref_slice %arg13[%dma_start3A_243, %dma_start3A_244] : memref<10000x128xf32, #tpu.memory_space<vmem_shared>> -> memref<10000x128xf32, #tpu.memory_space<vmem_shared>>
    tpu.enqueue_indirect_dma source(%arg10 : memref<40x128xf32, #tpu.memory_space<vmem>>) target(%dma_start3A_245 : memref<10000x128xf32, #tpu.memory_space<vmem_shared>>) offsets(%dma_start3A_242 : memref<40xi32, #tpu.memory_space<vmem>>) semaphore(%arg19 : memref<!tpu.dma_semaphore, #tpu.memory_space<semaphore_mem>>) {add = true}
    %dma_wait3A_246 = arith.constant 0 : i32
    %dma_wait3A_247 = arith.constant 0 : i32
    %dma_wait3A_248 = tpu.memref_slice %arg7[%dma_wait3A_246, %dma_wait3A_247] : memref<50x40xi32, #tpu.memory_space<vmem>> -> memref<1x40xi32, #tpu.memory_space<vmem>>
    %dma_wait3A_249 = tpu.memref_squeeze %dma_wait3A_248 : memref<1x40xi32, #tpu.memory_space<vmem>> -> memref<40xi32, #tpu.memory_space<vmem>>
    %dma_wait3A_250 = arith.constant 0 : i32
    %dma_wait3A_251 = arith.constant 0 : i32
    %dma_wait3A_252 = tpu.memref_slice %arg2[%dma_wait3A_250, %dma_wait3A_251] : memref<10000x128xf32, #tpu.memory_space<hbm>> -> memref<10000x128xf32, #tpu.memory_space<hbm>>
    tpu.wait_indirect_dma semaphore(%arg16 : memref<!tpu.dma_semaphore, #tpu.memory_space<semaphore_mem>>) src(%dma_wait3A_252 : memref<10000x128xf32, #tpu.memory_space<hbm>>) dst(%arg11 : memref<40x128xf32, #tpu.memory_space<vmem>>)
    %dma_start3A_253 = arith.constant 46 : i32
    %dma_start3A_254 = arith.constant 0 : i32
    %dma_start3A_255 = tpu.memref_slice %arg8[%dma_start3A_253, %dma_start3A_254] : memref<50x40xi32, #tpu.memory_space<vmem>> -> memref<1x40xi32, #tpu.memory_space<vmem>>
    %dma_start3A_256 = tpu.memref_squeeze %dma_start3A_255 : memref<1x40xi32, #tpu.memory_space<vmem>> -> memref<40xi32, #tpu.memory_space<vmem>>
    %dma_start3A_257 = arith.constant 0 : i32
    %dma_start3A_258 = arith.constant 0 : i32
    %dma_start3A_259 = tpu.memref_slice %arg13[%dma_start3A_257, %dma_start3A_258] : memref<10000x128xf32, #tpu.memory_space<vmem_shared>> -> memref<10000x128xf32, #tpu.memory_space<vmem_shared>>
    tpu.enqueue_indirect_dma source(%arg11 : memref<40x128xf32, #tpu.memory_space<vmem>>) target(%dma_start3A_259 : memref<10000x128xf32, #tpu.memory_space<vmem_shared>>) offsets(%dma_start3A_256 : memref<40xi32, #tpu.memory_space<vmem>>) semaphore(%arg20 : memref<!tpu.dma_semaphore, #tpu.memory_space<semaphore_mem>>) {add = true}
    %dma_wait3A_260 = arith.constant 0 : i32
    %dma_wait3A_261 = arith.constant 0 : i32
    %dma_wait3A_262 = tpu.memref_slice %arg7[%dma_wait3A_260, %dma_wait3A_261] : memref<50x40xi32, #tpu.memory_space<vmem>> -> memref<1x40xi32, #tpu.memory_space<vmem>>
    %dma_wait3A_263 = tpu.memref_squeeze %dma_wait3A_262 : memref<1x40xi32, #tpu.memory_space<vmem>> -> memref<40xi32, #tpu.memory_space<vmem>>
    %dma_wait3A_264 = arith.constant 0 : i32
    %dma_wait3A_265 = arith.constant 0 : i32
    %dma_wait3A_266 = tpu.memref_slice %arg2[%dma_wait3A_264, %dma_wait3A_265] : memref<10000x128xf32, #tpu.memory_space<hbm>> -> memref<10000x128xf32, #tpu.memory_space<hbm>>
    tpu.wait_indirect_dma semaphore(%arg17 : memref<!tpu.dma_semaphore, #tpu.memory_space<semaphore_mem>>) src(%dma_wait3A_266 : memref<10000x128xf32, #tpu.memory_space<hbm>>) dst(%arg12 : memref<40x128xf32, #tpu.memory_space<vmem>>)
    %dma_start3A_267 = arith.constant 47 : i32
    %dma_start3A_268 = arith.constant 0 : i32
    %dma_start3A_269 = tpu.memref_slice %arg8[%dma_start3A_267, %dma_start3A_268] : memref<50x40xi32, #tpu.memory_space<vmem>> -> memref<1x40xi32, #tpu.memory_space<vmem>>
    %dma_start3A_270 = tpu.memref_squeeze %dma_start3A_269 : memref<1x40xi32, #tpu.memory_space<vmem>> -> memref<40xi32, #tpu.memory_space<vmem>>
    %dma_start3A_271 = arith.constant 0 : i32
    %dma_start3A_272 = arith.constant 0 : i32
    %dma_start3A_273 = tpu.memref_slice %arg13[%dma_start3A_271, %dma_start3A_272] : memref<10000x128xf32, #tpu.memory_space<vmem_shared>> -> memref<10000x128xf32, #tpu.memory_space<vmem_shared>>
    tpu.enqueue_indirect_dma source(%arg12 : memref<40x128xf32, #tpu.memory_space<vmem>>) target(%dma_start3A_273 : memref<10000x128xf32, #tpu.memory_space<vmem_shared>>) offsets(%dma_start3A_270 : memref<40xi32, #tpu.memory_space<vmem>>) semaphore(%arg21 : memref<!tpu.dma_semaphore, #tpu.memory_space<semaphore_mem>>) {add = true}
    %dma_wait3A_274 = arith.constant 0 : i32
    %dma_wait3A_275 = arith.constant 0 : i32
    %dma_wait3A_276 = tpu.memref_slice %arg8[%dma_wait3A_274, %dma_wait3A_275] : memref<50x40xi32, #tpu.memory_space<vmem>> -> memref<1x40xi32, #tpu.memory_space<vmem>>
    %dma_wait3A_277 = tpu.memref_squeeze %dma_wait3A_276 : memref<1x40xi32, #tpu.memory_space<vmem>> -> memref<40xi32, #tpu.memory_space<vmem>>
    %dma_wait3A_278 = arith.constant 0 : i32
    %dma_wait3A_279 = arith.constant 0 : i32
    %dma_wait3A_280 = tpu.memref_slice %arg13[%dma_wait3A_278, %dma_wait3A_279] : memref<10000x128xf32, #tpu.memory_space<vmem_shared>> -> memref<10000x128xf32, #tpu.memory_space<vmem_shared>>
    tpu.wait_indirect_dma semaphore(%arg18 : memref<!tpu.dma_semaphore, #tpu.memory_space<semaphore_mem>>) src(%arg9 : memref<40x128xf32, #tpu.memory_space<vmem>>) dst(%dma_wait3A_280 : memref<10000x128xf32, #tpu.memory_space<vmem_shared>>)
    %dma_start3A_281 = arith.constant 48 : i32
    %dma_start3A_282 = arith.constant 0 : i32
    %dma_start3A_283 = tpu.memref_slice %arg7[%dma_start3A_281, %dma_start3A_282] : memref<50x40xi32, #tpu.memory_space<vmem>> -> memref<1x40xi32, #tpu.memory_space<vmem>>
    %dma_start3A_284 = tpu.memref_squeeze %dma_start3A_283 : memref<1x40xi32, #tpu.memory_space<vmem>> -> memref<40xi32, #tpu.memory_space<vmem>>
    %dma_start3A_285 = arith.constant 0 : i32
    %dma_start3A_286 = arith.constant 0 : i32
    %dma_start3A_287 = tpu.memref_slice %arg2[%dma_start3A_285, %dma_start3A_286] : memref<10000x128xf32, #tpu.memory_space<hbm>> -> memref<10000x128xf32, #tpu.memory_space<hbm>>
    tpu.enqueue_indirect_dma source(%dma_start3A_287 : memref<10000x128xf32, #tpu.memory_space<hbm>>) target(%arg9 : memref<40x128xf32, #tpu.memory_space<vmem>>) offsets(%dma_start3A_284 : memref<40xi32, #tpu.memory_space<vmem>>) semaphore(%arg14 : memref<!tpu.dma_semaphore, #tpu.memory_space<semaphore_mem>>)
    %dma_wait3A_288 = arith.constant 0 : i32
    %dma_wait3A_289 = arith.constant 0 : i32
    %dma_wait3A_290 = tpu.memref_slice %arg8[%dma_wait3A_288, %dma_wait3A_289] : memref<50x40xi32, #tpu.memory_space<vmem>> -> memref<1x40xi32, #tpu.memory_space<vmem>>
    %dma_wait3A_291 = tpu.memref_squeeze %dma_wait3A_290 : memref<1x40xi32, #tpu.memory_space<vmem>> -> memref<40xi32, #tpu.memory_space<vmem>>
    %dma_wait3A_292 = arith.constant 0 : i32
    %dma_wait3A_293 = arith.constant 0 : i32
    %dma_wait3A_294 = tpu.memref_slice %arg13[%dma_wait3A_292, %dma_wait3A_293] : memref<10000x128xf32, #tpu.memory_space<vmem_shared>> -> memref<10000x128xf32, #tpu.memory_space<vmem_shared>>
    tpu.wait_indirect_dma semaphore(%arg19 : memref<!tpu.dma_semaphore, #tpu.memory_space<semaphore_mem>>) src(%arg10 : memref<40x128xf32, #tpu.memory_space<vmem>>) dst(%dma_wait3A_294 : memref<10000x128xf32, #tpu.memory_space<vmem_shared>>)
    %dma_start3A_295 = arith.constant 49 : i32
    %dma_start3A_296 = arith.constant 0 : i32
    %dma_start3A_297 = tpu.memref_slice %arg7[%dma_start3A_295, %dma_start3A_296] : memref<50x40xi32, #tpu.memory_space<vmem>> -> memref<1x40xi32, #tpu.memory_space<vmem>>
    %dma_start3A_298 = tpu.memref_squeeze %dma_start3A_297 : memref<1x40xi32, #tpu.memory_space<vmem>> -> memref<40xi32, #tpu.memory_space<vmem>>
    %dma_start3A_299 = arith.constant 0 : i32
    %dma_start3A_300 = arith.constant 0 : i32
    %dma_start3A_301 = tpu.memref_slice %arg2[%dma_start3A_299, %dma_start3A_300] : memref<10000x128xf32, #tpu.memory_space<hbm>> -> memref<10000x128xf32, #tpu.memory_space<hbm>>
    tpu.enqueue_indirect_dma source(%dma_start3A_301 : memref<10000x128xf32, #tpu.memory_space<hbm>>) target(%arg10 : memref<40x128xf32, #tpu.memory_space<vmem>>) offsets(%dma_start3A_298 : memref<40xi32, #tpu.memory_space<vmem>>) semaphore(%arg15 : memref<!tpu.dma_semaphore, #tpu.memory_space<semaphore_mem>>)
    %dma_wait3A_302 = arith.constant 0 : i32
    %dma_wait3A_303 = arith.constant 0 : i32
    %dma_wait3A_304 = tpu.memref_slice %arg8[%dma_wait3A_302, %dma_wait3A_303] : memref<50x40xi32, #tpu.memory_space<vmem>> -> memref<1x40xi32, #tpu.memory_space<vmem>>
    %dma_wait3A_305 = tpu.memref_squeeze %dma_wait3A_304 : memref<1x40xi32, #tpu.memory_space<vmem>> -> memref<40xi32, #tpu.memory_space<vmem>>
    %dma_wait3A_306 = arith.constant 0 : i32
    %dma_wait3A_307 = arith.constant 0 : i32
    %dma_wait3A_308 = tpu.memref_slice %arg13[%dma_wait3A_306, %dma_wait3A_307] : memref<10000x128xf32, #tpu.memory_space<vmem_shared>> -> memref<10000x128xf32, #tpu.memory_space<vmem_shared>>
    tpu.wait_indirect_dma semaphore(%arg20 : memref<!tpu.dma_semaphore, #tpu.memory_space<semaphore_mem>>) src(%arg11 : memref<40x128xf32, #tpu.memory_space<vmem>>) dst(%dma_wait3A_308 : memref<10000x128xf32, #tpu.memory_space<vmem_shared>>)
    %dma_wait3A_309 = arith.constant 0 : i32
    %dma_wait3A_310 = arith.constant 0 : i32
    %dma_wait3A_311 = tpu.memref_slice %arg8[%dma_wait3A_309, %dma_wait3A_310] : memref<50x40xi32, #tpu.memory_space<vmem>> -> memref<1x40xi32, #tpu.memory_space<vmem>>
    %dma_wait3A_312 = tpu.memref_squeeze %dma_wait3A_311 : memref<1x40xi32, #tpu.memory_space<vmem>> -> memref<40xi32, #tpu.memory_space<vmem>>
    %dma_wait3A_313 = arith.constant 0 : i32
    %dma_wait3A_314 = arith.constant 0 : i32
    %dma_wait3A_315 = tpu.memref_slice %arg13[%dma_wait3A_313, %dma_wait3A_314] : memref<10000x128xf32, #tpu.memory_space<vmem_shared>> -> memref<10000x128xf32, #tpu.memory_space<vmem_shared>>
    tpu.wait_indirect_dma semaphore(%arg21 : memref<!tpu.dma_semaphore, #tpu.memory_space<semaphore_mem>>) src(%arg12 : memref<40x128xf32, #tpu.memory_space<vmem>>) dst(%dma_wait3A_315 : memref<10000x128xf32, #tpu.memory_space<vmem_shared>>)
    %dma_wait3A_316 = arith.constant 0 : i32
    %dma_wait3A_317 = arith.constant 0 : i32
    %dma_wait3A_318 = tpu.memref_slice %arg7[%dma_wait3A_316, %dma_wait3A_317] : memref<50x40xi32, #tpu.memory_space<vmem>> -> memref<1x40xi32, #tpu.memory_space<vmem>>
    %dma_wait3A_319 = tpu.memref_squeeze %dma_wait3A_318 : memref<1x40xi32, #tpu.memory_space<vmem>> -> memref<40xi32, #tpu.memory_space<vmem>>
    %dma_wait3A_320 = arith.constant 0 : i32
    %dma_wait3A_321 = arith.constant 0 : i32
    %dma_wait3A_322 = tpu.memref_slice %arg2[%dma_wait3A_320, %dma_wait3A_321] : memref<10000x128xf32, #tpu.memory_space<hbm>> -> memref<10000x128xf32, #tpu.memory_space<hbm>>
    tpu.wait_indirect_dma semaphore(%arg14 : memref<!tpu.dma_semaphore, #tpu.memory_space<semaphore_mem>>) src(%dma_wait3A_322 : memref<10000x128xf32, #tpu.memory_space<hbm>>) dst(%arg9 : memref<40x128xf32, #tpu.memory_space<vmem>>)
    %dma_start3A_323 = arith.constant 48 : i32
    %dma_start3A_324 = arith.constant 0 : i32
    %dma_start3A_325 = tpu.memref_slice %arg8[%dma_start3A_323, %dma_start3A_324] : memref<50x40xi32, #tpu.memory_space<vmem>> -> memref<1x40xi32, #tpu.memory_space<vmem>>
    %dma_start3A_326 = tpu.memref_squeeze %dma_start3A_325 : memref<1x40xi32, #tpu.memory_space<vmem>> -> memref<40xi32, #tpu.memory_space<vmem>>
    %dma_start3A_327 = arith.constant 0 : i32
    %dma_start3A_328 = arith.constant 0 : i32
    %dma_start3A_329 = tpu.memref_slice %arg13[%dma_start3A_327, %dma_start3A_328] : memref<10000x128xf32, #tpu.memory_space<vmem_shared>> -> memref<10000x128xf32, #tpu.memory_space<vmem_shared>>
    tpu.enqueue_indirect_dma source(%arg9 : memref<40x128xf32, #tpu.memory_space<vmem>>) target(%dma_start3A_329 : memref<10000x128xf32, #tpu.memory_space<vmem_shared>>) offsets(%dma_start3A_326 : memref<40xi32, #tpu.memory_space<vmem>>) semaphore(%arg18 : memref<!tpu.dma_semaphore, #tpu.memory_space<semaphore_mem>>) {add = true}
    %dma_wait3A_330 = arith.constant 0 : i32
    %dma_wait3A_331 = arith.constant 0 : i32
    %dma_wait3A_332 = tpu.memref_slice %arg7[%dma_wait3A_330, %dma_wait3A_331] : memref<50x40xi32, #tpu.memory_space<vmem>> -> memref<1x40xi32, #tpu.memory_space<vmem>>
    %dma_wait3A_333 = tpu.memref_squeeze %dma_wait3A_332 : memref<1x40xi32, #tpu.memory_space<vmem>> -> memref<40xi32, #tpu.memory_space<vmem>>
    %dma_wait3A_334 = arith.constant 0 : i32
    %dma_wait3A_335 = arith.constant 0 : i32
    %dma_wait3A_336 = tpu.memref_slice %arg2[%dma_wait3A_334, %dma_wait3A_335] : memref<10000x128xf32, #tpu.memory_space<hbm>> -> memref<10000x128xf32, #tpu.memory_space<hbm>>
    tpu.wait_indirect_dma semaphore(%arg15 : memref<!tpu.dma_semaphore, #tpu.memory_space<semaphore_mem>>) src(%dma_wait3A_336 : memref<10000x128xf32, #tpu.memory_space<hbm>>) dst(%arg10 : memref<40x128xf32, #tpu.memory_space<vmem>>)
    %dma_start3A_337 = arith.constant 49 : i32
    %dma_start3A_338 = arith.constant 0 : i32
    %dma_start3A_339 = tpu.memref_slice %arg8[%dma_start3A_337, %dma_start3A_338] : memref<50x40xi32, #tpu.memory_space<vmem>> -> memref<1x40xi32, #tpu.memory_space<vmem>>
    %dma_start3A_340 = tpu.memref_squeeze %dma_start3A_339 : memref<1x40xi32, #tpu.memory_space<vmem>> -> memref<40xi32, #tpu.memory_space<vmem>>
    %dma_start3A_341 = arith.constant 0 : i32
    %dma_start3A_342 = arith.constant 0 : i32
    %dma_start3A_343 = tpu.memref_slice %arg13[%dma_start3A_341, %dma_start3A_342] : memref<10000x128xf32, #tpu.memory_space<vmem_shared>> -> memref<10000x128xf32, #tpu.memory_space<vmem_shared>>
    tpu.enqueue_indirect_dma source(%arg10 : memref<40x128xf32, #tpu.memory_space<vmem>>) target(%dma_start3A_343 : memref<10000x128xf32, #tpu.memory_space<vmem_shared>>) offsets(%dma_start3A_340 : memref<40xi32, #tpu.memory_space<vmem>>) semaphore(%arg19 : memref<!tpu.dma_semaphore, #tpu.memory_space<semaphore_mem>>) {add = true}
    %dma_wait3A_344 = arith.constant 0 : i32
    %dma_wait3A_345 = arith.constant 0 : i32
    %dma_wait3A_346 = tpu.memref_slice %arg8[%dma_wait3A_344, %dma_wait3A_345] : memref<50x40xi32, #tpu.memory_space<vmem>> -> memref<1x40xi32, #tpu.memory_space<vmem>>
    %dma_wait3A_347 = tpu.memref_squeeze %dma_wait3A_346 : memref<1x40xi32, #tpu.memory_space<vmem>> -> memref<40xi32, #tpu.memory_space<vmem>>
    %dma_wait3A_348 = arith.constant 0 : i32
    %dma_wait3A_349 = arith.constant 0 : i32
    %dma_wait3A_350 = tpu.memref_slice %arg13[%dma_wait3A_348, %dma_wait3A_349] : memref<10000x128xf32, #tpu.memory_space<vmem_shared>> -> memref<10000x128xf32, #tpu.memory_space<vmem_shared>>
    tpu.wait_indirect_dma semaphore(%arg18 : memref<!tpu.dma_semaphore, #tpu.memory_space<semaphore_mem>>) src(%arg9 : memref<40x128xf32, #tpu.memory_space<vmem>>) dst(%dma_wait3A_350 : memref<10000x128xf32, #tpu.memory_space<vmem_shared>>)
    %dma_wait3A_351 = arith.constant 0 : i32
    %dma_wait3A_352 = arith.constant 0 : i32
    %dma_wait3A_353 = tpu.memref_slice %arg8[%dma_wait3A_351, %dma_wait3A_352] : memref<50x40xi32, #tpu.memory_space<vmem>> -> memref<1x40xi32, #tpu.memory_space<vmem>>
    %dma_wait3A_354 = tpu.memref_squeeze %dma_wait3A_353 : memref<1x40xi32, #tpu.memory_space<vmem>> -> memref<40xi32, #tpu.memory_space<vmem>>
    %dma_wait3A_355 = arith.constant 0 : i32
    %dma_wait3A_356 = arith.constant 0 : i32
    %dma_wait3A_357 = tpu.memref_slice %arg13[%dma_wait3A_355, %dma_wait3A_356] : memref<10000x128xf32, #tpu.memory_space<vmem_shared>> -> memref<10000x128xf32, #tpu.memory_space<vmem_shared>>
    tpu.wait_indirect_dma semaphore(%arg19 : memref<!tpu.dma_semaphore, #tpu.memory_space<semaphore_mem>>) src(%arg10 : memref<40x128xf32, #tpu.memory_space<vmem>>) dst(%dma_wait3A_357 : memref<10000x128xf32, #tpu.memory_space<vmem_shared>>)
    %run_scoped3A_358 = arith.constant 2 : i32
    "tpu.region"() ({
      %run_scoped3A_898 = tpu.sem_alloc : memref<!tpu.dma_semaphore, #tpu.memory_space<semaphore_mem>>
      %dma_start3A_899 = arith.constant 0 : i32
      %dma_start3A_900 = arith.constant 0 : i32
      %dma_start3A_901 = tpu.memref_slice %arg3[%add3A, %run_scoped3A_358, %dma_start3A_899, %dma_start3A_900] : memref<32x5x50x40xi32, #tpu.memory_space<hbm>> -> memref<1x1x50x40xi32, #tpu.memory_space<hbm>>
      %dma_start3A_902 = tpu.memref_squeeze %dma_start3A_901 : memref<1x1x50x40xi32, #tpu.memory_space<hbm>> -> memref<50x40xi32, #tpu.memory_space<hbm>>
      %dma_start3A_903 = arith.constant 0 : i32
      %dma_start3A_904 = arith.constant 0 : i32
      %dma_start3A_905 = tpu.memref_slice %arg3[%add3A, %run_scoped3A_358, %dma_start3A_903, %dma_start3A_904] : memref<32x5x50x40xi32, #tpu.memory_space<hbm>> -> memref<1x1x50x40xi32, #tpu.memory_space<hbm>>
      %dma_start3A_906 = tpu.memref_squeeze %dma_start3A_905 : memref<1x1x50x40xi32, #tpu.memory_space<hbm>> -> memref<50x40xi32, #tpu.memory_space<hbm>>
      tpu.enqueue_dma source(%dma_start3A_906 : memref<50x40xi32, #tpu.memory_space<hbm>>) target(%arg7 : memref<50x40xi32, #tpu.memory_space<vmem>>) target_semaphore(%run_scoped3A_898 : memref<!tpu.dma_semaphore, #tpu.memory_space<semaphore_mem>>)
      %dma_wait3A_907 = arith.constant 0 : i32
      %dma_wait3A_908 = arith.constant 0 : i32
      %dma_wait3A_909 = tpu.memref_slice %arg3[%add3A, %run_scoped3A_358, %dma_wait3A_907, %dma_wait3A_908] : memref<32x5x50x40xi32, #tpu.memory_space<hbm>> -> memref<1x1x50x40xi32, #tpu.memory_space<hbm>>
      %dma_wait3A_910 = tpu.memref_squeeze %dma_wait3A_909 : memref<1x1x50x40xi32, #tpu.memory_space<hbm>> -> memref<50x40xi32, #tpu.memory_space<hbm>>
      %dma_wait3A_911 = arith.constant 0 : i32
      %dma_wait3A_912 = arith.constant 0 : i32
      %dma_wait3A_913 = tpu.memref_slice %arg3[%add3A, %run_scoped3A_358, %dma_wait3A_911, %dma_wait3A_912] : memref<32x5x50x40xi32, #tpu.memory_space<hbm>> -> memref<1x1x50x40xi32, #tpu.memory_space<hbm>>
      %dma_wait3A_914 = tpu.memref_squeeze %dma_wait3A_913 : memref<1x1x50x40xi32, #tpu.memory_space<hbm>> -> memref<50x40xi32, #tpu.memory_space<hbm>>
      tpu.wait_dma2 semaphore(%run_scoped3A_898 : memref<!tpu.dma_semaphore, #tpu.memory_space<semaphore_mem>>) src(%dma_wait3A_914 : memref<50x40xi32, #tpu.memory_space<hbm>>) dst(%arg7 : memref<50x40xi32, #tpu.memory_space<vmem>>)
      tpu.yield
    }) : () -> ()
    %run_scoped3A_359 = arith.constant 2 : i32
    "tpu.region"() ({
      %run_scoped3A_898 = tpu.sem_alloc : memref<!tpu.dma_semaphore, #tpu.memory_space<semaphore_mem>>
      %dma_start3A_899 = arith.constant 0 : i32
      %dma_start3A_900 = arith.constant 0 : i32
      %dma_start3A_901 = tpu.memref_slice %arg4[%add3A, %run_scoped3A_359, %dma_start3A_899, %dma_start3A_900] : memref<32x5x50x40xi32, #tpu.memory_space<hbm>> -> memref<1x1x50x40xi32, #tpu.memory_space<hbm>>
      %dma_start3A_902 = tpu.memref_squeeze %dma_start3A_901 : memref<1x1x50x40xi32, #tpu.memory_space<hbm>> -> memref<50x40xi32, #tpu.memory_space<hbm>>
      %dma_start3A_903 = arith.constant 0 : i32
      %dma_start3A_904 = arith.constant 0 : i32
      %dma_start3A_905 = tpu.memref_slice %arg4[%add3A, %run_scoped3A_359, %dma_start3A_903, %dma_start3A_904] : memref<32x5x50x40xi32, #tpu.memory_space<hbm>> -> memref<1x1x50x40xi32, #tpu.memory_space<hbm>>
      %dma_start3A_906 = tpu.memref_squeeze %dma_start3A_905 : memref<1x1x50x40xi32, #tpu.memory_space<hbm>> -> memref<50x40xi32, #tpu.memory_space<hbm>>
      tpu.enqueue_dma source(%dma_start3A_906 : memref<50x40xi32, #tpu.memory_space<hbm>>) target(%arg8 : memref<50x40xi32, #tpu.memory_space<vmem>>) target_semaphore(%run_scoped3A_898 : memref<!tpu.dma_semaphore, #tpu.memory_space<semaphore_mem>>)
      %dma_wait3A_907 = arith.constant 0 : i32
      %dma_wait3A_908 = arith.constant 0 : i32
      %dma_wait3A_909 = tpu.memref_slice %arg4[%add3A, %run_scoped3A_359, %dma_wait3A_907, %dma_wait3A_908] : memref<32x5x50x40xi32, #tpu.memory_space<hbm>> -> memref<1x1x50x40xi32, #tpu.memory_space<hbm>>
      %dma_wait3A_910 = tpu.memref_squeeze %dma_wait3A_909 : memref<1x1x50x40xi32, #tpu.memory_space<hbm>> -> memref<50x40xi32, #tpu.memory_space<hbm>>
      %dma_wait3A_911 = arith.constant 0 : i32
      %dma_wait3A_912 = arith.constant 0 : i32
      %dma_wait3A_913 = tpu.memref_slice %arg4[%add3A, %run_scoped3A_359, %dma_wait3A_911, %dma_wait3A_912] : memref<32x5x50x40xi32, #tpu.memory_space<hbm>> -> memref<1x1x50x40xi32, #tpu.memory_space<hbm>>
      %dma_wait3A_914 = tpu.memref_squeeze %dma_wait3A_913 : memref<1x1x50x40xi32, #tpu.memory_space<hbm>> -> memref<50x40xi32, #tpu.memory_space<hbm>>
      tpu.wait_dma2 semaphore(%run_scoped3A_898 : memref<!tpu.dma_semaphore, #tpu.memory_space<semaphore_mem>>) src(%dma_wait3A_914 : memref<50x40xi32, #tpu.memory_space<hbm>>) dst(%arg8 : memref<50x40xi32, #tpu.memory_space<vmem>>)
      tpu.yield
    }) : () -> ()
    %dma_start3A_360 = arith.constant 0 : i32
    %dma_start3A_361 = arith.constant 0 : i32
    %dma_start3A_362 = tpu.memref_slice %arg7[%dma_start3A_360, %dma_start3A_361] : memref<50x40xi32, #tpu.memory_space<vmem>> -> memref<1x40xi32, #tpu.memory_space<vmem>>
    %dma_start3A_363 = tpu.memref_squeeze %dma_start3A_362 : memref<1x40xi32, #tpu.memory_space<vmem>> -> memref<40xi32, #tpu.memory_space<vmem>>
    %dma_start3A_364 = arith.constant 0 : i32
    %dma_start3A_365 = arith.constant 0 : i32
    %dma_start3A_366 = tpu.memref_slice %arg2[%dma_start3A_364, %dma_start3A_365] : memref<10000x128xf32, #tpu.memory_space<hbm>> -> memref<10000x128xf32, #tpu.memory_space<hbm>>
    tpu.enqueue_indirect_dma source(%dma_start3A_366 : memref<10000x128xf32, #tpu.memory_space<hbm>>) target(%arg9 : memref<40x128xf32, #tpu.memory_space<vmem>>) offsets(%dma_start3A_363 : memref<40xi32, #tpu.memory_space<vmem>>) semaphore(%arg14 : memref<!tpu.dma_semaphore, #tpu.memory_space<semaphore_mem>>)
    %dma_start3A_367 = arith.constant 1 : i32
    %dma_start3A_368 = arith.constant 0 : i32
    %dma_start3A_369 = tpu.memref_slice %arg7[%dma_start3A_367, %dma_start3A_368] : memref<50x40xi32, #tpu.memory_space<vmem>> -> memref<1x40xi32, #tpu.memory_space<vmem>>
    %dma_start3A_370 = tpu.memref_squeeze %dma_start3A_369 : memref<1x40xi32, #tpu.memory_space<vmem>> -> memref<40xi32, #tpu.memory_space<vmem>>
    %dma_start3A_371 = arith.constant 0 : i32
    %dma_start3A_372 = arith.constant 0 : i32
    %dma_start3A_373 = tpu.memref_slice %arg2[%dma_start3A_371, %dma_start3A_372] : memref<10000x128xf32, #tpu.memory_space<hbm>> -> memref<10000x128xf32, #tpu.memory_space<hbm>>
    tpu.enqueue_indirect_dma source(%dma_start3A_373 : memref<10000x128xf32, #tpu.memory_space<hbm>>) target(%arg10 : memref<40x128xf32, #tpu.memory_space<vmem>>) offsets(%dma_start3A_370 : memref<40xi32, #tpu.memory_space<vmem>>) semaphore(%arg15 : memref<!tpu.dma_semaphore, #tpu.memory_space<semaphore_mem>>)
    %dma_start3A_374 = arith.constant 2 : i32
    %dma_start3A_375 = arith.constant 0 : i32
    %dma_start3A_376 = tpu.memref_slice %arg7[%dma_start3A_374, %dma_start3A_375] : memref<50x40xi32, #tpu.memory_space<vmem>> -> memref<1x40xi32, #tpu.memory_space<vmem>>
    %dma_start3A_377 = tpu.memref_squeeze %dma_start3A_376 : memref<1x40xi32, #tpu.memory_space<vmem>> -> memref<40xi32, #tpu.memory_space<vmem>>
    %dma_start3A_378 = arith.constant 0 : i32
    %dma_start3A_379 = arith.constant 0 : i32
    %dma_start3A_380 = tpu.memref_slice %arg2[%dma_start3A_378, %dma_start3A_379] : memref<10000x128xf32, #tpu.memory_space<hbm>> -> memref<10000x128xf32, #tpu.memory_space<hbm>>
    tpu.enqueue_indirect_dma source(%dma_start3A_380 : memref<10000x128xf32, #tpu.memory_space<hbm>>) target(%arg11 : memref<40x128xf32, #tpu.memory_space<vmem>>) offsets(%dma_start3A_377 : memref<40xi32, #tpu.memory_space<vmem>>) semaphore(%arg16 : memref<!tpu.dma_semaphore, #tpu.memory_space<semaphore_mem>>)
    %dma_start3A_381 = arith.constant 3 : i32
    %dma_start3A_382 = arith.constant 0 : i32
    %dma_start3A_383 = tpu.memref_slice %arg7[%dma_start3A_381, %dma_start3A_382] : memref<50x40xi32, #tpu.memory_space<vmem>> -> memref<1x40xi32, #tpu.memory_space<vmem>>
    %dma_start3A_384 = tpu.memref_squeeze %dma_start3A_383 : memref<1x40xi32, #tpu.memory_space<vmem>> -> memref<40xi32, #tpu.memory_space<vmem>>
    %dma_start3A_385 = arith.constant 0 : i32
    %dma_start3A_386 = arith.constant 0 : i32
    %dma_start3A_387 = tpu.memref_slice %arg2[%dma_start3A_385, %dma_start3A_386] : memref<10000x128xf32, #tpu.memory_space<hbm>> -> memref<10000x128xf32, #tpu.memory_space<hbm>>
    tpu.enqueue_indirect_dma source(%dma_start3A_387 : memref<10000x128xf32, #tpu.memory_space<hbm>>) target(%arg12 : memref<40x128xf32, #tpu.memory_space<vmem>>) offsets(%dma_start3A_384 : memref<40xi32, #tpu.memory_space<vmem>>) semaphore(%arg17 : memref<!tpu.dma_semaphore, #tpu.memory_space<semaphore_mem>>)
    %scan3A_388 = arith.constant 0 : i32
    %scan3A_389 = arith.constant 11 : i32
    %scan3A_390 = arith.addi %scan3A_388, %scan3A_389 : i32
    %scan3A_391 = arith.constant 1 : i32
    scf.for %scan3A_898 = %scan3A_388 to %scan3A_390 step %scan3A_391  : i32 {
      %mul3A_899 = arith.constant 1 : i32
      %mul3A_900 = arith.muli %scan3A_898, %mul3A_899 : i32
      %add3A_901 = arith.constant 0 : i32
      %add3A_902 = arith.addi %add3A_901, %mul3A_900 : i32
      %dma_wait3A_903 = arith.constant 0 : i32
      %dma_wait3A_904 = arith.constant 0 : i32
      %dma_wait3A_905 = tpu.memref_slice %arg7[%dma_wait3A_903, %dma_wait3A_904] : memref<50x40xi32, #tpu.memory_space<vmem>> -> memref<1x40xi32, #tpu.memory_space<vmem>>
      %dma_wait3A_906 = tpu.memref_squeeze %dma_wait3A_905 : memref<1x40xi32, #tpu.memory_space<vmem>> -> memref<40xi32, #tpu.memory_space<vmem>>
      %dma_wait3A_907 = arith.constant 0 : i32
      %dma_wait3A_908 = arith.constant 0 : i32
      %dma_wait3A_909 = tpu.memref_slice %arg2[%dma_wait3A_907, %dma_wait3A_908] : memref<10000x128xf32, #tpu.memory_space<hbm>> -> memref<10000x128xf32, #tpu.memory_space<hbm>>
      tpu.wait_indirect_dma semaphore(%arg14 : memref<!tpu.dma_semaphore, #tpu.memory_space<semaphore_mem>>) src(%dma_wait3A_909 : memref<10000x128xf32, #tpu.memory_space<hbm>>) dst(%arg9 : memref<40x128xf32, #tpu.memory_space<vmem>>)
      %mul3A_910 = arith.constant 4 : i32
      %mul3A_911 = arith.muli %mul3A_910, %add3A_902 : i32
      %add3A_912 = arith.constant 0 : i32
      %add3A_913 = arith.addi %mul3A_911, %add3A_912 : i32
      %dma_start3A_914 = arith.constant 0 : i32
      %dma_start3A_915 = tpu.memref_slice %arg8[%add3A_913, %dma_start3A_914] : memref<50x40xi32, #tpu.memory_space<vmem>> -> memref<1x40xi32, #tpu.memory_space<vmem>>
      %dma_start3A_916 = tpu.memref_squeeze %dma_start3A_915 : memref<1x40xi32, #tpu.memory_space<vmem>> -> memref<40xi32, #tpu.memory_space<vmem>>
      %dma_start3A_917 = arith.constant 0 : i32
      %dma_start3A_918 = arith.constant 0 : i32
      %dma_start3A_919 = tpu.memref_slice %arg13[%dma_start3A_917, %dma_start3A_918] : memref<10000x128xf32, #tpu.memory_space<vmem_shared>> -> memref<10000x128xf32, #tpu.memory_space<vmem_shared>>
      tpu.enqueue_indirect_dma source(%arg9 : memref<40x128xf32, #tpu.memory_space<vmem>>) target(%dma_start3A_919 : memref<10000x128xf32, #tpu.memory_space<vmem_shared>>) offsets(%dma_start3A_916 : memref<40xi32, #tpu.memory_space<vmem>>) semaphore(%arg18 : memref<!tpu.dma_semaphore, #tpu.memory_space<semaphore_mem>>) {add = true}
      %dma_wait3A_920 = arith.constant 0 : i32
      %dma_wait3A_921 = arith.constant 0 : i32
      %dma_wait3A_922 = tpu.memref_slice %arg7[%dma_wait3A_920, %dma_wait3A_921] : memref<50x40xi32, #tpu.memory_space<vmem>> -> memref<1x40xi32, #tpu.memory_space<vmem>>
      %dma_wait3A_923 = tpu.memref_squeeze %dma_wait3A_922 : memref<1x40xi32, #tpu.memory_space<vmem>> -> memref<40xi32, #tpu.memory_space<vmem>>
      %dma_wait3A_924 = arith.constant 0 : i32
      %dma_wait3A_925 = arith.constant 0 : i32
      %dma_wait3A_926 = tpu.memref_slice %arg2[%dma_wait3A_924, %dma_wait3A_925] : memref<10000x128xf32, #tpu.memory_space<hbm>> -> memref<10000x128xf32, #tpu.memory_space<hbm>>
      tpu.wait_indirect_dma semaphore(%arg15 : memref<!tpu.dma_semaphore, #tpu.memory_space<semaphore_mem>>) src(%dma_wait3A_926 : memref<10000x128xf32, #tpu.memory_space<hbm>>) dst(%arg10 : memref<40x128xf32, #tpu.memory_space<vmem>>)
      %mul3A_927 = arith.constant 4 : i32
      %mul3A_928 = arith.muli %mul3A_927, %add3A_902 : i32
      %add3A_929 = arith.constant 1 : i32
      %add3A_930 = arith.addi %mul3A_928, %add3A_929 : i32
      %dma_start3A_931 = arith.constant 0 : i32
      %dma_start3A_932 = tpu.memref_slice %arg8[%add3A_930, %dma_start3A_931] : memref<50x40xi32, #tpu.memory_space<vmem>> -> memref<1x40xi32, #tpu.memory_space<vmem>>
      %dma_start3A_933 = tpu.memref_squeeze %dma_start3A_932 : memref<1x40xi32, #tpu.memory_space<vmem>> -> memref<40xi32, #tpu.memory_space<vmem>>
      %dma_start3A_934 = arith.constant 0 : i32
      %dma_start3A_935 = arith.constant 0 : i32
      %dma_start3A_936 = tpu.memref_slice %arg13[%dma_start3A_934, %dma_start3A_935] : memref<10000x128xf32, #tpu.memory_space<vmem_shared>> -> memref<10000x128xf32, #tpu.memory_space<vmem_shared>>
      tpu.enqueue_indirect_dma source(%arg10 : memref<40x128xf32, #tpu.memory_space<vmem>>) target(%dma_start3A_936 : memref<10000x128xf32, #tpu.memory_space<vmem_shared>>) offsets(%dma_start3A_933 : memref<40xi32, #tpu.memory_space<vmem>>) semaphore(%arg19 : memref<!tpu.dma_semaphore, #tpu.memory_space<semaphore_mem>>) {add = true}
      %dma_wait3A_937 = arith.constant 0 : i32
      %dma_wait3A_938 = arith.constant 0 : i32
      %dma_wait3A_939 = tpu.memref_slice %arg7[%dma_wait3A_937, %dma_wait3A_938] : memref<50x40xi32, #tpu.memory_space<vmem>> -> memref<1x40xi32, #tpu.memory_space<vmem>>
      %dma_wait3A_940 = tpu.memref_squeeze %dma_wait3A_939 : memref<1x40xi32, #tpu.memory_space<vmem>> -> memref<40xi32, #tpu.memory_space<vmem>>
      %dma_wait3A_941 = arith.constant 0 : i32
      %dma_wait3A_942 = arith.constant 0 : i32
      %dma_wait3A_943 = tpu.memref_slice %arg2[%dma_wait3A_941, %dma_wait3A_942] : memref<10000x128xf32, #tpu.memory_space<hbm>> -> memref<10000x128xf32, #tpu.memory_space<hbm>>
      tpu.wait_indirect_dma semaphore(%arg16 : memref<!tpu.dma_semaphore, #tpu.memory_space<semaphore_mem>>) src(%dma_wait3A_943 : memref<10000x128xf32, #tpu.memory_space<hbm>>) dst(%arg11 : memref<40x128xf32, #tpu.memory_space<vmem>>)
      %mul3A_944 = arith.constant 4 : i32
      %mul3A_945 = arith.muli %mul3A_944, %add3A_902 : i32
      %add3A_946 = arith.constant 2 : i32
      %add3A_947 = arith.addi %mul3A_945, %add3A_946 : i32
      %dma_start3A_948 = arith.constant 0 : i32
      %dma_start3A_949 = tpu.memref_slice %arg8[%add3A_947, %dma_start3A_948] : memref<50x40xi32, #tpu.memory_space<vmem>> -> memref<1x40xi32, #tpu.memory_space<vmem>>
      %dma_start3A_950 = tpu.memref_squeeze %dma_start3A_949 : memref<1x40xi32, #tpu.memory_space<vmem>> -> memref<40xi32, #tpu.memory_space<vmem>>
      %dma_start3A_951 = arith.constant 0 : i32
      %dma_start3A_952 = arith.constant 0 : i32
      %dma_start3A_953 = tpu.memref_slice %arg13[%dma_start3A_951, %dma_start3A_952] : memref<10000x128xf32, #tpu.memory_space<vmem_shared>> -> memref<10000x128xf32, #tpu.memory_space<vmem_shared>>
      tpu.enqueue_indirect_dma source(%arg11 : memref<40x128xf32, #tpu.memory_space<vmem>>) target(%dma_start3A_953 : memref<10000x128xf32, #tpu.memory_space<vmem_shared>>) offsets(%dma_start3A_950 : memref<40xi32, #tpu.memory_space<vmem>>) semaphore(%arg20 : memref<!tpu.dma_semaphore, #tpu.memory_space<semaphore_mem>>) {add = true}
      %dma_wait3A_954 = arith.constant 0 : i32
      %dma_wait3A_955 = arith.constant 0 : i32
      %dma_wait3A_956 = tpu.memref_slice %arg7[%dma_wait3A_954, %dma_wait3A_955] : memref<50x40xi32, #tpu.memory_space<vmem>> -> memref<1x40xi32, #tpu.memory_space<vmem>>
      %dma_wait3A_957 = tpu.memref_squeeze %dma_wait3A_956 : memref<1x40xi32, #tpu.memory_space<vmem>> -> memref<40xi32, #tpu.memory_space<vmem>>
      %dma_wait3A_958 = arith.constant 0 : i32
      %dma_wait3A_959 = arith.constant 0 : i32
      %dma_wait3A_960 = tpu.memref_slice %arg2[%dma_wait3A_958, %dma_wait3A_959] : memref<10000x128xf32, #tpu.memory_space<hbm>> -> memref<10000x128xf32, #tpu.memory_space<hbm>>
      tpu.wait_indirect_dma semaphore(%arg17 : memref<!tpu.dma_semaphore, #tpu.memory_space<semaphore_mem>>) src(%dma_wait3A_960 : memref<10000x128xf32, #tpu.memory_space<hbm>>) dst(%arg12 : memref<40x128xf32, #tpu.memory_space<vmem>>)
      %mul3A_961 = arith.constant 4 : i32
      %mul3A_962 = arith.muli %mul3A_961, %add3A_902 : i32
      %add3A_963 = arith.constant 3 : i32
      %add3A_964 = arith.addi %mul3A_962, %add3A_963 : i32
      %dma_start3A_965 = arith.constant 0 : i32
      %dma_start3A_966 = tpu.memref_slice %arg8[%add3A_964, %dma_start3A_965] : memref<50x40xi32, #tpu.memory_space<vmem>> -> memref<1x40xi32, #tpu.memory_space<vmem>>
      %dma_start3A_967 = tpu.memref_squeeze %dma_start3A_966 : memref<1x40xi32, #tpu.memory_space<vmem>> -> memref<40xi32, #tpu.memory_space<vmem>>
      %dma_start3A_968 = arith.constant 0 : i32
      %dma_start3A_969 = arith.constant 0 : i32
      %dma_start3A_970 = tpu.memref_slice %arg13[%dma_start3A_968, %dma_start3A_969] : memref<10000x128xf32, #tpu.memory_space<vmem_shared>> -> memref<10000x128xf32, #tpu.memory_space<vmem_shared>>
      tpu.enqueue_indirect_dma source(%arg12 : memref<40x128xf32, #tpu.memory_space<vmem>>) target(%dma_start3A_970 : memref<10000x128xf32, #tpu.memory_space<vmem_shared>>) offsets(%dma_start3A_967 : memref<40xi32, #tpu.memory_space<vmem>>) semaphore(%arg21 : memref<!tpu.dma_semaphore, #tpu.memory_space<semaphore_mem>>) {add = true}
      %dma_wait3A_971 = arith.constant 0 : i32
      %dma_wait3A_972 = arith.constant 0 : i32
      %dma_wait3A_973 = tpu.memref_slice %arg8[%dma_wait3A_971, %dma_wait3A_972] : memref<50x40xi32, #tpu.memory_space<vmem>> -> memref<1x40xi32, #tpu.memory_space<vmem>>
      %dma_wait3A_974 = tpu.memref_squeeze %dma_wait3A_973 : memref<1x40xi32, #tpu.memory_space<vmem>> -> memref<40xi32, #tpu.memory_space<vmem>>
      %dma_wait3A_975 = arith.constant 0 : i32
      %dma_wait3A_976 = arith.constant 0 : i32
      %dma_wait3A_977 = tpu.memref_slice %arg13[%dma_wait3A_975, %dma_wait3A_976] : memref<10000x128xf32, #tpu.memory_space<vmem_shared>> -> memref<10000x128xf32, #tpu.memory_space<vmem_shared>>
      tpu.wait_indirect_dma semaphore(%arg18 : memref<!tpu.dma_semaphore, #tpu.memory_space<semaphore_mem>>) src(%arg9 : memref<40x128xf32, #tpu.memory_space<vmem>>) dst(%dma_wait3A_977 : memref<10000x128xf32, #tpu.memory_space<vmem_shared>>)
      %mul3A_978 = arith.constant 4 : i32
      %mul3A_979 = arith.muli %mul3A_978, %add3A_902 : i32
      %add3A_980 = arith.constant 4 : i32
      %add3A_981 = arith.addi %mul3A_979, %add3A_980 : i32
      %add3A_982 = arith.constant 0 : i32
      %add3A_983 = arith.addi %add3A_981, %add3A_982 : i32
      %dma_start3A_984 = arith.constant 0 : i32
      %dma_start3A_985 = tpu.memref_slice %arg7[%add3A_983, %dma_start3A_984] : memref<50x40xi32, #tpu.memory_space<vmem>> -> memref<1x40xi32, #tpu.memory_space<vmem>>
      %dma_start3A_986 = tpu.memref_squeeze %dma_start3A_985 : memref<1x40xi32, #tpu.memory_space<vmem>> -> memref<40xi32, #tpu.memory_space<vmem>>
      %dma_start3A_987 = arith.constant 0 : i32
      %dma_start3A_988 = arith.constant 0 : i32
      %dma_start3A_989 = tpu.memref_slice %arg2[%dma_start3A_987, %dma_start3A_988] : memref<10000x128xf32, #tpu.memory_space<hbm>> -> memref<10000x128xf32, #tpu.memory_space<hbm>>
      tpu.enqueue_indirect_dma source(%dma_start3A_989 : memref<10000x128xf32, #tpu.memory_space<hbm>>) target(%arg9 : memref<40x128xf32, #tpu.memory_space<vmem>>) offsets(%dma_start3A_986 : memref<40xi32, #tpu.memory_space<vmem>>) semaphore(%arg14 : memref<!tpu.dma_semaphore, #tpu.memory_space<semaphore_mem>>)
      %dma_wait3A_990 = arith.constant 0 : i32
      %dma_wait3A_991 = arith.constant 0 : i32
      %dma_wait3A_992 = tpu.memref_slice %arg8[%dma_wait3A_990, %dma_wait3A_991] : memref<50x40xi32, #tpu.memory_space<vmem>> -> memref<1x40xi32, #tpu.memory_space<vmem>>
      %dma_wait3A_993 = tpu.memref_squeeze %dma_wait3A_992 : memref<1x40xi32, #tpu.memory_space<vmem>> -> memref<40xi32, #tpu.memory_space<vmem>>
      %dma_wait3A_994 = arith.constant 0 : i32
      %dma_wait3A_995 = arith.constant 0 : i32
      %dma_wait3A_996 = tpu.memref_slice %arg13[%dma_wait3A_994, %dma_wait3A_995] : memref<10000x128xf32, #tpu.memory_space<vmem_shared>> -> memref<10000x128xf32, #tpu.memory_space<vmem_shared>>
      tpu.wait_indirect_dma semaphore(%arg19 : memref<!tpu.dma_semaphore, #tpu.memory_space<semaphore_mem>>) src(%arg10 : memref<40x128xf32, #tpu.memory_space<vmem>>) dst(%dma_wait3A_996 : memref<10000x128xf32, #tpu.memory_space<vmem_shared>>)
      %mul3A_997 = arith.constant 4 : i32
      %mul3A_998 = arith.muli %mul3A_997, %add3A_902 : i32
      %add3A_999 = arith.constant 4 : i32
      %add3A_1000 = arith.addi %mul3A_998, %add3A_999 : i32
      %add3A_1001 = arith.constant 1 : i32
      %add3A_1002 = arith.addi %add3A_1000, %add3A_1001 : i32
      %dma_start3A_1003 = arith.constant 0 : i32
      %dma_start3A_1004 = tpu.memref_slice %arg7[%add3A_1002, %dma_start3A_1003] : memref<50x40xi32, #tpu.memory_space<vmem>> -> memref<1x40xi32, #tpu.memory_space<vmem>>
      %dma_start3A_1005 = tpu.memref_squeeze %dma_start3A_1004 : memref<1x40xi32, #tpu.memory_space<vmem>> -> memref<40xi32, #tpu.memory_space<vmem>>
      %dma_start3A_1006 = arith.constant 0 : i32
      %dma_start3A_1007 = arith.constant 0 : i32
      %dma_start3A_1008 = tpu.memref_slice %arg2[%dma_start3A_1006, %dma_start3A_1007] : memref<10000x128xf32, #tpu.memory_space<hbm>> -> memref<10000x128xf32, #tpu.memory_space<hbm>>
      tpu.enqueue_indirect_dma source(%dma_start3A_1008 : memref<10000x128xf32, #tpu.memory_space<hbm>>) target(%arg10 : memref<40x128xf32, #tpu.memory_space<vmem>>) offsets(%dma_start3A_1005 : memref<40xi32, #tpu.memory_space<vmem>>) semaphore(%arg15 : memref<!tpu.dma_semaphore, #tpu.memory_space<semaphore_mem>>)
      %dma_wait3A_1009 = arith.constant 0 : i32
      %dma_wait3A_1010 = arith.constant 0 : i32
      %dma_wait3A_1011 = tpu.memref_slice %arg8[%dma_wait3A_1009, %dma_wait3A_1010] : memref<50x40xi32, #tpu.memory_space<vmem>> -> memref<1x40xi32, #tpu.memory_space<vmem>>
      %dma_wait3A_1012 = tpu.memref_squeeze %dma_wait3A_1011 : memref<1x40xi32, #tpu.memory_space<vmem>> -> memref<40xi32, #tpu.memory_space<vmem>>
      %dma_wait3A_1013 = arith.constant 0 : i32
      %dma_wait3A_1014 = arith.constant 0 : i32
      %dma_wait3A_1015 = tpu.memref_slice %arg13[%dma_wait3A_1013, %dma_wait3A_1014] : memref<10000x128xf32, #tpu.memory_space<vmem_shared>> -> memref<10000x128xf32, #tpu.memory_space<vmem_shared>>
      tpu.wait_indirect_dma semaphore(%arg20 : memref<!tpu.dma_semaphore, #tpu.memory_space<semaphore_mem>>) src(%arg11 : memref<40x128xf32, #tpu.memory_space<vmem>>) dst(%dma_wait3A_1015 : memref<10000x128xf32, #tpu.memory_space<vmem_shared>>)
      %mul3A_1016 = arith.constant 4 : i32
      %mul3A_1017 = arith.muli %mul3A_1016, %add3A_902 : i32
      %add3A_1018 = arith.constant 4 : i32
      %add3A_1019 = arith.addi %mul3A_1017, %add3A_1018 : i32
      %add3A_1020 = arith.constant 2 : i32
      %add3A_1021 = arith.addi %add3A_1019, %add3A_1020 : i32
      %dma_start3A_1022 = arith.constant 0 : i32
      %dma_start3A_1023 = tpu.memref_slice %arg7[%add3A_1021, %dma_start3A_1022] : memref<50x40xi32, #tpu.memory_space<vmem>> -> memref<1x40xi32, #tpu.memory_space<vmem>>
      %dma_start3A_1024 = tpu.memref_squeeze %dma_start3A_1023 : memref<1x40xi32, #tpu.memory_space<vmem>> -> memref<40xi32, #tpu.memory_space<vmem>>
      %dma_start3A_1025 = arith.constant 0 : i32
      %dma_start3A_1026 = arith.constant 0 : i32
      %dma_start3A_1027 = tpu.memref_slice %arg2[%dma_start3A_1025, %dma_start3A_1026] : memref<10000x128xf32, #tpu.memory_space<hbm>> -> memref<10000x128xf32, #tpu.memory_space<hbm>>
      tpu.enqueue_indirect_dma source(%dma_start3A_1027 : memref<10000x128xf32, #tpu.memory_space<hbm>>) target(%arg11 : memref<40x128xf32, #tpu.memory_space<vmem>>) offsets(%dma_start3A_1024 : memref<40xi32, #tpu.memory_space<vmem>>) semaphore(%arg16 : memref<!tpu.dma_semaphore, #tpu.memory_space<semaphore_mem>>)
      %dma_wait3A_1028 = arith.constant 0 : i32
      %dma_wait3A_1029 = arith.constant 0 : i32
      %dma_wait3A_1030 = tpu.memref_slice %arg8[%dma_wait3A_1028, %dma_wait3A_1029] : memref<50x40xi32, #tpu.memory_space<vmem>> -> memref<1x40xi32, #tpu.memory_space<vmem>>
      %dma_wait3A_1031 = tpu.memref_squeeze %dma_wait3A_1030 : memref<1x40xi32, #tpu.memory_space<vmem>> -> memref<40xi32, #tpu.memory_space<vmem>>
      %dma_wait3A_1032 = arith.constant 0 : i32
      %dma_wait3A_1033 = arith.constant 0 : i32
      %dma_wait3A_1034 = tpu.memref_slice %arg13[%dma_wait3A_1032, %dma_wait3A_1033] : memref<10000x128xf32, #tpu.memory_space<vmem_shared>> -> memref<10000x128xf32, #tpu.memory_space<vmem_shared>>
      tpu.wait_indirect_dma semaphore(%arg21 : memref<!tpu.dma_semaphore, #tpu.memory_space<semaphore_mem>>) src(%arg12 : memref<40x128xf32, #tpu.memory_space<vmem>>) dst(%dma_wait3A_1034 : memref<10000x128xf32, #tpu.memory_space<vmem_shared>>)
      %mul3A_1035 = arith.constant 4 : i32
      %mul3A_1036 = arith.muli %mul3A_1035, %add3A_902 : i32
      %add3A_1037 = arith.constant 4 : i32
      %add3A_1038 = arith.addi %mul3A_1036, %add3A_1037 : i32
      %add3A_1039 = arith.constant 3 : i32
      %add3A_1040 = arith.addi %add3A_1038, %add3A_1039 : i32
      %dma_start3A_1041 = arith.constant 0 : i32
      %dma_start3A_1042 = tpu.memref_slice %arg7[%add3A_1040, %dma_start3A_1041] : memref<50x40xi32, #tpu.memory_space<vmem>> -> memref<1x40xi32, #tpu.memory_space<vmem>>
      %dma_start3A_1043 = tpu.memref_squeeze %dma_start3A_1042 : memref<1x40xi32, #tpu.memory_space<vmem>> -> memref<40xi32, #tpu.memory_space<vmem>>
      %dma_start3A_1044 = arith.constant 0 : i32
      %dma_start3A_1045 = arith.constant 0 : i32
      %dma_start3A_1046 = tpu.memref_slice %arg2[%dma_start3A_1044, %dma_start3A_1045] : memref<10000x128xf32, #tpu.memory_space<hbm>> -> memref<10000x128xf32, #tpu.memory_space<hbm>>
      tpu.enqueue_indirect_dma source(%dma_start3A_1046 : memref<10000x128xf32, #tpu.memory_space<hbm>>) target(%arg12 : memref<40x128xf32, #tpu.memory_space<vmem>>) offsets(%dma_start3A_1043 : memref<40xi32, #tpu.memory_space<vmem>>) semaphore(%arg17 : memref<!tpu.dma_semaphore, #tpu.memory_space<semaphore_mem>>)
    }
    %scan3A_392 = arith.constant 11 : i32
    %dma_wait3A_393 = arith.constant 0 : i32
    %dma_wait3A_394 = arith.constant 0 : i32
    %dma_wait3A_395 = tpu.memref_slice %arg7[%dma_wait3A_393, %dma_wait3A_394] : memref<50x40xi32, #tpu.memory_space<vmem>> -> memref<1x40xi32, #tpu.memory_space<vmem>>
    %dma_wait3A_396 = tpu.memref_squeeze %dma_wait3A_395 : memref<1x40xi32, #tpu.memory_space<vmem>> -> memref<40xi32, #tpu.memory_space<vmem>>
    %dma_wait3A_397 = arith.constant 0 : i32
    %dma_wait3A_398 = arith.constant 0 : i32
    %dma_wait3A_399 = tpu.memref_slice %arg2[%dma_wait3A_397, %dma_wait3A_398] : memref<10000x128xf32, #tpu.memory_space<hbm>> -> memref<10000x128xf32, #tpu.memory_space<hbm>>
    tpu.wait_indirect_dma semaphore(%arg14 : memref<!tpu.dma_semaphore, #tpu.memory_space<semaphore_mem>>) src(%dma_wait3A_399 : memref<10000x128xf32, #tpu.memory_space<hbm>>) dst(%arg9 : memref<40x128xf32, #tpu.memory_space<vmem>>)
    %dma_start3A_400 = arith.constant 44 : i32
    %dma_start3A_401 = arith.constant 0 : i32
    %dma_start3A_402 = tpu.memref_slice %arg8[%dma_start3A_400, %dma_start3A_401] : memref<50x40xi32, #tpu.memory_space<vmem>> -> memref<1x40xi32, #tpu.memory_space<vmem>>
    %dma_start3A_403 = tpu.memref_squeeze %dma_start3A_402 : memref<1x40xi32, #tpu.memory_space<vmem>> -> memref<40xi32, #tpu.memory_space<vmem>>
    %dma_start3A_404 = arith.constant 0 : i32
    %dma_start3A_405 = arith.constant 0 : i32
    %dma_start3A_406 = tpu.memref_slice %arg13[%dma_start3A_404, %dma_start3A_405] : memref<10000x128xf32, #tpu.memory_space<vmem_shared>> -> memref<10000x128xf32, #tpu.memory_space<vmem_shared>>
    tpu.enqueue_indirect_dma source(%arg9 : memref<40x128xf32, #tpu.memory_space<vmem>>) target(%dma_start3A_406 : memref<10000x128xf32, #tpu.memory_space<vmem_shared>>) offsets(%dma_start3A_403 : memref<40xi32, #tpu.memory_space<vmem>>) semaphore(%arg18 : memref<!tpu.dma_semaphore, #tpu.memory_space<semaphore_mem>>) {add = true}
    %dma_wait3A_407 = arith.constant 0 : i32
    %dma_wait3A_408 = arith.constant 0 : i32
    %dma_wait3A_409 = tpu.memref_slice %arg7[%dma_wait3A_407, %dma_wait3A_408] : memref<50x40xi32, #tpu.memory_space<vmem>> -> memref<1x40xi32, #tpu.memory_space<vmem>>
    %dma_wait3A_410 = tpu.memref_squeeze %dma_wait3A_409 : memref<1x40xi32, #tpu.memory_space<vmem>> -> memref<40xi32, #tpu.memory_space<vmem>>
    %dma_wait3A_411 = arith.constant 0 : i32
    %dma_wait3A_412 = arith.constant 0 : i32
    %dma_wait3A_413 = tpu.memref_slice %arg2[%dma_wait3A_411, %dma_wait3A_412] : memref<10000x128xf32, #tpu.memory_space<hbm>> -> memref<10000x128xf32, #tpu.memory_space<hbm>>
    tpu.wait_indirect_dma semaphore(%arg15 : memref<!tpu.dma_semaphore, #tpu.memory_space<semaphore_mem>>) src(%dma_wait3A_413 : memref<10000x128xf32, #tpu.memory_space<hbm>>) dst(%arg10 : memref<40x128xf32, #tpu.memory_space<vmem>>)
    %dma_start3A_414 = arith.constant 45 : i32
    %dma_start3A_415 = arith.constant 0 : i32
    %dma_start3A_416 = tpu.memref_slice %arg8[%dma_start3A_414, %dma_start3A_415] : memref<50x40xi32, #tpu.memory_space<vmem>> -> memref<1x40xi32, #tpu.memory_space<vmem>>
    %dma_start3A_417 = tpu.memref_squeeze %dma_start3A_416 : memref<1x40xi32, #tpu.memory_space<vmem>> -> memref<40xi32, #tpu.memory_space<vmem>>
    %dma_start3A_418 = arith.constant 0 : i32
    %dma_start3A_419 = arith.constant 0 : i32
    %dma_start3A_420 = tpu.memref_slice %arg13[%dma_start3A_418, %dma_start3A_419] : memref<10000x128xf32, #tpu.memory_space<vmem_shared>> -> memref<10000x128xf32, #tpu.memory_space<vmem_shared>>
    tpu.enqueue_indirect_dma source(%arg10 : memref<40x128xf32, #tpu.memory_space<vmem>>) target(%dma_start3A_420 : memref<10000x128xf32, #tpu.memory_space<vmem_shared>>) offsets(%dma_start3A_417 : memref<40xi32, #tpu.memory_space<vmem>>) semaphore(%arg19 : memref<!tpu.dma_semaphore, #tpu.memory_space<semaphore_mem>>) {add = true}
    %dma_wait3A_421 = arith.constant 0 : i32
    %dma_wait3A_422 = arith.constant 0 : i32
    %dma_wait3A_423 = tpu.memref_slice %arg7[%dma_wait3A_421, %dma_wait3A_422] : memref<50x40xi32, #tpu.memory_space<vmem>> -> memref<1x40xi32, #tpu.memory_space<vmem>>
    %dma_wait3A_424 = tpu.memref_squeeze %dma_wait3A_423 : memref<1x40xi32, #tpu.memory_space<vmem>> -> memref<40xi32, #tpu.memory_space<vmem>>
    %dma_wait3A_425 = arith.constant 0 : i32
    %dma_wait3A_426 = arith.constant 0 : i32
    %dma_wait3A_427 = tpu.memref_slice %arg2[%dma_wait3A_425, %dma_wait3A_426] : memref<10000x128xf32, #tpu.memory_space<hbm>> -> memref<10000x128xf32, #tpu.memory_space<hbm>>
    tpu.wait_indirect_dma semaphore(%arg16 : memref<!tpu.dma_semaphore, #tpu.memory_space<semaphore_mem>>) src(%dma_wait3A_427 : memref<10000x128xf32, #tpu.memory_space<hbm>>) dst(%arg11 : memref<40x128xf32, #tpu.memory_space<vmem>>)
    %dma_start3A_428 = arith.constant 46 : i32
    %dma_start3A_429 = arith.constant 0 : i32
    %dma_start3A_430 = tpu.memref_slice %arg8[%dma_start3A_428, %dma_start3A_429] : memref<50x40xi32, #tpu.memory_space<vmem>> -> memref<1x40xi32, #tpu.memory_space<vmem>>
    %dma_start3A_431 = tpu.memref_squeeze %dma_start3A_430 : memref<1x40xi32, #tpu.memory_space<vmem>> -> memref<40xi32, #tpu.memory_space<vmem>>
    %dma_start3A_432 = arith.constant 0 : i32
    %dma_start3A_433 = arith.constant 0 : i32
    %dma_start3A_434 = tpu.memref_slice %arg13[%dma_start3A_432, %dma_start3A_433] : memref<10000x128xf32, #tpu.memory_space<vmem_shared>> -> memref<10000x128xf32, #tpu.memory_space<vmem_shared>>
    tpu.enqueue_indirect_dma source(%arg11 : memref<40x128xf32, #tpu.memory_space<vmem>>) target(%dma_start3A_434 : memref<10000x128xf32, #tpu.memory_space<vmem_shared>>) offsets(%dma_start3A_431 : memref<40xi32, #tpu.memory_space<vmem>>) semaphore(%arg20 : memref<!tpu.dma_semaphore, #tpu.memory_space<semaphore_mem>>) {add = true}
    %dma_wait3A_435 = arith.constant 0 : i32
    %dma_wait3A_436 = arith.constant 0 : i32
    %dma_wait3A_437 = tpu.memref_slice %arg7[%dma_wait3A_435, %dma_wait3A_436] : memref<50x40xi32, #tpu.memory_space<vmem>> -> memref<1x40xi32, #tpu.memory_space<vmem>>
    %dma_wait3A_438 = tpu.memref_squeeze %dma_wait3A_437 : memref<1x40xi32, #tpu.memory_space<vmem>> -> memref<40xi32, #tpu.memory_space<vmem>>
    %dma_wait3A_439 = arith.constant 0 : i32
    %dma_wait3A_440 = arith.constant 0 : i32
    %dma_wait3A_441 = tpu.memref_slice %arg2[%dma_wait3A_439, %dma_wait3A_440] : memref<10000x128xf32, #tpu.memory_space<hbm>> -> memref<10000x128xf32, #tpu.memory_space<hbm>>
    tpu.wait_indirect_dma semaphore(%arg17 : memref<!tpu.dma_semaphore, #tpu.memory_space<semaphore_mem>>) src(%dma_wait3A_441 : memref<10000x128xf32, #tpu.memory_space<hbm>>) dst(%arg12 : memref<40x128xf32, #tpu.memory_space<vmem>>)
    %dma_start3A_442 = arith.constant 47 : i32
    %dma_start3A_443 = arith.constant 0 : i32
    %dma_start3A_444 = tpu.memref_slice %arg8[%dma_start3A_442, %dma_start3A_443] : memref<50x40xi32, #tpu.memory_space<vmem>> -> memref<1x40xi32, #tpu.memory_space<vmem>>
    %dma_start3A_445 = tpu.memref_squeeze %dma_start3A_444 : memref<1x40xi32, #tpu.memory_space<vmem>> -> memref<40xi32, #tpu.memory_space<vmem>>
    %dma_start3A_446 = arith.constant 0 : i32
    %dma_start3A_447 = arith.constant 0 : i32
    %dma_start3A_448 = tpu.memref_slice %arg13[%dma_start3A_446, %dma_start3A_447] : memref<10000x128xf32, #tpu.memory_space<vmem_shared>> -> memref<10000x128xf32, #tpu.memory_space<vmem_shared>>
    tpu.enqueue_indirect_dma source(%arg12 : memref<40x128xf32, #tpu.memory_space<vmem>>) target(%dma_start3A_448 : memref<10000x128xf32, #tpu.memory_space<vmem_shared>>) offsets(%dma_start3A_445 : memref<40xi32, #tpu.memory_space<vmem>>) semaphore(%arg21 : memref<!tpu.dma_semaphore, #tpu.memory_space<semaphore_mem>>) {add = true}
    %dma_wait3A_449 = arith.constant 0 : i32
    %dma_wait3A_450 = arith.constant 0 : i32
    %dma_wait3A_451 = tpu.memref_slice %arg8[%dma_wait3A_449, %dma_wait3A_450] : memref<50x40xi32, #tpu.memory_space<vmem>> -> memref<1x40xi32, #tpu.memory_space<vmem>>
    %dma_wait3A_452 = tpu.memref_squeeze %dma_wait3A_451 : memref<1x40xi32, #tpu.memory_space<vmem>> -> memref<40xi32, #tpu.memory_space<vmem>>
    %dma_wait3A_453 = arith.constant 0 : i32
    %dma_wait3A_454 = arith.constant 0 : i32
    %dma_wait3A_455 = tpu.memref_slice %arg13[%dma_wait3A_453, %dma_wait3A_454] : memref<10000x128xf32, #tpu.memory_space<vmem_shared>> -> memref<10000x128xf32, #tpu.memory_space<vmem_shared>>
    tpu.wait_indirect_dma semaphore(%arg18 : memref<!tpu.dma_semaphore, #tpu.memory_space<semaphore_mem>>) src(%arg9 : memref<40x128xf32, #tpu.memory_space<vmem>>) dst(%dma_wait3A_455 : memref<10000x128xf32, #tpu.memory_space<vmem_shared>>)
    %dma_start3A_456 = arith.constant 48 : i32
    %dma_start3A_457 = arith.constant 0 : i32
    %dma_start3A_458 = tpu.memref_slice %arg7[%dma_start3A_456, %dma_start3A_457] : memref<50x40xi32, #tpu.memory_space<vmem>> -> memref<1x40xi32, #tpu.memory_space<vmem>>
    %dma_start3A_459 = tpu.memref_squeeze %dma_start3A_458 : memref<1x40xi32, #tpu.memory_space<vmem>> -> memref<40xi32, #tpu.memory_space<vmem>>
    %dma_start3A_460 = arith.constant 0 : i32
    %dma_start3A_461 = arith.constant 0 : i32
    %dma_start3A_462 = tpu.memref_slice %arg2[%dma_start3A_460, %dma_start3A_461] : memref<10000x128xf32, #tpu.memory_space<hbm>> -> memref<10000x128xf32, #tpu.memory_space<hbm>>
    tpu.enqueue_indirect_dma source(%dma_start3A_462 : memref<10000x128xf32, #tpu.memory_space<hbm>>) target(%arg9 : memref<40x128xf32, #tpu.memory_space<vmem>>) offsets(%dma_start3A_459 : memref<40xi32, #tpu.memory_space<vmem>>) semaphore(%arg14 : memref<!tpu.dma_semaphore, #tpu.memory_space<semaphore_mem>>)
    %dma_wait3A_463 = arith.constant 0 : i32
    %dma_wait3A_464 = arith.constant 0 : i32
    %dma_wait3A_465 = tpu.memref_slice %arg8[%dma_wait3A_463, %dma_wait3A_464] : memref<50x40xi32, #tpu.memory_space<vmem>> -> memref<1x40xi32, #tpu.memory_space<vmem>>
    %dma_wait3A_466 = tpu.memref_squeeze %dma_wait3A_465 : memref<1x40xi32, #tpu.memory_space<vmem>> -> memref<40xi32, #tpu.memory_space<vmem>>
    %dma_wait3A_467 = arith.constant 0 : i32
    %dma_wait3A_468 = arith.constant 0 : i32
    %dma_wait3A_469 = tpu.memref_slice %arg13[%dma_wait3A_467, %dma_wait3A_468] : memref<10000x128xf32, #tpu.memory_space<vmem_shared>> -> memref<10000x128xf32, #tpu.memory_space<vmem_shared>>
    tpu.wait_indirect_dma semaphore(%arg19 : memref<!tpu.dma_semaphore, #tpu.memory_space<semaphore_mem>>) src(%arg10 : memref<40x128xf32, #tpu.memory_space<vmem>>) dst(%dma_wait3A_469 : memref<10000x128xf32, #tpu.memory_space<vmem_shared>>)
    %dma_start3A_470 = arith.constant 49 : i32
    %dma_start3A_471 = arith.constant 0 : i32
    %dma_start3A_472 = tpu.memref_slice %arg7[%dma_start3A_470, %dma_start3A_471] : memref<50x40xi32, #tpu.memory_space<vmem>> -> memref<1x40xi32, #tpu.memory_space<vmem>>
    %dma_start3A_473 = tpu.memref_squeeze %dma_start3A_472 : memref<1x40xi32, #tpu.memory_space<vmem>> -> memref<40xi32, #tpu.memory_space<vmem>>
    %dma_start3A_474 = arith.constant 0 : i32
    %dma_start3A_475 = arith.constant 0 : i32
    %dma_start3A_476 = tpu.memref_slice %arg2[%dma_start3A_474, %dma_start3A_475] : memref<10000x128xf32, #tpu.memory_space<hbm>> -> memref<10000x128xf32, #tpu.memory_space<hbm>>
    tpu.enqueue_indirect_dma source(%dma_start3A_476 : memref<10000x128xf32, #tpu.memory_space<hbm>>) target(%arg10 : memref<40x128xf32, #tpu.memory_space<vmem>>) offsets(%dma_start3A_473 : memref<40xi32, #tpu.memory_space<vmem>>) semaphore(%arg15 : memref<!tpu.dma_semaphore, #tpu.memory_space<semaphore_mem>>)
    %dma_wait3A_477 = arith.constant 0 : i32
    %dma_wait3A_478 = arith.constant 0 : i32
    %dma_wait3A_479 = tpu.memref_slice %arg8[%dma_wait3A_477, %dma_wait3A_478] : memref<50x40xi32, #tpu.memory_space<vmem>> -> memref<1x40xi32, #tpu.memory_space<vmem>>
    %dma_wait3A_480 = tpu.memref_squeeze %dma_wait3A_479 : memref<1x40xi32, #tpu.memory_space<vmem>> -> memref<40xi32, #tpu.memory_space<vmem>>
    %dma_wait3A_481 = arith.constant 0 : i32
    %dma_wait3A_482 = arith.constant 0 : i32
    %dma_wait3A_483 = tpu.memref_slice %arg13[%dma_wait3A_481, %dma_wait3A_482] : memref<10000x128xf32, #tpu.memory_space<vmem_shared>> -> memref<10000x128xf32, #tpu.memory_space<vmem_shared>>
    tpu.wait_indirect_dma semaphore(%arg20 : memref<!tpu.dma_semaphore, #tpu.memory_space<semaphore_mem>>) src(%arg11 : memref<40x128xf32, #tpu.memory_space<vmem>>) dst(%dma_wait3A_483 : memref<10000x128xf32, #tpu.memory_space<vmem_shared>>)
    %dma_wait3A_484 = arith.constant 0 : i32
    %dma_wait3A_485 = arith.constant 0 : i32
    %dma_wait3A_486 = tpu.memref_slice %arg8[%dma_wait3A_484, %dma_wait3A_485] : memref<50x40xi32, #tpu.memory_space<vmem>> -> memref<1x40xi32, #tpu.memory_space<vmem>>
    %dma_wait3A_487 = tpu.memref_squeeze %dma_wait3A_486 : memref<1x40xi32, #tpu.memory_space<vmem>> -> memref<40xi32, #tpu.memory_space<vmem>>
    %dma_wait3A_488 = arith.constant 0 : i32
    %dma_wait3A_489 = arith.constant 0 : i32
    %dma_wait3A_490 = tpu.memref_slice %arg13[%dma_wait3A_488, %dma_wait3A_489] : memref<10000x128xf32, #tpu.memory_space<vmem_shared>> -> memref<10000x128xf32, #tpu.memory_space<vmem_shared>>
    tpu.wait_indirect_dma semaphore(%arg21 : memref<!tpu.dma_semaphore, #tpu.memory_space<semaphore_mem>>) src(%arg12 : memref<40x128xf32, #tpu.memory_space<vmem>>) dst(%dma_wait3A_490 : memref<10000x128xf32, #tpu.memory_space<vmem_shared>>)
    %dma_wait3A_491 = arith.constant 0 : i32
    %dma_wait3A_492 = arith.constant 0 : i32
    %dma_wait3A_493 = tpu.memref_slice %arg7[%dma_wait3A_491, %dma_wait3A_492] : memref<50x40xi32, #tpu.memory_space<vmem>> -> memref<1x40xi32, #tpu.memory_space<vmem>>
    %dma_wait3A_494 = tpu.memref_squeeze %dma_wait3A_493 : memref<1x40xi32, #tpu.memory_space<vmem>> -> memref<40xi32, #tpu.memory_space<vmem>>
    %dma_wait3A_495 = arith.constant 0 : i32
    %dma_wait3A_496 = arith.constant 0 : i32
    %dma_wait3A_497 = tpu.memref_slice %arg2[%dma_wait3A_495, %dma_wait3A_496] : memref<10000x128xf32, #tpu.memory_space<hbm>> -> memref<10000x128xf32, #tpu.memory_space<hbm>>
    tpu.wait_indirect_dma semaphore(%arg14 : memref<!tpu.dma_semaphore, #tpu.memory_space<semaphore_mem>>) src(%dma_wait3A_497 : memref<10000x128xf32, #tpu.memory_space<hbm>>) dst(%arg9 : memref<40x128xf32, #tpu.memory_space<vmem>>)
    %dma_start3A_498 = arith.constant 48 : i32
    %dma_start3A_499 = arith.constant 0 : i32
    %dma_start3A_500 = tpu.memref_slice %arg8[%dma_start3A_498, %dma_start3A_499] : memref<50x40xi32, #tpu.memory_space<vmem>> -> memref<1x40xi32, #tpu.memory_space<vmem>>
    %dma_start3A_501 = tpu.memref_squeeze %dma_start3A_500 : memref<1x40xi32, #tpu.memory_space<vmem>> -> memref<40xi32, #tpu.memory_space<vmem>>
    %dma_start3A_502 = arith.constant 0 : i32
    %dma_start3A_503 = arith.constant 0 : i32
    %dma_start3A_504 = tpu.memref_slice %arg13[%dma_start3A_502, %dma_start3A_503] : memref<10000x128xf32, #tpu.memory_space<vmem_shared>> -> memref<10000x128xf32, #tpu.memory_space<vmem_shared>>
    tpu.enqueue_indirect_dma source(%arg9 : memref<40x128xf32, #tpu.memory_space<vmem>>) target(%dma_start3A_504 : memref<10000x128xf32, #tpu.memory_space<vmem_shared>>) offsets(%dma_start3A_501 : memref<40xi32, #tpu.memory_space<vmem>>) semaphore(%arg18 : memref<!tpu.dma_semaphore, #tpu.memory_space<semaphore_mem>>) {add = true}
    %dma_wait3A_505 = arith.constant 0 : i32
    %dma_wait3A_506 = arith.constant 0 : i32
    %dma_wait3A_507 = tpu.memref_slice %arg7[%dma_wait3A_505, %dma_wait3A_506] : memref<50x40xi32, #tpu.memory_space<vmem>> -> memref<1x40xi32, #tpu.memory_space<vmem>>
    %dma_wait3A_508 = tpu.memref_squeeze %dma_wait3A_507 : memref<1x40xi32, #tpu.memory_space<vmem>> -> memref<40xi32, #tpu.memory_space<vmem>>
    %dma_wait3A_509 = arith.constant 0 : i32
    %dma_wait3A_510 = arith.constant 0 : i32
    %dma_wait3A_511 = tpu.memref_slice %arg2[%dma_wait3A_509, %dma_wait3A_510] : memref<10000x128xf32, #tpu.memory_space<hbm>> -> memref<10000x128xf32, #tpu.memory_space<hbm>>
    tpu.wait_indirect_dma semaphore(%arg15 : memref<!tpu.dma_semaphore, #tpu.memory_space<semaphore_mem>>) src(%dma_wait3A_511 : memref<10000x128xf32, #tpu.memory_space<hbm>>) dst(%arg10 : memref<40x128xf32, #tpu.memory_space<vmem>>)
    %dma_start3A_512 = arith.constant 49 : i32
    %dma_start3A_513 = arith.constant 0 : i32
    %dma_start3A_514 = tpu.memref_slice %arg8[%dma_start3A_512, %dma_start3A_513] : memref<50x40xi32, #tpu.memory_space<vmem>> -> memref<1x40xi32, #tpu.memory_space<vmem>>
    %dma_start3A_515 = tpu.memref_squeeze %dma_start3A_514 : memref<1x40xi32, #tpu.memory_space<vmem>> -> memref<40xi32, #tpu.memory_space<vmem>>
    %dma_start3A_516 = arith.constant 0 : i32
    %dma_start3A_517 = arith.constant 0 : i32
    %dma_start3A_518 = tpu.memref_slice %arg13[%dma_start3A_516, %dma_start3A_517] : memref<10000x128xf32, #tpu.memory_space<vmem_shared>> -> memref<10000x128xf32, #tpu.memory_space<vmem_shared>>
    tpu.enqueue_indirect_dma source(%arg10 : memref<40x128xf32, #tpu.memory_space<vmem>>) target(%dma_start3A_518 : memref<10000x128xf32, #tpu.memory_space<vmem_shared>>) offsets(%dma_start3A_515 : memref<40xi32, #tpu.memory_space<vmem>>) semaphore(%arg19 : memref<!tpu.dma_semaphore, #tpu.memory_space<semaphore_mem>>) {add = true}
    %dma_wait3A_519 = arith.constant 0 : i32
    %dma_wait3A_520 = arith.constant 0 : i32
    %dma_wait3A_521 = tpu.memref_slice %arg8[%dma_wait3A_519, %dma_wait3A_520] : memref<50x40xi32, #tpu.memory_space<vmem>> -> memref<1x40xi32, #tpu.memory_space<vmem>>
    %dma_wait3A_522 = tpu.memref_squeeze %dma_wait3A_521 : memref<1x40xi32, #tpu.memory_space<vmem>> -> memref<40xi32, #tpu.memory_space<vmem>>
    %dma_wait3A_523 = arith.constant 0 : i32
    %dma_wait3A_524 = arith.constant 0 : i32
    %dma_wait3A_525 = tpu.memref_slice %arg13[%dma_wait3A_523, %dma_wait3A_524] : memref<10000x128xf32, #tpu.memory_space<vmem_shared>> -> memref<10000x128xf32, #tpu.memory_space<vmem_shared>>
    tpu.wait_indirect_dma semaphore(%arg18 : memref<!tpu.dma_semaphore, #tpu.memory_space<semaphore_mem>>) src(%arg9 : memref<40x128xf32, #tpu.memory_space<vmem>>) dst(%dma_wait3A_525 : memref<10000x128xf32, #tpu.memory_space<vmem_shared>>)
    %dma_wait3A_526 = arith.constant 0 : i32
    %dma_wait3A_527 = arith.constant 0 : i32
    %dma_wait3A_528 = tpu.memref_slice %arg8[%dma_wait3A_526, %dma_wait3A_527] : memref<50x40xi32, #tpu.memory_space<vmem>> -> memref<1x40xi32, #tpu.memory_space<vmem>>
    %dma_wait3A_529 = tpu.memref_squeeze %dma_wait3A_528 : memref<1x40xi32, #tpu.memory_space<vmem>> -> memref<40xi32, #tpu.memory_space<vmem>>
    %dma_wait3A_530 = arith.constant 0 : i32
    %dma_wait3A_531 = arith.constant 0 : i32
    %dma_wait3A_532 = tpu.memref_slice %arg13[%dma_wait3A_530, %dma_wait3A_531] : memref<10000x128xf32, #tpu.memory_space<vmem_shared>> -> memref<10000x128xf32, #tpu.memory_space<vmem_shared>>
    tpu.wait_indirect_dma semaphore(%arg19 : memref<!tpu.dma_semaphore, #tpu.memory_space<semaphore_mem>>) src(%arg10 : memref<40x128xf32, #tpu.memory_space<vmem>>) dst(%dma_wait3A_532 : memref<10000x128xf32, #tpu.memory_space<vmem_shared>>)
    %run_scoped3A_533 = arith.constant 3 : i32
    "tpu.region"() ({
      %run_scoped3A_898 = tpu.sem_alloc : memref<!tpu.dma_semaphore, #tpu.memory_space<semaphore_mem>>
      %dma_start3A_899 = arith.constant 0 : i32
      %dma_start3A_900 = arith.constant 0 : i32
      %dma_start3A_901 = tpu.memref_slice %arg3[%add3A, %run_scoped3A_533, %dma_start3A_899, %dma_start3A_900] : memref<32x5x50x40xi32, #tpu.memory_space<hbm>> -> memref<1x1x50x40xi32, #tpu.memory_space<hbm>>
      %dma_start3A_902 = tpu.memref_squeeze %dma_start3A_901 : memref<1x1x50x40xi32, #tpu.memory_space<hbm>> -> memref<50x40xi32, #tpu.memory_space<hbm>>
      %dma_start3A_903 = arith.constant 0 : i32
      %dma_start3A_904 = arith.constant 0 : i32
      %dma_start3A_905 = tpu.memref_slice %arg3[%add3A, %run_scoped3A_533, %dma_start3A_903, %dma_start3A_904] : memref<32x5x50x40xi32, #tpu.memory_space<hbm>> -> memref<1x1x50x40xi32, #tpu.memory_space<hbm>>
      %dma_start3A_906 = tpu.memref_squeeze %dma_start3A_905 : memref<1x1x50x40xi32, #tpu.memory_space<hbm>> -> memref<50x40xi32, #tpu.memory_space<hbm>>
      tpu.enqueue_dma source(%dma_start3A_906 : memref<50x40xi32, #tpu.memory_space<hbm>>) target(%arg7 : memref<50x40xi32, #tpu.memory_space<vmem>>) target_semaphore(%run_scoped3A_898 : memref<!tpu.dma_semaphore, #tpu.memory_space<semaphore_mem>>)
      %dma_wait3A_907 = arith.constant 0 : i32
      %dma_wait3A_908 = arith.constant 0 : i32
      %dma_wait3A_909 = tpu.memref_slice %arg3[%add3A, %run_scoped3A_533, %dma_wait3A_907, %dma_wait3A_908] : memref<32x5x50x40xi32, #tpu.memory_space<hbm>> -> memref<1x1x50x40xi32, #tpu.memory_space<hbm>>
      %dma_wait3A_910 = tpu.memref_squeeze %dma_wait3A_909 : memref<1x1x50x40xi32, #tpu.memory_space<hbm>> -> memref<50x40xi32, #tpu.memory_space<hbm>>
      %dma_wait3A_911 = arith.constant 0 : i32
      %dma_wait3A_912 = arith.constant 0 : i32
      %dma_wait3A_913 = tpu.memref_slice %arg3[%add3A, %run_scoped3A_533, %dma_wait3A_911, %dma_wait3A_912] : memref<32x5x50x40xi32, #tpu.memory_space<hbm>> -> memref<1x1x50x40xi32, #tpu.memory_space<hbm>>
      %dma_wait3A_914 = tpu.memref_squeeze %dma_wait3A_913 : memref<1x1x50x40xi32, #tpu.memory_space<hbm>> -> memref<50x40xi32, #tpu.memory_space<hbm>>
      tpu.wait_dma2 semaphore(%run_scoped3A_898 : memref<!tpu.dma_semaphore, #tpu.memory_space<semaphore_mem>>) src(%dma_wait3A_914 : memref<50x40xi32, #tpu.memory_space<hbm>>) dst(%arg7 : memref<50x40xi32, #tpu.memory_space<vmem>>)
      tpu.yield
    }) : () -> ()
    %run_scoped3A_534 = arith.constant 3 : i32
    "tpu.region"() ({
      %run_scoped3A_898 = tpu.sem_alloc : memref<!tpu.dma_semaphore, #tpu.memory_space<semaphore_mem>>
      %dma_start3A_899 = arith.constant 0 : i32
      %dma_start3A_900 = arith.constant 0 : i32
      %dma_start3A_901 = tpu.memref_slice %arg4[%add3A, %run_scoped3A_534, %dma_start3A_899, %dma_start3A_900] : memref<32x5x50x40xi32, #tpu.memory_space<hbm>> -> memref<1x1x50x40xi32, #tpu.memory_space<hbm>>
      %dma_start3A_902 = tpu.memref_squeeze %dma_start3A_901 : memref<1x1x50x40xi32, #tpu.memory_space<hbm>> -> memref<50x40xi32, #tpu.memory_space<hbm>>
      %dma_start3A_903 = arith.constant 0 : i32
      %dma_start3A_904 = arith.constant 0 : i32
      %dma_start3A_905 = tpu.memref_slice %arg4[%add3A, %run_scoped3A_534, %dma_start3A_903, %dma_start3A_904] : memref<32x5x50x40xi32, #tpu.memory_space<hbm>> -> memref<1x1x50x40xi32, #tpu.memory_space<hbm>>
      %dma_start3A_906 = tpu.memref_squeeze %dma_start3A_905 : memref<1x1x50x40xi32, #tpu.memory_space<hbm>> -> memref<50x40xi32, #tpu.memory_space<hbm>>
      tpu.enqueue_dma source(%dma_start3A_906 : memref<50x40xi32, #tpu.memory_space<hbm>>) target(%arg8 : memref<50x40xi32, #tpu.memory_space<vmem>>) target_semaphore(%run_scoped3A_898 : memref<!tpu.dma_semaphore, #tpu.memory_space<semaphore_mem>>)
      %dma_wait3A_907 = arith.constant 0 : i32
      %dma_wait3A_908 = arith.constant 0 : i32
      %dma_wait3A_909 = tpu.memref_slice %arg4[%add3A, %run_scoped3A_534, %dma_wait3A_907, %dma_wait3A_908] : memref<32x5x50x40xi32, #tpu.memory_space<hbm>> -> memref<1x1x50x40xi32, #tpu.memory_space<hbm>>
      %dma_wait3A_910 = tpu.memref_squeeze %dma_wait3A_909 : memref<1x1x50x40xi32, #tpu.memory_space<hbm>> -> memref<50x40xi32, #tpu.memory_space<hbm>>
      %dma_wait3A_911 = arith.constant 0 : i32
      %dma_wait3A_912 = arith.constant 0 : i32
      %dma_wait3A_913 = tpu.memref_slice %arg4[%add3A, %run_scoped3A_534, %dma_wait3A_911, %dma_wait3A_912] : memref<32x5x50x40xi32, #tpu.memory_space<hbm>> -> memref<1x1x50x40xi32, #tpu.memory_space<hbm>>
      %dma_wait3A_914 = tpu.memref_squeeze %dma_wait3A_913 : memref<1x1x50x40xi32, #tpu.memory_space<hbm>> -> memref<50x40xi32, #tpu.memory_space<hbm>>
      tpu.wait_dma2 semaphore(%run_scoped3A_898 : memref<!tpu.dma_semaphore, #tpu.memory_space<semaphore_mem>>) src(%dma_wait3A_914 : memref<50x40xi32, #tpu.memory_space<hbm>>) dst(%arg8 : memref<50x40xi32, #tpu.memory_space<vmem>>)
      tpu.yield
    }) : () -> ()
    %dma_start3A_535 = arith.constant 0 : i32
    %dma_start3A_536 = arith.constant 0 : i32
    %dma_start3A_537 = tpu.memref_slice %arg7[%dma_start3A_535, %dma_start3A_536] : memref<50x40xi32, #tpu.memory_space<vmem>> -> memref<1x40xi32, #tpu.memory_space<vmem>>
    %dma_start3A_538 = tpu.memref_squeeze %dma_start3A_537 : memref<1x40xi32, #tpu.memory_space<vmem>> -> memref<40xi32, #tpu.memory_space<vmem>>
    %dma_start3A_539 = arith.constant 0 : i32
    %dma_start3A_540 = arith.constant 0 : i32
    %dma_start3A_541 = tpu.memref_slice %arg2[%dma_start3A_539, %dma_start3A_540] : memref<10000x128xf32, #tpu.memory_space<hbm>> -> memref<10000x128xf32, #tpu.memory_space<hbm>>
    tpu.enqueue_indirect_dma source(%dma_start3A_541 : memref<10000x128xf32, #tpu.memory_space<hbm>>) target(%arg9 : memref<40x128xf32, #tpu.memory_space<vmem>>) offsets(%dma_start3A_538 : memref<40xi32, #tpu.memory_space<vmem>>) semaphore(%arg14 : memref<!tpu.dma_semaphore, #tpu.memory_space<semaphore_mem>>)
    %dma_start3A_542 = arith.constant 1 : i32
    %dma_start3A_543 = arith.constant 0 : i32
    %dma_start3A_544 = tpu.memref_slice %arg7[%dma_start3A_542, %dma_start3A_543] : memref<50x40xi32, #tpu.memory_space<vmem>> -> memref<1x40xi32, #tpu.memory_space<vmem>>
    %dma_start3A_545 = tpu.memref_squeeze %dma_start3A_544 : memref<1x40xi32, #tpu.memory_space<vmem>> -> memref<40xi32, #tpu.memory_space<vmem>>
    %dma_start3A_546 = arith.constant 0 : i32
    %dma_start3A_547 = arith.constant 0 : i32
    %dma_start3A_548 = tpu.memref_slice %arg2[%dma_start3A_546, %dma_start3A_547] : memref<10000x128xf32, #tpu.memory_space<hbm>> -> memref<10000x128xf32, #tpu.memory_space<hbm>>
    tpu.enqueue_indirect_dma source(%dma_start3A_548 : memref<10000x128xf32, #tpu.memory_space<hbm>>) target(%arg10 : memref<40x128xf32, #tpu.memory_space<vmem>>) offsets(%dma_start3A_545 : memref<40xi32, #tpu.memory_space<vmem>>) semaphore(%arg15 : memref<!tpu.dma_semaphore, #tpu.memory_space<semaphore_mem>>)
    %dma_start3A_549 = arith.constant 2 : i32
    %dma_start3A_550 = arith.constant 0 : i32
    %dma_start3A_551 = tpu.memref_slice %arg7[%dma_start3A_549, %dma_start3A_550] : memref<50x40xi32, #tpu.memory_space<vmem>> -> memref<1x40xi32, #tpu.memory_space<vmem>>
    %dma_start3A_552 = tpu.memref_squeeze %dma_start3A_551 : memref<1x40xi32, #tpu.memory_space<vmem>> -> memref<40xi32, #tpu.memory_space<vmem>>
    %dma_start3A_553 = arith.constant 0 : i32
    %dma_start3A_554 = arith.constant 0 : i32
    %dma_start3A_555 = tpu.memref_slice %arg2[%dma_start3A_553, %dma_start3A_554] : memref<10000x128xf32, #tpu.memory_space<hbm>> -> memref<10000x128xf32, #tpu.memory_space<hbm>>
    tpu.enqueue_indirect_dma source(%dma_start3A_555 : memref<10000x128xf32, #tpu.memory_space<hbm>>) target(%arg11 : memref<40x128xf32, #tpu.memory_space<vmem>>) offsets(%dma_start3A_552 : memref<40xi32, #tpu.memory_space<vmem>>) semaphore(%arg16 : memref<!tpu.dma_semaphore, #tpu.memory_space<semaphore_mem>>)
    %dma_start3A_556 = arith.constant 3 : i32
    %dma_start3A_557 = arith.constant 0 : i32
    %dma_start3A_558 = tpu.memref_slice %arg7[%dma_start3A_556, %dma_start3A_557] : memref<50x40xi32, #tpu.memory_space<vmem>> -> memref<1x40xi32, #tpu.memory_space<vmem>>
    %dma_start3A_559 = tpu.memref_squeeze %dma_start3A_558 : memref<1x40xi32, #tpu.memory_space<vmem>> -> memref<40xi32, #tpu.memory_space<vmem>>
    %dma_start3A_560 = arith.constant 0 : i32
    %dma_start3A_561 = arith.constant 0 : i32
    %dma_start3A_562 = tpu.memref_slice %arg2[%dma_start3A_560, %dma_start3A_561] : memref<10000x128xf32, #tpu.memory_space<hbm>> -> memref<10000x128xf32, #tpu.memory_space<hbm>>
    tpu.enqueue_indirect_dma source(%dma_start3A_562 : memref<10000x128xf32, #tpu.memory_space<hbm>>) target(%arg12 : memref<40x128xf32, #tpu.memory_space<vmem>>) offsets(%dma_start3A_559 : memref<40xi32, #tpu.memory_space<vmem>>) semaphore(%arg17 : memref<!tpu.dma_semaphore, #tpu.memory_space<semaphore_mem>>)
    %scan3A_563 = arith.constant 0 : i32
    %scan3A_564 = arith.constant 11 : i32
    %scan3A_565 = arith.addi %scan3A_563, %scan3A_564 : i32
    %scan3A_566 = arith.constant 1 : i32
    scf.for %scan3A_898 = %scan3A_563 to %scan3A_565 step %scan3A_566  : i32 {
      %mul3A_899 = arith.constant 1 : i32
      %mul3A_900 = arith.muli %scan3A_898, %mul3A_899 : i32
      %add3A_901 = arith.constant 0 : i32
      %add3A_902 = arith.addi %add3A_901, %mul3A_900 : i32
      %dma_wait3A_903 = arith.constant 0 : i32
      %dma_wait3A_904 = arith.constant 0 : i32
      %dma_wait3A_905 = tpu.memref_slice %arg7[%dma_wait3A_903, %dma_wait3A_904] : memref<50x40xi32, #tpu.memory_space<vmem>> -> memref<1x40xi32, #tpu.memory_space<vmem>>
      %dma_wait3A_906 = tpu.memref_squeeze %dma_wait3A_905 : memref<1x40xi32, #tpu.memory_space<vmem>> -> memref<40xi32, #tpu.memory_space<vmem>>
      %dma_wait3A_907 = arith.constant 0 : i32
      %dma_wait3A_908 = arith.constant 0 : i32
      %dma_wait3A_909 = tpu.memref_slice %arg2[%dma_wait3A_907, %dma_wait3A_908] : memref<10000x128xf32, #tpu.memory_space<hbm>> -> memref<10000x128xf32, #tpu.memory_space<hbm>>
      tpu.wait_indirect_dma semaphore(%arg14 : memref<!tpu.dma_semaphore, #tpu.memory_space<semaphore_mem>>) src(%dma_wait3A_909 : memref<10000x128xf32, #tpu.memory_space<hbm>>) dst(%arg9 : memref<40x128xf32, #tpu.memory_space<vmem>>)
      %mul3A_910 = arith.constant 4 : i32
      %mul3A_911 = arith.muli %mul3A_910, %add3A_902 : i32
      %add3A_912 = arith.constant 0 : i32
      %add3A_913 = arith.addi %mul3A_911, %add3A_912 : i32
      %dma_start3A_914 = arith.constant 0 : i32
      %dma_start3A_915 = tpu.memref_slice %arg8[%add3A_913, %dma_start3A_914] : memref<50x40xi32, #tpu.memory_space<vmem>> -> memref<1x40xi32, #tpu.memory_space<vmem>>
      %dma_start3A_916 = tpu.memref_squeeze %dma_start3A_915 : memref<1x40xi32, #tpu.memory_space<vmem>> -> memref<40xi32, #tpu.memory_space<vmem>>
      %dma_start3A_917 = arith.constant 0 : i32
      %dma_start3A_918 = arith.constant 0 : i32
      %dma_start3A_919 = tpu.memref_slice %arg13[%dma_start3A_917, %dma_start3A_918] : memref<10000x128xf32, #tpu.memory_space<vmem_shared>> -> memref<10000x128xf32, #tpu.memory_space<vmem_shared>>
      tpu.enqueue_indirect_dma source(%arg9 : memref<40x128xf32, #tpu.memory_space<vmem>>) target(%dma_start3A_919 : memref<10000x128xf32, #tpu.memory_space<vmem_shared>>) offsets(%dma_start3A_916 : memref<40xi32, #tpu.memory_space<vmem>>) semaphore(%arg18 : memref<!tpu.dma_semaphore, #tpu.memory_space<semaphore_mem>>) {add = true}
      %dma_wait3A_920 = arith.constant 0 : i32
      %dma_wait3A_921 = arith.constant 0 : i32
      %dma_wait3A_922 = tpu.memref_slice %arg7[%dma_wait3A_920, %dma_wait3A_921] : memref<50x40xi32, #tpu.memory_space<vmem>> -> memref<1x40xi32, #tpu.memory_space<vmem>>
      %dma_wait3A_923 = tpu.memref_squeeze %dma_wait3A_922 : memref<1x40xi32, #tpu.memory_space<vmem>> -> memref<40xi32, #tpu.memory_space<vmem>>
      %dma_wait3A_924 = arith.constant 0 : i32
      %dma_wait3A_925 = arith.constant 0 : i32
      %dma_wait3A_926 = tpu.memref_slice %arg2[%dma_wait3A_924, %dma_wait3A_925] : memref<10000x128xf32, #tpu.memory_space<hbm>> -> memref<10000x128xf32, #tpu.memory_space<hbm>>
      tpu.wait_indirect_dma semaphore(%arg15 : memref<!tpu.dma_semaphore, #tpu.memory_space<semaphore_mem>>) src(%dma_wait3A_926 : memref<10000x128xf32, #tpu.memory_space<hbm>>) dst(%arg10 : memref<40x128xf32, #tpu.memory_space<vmem>>)
      %mul3A_927 = arith.constant 4 : i32
      %mul3A_928 = arith.muli %mul3A_927, %add3A_902 : i32
      %add3A_929 = arith.constant 1 : i32
      %add3A_930 = arith.addi %mul3A_928, %add3A_929 : i32
      %dma_start3A_931 = arith.constant 0 : i32
      %dma_start3A_932 = tpu.memref_slice %arg8[%add3A_930, %dma_start3A_931] : memref<50x40xi32, #tpu.memory_space<vmem>> -> memref<1x40xi32, #tpu.memory_space<vmem>>
      %dma_start3A_933 = tpu.memref_squeeze %dma_start3A_932 : memref<1x40xi32, #tpu.memory_space<vmem>> -> memref<40xi32, #tpu.memory_space<vmem>>
      %dma_start3A_934 = arith.constant 0 : i32
      %dma_start3A_935 = arith.constant 0 : i32
      %dma_start3A_936 = tpu.memref_slice %arg13[%dma_start3A_934, %dma_start3A_935] : memref<10000x128xf32, #tpu.memory_space<vmem_shared>> -> memref<10000x128xf32, #tpu.memory_space<vmem_shared>>
      tpu.enqueue_indirect_dma source(%arg10 : memref<40x128xf32, #tpu.memory_space<vmem>>) target(%dma_start3A_936 : memref<10000x128xf32, #tpu.memory_space<vmem_shared>>) offsets(%dma_start3A_933 : memref<40xi32, #tpu.memory_space<vmem>>) semaphore(%arg19 : memref<!tpu.dma_semaphore, #tpu.memory_space<semaphore_mem>>) {add = true}
      %dma_wait3A_937 = arith.constant 0 : i32
      %dma_wait3A_938 = arith.constant 0 : i32
      %dma_wait3A_939 = tpu.memref_slice %arg7[%dma_wait3A_937, %dma_wait3A_938] : memref<50x40xi32, #tpu.memory_space<vmem>> -> memref<1x40xi32, #tpu.memory_space<vmem>>
      %dma_wait3A_940 = tpu.memref_squeeze %dma_wait3A_939 : memref<1x40xi32, #tpu.memory_space<vmem>> -> memref<40xi32, #tpu.memory_space<vmem>>
      %dma_wait3A_941 = arith.constant 0 : i32
      %dma_wait3A_942 = arith.constant 0 : i32
      %dma_wait3A_943 = tpu.memref_slice %arg2[%dma_wait3A_941, %dma_wait3A_942] : memref<10000x128xf32, #tpu.memory_space<hbm>> -> memref<10000x128xf32, #tpu.memory_space<hbm>>
      tpu.wait_indirect_dma semaphore(%arg16 : memref<!tpu.dma_semaphore, #tpu.memory_space<semaphore_mem>>) src(%dma_wait3A_943 : memref<10000x128xf32, #tpu.memory_space<hbm>>) dst(%arg11 : memref<40x128xf32, #tpu.memory_space<vmem>>)
      %mul3A_944 = arith.constant 4 : i32
      %mul3A_945 = arith.muli %mul3A_944, %add3A_902 : i32
      %add3A_946 = arith.constant 2 : i32
      %add3A_947 = arith.addi %mul3A_945, %add3A_946 : i32
      %dma_start3A_948 = arith.constant 0 : i32
      %dma_start3A_949 = tpu.memref_slice %arg8[%add3A_947, %dma_start3A_948] : memref<50x40xi32, #tpu.memory_space<vmem>> -> memref<1x40xi32, #tpu.memory_space<vmem>>
      %dma_start3A_950 = tpu.memref_squeeze %dma_start3A_949 : memref<1x40xi32, #tpu.memory_space<vmem>> -> memref<40xi32, #tpu.memory_space<vmem>>
      %dma_start3A_951 = arith.constant 0 : i32
      %dma_start3A_952 = arith.constant 0 : i32
      %dma_start3A_953 = tpu.memref_slice %arg13[%dma_start3A_951, %dma_start3A_952] : memref<10000x128xf32, #tpu.memory_space<vmem_shared>> -> memref<10000x128xf32, #tpu.memory_space<vmem_shared>>
      tpu.enqueue_indirect_dma source(%arg11 : memref<40x128xf32, #tpu.memory_space<vmem>>) target(%dma_start3A_953 : memref<10000x128xf32, #tpu.memory_space<vmem_shared>>) offsets(%dma_start3A_950 : memref<40xi32, #tpu.memory_space<vmem>>) semaphore(%arg20 : memref<!tpu.dma_semaphore, #tpu.memory_space<semaphore_mem>>) {add = true}
      %dma_wait3A_954 = arith.constant 0 : i32
      %dma_wait3A_955 = arith.constant 0 : i32
      %dma_wait3A_956 = tpu.memref_slice %arg7[%dma_wait3A_954, %dma_wait3A_955] : memref<50x40xi32, #tpu.memory_space<vmem>> -> memref<1x40xi32, #tpu.memory_space<vmem>>
      %dma_wait3A_957 = tpu.memref_squeeze %dma_wait3A_956 : memref<1x40xi32, #tpu.memory_space<vmem>> -> memref<40xi32, #tpu.memory_space<vmem>>
      %dma_wait3A_958 = arith.constant 0 : i32
      %dma_wait3A_959 = arith.constant 0 : i32
      %dma_wait3A_960 = tpu.memref_slice %arg2[%dma_wait3A_958, %dma_wait3A_959] : memref<10000x128xf32, #tpu.memory_space<hbm>> -> memref<10000x128xf32, #tpu.memory_space<hbm>>
      tpu.wait_indirect_dma semaphore(%arg17 : memref<!tpu.dma_semaphore, #tpu.memory_space<semaphore_mem>>) src(%dma_wait3A_960 : memref<10000x128xf32, #tpu.memory_space<hbm>>) dst(%arg12 : memref<40x128xf32, #tpu.memory_space<vmem>>)
      %mul3A_961 = arith.constant 4 : i32
      %mul3A_962 = arith.muli %mul3A_961, %add3A_902 : i32
      %add3A_963 = arith.constant 3 : i32
      %add3A_964 = arith.addi %mul3A_962, %add3A_963 : i32
      %dma_start3A_965 = arith.constant 0 : i32
      %dma_start3A_966 = tpu.memref_slice %arg8[%add3A_964, %dma_start3A_965] : memref<50x40xi32, #tpu.memory_space<vmem>> -> memref<1x40xi32, #tpu.memory_space<vmem>>
      %dma_start3A_967 = tpu.memref_squeeze %dma_start3A_966 : memref<1x40xi32, #tpu.memory_space<vmem>> -> memref<40xi32, #tpu.memory_space<vmem>>
      %dma_start3A_968 = arith.constant 0 : i32
      %dma_start3A_969 = arith.constant 0 : i32
      %dma_start3A_970 = tpu.memref_slice %arg13[%dma_start3A_968, %dma_start3A_969] : memref<10000x128xf32, #tpu.memory_space<vmem_shared>> -> memref<10000x128xf32, #tpu.memory_space<vmem_shared>>
      tpu.enqueue_indirect_dma source(%arg12 : memref<40x128xf32, #tpu.memory_space<vmem>>) target(%dma_start3A_970 : memref<10000x128xf32, #tpu.memory_space<vmem_shared>>) offsets(%dma_start3A_967 : memref<40xi32, #tpu.memory_space<vmem>>) semaphore(%arg21 : memref<!tpu.dma_semaphore, #tpu.memory_space<semaphore_mem>>) {add = true}
      %dma_wait3A_971 = arith.constant 0 : i32
      %dma_wait3A_972 = arith.constant 0 : i32
      %dma_wait3A_973 = tpu.memref_slice %arg8[%dma_wait3A_971, %dma_wait3A_972] : memref<50x40xi32, #tpu.memory_space<vmem>> -> memref<1x40xi32, #tpu.memory_space<vmem>>
      %dma_wait3A_974 = tpu.memref_squeeze %dma_wait3A_973 : memref<1x40xi32, #tpu.memory_space<vmem>> -> memref<40xi32, #tpu.memory_space<vmem>>
      %dma_wait3A_975 = arith.constant 0 : i32
      %dma_wait3A_976 = arith.constant 0 : i32
      %dma_wait3A_977 = tpu.memref_slice %arg13[%dma_wait3A_975, %dma_wait3A_976] : memref<10000x128xf32, #tpu.memory_space<vmem_shared>> -> memref<10000x128xf32, #tpu.memory_space<vmem_shared>>
      tpu.wait_indirect_dma semaphore(%arg18 : memref<!tpu.dma_semaphore, #tpu.memory_space<semaphore_mem>>) src(%arg9 : memref<40x128xf32, #tpu.memory_space<vmem>>) dst(%dma_wait3A_977 : memref<10000x128xf32, #tpu.memory_space<vmem_shared>>)
      %mul3A_978 = arith.constant 4 : i32
      %mul3A_979 = arith.muli %mul3A_978, %add3A_902 : i32
      %add3A_980 = arith.constant 4 : i32
      %add3A_981 = arith.addi %mul3A_979, %add3A_980 : i32
      %add3A_982 = arith.constant 0 : i32
      %add3A_983 = arith.addi %add3A_981, %add3A_982 : i32
      %dma_start3A_984 = arith.constant 0 : i32
      %dma_start3A_985 = tpu.memref_slice %arg7[%add3A_983, %dma_start3A_984] : memref<50x40xi32, #tpu.memory_space<vmem>> -> memref<1x40xi32, #tpu.memory_space<vmem>>
      %dma_start3A_986 = tpu.memref_squeeze %dma_start3A_985 : memref<1x40xi32, #tpu.memory_space<vmem>> -> memref<40xi32, #tpu.memory_space<vmem>>
      %dma_start3A_987 = arith.constant 0 : i32
      %dma_start3A_988 = arith.constant 0 : i32
      %dma_start3A_989 = tpu.memref_slice %arg2[%dma_start3A_987, %dma_start3A_988] : memref<10000x128xf32, #tpu.memory_space<hbm>> -> memref<10000x128xf32, #tpu.memory_space<hbm>>
      tpu.enqueue_indirect_dma source(%dma_start3A_989 : memref<10000x128xf32, #tpu.memory_space<hbm>>) target(%arg9 : memref<40x128xf32, #tpu.memory_space<vmem>>) offsets(%dma_start3A_986 : memref<40xi32, #tpu.memory_space<vmem>>) semaphore(%arg14 : memref<!tpu.dma_semaphore, #tpu.memory_space<semaphore_mem>>)
      %dma_wait3A_990 = arith.constant 0 : i32
      %dma_wait3A_991 = arith.constant 0 : i32
      %dma_wait3A_992 = tpu.memref_slice %arg8[%dma_wait3A_990, %dma_wait3A_991] : memref<50x40xi32, #tpu.memory_space<vmem>> -> memref<1x40xi32, #tpu.memory_space<vmem>>
      %dma_wait3A_993 = tpu.memref_squeeze %dma_wait3A_992 : memref<1x40xi32, #tpu.memory_space<vmem>> -> memref<40xi32, #tpu.memory_space<vmem>>
      %dma_wait3A_994 = arith.constant 0 : i32
      %dma_wait3A_995 = arith.constant 0 : i32
      %dma_wait3A_996 = tpu.memref_slice %arg13[%dma_wait3A_994, %dma_wait3A_995] : memref<10000x128xf32, #tpu.memory_space<vmem_shared>> -> memref<10000x128xf32, #tpu.memory_space<vmem_shared>>
      tpu.wait_indirect_dma semaphore(%arg19 : memref<!tpu.dma_semaphore, #tpu.memory_space<semaphore_mem>>) src(%arg10 : memref<40x128xf32, #tpu.memory_space<vmem>>) dst(%dma_wait3A_996 : memref<10000x128xf32, #tpu.memory_space<vmem_shared>>)
      %mul3A_997 = arith.constant 4 : i32
      %mul3A_998 = arith.muli %mul3A_997, %add3A_902 : i32
      %add3A_999 = arith.constant 4 : i32
      %add3A_1000 = arith.addi %mul3A_998, %add3A_999 : i32
      %add3A_1001 = arith.constant 1 : i32
      %add3A_1002 = arith.addi %add3A_1000, %add3A_1001 : i32
      %dma_start3A_1003 = arith.constant 0 : i32
      %dma_start3A_1004 = tpu.memref_slice %arg7[%add3A_1002, %dma_start3A_1003] : memref<50x40xi32, #tpu.memory_space<vmem>> -> memref<1x40xi32, #tpu.memory_space<vmem>>
      %dma_start3A_1005 = tpu.memref_squeeze %dma_start3A_1004 : memref<1x40xi32, #tpu.memory_space<vmem>> -> memref<40xi32, #tpu.memory_space<vmem>>
      %dma_start3A_1006 = arith.constant 0 : i32
      %dma_start3A_1007 = arith.constant 0 : i32
      %dma_start3A_1008 = tpu.memref_slice %arg2[%dma_start3A_1006, %dma_start3A_1007] : memref<10000x128xf32, #tpu.memory_space<hbm>> -> memref<10000x128xf32, #tpu.memory_space<hbm>>
      tpu.enqueue_indirect_dma source(%dma_start3A_1008 : memref<10000x128xf32, #tpu.memory_space<hbm>>) target(%arg10 : memref<40x128xf32, #tpu.memory_space<vmem>>) offsets(%dma_start3A_1005 : memref<40xi32, #tpu.memory_space<vmem>>) semaphore(%arg15 : memref<!tpu.dma_semaphore, #tpu.memory_space<semaphore_mem>>)
      %dma_wait3A_1009 = arith.constant 0 : i32
      %dma_wait3A_1010 = arith.constant 0 : i32
      %dma_wait3A_1011 = tpu.memref_slice %arg8[%dma_wait3A_1009, %dma_wait3A_1010] : memref<50x40xi32, #tpu.memory_space<vmem>> -> memref<1x40xi32, #tpu.memory_space<vmem>>
      %dma_wait3A_1012 = tpu.memref_squeeze %dma_wait3A_1011 : memref<1x40xi32, #tpu.memory_space<vmem>> -> memref<40xi32, #tpu.memory_space<vmem>>
      %dma_wait3A_1013 = arith.constant 0 : i32
      %dma_wait3A_1014 = arith.constant 0 : i32
      %dma_wait3A_1015 = tpu.memref_slice %arg13[%dma_wait3A_1013, %dma_wait3A_1014] : memref<10000x128xf32, #tpu.memory_space<vmem_shared>> -> memref<10000x128xf32, #tpu.memory_space<vmem_shared>>
      tpu.wait_indirect_dma semaphore(%arg20 : memref<!tpu.dma_semaphore, #tpu.memory_space<semaphore_mem>>) src(%arg11 : memref<40x128xf32, #tpu.memory_space<vmem>>) dst(%dma_wait3A_1015 : memref<10000x128xf32, #tpu.memory_space<vmem_shared>>)
      %mul3A_1016 = arith.constant 4 : i32
      %mul3A_1017 = arith.muli %mul3A_1016, %add3A_902 : i32
      %add3A_1018 = arith.constant 4 : i32
      %add3A_1019 = arith.addi %mul3A_1017, %add3A_1018 : i32
      %add3A_1020 = arith.constant 2 : i32
      %add3A_1021 = arith.addi %add3A_1019, %add3A_1020 : i32
      %dma_start3A_1022 = arith.constant 0 : i32
      %dma_start3A_1023 = tpu.memref_slice %arg7[%add3A_1021, %dma_start3A_1022] : memref<50x40xi32, #tpu.memory_space<vmem>> -> memref<1x40xi32, #tpu.memory_space<vmem>>
      %dma_start3A_1024 = tpu.memref_squeeze %dma_start3A_1023 : memref<1x40xi32, #tpu.memory_space<vmem>> -> memref<40xi32, #tpu.memory_space<vmem>>
      %dma_start3A_1025 = arith.constant 0 : i32
      %dma_start3A_1026 = arith.constant 0 : i32
      %dma_start3A_1027 = tpu.memref_slice %arg2[%dma_start3A_1025, %dma_start3A_1026] : memref<10000x128xf32, #tpu.memory_space<hbm>> -> memref<10000x128xf32, #tpu.memory_space<hbm>>
      tpu.enqueue_indirect_dma source(%dma_start3A_1027 : memref<10000x128xf32, #tpu.memory_space<hbm>>) target(%arg11 : memref<40x128xf32, #tpu.memory_space<vmem>>) offsets(%dma_start3A_1024 : memref<40xi32, #tpu.memory_space<vmem>>) semaphore(%arg16 : memref<!tpu.dma_semaphore, #tpu.memory_space<semaphore_mem>>)
      %dma_wait3A_1028 = arith.constant 0 : i32
      %dma_wait3A_1029 = arith.constant 0 : i32
      %dma_wait3A_1030 = tpu.memref_slice %arg8[%dma_wait3A_1028, %dma_wait3A_1029] : memref<50x40xi32, #tpu.memory_space<vmem>> -> memref<1x40xi32, #tpu.memory_space<vmem>>
      %dma_wait3A_1031 = tpu.memref_squeeze %dma_wait3A_1030 : memref<1x40xi32, #tpu.memory_space<vmem>> -> memref<40xi32, #tpu.memory_space<vmem>>
      %dma_wait3A_1032 = arith.constant 0 : i32
      %dma_wait3A_1033 = arith.constant 0 : i32
      %dma_wait3A_1034 = tpu.memref_slice %arg13[%dma_wait3A_1032, %dma_wait3A_1033] : memref<10000x128xf32, #tpu.memory_space<vmem_shared>> -> memref<10000x128xf32, #tpu.memory_space<vmem_shared>>
      tpu.wait_indirect_dma semaphore(%arg21 : memref<!tpu.dma_semaphore, #tpu.memory_space<semaphore_mem>>) src(%arg12 : memref<40x128xf32, #tpu.memory_space<vmem>>) dst(%dma_wait3A_1034 : memref<10000x128xf32, #tpu.memory_space<vmem_shared>>)
      %mul3A_1035 = arith.constant 4 : i32
      %mul3A_1036 = arith.muli %mul3A_1035, %add3A_902 : i32
      %add3A_1037 = arith.constant 4 : i32
      %add3A_1038 = arith.addi %mul3A_1036, %add3A_1037 : i32
      %add3A_1039 = arith.constant 3 : i32
      %add3A_1040 = arith.addi %add3A_1038, %add3A_1039 : i32
      %dma_start3A_1041 = arith.constant 0 : i32
      %dma_start3A_1042 = tpu.memref_slice %arg7[%add3A_1040, %dma_start3A_1041] : memref<50x40xi32, #tpu.memory_space<vmem>> -> memref<1x40xi32, #tpu.memory_space<vmem>>
      %dma_start3A_1043 = tpu.memref_squeeze %dma_start3A_1042 : memref<1x40xi32, #tpu.memory_space<vmem>> -> memref<40xi32, #tpu.memory_space<vmem>>
      %dma_start3A_1044 = arith.constant 0 : i32
      %dma_start3A_1045 = arith.constant 0 : i32
      %dma_start3A_1046 = tpu.memref_slice %arg2[%dma_start3A_1044, %dma_start3A_1045] : memref<10000x128xf32, #tpu.memory_space<hbm>> -> memref<10000x128xf32, #tpu.memory_space<hbm>>
      tpu.enqueue_indirect_dma source(%dma_start3A_1046 : memref<10000x128xf32, #tpu.memory_space<hbm>>) target(%arg12 : memref<40x128xf32, #tpu.memory_space<vmem>>) offsets(%dma_start3A_1043 : memref<40xi32, #tpu.memory_space<vmem>>) semaphore(%arg17 : memref<!tpu.dma_semaphore, #tpu.memory_space<semaphore_mem>>)
    }
    %scan3A_567 = arith.constant 11 : i32
    %dma_wait3A_568 = arith.constant 0 : i32
    %dma_wait3A_569 = arith.constant 0 : i32
    %dma_wait3A_570 = tpu.memref_slice %arg7[%dma_wait3A_568, %dma_wait3A_569] : memref<50x40xi32, #tpu.memory_space<vmem>> -> memref<1x40xi32, #tpu.memory_space<vmem>>
    %dma_wait3A_571 = tpu.memref_squeeze %dma_wait3A_570 : memref<1x40xi32, #tpu.memory_space<vmem>> -> memref<40xi32, #tpu.memory_space<vmem>>
    %dma_wait3A_572 = arith.constant 0 : i32
    %dma_wait3A_573 = arith.constant 0 : i32
    %dma_wait3A_574 = tpu.memref_slice %arg2[%dma_wait3A_572, %dma_wait3A_573] : memref<10000x128xf32, #tpu.memory_space<hbm>> -> memref<10000x128xf32, #tpu.memory_space<hbm>>
    tpu.wait_indirect_dma semaphore(%arg14 : memref<!tpu.dma_semaphore, #tpu.memory_space<semaphore_mem>>) src(%dma_wait3A_574 : memref<10000x128xf32, #tpu.memory_space<hbm>>) dst(%arg9 : memref<40x128xf32, #tpu.memory_space<vmem>>)
    %dma_start3A_575 = arith.constant 44 : i32
    %dma_start3A_576 = arith.constant 0 : i32
    %dma_start3A_577 = tpu.memref_slice %arg8[%dma_start3A_575, %dma_start3A_576] : memref<50x40xi32, #tpu.memory_space<vmem>> -> memref<1x40xi32, #tpu.memory_space<vmem>>
    %dma_start3A_578 = tpu.memref_squeeze %dma_start3A_577 : memref<1x40xi32, #tpu.memory_space<vmem>> -> memref<40xi32, #tpu.memory_space<vmem>>
    %dma_start3A_579 = arith.constant 0 : i32
    %dma_start3A_580 = arith.constant 0 : i32
    %dma_start3A_581 = tpu.memref_slice %arg13[%dma_start3A_579, %dma_start3A_580] : memref<10000x128xf32, #tpu.memory_space<vmem_shared>> -> memref<10000x128xf32, #tpu.memory_space<vmem_shared>>
    tpu.enqueue_indirect_dma source(%arg9 : memref<40x128xf32, #tpu.memory_space<vmem>>) target(%dma_start3A_581 : memref<10000x128xf32, #tpu.memory_space<vmem_shared>>) offsets(%dma_start3A_578 : memref<40xi32, #tpu.memory_space<vmem>>) semaphore(%arg18 : memref<!tpu.dma_semaphore, #tpu.memory_space<semaphore_mem>>) {add = true}
    %dma_wait3A_582 = arith.constant 0 : i32
    %dma_wait3A_583 = arith.constant 0 : i32
    %dma_wait3A_584 = tpu.memref_slice %arg7[%dma_wait3A_582, %dma_wait3A_583] : memref<50x40xi32, #tpu.memory_space<vmem>> -> memref<1x40xi32, #tpu.memory_space<vmem>>
    %dma_wait3A_585 = tpu.memref_squeeze %dma_wait3A_584 : memref<1x40xi32, #tpu.memory_space<vmem>> -> memref<40xi32, #tpu.memory_space<vmem>>
    %dma_wait3A_586 = arith.constant 0 : i32
    %dma_wait3A_587 = arith.constant 0 : i32
    %dma_wait3A_588 = tpu.memref_slice %arg2[%dma_wait3A_586, %dma_wait3A_587] : memref<10000x128xf32, #tpu.memory_space<hbm>> -> memref<10000x128xf32, #tpu.memory_space<hbm>>
    tpu.wait_indirect_dma semaphore(%arg15 : memref<!tpu.dma_semaphore, #tpu.memory_space<semaphore_mem>>) src(%dma_wait3A_588 : memref<10000x128xf32, #tpu.memory_space<hbm>>) dst(%arg10 : memref<40x128xf32, #tpu.memory_space<vmem>>)
    %dma_start3A_589 = arith.constant 45 : i32
    %dma_start3A_590 = arith.constant 0 : i32
    %dma_start3A_591 = tpu.memref_slice %arg8[%dma_start3A_589, %dma_start3A_590] : memref<50x40xi32, #tpu.memory_space<vmem>> -> memref<1x40xi32, #tpu.memory_space<vmem>>
    %dma_start3A_592 = tpu.memref_squeeze %dma_start3A_591 : memref<1x40xi32, #tpu.memory_space<vmem>> -> memref<40xi32, #tpu.memory_space<vmem>>
    %dma_start3A_593 = arith.constant 0 : i32
    %dma_start3A_594 = arith.constant 0 : i32
    %dma_start3A_595 = tpu.memref_slice %arg13[%dma_start3A_593, %dma_start3A_594] : memref<10000x128xf32, #tpu.memory_space<vmem_shared>> -> memref<10000x128xf32, #tpu.memory_space<vmem_shared>>
    tpu.enqueue_indirect_dma source(%arg10 : memref<40x128xf32, #tpu.memory_space<vmem>>) target(%dma_start3A_595 : memref<10000x128xf32, #tpu.memory_space<vmem_shared>>) offsets(%dma_start3A_592 : memref<40xi32, #tpu.memory_space<vmem>>) semaphore(%arg19 : memref<!tpu.dma_semaphore, #tpu.memory_space<semaphore_mem>>) {add = true}
    %dma_wait3A_596 = arith.constant 0 : i32
    %dma_wait3A_597 = arith.constant 0 : i32
    %dma_wait3A_598 = tpu.memref_slice %arg7[%dma_wait3A_596, %dma_wait3A_597] : memref<50x40xi32, #tpu.memory_space<vmem>> -> memref<1x40xi32, #tpu.memory_space<vmem>>
    %dma_wait3A_599 = tpu.memref_squeeze %dma_wait3A_598 : memref<1x40xi32, #tpu.memory_space<vmem>> -> memref<40xi32, #tpu.memory_space<vmem>>
    %dma_wait3A_600 = arith.constant 0 : i32
    %dma_wait3A_601 = arith.constant 0 : i32
    %dma_wait3A_602 = tpu.memref_slice %arg2[%dma_wait3A_600, %dma_wait3A_601] : memref<10000x128xf32, #tpu.memory_space<hbm>> -> memref<10000x128xf32, #tpu.memory_space<hbm>>
    tpu.wait_indirect_dma semaphore(%arg16 : memref<!tpu.dma_semaphore, #tpu.memory_space<semaphore_mem>>) src(%dma_wait3A_602 : memref<10000x128xf32, #tpu.memory_space<hbm>>) dst(%arg11 : memref<40x128xf32, #tpu.memory_space<vmem>>)
    %dma_start3A_603 = arith.constant 46 : i32
    %dma_start3A_604 = arith.constant 0 : i32
    %dma_start3A_605 = tpu.memref_slice %arg8[%dma_start3A_603, %dma_start3A_604] : memref<50x40xi32, #tpu.memory_space<vmem>> -> memref<1x40xi32, #tpu.memory_space<vmem>>
    %dma_start3A_606 = tpu.memref_squeeze %dma_start3A_605 : memref<1x40xi32, #tpu.memory_space<vmem>> -> memref<40xi32, #tpu.memory_space<vmem>>
    %dma_start3A_607 = arith.constant 0 : i32
    %dma_start3A_608 = arith.constant 0 : i32
    %dma_start3A_609 = tpu.memref_slice %arg13[%dma_start3A_607, %dma_start3A_608] : memref<10000x128xf32, #tpu.memory_space<vmem_shared>> -> memref<10000x128xf32, #tpu.memory_space<vmem_shared>>
    tpu.enqueue_indirect_dma source(%arg11 : memref<40x128xf32, #tpu.memory_space<vmem>>) target(%dma_start3A_609 : memref<10000x128xf32, #tpu.memory_space<vmem_shared>>) offsets(%dma_start3A_606 : memref<40xi32, #tpu.memory_space<vmem>>) semaphore(%arg20 : memref<!tpu.dma_semaphore, #tpu.memory_space<semaphore_mem>>) {add = true}
    %dma_wait3A_610 = arith.constant 0 : i32
    %dma_wait3A_611 = arith.constant 0 : i32
    %dma_wait3A_612 = tpu.memref_slice %arg7[%dma_wait3A_610, %dma_wait3A_611] : memref<50x40xi32, #tpu.memory_space<vmem>> -> memref<1x40xi32, #tpu.memory_space<vmem>>
    %dma_wait3A_613 = tpu.memref_squeeze %dma_wait3A_612 : memref<1x40xi32, #tpu.memory_space<vmem>> -> memref<40xi32, #tpu.memory_space<vmem>>
    %dma_wait3A_614 = arith.constant 0 : i32
    %dma_wait3A_615 = arith.constant 0 : i32
    %dma_wait3A_616 = tpu.memref_slice %arg2[%dma_wait3A_614, %dma_wait3A_615] : memref<10000x128xf32, #tpu.memory_space<hbm>> -> memref<10000x128xf32, #tpu.memory_space<hbm>>
    tpu.wait_indirect_dma semaphore(%arg17 : memref<!tpu.dma_semaphore, #tpu.memory_space<semaphore_mem>>) src(%dma_wait3A_616 : memref<10000x128xf32, #tpu.memory_space<hbm>>) dst(%arg12 : memref<40x128xf32, #tpu.memory_space<vmem>>)
    %dma_start3A_617 = arith.constant 47 : i32
    %dma_start3A_618 = arith.constant 0 : i32
    %dma_start3A_619 = tpu.memref_slice %arg8[%dma_start3A_617, %dma_start3A_618] : memref<50x40xi32, #tpu.memory_space<vmem>> -> memref<1x40xi32, #tpu.memory_space<vmem>>
    %dma_start3A_620 = tpu.memref_squeeze %dma_start3A_619 : memref<1x40xi32, #tpu.memory_space<vmem>> -> memref<40xi32, #tpu.memory_space<vmem>>
    %dma_start3A_621 = arith.constant 0 : i32
    %dma_start3A_622 = arith.constant 0 : i32
    %dma_start3A_623 = tpu.memref_slice %arg13[%dma_start3A_621, %dma_start3A_622] : memref<10000x128xf32, #tpu.memory_space<vmem_shared>> -> memref<10000x128xf32, #tpu.memory_space<vmem_shared>>
    tpu.enqueue_indirect_dma source(%arg12 : memref<40x128xf32, #tpu.memory_space<vmem>>) target(%dma_start3A_623 : memref<10000x128xf32, #tpu.memory_space<vmem_shared>>) offsets(%dma_start3A_620 : memref<40xi32, #tpu.memory_space<vmem>>) semaphore(%arg21 : memref<!tpu.dma_semaphore, #tpu.memory_space<semaphore_mem>>) {add = true}
    %dma_wait3A_624 = arith.constant 0 : i32
    %dma_wait3A_625 = arith.constant 0 : i32
    %dma_wait3A_626 = tpu.memref_slice %arg8[%dma_wait3A_624, %dma_wait3A_625] : memref<50x40xi32, #tpu.memory_space<vmem>> -> memref<1x40xi32, #tpu.memory_space<vmem>>
    %dma_wait3A_627 = tpu.memref_squeeze %dma_wait3A_626 : memref<1x40xi32, #tpu.memory_space<vmem>> -> memref<40xi32, #tpu.memory_space<vmem>>
    %dma_wait3A_628 = arith.constant 0 : i32
    %dma_wait3A_629 = arith.constant 0 : i32
    %dma_wait3A_630 = tpu.memref_slice %arg13[%dma_wait3A_628, %dma_wait3A_629] : memref<10000x128xf32, #tpu.memory_space<vmem_shared>> -> memref<10000x128xf32, #tpu.memory_space<vmem_shared>>
    tpu.wait_indirect_dma semaphore(%arg18 : memref<!tpu.dma_semaphore, #tpu.memory_space<semaphore_mem>>) src(%arg9 : memref<40x128xf32, #tpu.memory_space<vmem>>) dst(%dma_wait3A_630 : memref<10000x128xf32, #tpu.memory_space<vmem_shared>>)
    %dma_start3A_631 = arith.constant 48 : i32
    %dma_start3A_632 = arith.constant 0 : i32
    %dma_start3A_633 = tpu.memref_slice %arg7[%dma_start3A_631, %dma_start3A_632] : memref<50x40xi32, #tpu.memory_space<vmem>> -> memref<1x40xi32, #tpu.memory_space<vmem>>
    %dma_start3A_634 = tpu.memref_squeeze %dma_start3A_633 : memref<1x40xi32, #tpu.memory_space<vmem>> -> memref<40xi32, #tpu.memory_space<vmem>>
    %dma_start3A_635 = arith.constant 0 : i32
    %dma_start3A_636 = arith.constant 0 : i32
    %dma_start3A_637 = tpu.memref_slice %arg2[%dma_start3A_635, %dma_start3A_636] : memref<10000x128xf32, #tpu.memory_space<hbm>> -> memref<10000x128xf32, #tpu.memory_space<hbm>>
    tpu.enqueue_indirect_dma source(%dma_start3A_637 : memref<10000x128xf32, #tpu.memory_space<hbm>>) target(%arg9 : memref<40x128xf32, #tpu.memory_space<vmem>>) offsets(%dma_start3A_634 : memref<40xi32, #tpu.memory_space<vmem>>) semaphore(%arg14 : memref<!tpu.dma_semaphore, #tpu.memory_space<semaphore_mem>>)
    %dma_wait3A_638 = arith.constant 0 : i32
    %dma_wait3A_639 = arith.constant 0 : i32
    %dma_wait3A_640 = tpu.memref_slice %arg8[%dma_wait3A_638, %dma_wait3A_639] : memref<50x40xi32, #tpu.memory_space<vmem>> -> memref<1x40xi32, #tpu.memory_space<vmem>>
    %dma_wait3A_641 = tpu.memref_squeeze %dma_wait3A_640 : memref<1x40xi32, #tpu.memory_space<vmem>> -> memref<40xi32, #tpu.memory_space<vmem>>
    %dma_wait3A_642 = arith.constant 0 : i32
    %dma_wait3A_643 = arith.constant 0 : i32
    %dma_wait3A_644 = tpu.memref_slice %arg13[%dma_wait3A_642, %dma_wait3A_643] : memref<10000x128xf32, #tpu.memory_space<vmem_shared>> -> memref<10000x128xf32, #tpu.memory_space<vmem_shared>>
    tpu.wait_indirect_dma semaphore(%arg19 : memref<!tpu.dma_semaphore, #tpu.memory_space<semaphore_mem>>) src(%arg10 : memref<40x128xf32, #tpu.memory_space<vmem>>) dst(%dma_wait3A_644 : memref<10000x128xf32, #tpu.memory_space<vmem_shared>>)
    %dma_start3A_645 = arith.constant 49 : i32
    %dma_start3A_646 = arith.constant 0 : i32
    %dma_start3A_647 = tpu.memref_slice %arg7[%dma_start3A_645, %dma_start3A_646] : memref<50x40xi32, #tpu.memory_space<vmem>> -> memref<1x40xi32, #tpu.memory_space<vmem>>
    %dma_start3A_648 = tpu.memref_squeeze %dma_start3A_647 : memref<1x40xi32, #tpu.memory_space<vmem>> -> memref<40xi32, #tpu.memory_space<vmem>>
    %dma_start3A_649 = arith.constant 0 : i32
    %dma_start3A_650 = arith.constant 0 : i32
    %dma_start3A_651 = tpu.memref_slice %arg2[%dma_start3A_649, %dma_start3A_650] : memref<10000x128xf32, #tpu.memory_space<hbm>> -> memref<10000x128xf32, #tpu.memory_space<hbm>>
    tpu.enqueue_indirect_dma source(%dma_start3A_651 : memref<10000x128xf32, #tpu.memory_space<hbm>>) target(%arg10 : memref<40x128xf32, #tpu.memory_space<vmem>>) offsets(%dma_start3A_648 : memref<40xi32, #tpu.memory_space<vmem>>) semaphore(%arg15 : memref<!tpu.dma_semaphore, #tpu.memory_space<semaphore_mem>>)
    %dma_wait3A_652 = arith.constant 0 : i32
    %dma_wait3A_653 = arith.constant 0 : i32
    %dma_wait3A_654 = tpu.memref_slice %arg8[%dma_wait3A_652, %dma_wait3A_653] : memref<50x40xi32, #tpu.memory_space<vmem>> -> memref<1x40xi32, #tpu.memory_space<vmem>>
    %dma_wait3A_655 = tpu.memref_squeeze %dma_wait3A_654 : memref<1x40xi32, #tpu.memory_space<vmem>> -> memref<40xi32, #tpu.memory_space<vmem>>
    %dma_wait3A_656 = arith.constant 0 : i32
    %dma_wait3A_657 = arith.constant 0 : i32
    %dma_wait3A_658 = tpu.memref_slice %arg13[%dma_wait3A_656, %dma_wait3A_657] : memref<10000x128xf32, #tpu.memory_space<vmem_shared>> -> memref<10000x128xf32, #tpu.memory_space<vmem_shared>>
    tpu.wait_indirect_dma semaphore(%arg20 : memref<!tpu.dma_semaphore, #tpu.memory_space<semaphore_mem>>) src(%arg11 : memref<40x128xf32, #tpu.memory_space<vmem>>) dst(%dma_wait3A_658 : memref<10000x128xf32, #tpu.memory_space<vmem_shared>>)
    %dma_wait3A_659 = arith.constant 0 : i32
    %dma_wait3A_660 = arith.constant 0 : i32
    %dma_wait3A_661 = tpu.memref_slice %arg8[%dma_wait3A_659, %dma_wait3A_660] : memref<50x40xi32, #tpu.memory_space<vmem>> -> memref<1x40xi32, #tpu.memory_space<vmem>>
    %dma_wait3A_662 = tpu.memref_squeeze %dma_wait3A_661 : memref<1x40xi32, #tpu.memory_space<vmem>> -> memref<40xi32, #tpu.memory_space<vmem>>
    %dma_wait3A_663 = arith.constant 0 : i32
    %dma_wait3A_664 = arith.constant 0 : i32
    %dma_wait3A_665 = tpu.memref_slice %arg13[%dma_wait3A_663, %dma_wait3A_664] : memref<10000x128xf32, #tpu.memory_space<vmem_shared>> -> memref<10000x128xf32, #tpu.memory_space<vmem_shared>>
    tpu.wait_indirect_dma semaphore(%arg21 : memref<!tpu.dma_semaphore, #tpu.memory_space<semaphore_mem>>) src(%arg12 : memref<40x128xf32, #tpu.memory_space<vmem>>) dst(%dma_wait3A_665 : memref<10000x128xf32, #tpu.memory_space<vmem_shared>>)
    %dma_wait3A_666 = arith.constant 0 : i32
    %dma_wait3A_667 = arith.constant 0 : i32
    %dma_wait3A_668 = tpu.memref_slice %arg7[%dma_wait3A_666, %dma_wait3A_667] : memref<50x40xi32, #tpu.memory_space<vmem>> -> memref<1x40xi32, #tpu.memory_space<vmem>>
    %dma_wait3A_669 = tpu.memref_squeeze %dma_wait3A_668 : memref<1x40xi32, #tpu.memory_space<vmem>> -> memref<40xi32, #tpu.memory_space<vmem>>
    %dma_wait3A_670 = arith.constant 0 : i32
    %dma_wait3A_671 = arith.constant 0 : i32
    %dma_wait3A_672 = tpu.memref_slice %arg2[%dma_wait3A_670, %dma_wait3A_671] : memref<10000x128xf32, #tpu.memory_space<hbm>> -> memref<10000x128xf32, #tpu.memory_space<hbm>>
    tpu.wait_indirect_dma semaphore(%arg14 : memref<!tpu.dma_semaphore, #tpu.memory_space<semaphore_mem>>) src(%dma_wait3A_672 : memref<10000x128xf32, #tpu.memory_space<hbm>>) dst(%arg9 : memref<40x128xf32, #tpu.memory_space<vmem>>)
    %dma_start3A_673 = arith.constant 48 : i32
    %dma_start3A_674 = arith.constant 0 : i32
    %dma_start3A_675 = tpu.memref_slice %arg8[%dma_start3A_673, %dma_start3A_674] : memref<50x40xi32, #tpu.memory_space<vmem>> -> memref<1x40xi32, #tpu.memory_space<vmem>>
    %dma_start3A_676 = tpu.memref_squeeze %dma_start3A_675 : memref<1x40xi32, #tpu.memory_space<vmem>> -> memref<40xi32, #tpu.memory_space<vmem>>
    %dma_start3A_677 = arith.constant 0 : i32
    %dma_start3A_678 = arith.constant 0 : i32
    %dma_start3A_679 = tpu.memref_slice %arg13[%dma_start3A_677, %dma_start3A_678] : memref<10000x128xf32, #tpu.memory_space<vmem_shared>> -> memref<10000x128xf32, #tpu.memory_space<vmem_shared>>
    tpu.enqueue_indirect_dma source(%arg9 : memref<40x128xf32, #tpu.memory_space<vmem>>) target(%dma_start3A_679 : memref<10000x128xf32, #tpu.memory_space<vmem_shared>>) offsets(%dma_start3A_676 : memref<40xi32, #tpu.memory_space<vmem>>) semaphore(%arg18 : memref<!tpu.dma_semaphore, #tpu.memory_space<semaphore_mem>>) {add = true}
    %dma_wait3A_680 = arith.constant 0 : i32
    %dma_wait3A_681 = arith.constant 0 : i32
    %dma_wait3A_682 = tpu.memref_slice %arg7[%dma_wait3A_680, %dma_wait3A_681] : memref<50x40xi32, #tpu.memory_space<vmem>> -> memref<1x40xi32, #tpu.memory_space<vmem>>
    %dma_wait3A_683 = tpu.memref_squeeze %dma_wait3A_682 : memref<1x40xi32, #tpu.memory_space<vmem>> -> memref<40xi32, #tpu.memory_space<vmem>>
    %dma_wait3A_684 = arith.constant 0 : i32
    %dma_wait3A_685 = arith.constant 0 : i32
    %dma_wait3A_686 = tpu.memref_slice %arg2[%dma_wait3A_684, %dma_wait3A_685] : memref<10000x128xf32, #tpu.memory_space<hbm>> -> memref<10000x128xf32, #tpu.memory_space<hbm>>
    tpu.wait_indirect_dma semaphore(%arg15 : memref<!tpu.dma_semaphore, #tpu.memory_space<semaphore_mem>>) src(%dma_wait3A_686 : memref<10000x128xf32, #tpu.memory_space<hbm>>) dst(%arg10 : memref<40x128xf32, #tpu.memory_space<vmem>>)
    %dma_start3A_687 = arith.constant 49 : i32
    %dma_start3A_688 = arith.constant 0 : i32
    %dma_start3A_689 = tpu.memref_slice %arg8[%dma_start3A_687, %dma_start3A_688] : memref<50x40xi32, #tpu.memory_space<vmem>> -> memref<1x40xi32, #tpu.memory_space<vmem>>
    %dma_start3A_690 = tpu.memref_squeeze %dma_start3A_689 : memref<1x40xi32, #tpu.memory_space<vmem>> -> memref<40xi32, #tpu.memory_space<vmem>>
    %dma_start3A_691 = arith.constant 0 : i32
    %dma_start3A_692 = arith.constant 0 : i32
    %dma_start3A_693 = tpu.memref_slice %arg13[%dma_start3A_691, %dma_start3A_692] : memref<10000x128xf32, #tpu.memory_space<vmem_shared>> -> memref<10000x128xf32, #tpu.memory_space<vmem_shared>>
    tpu.enqueue_indirect_dma source(%arg10 : memref<40x128xf32, #tpu.memory_space<vmem>>) target(%dma_start3A_693 : memref<10000x128xf32, #tpu.memory_space<vmem_shared>>) offsets(%dma_start3A_690 : memref<40xi32, #tpu.memory_space<vmem>>) semaphore(%arg19 : memref<!tpu.dma_semaphore, #tpu.memory_space<semaphore_mem>>) {add = true}
    %dma_wait3A_694 = arith.constant 0 : i32
    %dma_wait3A_695 = arith.constant 0 : i32
    %dma_wait3A_696 = tpu.memref_slice %arg8[%dma_wait3A_694, %dma_wait3A_695] : memref<50x40xi32, #tpu.memory_space<vmem>> -> memref<1x40xi32, #tpu.memory_space<vmem>>
    %dma_wait3A_697 = tpu.memref_squeeze %dma_wait3A_696 : memref<1x40xi32, #tpu.memory_space<vmem>> -> memref<40xi32, #tpu.memory_space<vmem>>
    %dma_wait3A_698 = arith.constant 0 : i32
    %dma_wait3A_699 = arith.constant 0 : i32
    %dma_wait3A_700 = tpu.memref_slice %arg13[%dma_wait3A_698, %dma_wait3A_699] : memref<10000x128xf32, #tpu.memory_space<vmem_shared>> -> memref<10000x128xf32, #tpu.memory_space<vmem_shared>>
    tpu.wait_indirect_dma semaphore(%arg18 : memref<!tpu.dma_semaphore, #tpu.memory_space<semaphore_mem>>) src(%arg9 : memref<40x128xf32, #tpu.memory_space<vmem>>) dst(%dma_wait3A_700 : memref<10000x128xf32, #tpu.memory_space<vmem_shared>>)
    %dma_wait3A_701 = arith.constant 0 : i32
    %dma_wait3A_702 = arith.constant 0 : i32
    %dma_wait3A_703 = tpu.memref_slice %arg8[%dma_wait3A_701, %dma_wait3A_702] : memref<50x40xi32, #tpu.memory_space<vmem>> -> memref<1x40xi32, #tpu.memory_space<vmem>>
    %dma_wait3A_704 = tpu.memref_squeeze %dma_wait3A_703 : memref<1x40xi32, #tpu.memory_space<vmem>> -> memref<40xi32, #tpu.memory_space<vmem>>
    %dma_wait3A_705 = arith.constant 0 : i32
    %dma_wait3A_706 = arith.constant 0 : i32
    %dma_wait3A_707 = tpu.memref_slice %arg13[%dma_wait3A_705, %dma_wait3A_706] : memref<10000x128xf32, #tpu.memory_space<vmem_shared>> -> memref<10000x128xf32, #tpu.memory_space<vmem_shared>>
    tpu.wait_indirect_dma semaphore(%arg19 : memref<!tpu.dma_semaphore, #tpu.memory_space<semaphore_mem>>) src(%arg10 : memref<40x128xf32, #tpu.memory_space<vmem>>) dst(%dma_wait3A_707 : memref<10000x128xf32, #tpu.memory_space<vmem_shared>>)
    %run_scoped3A_708 = arith.constant 4 : i32
    "tpu.region"() ({
      %run_scoped3A_898 = tpu.sem_alloc : memref<!tpu.dma_semaphore, #tpu.memory_space<semaphore_mem>>
      %dma_start3A_899 = arith.constant 0 : i32
      %dma_start3A_900 = arith.constant 0 : i32
      %dma_start3A_901 = tpu.memref_slice %arg3[%add3A, %run_scoped3A_708, %dma_start3A_899, %dma_start3A_900] : memref<32x5x50x40xi32, #tpu.memory_space<hbm>> -> memref<1x1x50x40xi32, #tpu.memory_space<hbm>>
      %dma_start3A_902 = tpu.memref_squeeze %dma_start3A_901 : memref<1x1x50x40xi32, #tpu.memory_space<hbm>> -> memref<50x40xi32, #tpu.memory_space<hbm>>
      %dma_start3A_903 = arith.constant 0 : i32
      %dma_start3A_904 = arith.constant 0 : i32
      %dma_start3A_905 = tpu.memref_slice %arg3[%add3A, %run_scoped3A_708, %dma_start3A_903, %dma_start3A_904] : memref<32x5x50x40xi32, #tpu.memory_space<hbm>> -> memref<1x1x50x40xi32, #tpu.memory_space<hbm>>
      %dma_start3A_906 = tpu.memref_squeeze %dma_start3A_905 : memref<1x1x50x40xi32, #tpu.memory_space<hbm>> -> memref<50x40xi32, #tpu.memory_space<hbm>>
      tpu.enqueue_dma source(%dma_start3A_906 : memref<50x40xi32, #tpu.memory_space<hbm>>) target(%arg7 : memref<50x40xi32, #tpu.memory_space<vmem>>) target_semaphore(%run_scoped3A_898 : memref<!tpu.dma_semaphore, #tpu.memory_space<semaphore_mem>>)
      %dma_wait3A_907 = arith.constant 0 : i32
      %dma_wait3A_908 = arith.constant 0 : i32
      %dma_wait3A_909 = tpu.memref_slice %arg3[%add3A, %run_scoped3A_708, %dma_wait3A_907, %dma_wait3A_908] : memref<32x5x50x40xi32, #tpu.memory_space<hbm>> -> memref<1x1x50x40xi32, #tpu.memory_space<hbm>>
      %dma_wait3A_910 = tpu.memref_squeeze %dma_wait3A_909 : memref<1x1x50x40xi32, #tpu.memory_space<hbm>> -> memref<50x40xi32, #tpu.memory_space<hbm>>
      %dma_wait3A_911 = arith.constant 0 : i32
      %dma_wait3A_912 = arith.constant 0 : i32
      %dma_wait3A_913 = tpu.memref_slice %arg3[%add3A, %run_scoped3A_708, %dma_wait3A_911, %dma_wait3A_912] : memref<32x5x50x40xi32, #tpu.memory_space<hbm>> -> memref<1x1x50x40xi32, #tpu.memory_space<hbm>>
      %dma_wait3A_914 = tpu.memref_squeeze %dma_wait3A_913 : memref<1x1x50x40xi32, #tpu.memory_space<hbm>> -> memref<50x40xi32, #tpu.memory_space<hbm>>
      tpu.wait_dma2 semaphore(%run_scoped3A_898 : memref<!tpu.dma_semaphore, #tpu.memory_space<semaphore_mem>>) src(%dma_wait3A_914 : memref<50x40xi32, #tpu.memory_space<hbm>>) dst(%arg7 : memref<50x40xi32, #tpu.memory_space<vmem>>)
      tpu.yield
    }) : () -> ()
    %run_scoped3A_709 = arith.constant 4 : i32
    "tpu.region"() ({
      %run_scoped3A_898 = tpu.sem_alloc : memref<!tpu.dma_semaphore, #tpu.memory_space<semaphore_mem>>
      %dma_start3A_899 = arith.constant 0 : i32
      %dma_start3A_900 = arith.constant 0 : i32
      %dma_start3A_901 = tpu.memref_slice %arg4[%add3A, %run_scoped3A_709, %dma_start3A_899, %dma_start3A_900] : memref<32x5x50x40xi32, #tpu.memory_space<hbm>> -> memref<1x1x50x40xi32, #tpu.memory_space<hbm>>
      %dma_start3A_902 = tpu.memref_squeeze %dma_start3A_901 : memref<1x1x50x40xi32, #tpu.memory_space<hbm>> -> memref<50x40xi32, #tpu.memory_space<hbm>>
      %dma_start3A_903 = arith.constant 0 : i32
      %dma_start3A_904 = arith.constant 0 : i32
      %dma_start3A_905 = tpu.memref_slice %arg4[%add3A, %run_scoped3A_709, %dma_start3A_903, %dma_start3A_904] : memref<32x5x50x40xi32, #tpu.memory_space<hbm>> -> memref<1x1x50x40xi32, #tpu.memory_space<hbm>>
      %dma_start3A_906 = tpu.memref_squeeze %dma_start3A_905 : memref<1x1x50x40xi32, #tpu.memory_space<hbm>> -> memref<50x40xi32, #tpu.memory_space<hbm>>
      tpu.enqueue_dma source(%dma_start3A_906 : memref<50x40xi32, #tpu.memory_space<hbm>>) target(%arg8 : memref<50x40xi32, #tpu.memory_space<vmem>>) target_semaphore(%run_scoped3A_898 : memref<!tpu.dma_semaphore, #tpu.memory_space<semaphore_mem>>)
      %dma_wait3A_907 = arith.constant 0 : i32
      %dma_wait3A_908 = arith.constant 0 : i32
      %dma_wait3A_909 = tpu.memref_slice %arg4[%add3A, %run_scoped3A_709, %dma_wait3A_907, %dma_wait3A_908] : memref<32x5x50x40xi32, #tpu.memory_space<hbm>> -> memref<1x1x50x40xi32, #tpu.memory_space<hbm>>
      %dma_wait3A_910 = tpu.memref_squeeze %dma_wait3A_909 : memref<1x1x50x40xi32, #tpu.memory_space<hbm>> -> memref<50x40xi32, #tpu.memory_space<hbm>>
      %dma_wait3A_911 = arith.constant 0 : i32
      %dma_wait3A_912 = arith.constant 0 : i32
      %dma_wait3A_913 = tpu.memref_slice %arg4[%add3A, %run_scoped3A_709, %dma_wait3A_911, %dma_wait3A_912] : memref<32x5x50x40xi32, #tpu.memory_space<hbm>> -> memref<1x1x50x40xi32, #tpu.memory_space<hbm>>
      %dma_wait3A_914 = tpu.memref_squeeze %dma_wait3A_913 : memref<1x1x50x40xi32, #tpu.memory_space<hbm>> -> memref<50x40xi32, #tpu.memory_space<hbm>>
      tpu.wait_dma2 semaphore(%run_scoped3A_898 : memref<!tpu.dma_semaphore, #tpu.memory_space<semaphore_mem>>) src(%dma_wait3A_914 : memref<50x40xi32, #tpu.memory_space<hbm>>) dst(%arg8 : memref<50x40xi32, #tpu.memory_space<vmem>>)
      tpu.yield
    }) : () -> ()
    %dma_start3A_710 = arith.constant 0 : i32
    %dma_start3A_711 = arith.constant 0 : i32
    %dma_start3A_712 = tpu.memref_slice %arg7[%dma_start3A_710, %dma_start3A_711] : memref<50x40xi32, #tpu.memory_space<vmem>> -> memref<1x40xi32, #tpu.memory_space<vmem>>
    %dma_start3A_713 = tpu.memref_squeeze %dma_start3A_712 : memref<1x40xi32, #tpu.memory_space<vmem>> -> memref<40xi32, #tpu.memory_space<vmem>>
    %dma_start3A_714 = arith.constant 0 : i32
    %dma_start3A_715 = arith.constant 0 : i32
    %dma_start3A_716 = tpu.memref_slice %arg2[%dma_start3A_714, %dma_start3A_715] : memref<10000x128xf32, #tpu.memory_space<hbm>> -> memref<10000x128xf32, #tpu.memory_space<hbm>>
    tpu.enqueue_indirect_dma source(%dma_start3A_716 : memref<10000x128xf32, #tpu.memory_space<hbm>>) target(%arg9 : memref<40x128xf32, #tpu.memory_space<vmem>>) offsets(%dma_start3A_713 : memref<40xi32, #tpu.memory_space<vmem>>) semaphore(%arg14 : memref<!tpu.dma_semaphore, #tpu.memory_space<semaphore_mem>>)
    %dma_start3A_717 = arith.constant 1 : i32
    %dma_start3A_718 = arith.constant 0 : i32
    %dma_start3A_719 = tpu.memref_slice %arg7[%dma_start3A_717, %dma_start3A_718] : memref<50x40xi32, #tpu.memory_space<vmem>> -> memref<1x40xi32, #tpu.memory_space<vmem>>
    %dma_start3A_720 = tpu.memref_squeeze %dma_start3A_719 : memref<1x40xi32, #tpu.memory_space<vmem>> -> memref<40xi32, #tpu.memory_space<vmem>>
    %dma_start3A_721 = arith.constant 0 : i32
    %dma_start3A_722 = arith.constant 0 : i32
    %dma_start3A_723 = tpu.memref_slice %arg2[%dma_start3A_721, %dma_start3A_722] : memref<10000x128xf32, #tpu.memory_space<hbm>> -> memref<10000x128xf32, #tpu.memory_space<hbm>>
    tpu.enqueue_indirect_dma source(%dma_start3A_723 : memref<10000x128xf32, #tpu.memory_space<hbm>>) target(%arg10 : memref<40x128xf32, #tpu.memory_space<vmem>>) offsets(%dma_start3A_720 : memref<40xi32, #tpu.memory_space<vmem>>) semaphore(%arg15 : memref<!tpu.dma_semaphore, #tpu.memory_space<semaphore_mem>>)
    %dma_start3A_724 = arith.constant 2 : i32
    %dma_start3A_725 = arith.constant 0 : i32
    %dma_start3A_726 = tpu.memref_slice %arg7[%dma_start3A_724, %dma_start3A_725] : memref<50x40xi32, #tpu.memory_space<vmem>> -> memref<1x40xi32, #tpu.memory_space<vmem>>
    %dma_start3A_727 = tpu.memref_squeeze %dma_start3A_726 : memref<1x40xi32, #tpu.memory_space<vmem>> -> memref<40xi32, #tpu.memory_space<vmem>>
    %dma_start3A_728 = arith.constant 0 : i32
    %dma_start3A_729 = arith.constant 0 : i32
    %dma_start3A_730 = tpu.memref_slice %arg2[%dma_start3A_728, %dma_start3A_729] : memref<10000x128xf32, #tpu.memory_space<hbm>> -> memref<10000x128xf32, #tpu.memory_space<hbm>>
    tpu.enqueue_indirect_dma source(%dma_start3A_730 : memref<10000x128xf32, #tpu.memory_space<hbm>>) target(%arg11 : memref<40x128xf32, #tpu.memory_space<vmem>>) offsets(%dma_start3A_727 : memref<40xi32, #tpu.memory_space<vmem>>) semaphore(%arg16 : memref<!tpu.dma_semaphore, #tpu.memory_space<semaphore_mem>>)
    %dma_start3A_731 = arith.constant 3 : i32
    %dma_start3A_732 = arith.constant 0 : i32
    %dma_start3A_733 = tpu.memref_slice %arg7[%dma_start3A_731, %dma_start3A_732] : memref<50x40xi32, #tpu.memory_space<vmem>> -> memref<1x40xi32, #tpu.memory_space<vmem>>
    %dma_start3A_734 = tpu.memref_squeeze %dma_start3A_733 : memref<1x40xi32, #tpu.memory_space<vmem>> -> memref<40xi32, #tpu.memory_space<vmem>>
    %dma_start3A_735 = arith.constant 0 : i32
    %dma_start3A_736 = arith.constant 0 : i32
    %dma_start3A_737 = tpu.memref_slice %arg2[%dma_start3A_735, %dma_start3A_736] : memref<10000x128xf32, #tpu.memory_space<hbm>> -> memref<10000x128xf32, #tpu.memory_space<hbm>>
    tpu.enqueue_indirect_dma source(%dma_start3A_737 : memref<10000x128xf32, #tpu.memory_space<hbm>>) target(%arg12 : memref<40x128xf32, #tpu.memory_space<vmem>>) offsets(%dma_start3A_734 : memref<40xi32, #tpu.memory_space<vmem>>) semaphore(%arg17 : memref<!tpu.dma_semaphore, #tpu.memory_space<semaphore_mem>>)
    %scan3A_738 = arith.constant 0 : i32
    %scan3A_739 = arith.constant 11 : i32
    %scan3A_740 = arith.addi %scan3A_738, %scan3A_739 : i32
    %scan3A_741 = arith.constant 1 : i32
    scf.for %scan3A_898 = %scan3A_738 to %scan3A_740 step %scan3A_741  : i32 {
      %mul3A_899 = arith.constant 1 : i32
      %mul3A_900 = arith.muli %scan3A_898, %mul3A_899 : i32
      %add3A_901 = arith.constant 0 : i32
      %add3A_902 = arith.addi %add3A_901, %mul3A_900 : i32
      %dma_wait3A_903 = arith.constant 0 : i32
      %dma_wait3A_904 = arith.constant 0 : i32
      %dma_wait3A_905 = tpu.memref_slice %arg7[%dma_wait3A_903, %dma_wait3A_904] : memref<50x40xi32, #tpu.memory_space<vmem>> -> memref<1x40xi32, #tpu.memory_space<vmem>>
      %dma_wait3A_906 = tpu.memref_squeeze %dma_wait3A_905 : memref<1x40xi32, #tpu.memory_space<vmem>> -> memref<40xi32, #tpu.memory_space<vmem>>
      %dma_wait3A_907 = arith.constant 0 : i32
      %dma_wait3A_908 = arith.constant 0 : i32
      %dma_wait3A_909 = tpu.memref_slice %arg2[%dma_wait3A_907, %dma_wait3A_908] : memref<10000x128xf32, #tpu.memory_space<hbm>> -> memref<10000x128xf32, #tpu.memory_space<hbm>>
      tpu.wait_indirect_dma semaphore(%arg14 : memref<!tpu.dma_semaphore, #tpu.memory_space<semaphore_mem>>) src(%dma_wait3A_909 : memref<10000x128xf32, #tpu.memory_space<hbm>>) dst(%arg9 : memref<40x128xf32, #tpu.memory_space<vmem>>)
      %mul3A_910 = arith.constant 4 : i32
      %mul3A_911 = arith.muli %mul3A_910, %add3A_902 : i32
      %add3A_912 = arith.constant 0 : i32
      %add3A_913 = arith.addi %mul3A_911, %add3A_912 : i32
      %dma_start3A_914 = arith.constant 0 : i32
      %dma_start3A_915 = tpu.memref_slice %arg8[%add3A_913, %dma_start3A_914] : memref<50x40xi32, #tpu.memory_space<vmem>> -> memref<1x40xi32, #tpu.memory_space<vmem>>
      %dma_start3A_916 = tpu.memref_squeeze %dma_start3A_915 : memref<1x40xi32, #tpu.memory_space<vmem>> -> memref<40xi32, #tpu.memory_space<vmem>>
      %dma_start3A_917 = arith.constant 0 : i32
      %dma_start3A_918 = arith.constant 0 : i32
      %dma_start3A_919 = tpu.memref_slice %arg13[%dma_start3A_917, %dma_start3A_918] : memref<10000x128xf32, #tpu.memory_space<vmem_shared>> -> memref<10000x128xf32, #tpu.memory_space<vmem_shared>>
      tpu.enqueue_indirect_dma source(%arg9 : memref<40x128xf32, #tpu.memory_space<vmem>>) target(%dma_start3A_919 : memref<10000x128xf32, #tpu.memory_space<vmem_shared>>) offsets(%dma_start3A_916 : memref<40xi32, #tpu.memory_space<vmem>>) semaphore(%arg18 : memref<!tpu.dma_semaphore, #tpu.memory_space<semaphore_mem>>) {add = true}
      %dma_wait3A_920 = arith.constant 0 : i32
      %dma_wait3A_921 = arith.constant 0 : i32
      %dma_wait3A_922 = tpu.memref_slice %arg7[%dma_wait3A_920, %dma_wait3A_921] : memref<50x40xi32, #tpu.memory_space<vmem>> -> memref<1x40xi32, #tpu.memory_space<vmem>>
      %dma_wait3A_923 = tpu.memref_squeeze %dma_wait3A_922 : memref<1x40xi32, #tpu.memory_space<vmem>> -> memref<40xi32, #tpu.memory_space<vmem>>
      %dma_wait3A_924 = arith.constant 0 : i32
      %dma_wait3A_925 = arith.constant 0 : i32
      %dma_wait3A_926 = tpu.memref_slice %arg2[%dma_wait3A_924, %dma_wait3A_925] : memref<10000x128xf32, #tpu.memory_space<hbm>> -> memref<10000x128xf32, #tpu.memory_space<hbm>>
      tpu.wait_indirect_dma semaphore(%arg15 : memref<!tpu.dma_semaphore, #tpu.memory_space<semaphore_mem>>) src(%dma_wait3A_926 : memref<10000x128xf32, #tpu.memory_space<hbm>>) dst(%arg10 : memref<40x128xf32, #tpu.memory_space<vmem>>)
      %mul3A_927 = arith.constant 4 : i32
      %mul3A_928 = arith.muli %mul3A_927, %add3A_902 : i32
      %add3A_929 = arith.constant 1 : i32
      %add3A_930 = arith.addi %mul3A_928, %add3A_929 : i32
      %dma_start3A_931 = arith.constant 0 : i32
      %dma_start3A_932 = tpu.memref_slice %arg8[%add3A_930, %dma_start3A_931] : memref<50x40xi32, #tpu.memory_space<vmem>> -> memref<1x40xi32, #tpu.memory_space<vmem>>
      %dma_start3A_933 = tpu.memref_squeeze %dma_start3A_932 : memref<1x40xi32, #tpu.memory_space<vmem>> -> memref<40xi32, #tpu.memory_space<vmem>>
      %dma_start3A_934 = arith.constant 0 : i32
      %dma_start3A_935 = arith.constant 0 : i32
      %dma_start3A_936 = tpu.memref_slice %arg13[%dma_start3A_934, %dma_start3A_935] : memref<10000x128xf32, #tpu.memory_space<vmem_shared>> -> memref<10000x128xf32, #tpu.memory_space<vmem_shared>>
      tpu.enqueue_indirect_dma source(%arg10 : memref<40x128xf32, #tpu.memory_space<vmem>>) target(%dma_start3A_936 : memref<10000x128xf32, #tpu.memory_space<vmem_shared>>) offsets(%dma_start3A_933 : memref<40xi32, #tpu.memory_space<vmem>>) semaphore(%arg19 : memref<!tpu.dma_semaphore, #tpu.memory_space<semaphore_mem>>) {add = true}
      %dma_wait3A_937 = arith.constant 0 : i32
      %dma_wait3A_938 = arith.constant 0 : i32
      %dma_wait3A_939 = tpu.memref_slice %arg7[%dma_wait3A_937, %dma_wait3A_938] : memref<50x40xi32, #tpu.memory_space<vmem>> -> memref<1x40xi32, #tpu.memory_space<vmem>>
      %dma_wait3A_940 = tpu.memref_squeeze %dma_wait3A_939 : memref<1x40xi32, #tpu.memory_space<vmem>> -> memref<40xi32, #tpu.memory_space<vmem>>
      %dma_wait3A_941 = arith.constant 0 : i32
      %dma_wait3A_942 = arith.constant 0 : i32
      %dma_wait3A_943 = tpu.memref_slice %arg2[%dma_wait3A_941, %dma_wait3A_942] : memref<10000x128xf32, #tpu.memory_space<hbm>> -> memref<10000x128xf32, #tpu.memory_space<hbm>>
      tpu.wait_indirect_dma semaphore(%arg16 : memref<!tpu.dma_semaphore, #tpu.memory_space<semaphore_mem>>) src(%dma_wait3A_943 : memref<10000x128xf32, #tpu.memory_space<hbm>>) dst(%arg11 : memref<40x128xf32, #tpu.memory_space<vmem>>)
      %mul3A_944 = arith.constant 4 : i32
      %mul3A_945 = arith.muli %mul3A_944, %add3A_902 : i32
      %add3A_946 = arith.constant 2 : i32
      %add3A_947 = arith.addi %mul3A_945, %add3A_946 : i32
      %dma_start3A_948 = arith.constant 0 : i32
      %dma_start3A_949 = tpu.memref_slice %arg8[%add3A_947, %dma_start3A_948] : memref<50x40xi32, #tpu.memory_space<vmem>> -> memref<1x40xi32, #tpu.memory_space<vmem>>
      %dma_start3A_950 = tpu.memref_squeeze %dma_start3A_949 : memref<1x40xi32, #tpu.memory_space<vmem>> -> memref<40xi32, #tpu.memory_space<vmem>>
      %dma_start3A_951 = arith.constant 0 : i32
      %dma_start3A_952 = arith.constant 0 : i32
      %dma_start3A_953 = tpu.memref_slice %arg13[%dma_start3A_951, %dma_start3A_952] : memref<10000x128xf32, #tpu.memory_space<vmem_shared>> -> memref<10000x128xf32, #tpu.memory_space<vmem_shared>>
      tpu.enqueue_indirect_dma source(%arg11 : memref<40x128xf32, #tpu.memory_space<vmem>>) target(%dma_start3A_953 : memref<10000x128xf32, #tpu.memory_space<vmem_shared>>) offsets(%dma_start3A_950 : memref<40xi32, #tpu.memory_space<vmem>>) semaphore(%arg20 : memref<!tpu.dma_semaphore, #tpu.memory_space<semaphore_mem>>) {add = true}
      %dma_wait3A_954 = arith.constant 0 : i32
      %dma_wait3A_955 = arith.constant 0 : i32
      %dma_wait3A_956 = tpu.memref_slice %arg7[%dma_wait3A_954, %dma_wait3A_955] : memref<50x40xi32, #tpu.memory_space<vmem>> -> memref<1x40xi32, #tpu.memory_space<vmem>>
      %dma_wait3A_957 = tpu.memref_squeeze %dma_wait3A_956 : memref<1x40xi32, #tpu.memory_space<vmem>> -> memref<40xi32, #tpu.memory_space<vmem>>
      %dma_wait3A_958 = arith.constant 0 : i32
      %dma_wait3A_959 = arith.constant 0 : i32
      %dma_wait3A_960 = tpu.memref_slice %arg2[%dma_wait3A_958, %dma_wait3A_959] : memref<10000x128xf32, #tpu.memory_space<hbm>> -> memref<10000x128xf32, #tpu.memory_space<hbm>>
      tpu.wait_indirect_dma semaphore(%arg17 : memref<!tpu.dma_semaphore, #tpu.memory_space<semaphore_mem>>) src(%dma_wait3A_960 : memref<10000x128xf32, #tpu.memory_space<hbm>>) dst(%arg12 : memref<40x128xf32, #tpu.memory_space<vmem>>)
      %mul3A_961 = arith.constant 4 : i32
      %mul3A_962 = arith.muli %mul3A_961, %add3A_902 : i32
      %add3A_963 = arith.constant 3 : i32
      %add3A_964 = arith.addi %mul3A_962, %add3A_963 : i32
      %dma_start3A_965 = arith.constant 0 : i32
      %dma_start3A_966 = tpu.memref_slice %arg8[%add3A_964, %dma_start3A_965] : memref<50x40xi32, #tpu.memory_space<vmem>> -> memref<1x40xi32, #tpu.memory_space<vmem>>
      %dma_start3A_967 = tpu.memref_squeeze %dma_start3A_966 : memref<1x40xi32, #tpu.memory_space<vmem>> -> memref<40xi32, #tpu.memory_space<vmem>>
      %dma_start3A_968 = arith.constant 0 : i32
      %dma_start3A_969 = arith.constant 0 : i32
      %dma_start3A_970 = tpu.memref_slice %arg13[%dma_start3A_968, %dma_start3A_969] : memref<10000x128xf32, #tpu.memory_space<vmem_shared>> -> memref<10000x128xf32, #tpu.memory_space<vmem_shared>>
      tpu.enqueue_indirect_dma source(%arg12 : memref<40x128xf32, #tpu.memory_space<vmem>>) target(%dma_start3A_970 : memref<10000x128xf32, #tpu.memory_space<vmem_shared>>) offsets(%dma_start3A_967 : memref<40xi32, #tpu.memory_space<vmem>>) semaphore(%arg21 : memref<!tpu.dma_semaphore, #tpu.memory_space<semaphore_mem>>) {add = true}
      %dma_wait3A_971 = arith.constant 0 : i32
      %dma_wait3A_972 = arith.constant 0 : i32
      %dma_wait3A_973 = tpu.memref_slice %arg8[%dma_wait3A_971, %dma_wait3A_972] : memref<50x40xi32, #tpu.memory_space<vmem>> -> memref<1x40xi32, #tpu.memory_space<vmem>>
      %dma_wait3A_974 = tpu.memref_squeeze %dma_wait3A_973 : memref<1x40xi32, #tpu.memory_space<vmem>> -> memref<40xi32, #tpu.memory_space<vmem>>
      %dma_wait3A_975 = arith.constant 0 : i32
      %dma_wait3A_976 = arith.constant 0 : i32
      %dma_wait3A_977 = tpu.memref_slice %arg13[%dma_wait3A_975, %dma_wait3A_976] : memref<10000x128xf32, #tpu.memory_space<vmem_shared>> -> memref<10000x128xf32, #tpu.memory_space<vmem_shared>>
      tpu.wait_indirect_dma semaphore(%arg18 : memref<!tpu.dma_semaphore, #tpu.memory_space<semaphore_mem>>) src(%arg9 : memref<40x128xf32, #tpu.memory_space<vmem>>) dst(%dma_wait3A_977 : memref<10000x128xf32, #tpu.memory_space<vmem_shared>>)
      %mul3A_978 = arith.constant 4 : i32
      %mul3A_979 = arith.muli %mul3A_978, %add3A_902 : i32
      %add3A_980 = arith.constant 4 : i32
      %add3A_981 = arith.addi %mul3A_979, %add3A_980 : i32
      %add3A_982 = arith.constant 0 : i32
      %add3A_983 = arith.addi %add3A_981, %add3A_982 : i32
      %dma_start3A_984 = arith.constant 0 : i32
      %dma_start3A_985 = tpu.memref_slice %arg7[%add3A_983, %dma_start3A_984] : memref<50x40xi32, #tpu.memory_space<vmem>> -> memref<1x40xi32, #tpu.memory_space<vmem>>
      %dma_start3A_986 = tpu.memref_squeeze %dma_start3A_985 : memref<1x40xi32, #tpu.memory_space<vmem>> -> memref<40xi32, #tpu.memory_space<vmem>>
      %dma_start3A_987 = arith.constant 0 : i32
      %dma_start3A_988 = arith.constant 0 : i32
      %dma_start3A_989 = tpu.memref_slice %arg2[%dma_start3A_987, %dma_start3A_988] : memref<10000x128xf32, #tpu.memory_space<hbm>> -> memref<10000x128xf32, #tpu.memory_space<hbm>>
      tpu.enqueue_indirect_dma source(%dma_start3A_989 : memref<10000x128xf32, #tpu.memory_space<hbm>>) target(%arg9 : memref<40x128xf32, #tpu.memory_space<vmem>>) offsets(%dma_start3A_986 : memref<40xi32, #tpu.memory_space<vmem>>) semaphore(%arg14 : memref<!tpu.dma_semaphore, #tpu.memory_space<semaphore_mem>>)
      %dma_wait3A_990 = arith.constant 0 : i32
      %dma_wait3A_991 = arith.constant 0 : i32
      %dma_wait3A_992 = tpu.memref_slice %arg8[%dma_wait3A_990, %dma_wait3A_991] : memref<50x40xi32, #tpu.memory_space<vmem>> -> memref<1x40xi32, #tpu.memory_space<vmem>>
      %dma_wait3A_993 = tpu.memref_squeeze %dma_wait3A_992 : memref<1x40xi32, #tpu.memory_space<vmem>> -> memref<40xi32, #tpu.memory_space<vmem>>
      %dma_wait3A_994 = arith.constant 0 : i32
      %dma_wait3A_995 = arith.constant 0 : i32
      %dma_wait3A_996 = tpu.memref_slice %arg13[%dma_wait3A_994, %dma_wait3A_995] : memref<10000x128xf32, #tpu.memory_space<vmem_shared>> -> memref<10000x128xf32, #tpu.memory_space<vmem_shared>>
      tpu.wait_indirect_dma semaphore(%arg19 : memref<!tpu.dma_semaphore, #tpu.memory_space<semaphore_mem>>) src(%arg10 : memref<40x128xf32, #tpu.memory_space<vmem>>) dst(%dma_wait3A_996 : memref<10000x128xf32, #tpu.memory_space<vmem_shared>>)
      %mul3A_997 = arith.constant 4 : i32
      %mul3A_998 = arith.muli %mul3A_997, %add3A_902 : i32
      %add3A_999 = arith.constant 4 : i32
      %add3A_1000 = arith.addi %mul3A_998, %add3A_999 : i32
      %add3A_1001 = arith.constant 1 : i32
      %add3A_1002 = arith.addi %add3A_1000, %add3A_1001 : i32
      %dma_start3A_1003 = arith.constant 0 : i32
      %dma_start3A_1004 = tpu.memref_slice %arg7[%add3A_1002, %dma_start3A_1003] : memref<50x40xi32, #tpu.memory_space<vmem>> -> memref<1x40xi32, #tpu.memory_space<vmem>>
      %dma_start3A_1005 = tpu.memref_squeeze %dma_start3A_1004 : memref<1x40xi32, #tpu.memory_space<vmem>> -> memref<40xi32, #tpu.memory_space<vmem>>
      %dma_start3A_1006 = arith.constant 0 : i32
      %dma_start3A_1007 = arith.constant 0 : i32
      %dma_start3A_1008 = tpu.memref_slice %arg2[%dma_start3A_1006, %dma_start3A_1007] : memref<10000x128xf32, #tpu.memory_space<hbm>> -> memref<10000x128xf32, #tpu.memory_space<hbm>>
      tpu.enqueue_indirect_dma source(%dma_start3A_1008 : memref<10000x128xf32, #tpu.memory_space<hbm>>) target(%arg10 : memref<40x128xf32, #tpu.memory_space<vmem>>) offsets(%dma_start3A_1005 : memref<40xi32, #tpu.memory_space<vmem>>) semaphore(%arg15 : memref<!tpu.dma_semaphore, #tpu.memory_space<semaphore_mem>>)
      %dma_wait3A_1009 = arith.constant 0 : i32
      %dma_wait3A_1010 = arith.constant 0 : i32
      %dma_wait3A_1011 = tpu.memref_slice %arg8[%dma_wait3A_1009, %dma_wait3A_1010] : memref<50x40xi32, #tpu.memory_space<vmem>> -> memref<1x40xi32, #tpu.memory_space<vmem>>
      %dma_wait3A_1012 = tpu.memref_squeeze %dma_wait3A_1011 : memref<1x40xi32, #tpu.memory_space<vmem>> -> memref<40xi32, #tpu.memory_space<vmem>>
      %dma_wait3A_1013 = arith.constant 0 : i32
      %dma_wait3A_1014 = arith.constant 0 : i32
      %dma_wait3A_1015 = tpu.memref_slice %arg13[%dma_wait3A_1013, %dma_wait3A_1014] : memref<10000x128xf32, #tpu.memory_space<vmem_shared>> -> memref<10000x128xf32, #tpu.memory_space<vmem_shared>>
      tpu.wait_indirect_dma semaphore(%arg20 : memref<!tpu.dma_semaphore, #tpu.memory_space<semaphore_mem>>) src(%arg11 : memref<40x128xf32, #tpu.memory_space<vmem>>) dst(%dma_wait3A_1015 : memref<10000x128xf32, #tpu.memory_space<vmem_shared>>)
      %mul3A_1016 = arith.constant 4 : i32
      %mul3A_1017 = arith.muli %mul3A_1016, %add3A_902 : i32
      %add3A_1018 = arith.constant 4 : i32
      %add3A_1019 = arith.addi %mul3A_1017, %add3A_1018 : i32
      %add3A_1020 = arith.constant 2 : i32
      %add3A_1021 = arith.addi %add3A_1019, %add3A_1020 : i32
      %dma_start3A_1022 = arith.constant 0 : i32
      %dma_start3A_1023 = tpu.memref_slice %arg7[%add3A_1021, %dma_start3A_1022] : memref<50x40xi32, #tpu.memory_space<vmem>> -> memref<1x40xi32, #tpu.memory_space<vmem>>
      %dma_start3A_1024 = tpu.memref_squeeze %dma_start3A_1023 : memref<1x40xi32, #tpu.memory_space<vmem>> -> memref<40xi32, #tpu.memory_space<vmem>>
      %dma_start3A_1025 = arith.constant 0 : i32
      %dma_start3A_1026 = arith.constant 0 : i32
      %dma_start3A_1027 = tpu.memref_slice %arg2[%dma_start3A_1025, %dma_start3A_1026] : memref<10000x128xf32, #tpu.memory_space<hbm>> -> memref<10000x128xf32, #tpu.memory_space<hbm>>
      tpu.enqueue_indirect_dma source(%dma_start3A_1027 : memref<10000x128xf32, #tpu.memory_space<hbm>>) target(%arg11 : memref<40x128xf32, #tpu.memory_space<vmem>>) offsets(%dma_start3A_1024 : memref<40xi32, #tpu.memory_space<vmem>>) semaphore(%arg16 : memref<!tpu.dma_semaphore, #tpu.memory_space<semaphore_mem>>)
      %dma_wait3A_1028 = arith.constant 0 : i32
      %dma_wait3A_1029 = arith.constant 0 : i32
      %dma_wait3A_1030 = tpu.memref_slice %arg8[%dma_wait3A_1028, %dma_wait3A_1029] : memref<50x40xi32, #tpu.memory_space<vmem>> -> memref<1x40xi32, #tpu.memory_space<vmem>>
      %dma_wait3A_1031 = tpu.memref_squeeze %dma_wait3A_1030 : memref<1x40xi32, #tpu.memory_space<vmem>> -> memref<40xi32, #tpu.memory_space<vmem>>
      %dma_wait3A_1032 = arith.constant 0 : i32
      %dma_wait3A_1033 = arith.constant 0 : i32
      %dma_wait3A_1034 = tpu.memref_slice %arg13[%dma_wait3A_1032, %dma_wait3A_1033] : memref<10000x128xf32, #tpu.memory_space<vmem_shared>> -> memref<10000x128xf32, #tpu.memory_space<vmem_shared>>
      tpu.wait_indirect_dma semaphore(%arg21 : memref<!tpu.dma_semaphore, #tpu.memory_space<semaphore_mem>>) src(%arg12 : memref<40x128xf32, #tpu.memory_space<vmem>>) dst(%dma_wait3A_1034 : memref<10000x128xf32, #tpu.memory_space<vmem_shared>>)
      %mul3A_1035 = arith.constant 4 : i32
      %mul3A_1036 = arith.muli %mul3A_1035, %add3A_902 : i32
      %add3A_1037 = arith.constant 4 : i32
      %add3A_1038 = arith.addi %mul3A_1036, %add3A_1037 : i32
      %add3A_1039 = arith.constant 3 : i32
      %add3A_1040 = arith.addi %add3A_1038, %add3A_1039 : i32
      %dma_start3A_1041 = arith.constant 0 : i32
      %dma_start3A_1042 = tpu.memref_slice %arg7[%add3A_1040, %dma_start3A_1041] : memref<50x40xi32, #tpu.memory_space<vmem>> -> memref<1x40xi32, #tpu.memory_space<vmem>>
      %dma_start3A_1043 = tpu.memref_squeeze %dma_start3A_1042 : memref<1x40xi32, #tpu.memory_space<vmem>> -> memref<40xi32, #tpu.memory_space<vmem>>
      %dma_start3A_1044 = arith.constant 0 : i32
      %dma_start3A_1045 = arith.constant 0 : i32
      %dma_start3A_1046 = tpu.memref_slice %arg2[%dma_start3A_1044, %dma_start3A_1045] : memref<10000x128xf32, #tpu.memory_space<hbm>> -> memref<10000x128xf32, #tpu.memory_space<hbm>>
      tpu.enqueue_indirect_dma source(%dma_start3A_1046 : memref<10000x128xf32, #tpu.memory_space<hbm>>) target(%arg12 : memref<40x128xf32, #tpu.memory_space<vmem>>) offsets(%dma_start3A_1043 : memref<40xi32, #tpu.memory_space<vmem>>) semaphore(%arg17 : memref<!tpu.dma_semaphore, #tpu.memory_space<semaphore_mem>>)
    }
    %scan3A_742 = arith.constant 11 : i32
    %dma_wait3A_743 = arith.constant 0 : i32
    %dma_wait3A_744 = arith.constant 0 : i32
    %dma_wait3A_745 = tpu.memref_slice %arg7[%dma_wait3A_743, %dma_wait3A_744] : memref<50x40xi32, #tpu.memory_space<vmem>> -> memref<1x40xi32, #tpu.memory_space<vmem>>
    %dma_wait3A_746 = tpu.memref_squeeze %dma_wait3A_745 : memref<1x40xi32, #tpu.memory_space<vmem>> -> memref<40xi32, #tpu.memory_space<vmem>>
    %dma_wait3A_747 = arith.constant 0 : i32
    %dma_wait3A_748 = arith.constant 0 : i32
    %dma_wait3A_749 = tpu.memref_slice %arg2[%dma_wait3A_747, %dma_wait3A_748] : memref<10000x128xf32, #tpu.memory_space<hbm>> -> memref<10000x128xf32, #tpu.memory_space<hbm>>
    tpu.wait_indirect_dma semaphore(%arg14 : memref<!tpu.dma_semaphore, #tpu.memory_space<semaphore_mem>>) src(%dma_wait3A_749 : memref<10000x128xf32, #tpu.memory_space<hbm>>) dst(%arg9 : memref<40x128xf32, #tpu.memory_space<vmem>>)
    %dma_start3A_750 = arith.constant 44 : i32
    %dma_start3A_751 = arith.constant 0 : i32
    %dma_start3A_752 = tpu.memref_slice %arg8[%dma_start3A_750, %dma_start3A_751] : memref<50x40xi32, #tpu.memory_space<vmem>> -> memref<1x40xi32, #tpu.memory_space<vmem>>
    %dma_start3A_753 = tpu.memref_squeeze %dma_start3A_752 : memref<1x40xi32, #tpu.memory_space<vmem>> -> memref<40xi32, #tpu.memory_space<vmem>>
    %dma_start3A_754 = arith.constant 0 : i32
    %dma_start3A_755 = arith.constant 0 : i32
    %dma_start3A_756 = tpu.memref_slice %arg13[%dma_start3A_754, %dma_start3A_755] : memref<10000x128xf32, #tpu.memory_space<vmem_shared>> -> memref<10000x128xf32, #tpu.memory_space<vmem_shared>>
    tpu.enqueue_indirect_dma source(%arg9 : memref<40x128xf32, #tpu.memory_space<vmem>>) target(%dma_start3A_756 : memref<10000x128xf32, #tpu.memory_space<vmem_shared>>) offsets(%dma_start3A_753 : memref<40xi32, #tpu.memory_space<vmem>>) semaphore(%arg18 : memref<!tpu.dma_semaphore, #tpu.memory_space<semaphore_mem>>) {add = true}
    %dma_wait3A_757 = arith.constant 0 : i32
    %dma_wait3A_758 = arith.constant 0 : i32
    %dma_wait3A_759 = tpu.memref_slice %arg7[%dma_wait3A_757, %dma_wait3A_758] : memref<50x40xi32, #tpu.memory_space<vmem>> -> memref<1x40xi32, #tpu.memory_space<vmem>>
    %dma_wait3A_760 = tpu.memref_squeeze %dma_wait3A_759 : memref<1x40xi32, #tpu.memory_space<vmem>> -> memref<40xi32, #tpu.memory_space<vmem>>
    %dma_wait3A_761 = arith.constant 0 : i32
    %dma_wait3A_762 = arith.constant 0 : i32
    %dma_wait3A_763 = tpu.memref_slice %arg2[%dma_wait3A_761, %dma_wait3A_762] : memref<10000x128xf32, #tpu.memory_space<hbm>> -> memref<10000x128xf32, #tpu.memory_space<hbm>>
    tpu.wait_indirect_dma semaphore(%arg15 : memref<!tpu.dma_semaphore, #tpu.memory_space<semaphore_mem>>) src(%dma_wait3A_763 : memref<10000x128xf32, #tpu.memory_space<hbm>>) dst(%arg10 : memref<40x128xf32, #tpu.memory_space<vmem>>)
    %dma_start3A_764 = arith.constant 45 : i32
    %dma_start3A_765 = arith.constant 0 : i32
    %dma_start3A_766 = tpu.memref_slice %arg8[%dma_start3A_764, %dma_start3A_765] : memref<50x40xi32, #tpu.memory_space<vmem>> -> memref<1x40xi32, #tpu.memory_space<vmem>>
    %dma_start3A_767 = tpu.memref_squeeze %dma_start3A_766 : memref<1x40xi32, #tpu.memory_space<vmem>> -> memref<40xi32, #tpu.memory_space<vmem>>
    %dma_start3A_768 = arith.constant 0 : i32
    %dma_start3A_769 = arith.constant 0 : i32
    %dma_start3A_770 = tpu.memref_slice %arg13[%dma_start3A_768, %dma_start3A_769] : memref<10000x128xf32, #tpu.memory_space<vmem_shared>> -> memref<10000x128xf32, #tpu.memory_space<vmem_shared>>
    tpu.enqueue_indirect_dma source(%arg10 : memref<40x128xf32, #tpu.memory_space<vmem>>) target(%dma_start3A_770 : memref<10000x128xf32, #tpu.memory_space<vmem_shared>>) offsets(%dma_start3A_767 : memref<40xi32, #tpu.memory_space<vmem>>) semaphore(%arg19 : memref<!tpu.dma_semaphore, #tpu.memory_space<semaphore_mem>>) {add = true}
    %dma_wait3A_771 = arith.constant 0 : i32
    %dma_wait3A_772 = arith.constant 0 : i32
    %dma_wait3A_773 = tpu.memref_slice %arg7[%dma_wait3A_771, %dma_wait3A_772] : memref<50x40xi32, #tpu.memory_space<vmem>> -> memref<1x40xi32, #tpu.memory_space<vmem>>
    %dma_wait3A_774 = tpu.memref_squeeze %dma_wait3A_773 : memref<1x40xi32, #tpu.memory_space<vmem>> -> memref<40xi32, #tpu.memory_space<vmem>>
    %dma_wait3A_775 = arith.constant 0 : i32
    %dma_wait3A_776 = arith.constant 0 : i32
    %dma_wait3A_777 = tpu.memref_slice %arg2[%dma_wait3A_775, %dma_wait3A_776] : memref<10000x128xf32, #tpu.memory_space<hbm>> -> memref<10000x128xf32, #tpu.memory_space<hbm>>
    tpu.wait_indirect_dma semaphore(%arg16 : memref<!tpu.dma_semaphore, #tpu.memory_space<semaphore_mem>>) src(%dma_wait3A_777 : memref<10000x128xf32, #tpu.memory_space<hbm>>) dst(%arg11 : memref<40x128xf32, #tpu.memory_space<vmem>>)
    %dma_start3A_778 = arith.constant 46 : i32
    %dma_start3A_779 = arith.constant 0 : i32
    %dma_start3A_780 = tpu.memref_slice %arg8[%dma_start3A_778, %dma_start3A_779] : memref<50x40xi32, #tpu.memory_space<vmem>> -> memref<1x40xi32, #tpu.memory_space<vmem>>
    %dma_start3A_781 = tpu.memref_squeeze %dma_start3A_780 : memref<1x40xi32, #tpu.memory_space<vmem>> -> memref<40xi32, #tpu.memory_space<vmem>>
    %dma_start3A_782 = arith.constant 0 : i32
    %dma_start3A_783 = arith.constant 0 : i32
    %dma_start3A_784 = tpu.memref_slice %arg13[%dma_start3A_782, %dma_start3A_783] : memref<10000x128xf32, #tpu.memory_space<vmem_shared>> -> memref<10000x128xf32, #tpu.memory_space<vmem_shared>>
    tpu.enqueue_indirect_dma source(%arg11 : memref<40x128xf32, #tpu.memory_space<vmem>>) target(%dma_start3A_784 : memref<10000x128xf32, #tpu.memory_space<vmem_shared>>) offsets(%dma_start3A_781 : memref<40xi32, #tpu.memory_space<vmem>>) semaphore(%arg20 : memref<!tpu.dma_semaphore, #tpu.memory_space<semaphore_mem>>) {add = true}
    %dma_wait3A_785 = arith.constant 0 : i32
    %dma_wait3A_786 = arith.constant 0 : i32
    %dma_wait3A_787 = tpu.memref_slice %arg7[%dma_wait3A_785, %dma_wait3A_786] : memref<50x40xi32, #tpu.memory_space<vmem>> -> memref<1x40xi32, #tpu.memory_space<vmem>>
    %dma_wait3A_788 = tpu.memref_squeeze %dma_wait3A_787 : memref<1x40xi32, #tpu.memory_space<vmem>> -> memref<40xi32, #tpu.memory_space<vmem>>
    %dma_wait3A_789 = arith.constant 0 : i32
    %dma_wait3A_790 = arith.constant 0 : i32
    %dma_wait3A_791 = tpu.memref_slice %arg2[%dma_wait3A_789, %dma_wait3A_790] : memref<10000x128xf32, #tpu.memory_space<hbm>> -> memref<10000x128xf32, #tpu.memory_space<hbm>>
    tpu.wait_indirect_dma semaphore(%arg17 : memref<!tpu.dma_semaphore, #tpu.memory_space<semaphore_mem>>) src(%dma_wait3A_791 : memref<10000x128xf32, #tpu.memory_space<hbm>>) dst(%arg12 : memref<40x128xf32, #tpu.memory_space<vmem>>)
    %dma_start3A_792 = arith.constant 47 : i32
    %dma_start3A_793 = arith.constant 0 : i32
    %dma_start3A_794 = tpu.memref_slice %arg8[%dma_start3A_792, %dma_start3A_793] : memref<50x40xi32, #tpu.memory_space<vmem>> -> memref<1x40xi32, #tpu.memory_space<vmem>>
    %dma_start3A_795 = tpu.memref_squeeze %dma_start3A_794 : memref<1x40xi32, #tpu.memory_space<vmem>> -> memref<40xi32, #tpu.memory_space<vmem>>
    %dma_start3A_796 = arith.constant 0 : i32
    %dma_start3A_797 = arith.constant 0 : i32
    %dma_start3A_798 = tpu.memref_slice %arg13[%dma_start3A_796, %dma_start3A_797] : memref<10000x128xf32, #tpu.memory_space<vmem_shared>> -> memref<10000x128xf32, #tpu.memory_space<vmem_shared>>
    tpu.enqueue_indirect_dma source(%arg12 : memref<40x128xf32, #tpu.memory_space<vmem>>) target(%dma_start3A_798 : memref<10000x128xf32, #tpu.memory_space<vmem_shared>>) offsets(%dma_start3A_795 : memref<40xi32, #tpu.memory_space<vmem>>) semaphore(%arg21 : memref<!tpu.dma_semaphore, #tpu.memory_space<semaphore_mem>>) {add = true}
    %dma_wait3A_799 = arith.constant 0 : i32
    %dma_wait3A_800 = arith.constant 0 : i32
    %dma_wait3A_801 = tpu.memref_slice %arg8[%dma_wait3A_799, %dma_wait3A_800] : memref<50x40xi32, #tpu.memory_space<vmem>> -> memref<1x40xi32, #tpu.memory_space<vmem>>
    %dma_wait3A_802 = tpu.memref_squeeze %dma_wait3A_801 : memref<1x40xi32, #tpu.memory_space<vmem>> -> memref<40xi32, #tpu.memory_space<vmem>>
    %dma_wait3A_803 = arith.constant 0 : i32
    %dma_wait3A_804 = arith.constant 0 : i32
    %dma_wait3A_805 = tpu.memref_slice %arg13[%dma_wait3A_803, %dma_wait3A_804] : memref<10000x128xf32, #tpu.memory_space<vmem_shared>> -> memref<10000x128xf32, #tpu.memory_space<vmem_shared>>
    tpu.wait_indirect_dma semaphore(%arg18 : memref<!tpu.dma_semaphore, #tpu.memory_space<semaphore_mem>>) src(%arg9 : memref<40x128xf32, #tpu.memory_space<vmem>>) dst(%dma_wait3A_805 : memref<10000x128xf32, #tpu.memory_space<vmem_shared>>)
    %dma_start3A_806 = arith.constant 48 : i32
    %dma_start3A_807 = arith.constant 0 : i32
    %dma_start3A_808 = tpu.memref_slice %arg7[%dma_start3A_806, %dma_start3A_807] : memref<50x40xi32, #tpu.memory_space<vmem>> -> memref<1x40xi32, #tpu.memory_space<vmem>>
    %dma_start3A_809 = tpu.memref_squeeze %dma_start3A_808 : memref<1x40xi32, #tpu.memory_space<vmem>> -> memref<40xi32, #tpu.memory_space<vmem>>
    %dma_start3A_810 = arith.constant 0 : i32
    %dma_start3A_811 = arith.constant 0 : i32
    %dma_start3A_812 = tpu.memref_slice %arg2[%dma_start3A_810, %dma_start3A_811] : memref<10000x128xf32, #tpu.memory_space<hbm>> -> memref<10000x128xf32, #tpu.memory_space<hbm>>
    tpu.enqueue_indirect_dma source(%dma_start3A_812 : memref<10000x128xf32, #tpu.memory_space<hbm>>) target(%arg9 : memref<40x128xf32, #tpu.memory_space<vmem>>) offsets(%dma_start3A_809 : memref<40xi32, #tpu.memory_space<vmem>>) semaphore(%arg14 : memref<!tpu.dma_semaphore, #tpu.memory_space<semaphore_mem>>)
    %dma_wait3A_813 = arith.constant 0 : i32
    %dma_wait3A_814 = arith.constant 0 : i32
    %dma_wait3A_815 = tpu.memref_slice %arg8[%dma_wait3A_813, %dma_wait3A_814] : memref<50x40xi32, #tpu.memory_space<vmem>> -> memref<1x40xi32, #tpu.memory_space<vmem>>
    %dma_wait3A_816 = tpu.memref_squeeze %dma_wait3A_815 : memref<1x40xi32, #tpu.memory_space<vmem>> -> memref<40xi32, #tpu.memory_space<vmem>>
    %dma_wait3A_817 = arith.constant 0 : i32
    %dma_wait3A_818 = arith.constant 0 : i32
    %dma_wait3A_819 = tpu.memref_slice %arg13[%dma_wait3A_817, %dma_wait3A_818] : memref<10000x128xf32, #tpu.memory_space<vmem_shared>> -> memref<10000x128xf32, #tpu.memory_space<vmem_shared>>
    tpu.wait_indirect_dma semaphore(%arg19 : memref<!tpu.dma_semaphore, #tpu.memory_space<semaphore_mem>>) src(%arg10 : memref<40x128xf32, #tpu.memory_space<vmem>>) dst(%dma_wait3A_819 : memref<10000x128xf32, #tpu.memory_space<vmem_shared>>)
    %dma_start3A_820 = arith.constant 49 : i32
    %dma_start3A_821 = arith.constant 0 : i32
    %dma_start3A_822 = tpu.memref_slice %arg7[%dma_start3A_820, %dma_start3A_821] : memref<50x40xi32, #tpu.memory_space<vmem>> -> memref<1x40xi32, #tpu.memory_space<vmem>>
    %dma_start3A_823 = tpu.memref_squeeze %dma_start3A_822 : memref<1x40xi32, #tpu.memory_space<vmem>> -> memref<40xi32, #tpu.memory_space<vmem>>
    %dma_start3A_824 = arith.constant 0 : i32
    %dma_start3A_825 = arith.constant 0 : i32
    %dma_start3A_826 = tpu.memref_slice %arg2[%dma_start3A_824, %dma_start3A_825] : memref<10000x128xf32, #tpu.memory_space<hbm>> -> memref<10000x128xf32, #tpu.memory_space<hbm>>
    tpu.enqueue_indirect_dma source(%dma_start3A_826 : memref<10000x128xf32, #tpu.memory_space<hbm>>) target(%arg10 : memref<40x128xf32, #tpu.memory_space<vmem>>) offsets(%dma_start3A_823 : memref<40xi32, #tpu.memory_space<vmem>>) semaphore(%arg15 : memref<!tpu.dma_semaphore, #tpu.memory_space<semaphore_mem>>)
    %dma_wait3A_827 = arith.constant 0 : i32
    %dma_wait3A_828 = arith.constant 0 : i32
    %dma_wait3A_829 = tpu.memref_slice %arg8[%dma_wait3A_827, %dma_wait3A_828] : memref<50x40xi32, #tpu.memory_space<vmem>> -> memref<1x40xi32, #tpu.memory_space<vmem>>
    %dma_wait3A_830 = tpu.memref_squeeze %dma_wait3A_829 : memref<1x40xi32, #tpu.memory_space<vmem>> -> memref<40xi32, #tpu.memory_space<vmem>>
    %dma_wait3A_831 = arith.constant 0 : i32
    %dma_wait3A_832 = arith.constant 0 : i32
    %dma_wait3A_833 = tpu.memref_slice %arg13[%dma_wait3A_831, %dma_wait3A_832] : memref<10000x128xf32, #tpu.memory_space<vmem_shared>> -> memref<10000x128xf32, #tpu.memory_space<vmem_shared>>
    tpu.wait_indirect_dma semaphore(%arg20 : memref<!tpu.dma_semaphore, #tpu.memory_space<semaphore_mem>>) src(%arg11 : memref<40x128xf32, #tpu.memory_space<vmem>>) dst(%dma_wait3A_833 : memref<10000x128xf32, #tpu.memory_space<vmem_shared>>)
    %dma_wait3A_834 = arith.constant 0 : i32
    %dma_wait3A_835 = arith.constant 0 : i32
    %dma_wait3A_836 = tpu.memref_slice %arg8[%dma_wait3A_834, %dma_wait3A_835] : memref<50x40xi32, #tpu.memory_space<vmem>> -> memref<1x40xi32, #tpu.memory_space<vmem>>
    %dma_wait3A_837 = tpu.memref_squeeze %dma_wait3A_836 : memref<1x40xi32, #tpu.memory_space<vmem>> -> memref<40xi32, #tpu.memory_space<vmem>>
    %dma_wait3A_838 = arith.constant 0 : i32
    %dma_wait3A_839 = arith.constant 0 : i32
    %dma_wait3A_840 = tpu.memref_slice %arg13[%dma_wait3A_838, %dma_wait3A_839] : memref<10000x128xf32, #tpu.memory_space<vmem_shared>> -> memref<10000x128xf32, #tpu.memory_space<vmem_shared>>
    tpu.wait_indirect_dma semaphore(%arg21 : memref<!tpu.dma_semaphore, #tpu.memory_space<semaphore_mem>>) src(%arg12 : memref<40x128xf32, #tpu.memory_space<vmem>>) dst(%dma_wait3A_840 : memref<10000x128xf32, #tpu.memory_space<vmem_shared>>)
    %dma_wait3A_841 = arith.constant 0 : i32
    %dma_wait3A_842 = arith.constant 0 : i32
    %dma_wait3A_843 = tpu.memref_slice %arg7[%dma_wait3A_841, %dma_wait3A_842] : memref<50x40xi32, #tpu.memory_space<vmem>> -> memref<1x40xi32, #tpu.memory_space<vmem>>
    %dma_wait3A_844 = tpu.memref_squeeze %dma_wait3A_843 : memref<1x40xi32, #tpu.memory_space<vmem>> -> memref<40xi32, #tpu.memory_space<vmem>>
    %dma_wait3A_845 = arith.constant 0 : i32
    %dma_wait3A_846 = arith.constant 0 : i32
    %dma_wait3A_847 = tpu.memref_slice %arg2[%dma_wait3A_845, %dma_wait3A_846] : memref<10000x128xf32, #tpu.memory_space<hbm>> -> memref<10000x128xf32, #tpu.memory_space<hbm>>
    tpu.wait_indirect_dma semaphore(%arg14 : memref<!tpu.dma_semaphore, #tpu.memory_space<semaphore_mem>>) src(%dma_wait3A_847 : memref<10000x128xf32, #tpu.memory_space<hbm>>) dst(%arg9 : memref<40x128xf32, #tpu.memory_space<vmem>>)
    %dma_start3A_848 = arith.constant 48 : i32
    %dma_start3A_849 = arith.constant 0 : i32
    %dma_start3A_850 = tpu.memref_slice %arg8[%dma_start3A_848, %dma_start3A_849] : memref<50x40xi32, #tpu.memory_space<vmem>> -> memref<1x40xi32, #tpu.memory_space<vmem>>
    %dma_start3A_851 = tpu.memref_squeeze %dma_start3A_850 : memref<1x40xi32, #tpu.memory_space<vmem>> -> memref<40xi32, #tpu.memory_space<vmem>>
    %dma_start3A_852 = arith.constant 0 : i32
    %dma_start3A_853 = arith.constant 0 : i32
    %dma_start3A_854 = tpu.memref_slice %arg13[%dma_start3A_852, %dma_start3A_853] : memref<10000x128xf32, #tpu.memory_space<vmem_shared>> -> memref<10000x128xf32, #tpu.memory_space<vmem_shared>>
    tpu.enqueue_indirect_dma source(%arg9 : memref<40x128xf32, #tpu.memory_space<vmem>>) target(%dma_start3A_854 : memref<10000x128xf32, #tpu.memory_space<vmem_shared>>) offsets(%dma_start3A_851 : memref<40xi32, #tpu.memory_space<vmem>>) semaphore(%arg18 : memref<!tpu.dma_semaphore, #tpu.memory_space<semaphore_mem>>) {add = true}
    %dma_wait3A_855 = arith.constant 0 : i32
    %dma_wait3A_856 = arith.constant 0 : i32
    %dma_wait3A_857 = tpu.memref_slice %arg7[%dma_wait3A_855, %dma_wait3A_856] : memref<50x40xi32, #tpu.memory_space<vmem>> -> memref<1x40xi32, #tpu.memory_space<vmem>>
    %dma_wait3A_858 = tpu.memref_squeeze %dma_wait3A_857 : memref<1x40xi32, #tpu.memory_space<vmem>> -> memref<40xi32, #tpu.memory_space<vmem>>
    %dma_wait3A_859 = arith.constant 0 : i32
    %dma_wait3A_860 = arith.constant 0 : i32
    %dma_wait3A_861 = tpu.memref_slice %arg2[%dma_wait3A_859, %dma_wait3A_860] : memref<10000x128xf32, #tpu.memory_space<hbm>> -> memref<10000x128xf32, #tpu.memory_space<hbm>>
    tpu.wait_indirect_dma semaphore(%arg15 : memref<!tpu.dma_semaphore, #tpu.memory_space<semaphore_mem>>) src(%dma_wait3A_861 : memref<10000x128xf32, #tpu.memory_space<hbm>>) dst(%arg10 : memref<40x128xf32, #tpu.memory_space<vmem>>)
    %dma_start3A_862 = arith.constant 49 : i32
    %dma_start3A_863 = arith.constant 0 : i32
    %dma_start3A_864 = tpu.memref_slice %arg8[%dma_start3A_862, %dma_start3A_863] : memref<50x40xi32, #tpu.memory_space<vmem>> -> memref<1x40xi32, #tpu.memory_space<vmem>>
    %dma_start3A_865 = tpu.memref_squeeze %dma_start3A_864 : memref<1x40xi32, #tpu.memory_space<vmem>> -> memref<40xi32, #tpu.memory_space<vmem>>
    %dma_start3A_866 = arith.constant 0 : i32
    %dma_start3A_867 = arith.constant 0 : i32
    %dma_start3A_868 = tpu.memref_slice %arg13[%dma_start3A_866, %dma_start3A_867] : memref<10000x128xf32, #tpu.memory_space<vmem_shared>> -> memref<10000x128xf32, #tpu.memory_space<vmem_shared>>
    tpu.enqueue_indirect_dma source(%arg10 : memref<40x128xf32, #tpu.memory_space<vmem>>) target(%dma_start3A_868 : memref<10000x128xf32, #tpu.memory_space<vmem_shared>>) offsets(%dma_start3A_865 : memref<40xi32, #tpu.memory_space<vmem>>) semaphore(%arg19 : memref<!tpu.dma_semaphore, #tpu.memory_space<semaphore_mem>>) {add = true}
    %dma_wait3A_869 = arith.constant 0 : i32
    %dma_wait3A_870 = arith.constant 0 : i32
    %dma_wait3A_871 = tpu.memref_slice %arg8[%dma_wait3A_869, %dma_wait3A_870] : memref<50x40xi32, #tpu.memory_space<vmem>> -> memref<1x40xi32, #tpu.memory_space<vmem>>
    %dma_wait3A_872 = tpu.memref_squeeze %dma_wait3A_871 : memref<1x40xi32, #tpu.memory_space<vmem>> -> memref<40xi32, #tpu.memory_space<vmem>>
    %dma_wait3A_873 = arith.constant 0 : i32
    %dma_wait3A_874 = arith.constant 0 : i32
    %dma_wait3A_875 = tpu.memref_slice %arg13[%dma_wait3A_873, %dma_wait3A_874] : memref<10000x128xf32, #tpu.memory_space<vmem_shared>> -> memref<10000x128xf32, #tpu.memory_space<vmem_shared>>
    tpu.wait_indirect_dma semaphore(%arg18 : memref<!tpu.dma_semaphore, #tpu.memory_space<semaphore_mem>>) src(%arg9 : memref<40x128xf32, #tpu.memory_space<vmem>>) dst(%dma_wait3A_875 : memref<10000x128xf32, #tpu.memory_space<vmem_shared>>)
    %dma_wait3A_876 = arith.constant 0 : i32
    %dma_wait3A_877 = arith.constant 0 : i32
    %dma_wait3A_878 = tpu.memref_slice %arg8[%dma_wait3A_876, %dma_wait3A_877] : memref<50x40xi32, #tpu.memory_space<vmem>> -> memref<1x40xi32, #tpu.memory_space<vmem>>
    %dma_wait3A_879 = tpu.memref_squeeze %dma_wait3A_878 : memref<1x40xi32, #tpu.memory_space<vmem>> -> memref<40xi32, #tpu.memory_space<vmem>>
    %dma_wait3A_880 = arith.constant 0 : i32
    %dma_wait3A_881 = arith.constant 0 : i32
    %dma_wait3A_882 = tpu.memref_slice %arg13[%dma_wait3A_880, %dma_wait3A_881] : memref<10000x128xf32, #tpu.memory_space<vmem_shared>> -> memref<10000x128xf32, #tpu.memory_space<vmem_shared>>
    tpu.wait_indirect_dma semaphore(%arg19 : memref<!tpu.dma_semaphore, #tpu.memory_space<semaphore_mem>>) src(%arg10 : memref<40x128xf32, #tpu.memory_space<vmem>>) dst(%dma_wait3A_882 : memref<10000x128xf32, #tpu.memory_space<vmem_shared>>)
    %barrier3A_883 = arith.constant 0 : index
    tpu.barrier barrier_id(%barrier3A_883)
    %scan3A_884 = arith.constant 0 : i32
    %scan3A_885 = arith.constant 15 : i32
    %scan3A_886 = arith.addi %scan3A_884, %scan3A_885 : i32
    %scan3A_887 = arith.constant 1 : i32
    scf.for %scan3A_898 = %scan3A_884 to %scan3A_886 step %scan3A_887  : i32 {
      %mul3A_899 = arith.constant 1 : i32
      %mul3A_900 = arith.muli %scan3A_898, %mul3A_899 : i32
      %add3A_901 = arith.constant 0 : i32
      %add3A_902 = arith.addi %add3A_901, %mul3A_900 : i32
      %mul3A_903 = arith.constant 40 : i32
      %mul3A_904 = arith.muli %add3A_902, %mul3A_903 : i32
      %add3A_905 = arith.addi %mul3A_2, %mul3A_904 : i32
      "tpu.region"() ({
        %run_scoped3A_909 = tpu.sem_alloc : memref<!tpu.dma_semaphore, #tpu.memory_space<semaphore_mem>>
        %dma_start3A_910 = arith.constant 0 : i32
        %dma_start3A_911 = arith.constant 0 : i32
        %dma_start3A_912 = tpu.memref_slice %arg9[%dma_start3A_910, %dma_start3A_911] : memref<40x128xf32, #tpu.memory_space<vmem>> -> memref<40x128xf32, #tpu.memory_space<vmem>>
        %dma_start3A_913 = arith.constant 0 : i32
        %dma_start3A_914 = tpu.memref_slice %arg13[%add3A_905, %dma_start3A_913] : memref<10000x128xf32, #tpu.memory_space<vmem_shared>> -> memref<40x128xf32, #tpu.memory_space<vmem_shared>>
        %dma_start3A_915 = arith.constant 0 : i32
        %dma_start3A_916 = arith.constant 0 : i32
        %dma_start3A_917 = tpu.memref_slice %arg9[%dma_start3A_915, %dma_start3A_916] : memref<40x128xf32, #tpu.memory_space<vmem>> -> memref<40x128xf32, #tpu.memory_space<vmem>>
        %dma_start3A_918 = arith.constant 0 : i32
        %dma_start3A_919 = tpu.memref_slice %arg13[%add3A_905, %dma_start3A_918] : memref<10000x128xf32, #tpu.memory_space<vmem_shared>> -> memref<40x128xf32, #tpu.memory_space<vmem_shared>>
        tpu.enqueue_dma source(%dma_start3A_919 : memref<40x128xf32, #tpu.memory_space<vmem_shared>>) target(%dma_start3A_917 : memref<40x128xf32, #tpu.memory_space<vmem>>) target_semaphore(%run_scoped3A_909 : memref<!tpu.dma_semaphore, #tpu.memory_space<semaphore_mem>>)
        %dma_wait3A_920 = arith.constant 0 : i32
        %dma_wait3A_921 = arith.constant 0 : i32
        %dma_wait3A_922 = tpu.memref_slice %arg9[%dma_wait3A_920, %dma_wait3A_921] : memref<40x128xf32, #tpu.memory_space<vmem>> -> memref<40x128xf32, #tpu.memory_space<vmem>>
        %dma_wait3A_923 = arith.constant 0 : i32
        %dma_wait3A_924 = tpu.memref_slice %arg13[%add3A_905, %dma_wait3A_923] : memref<10000x128xf32, #tpu.memory_space<vmem_shared>> -> memref<40x128xf32, #tpu.memory_space<vmem_shared>>
        %dma_wait3A_925 = arith.constant 0 : i32
        %dma_wait3A_926 = arith.constant 0 : i32
        %dma_wait3A_927 = tpu.memref_slice %arg9[%dma_wait3A_925, %dma_wait3A_926] : memref<40x128xf32, #tpu.memory_space<vmem>> -> memref<40x128xf32, #tpu.memory_space<vmem>>
        %dma_wait3A_928 = arith.constant 0 : i32
        %dma_wait3A_929 = tpu.memref_slice %arg13[%add3A_905, %dma_wait3A_928] : memref<10000x128xf32, #tpu.memory_space<vmem_shared>> -> memref<40x128xf32, #tpu.memory_space<vmem_shared>>
        tpu.wait_dma2 semaphore(%run_scoped3A_909 : memref<!tpu.dma_semaphore, #tpu.memory_space<semaphore_mem>>) src(%dma_wait3A_929 : memref<40x128xf32, #tpu.memory_space<vmem_shared>>) dst(%dma_wait3A_927 : memref<40x128xf32, #tpu.memory_space<vmem>>)
        tpu.yield
      }) : () -> ()
      %mul3A_906 = arith.constant 40 : i32
      %mul3A_907 = arith.muli %add3A_902, %mul3A_906 : i32
      %add3A_908 = arith.addi %mul3A_2, %mul3A_907 : i32
      "tpu.region"() ({
        %run_scoped3A_909 = tpu.sem_alloc : memref<!tpu.dma_semaphore, #tpu.memory_space<semaphore_mem>>
        %dma_start3A_910 = arith.constant 0 : i32
        %dma_start3A_911 = arith.constant 0 : i32
        %dma_start3A_912 = tpu.memref_slice %arg9[%dma_start3A_910, %dma_start3A_911] : memref<40x128xf32, #tpu.memory_space<vmem>> -> memref<40x128xf32, #tpu.memory_space<vmem>>
        %dma_start3A_913 = arith.constant 0 : i32
        %dma_start3A_914 = tpu.memref_slice %arg6[%arg0, %add3A_908, %dma_start3A_913] : memref<2x10000x128xf32, #tpu.memory_space<hbm>> -> memref<1x40x128xf32, #tpu.memory_space<hbm>>
        %dma_start3A_915 = tpu.memref_squeeze %dma_start3A_914 : memref<1x40x128xf32, #tpu.memory_space<hbm>> -> memref<40x128xf32, #tpu.memory_space<hbm>>
        %dma_start3A_916 = arith.constant 0 : i32
        %dma_start3A_917 = tpu.memref_slice %arg6[%arg0, %add3A_908, %dma_start3A_916] : memref<2x10000x128xf32, #tpu.memory_space<hbm>> -> memref<1x40x128xf32, #tpu.memory_space<hbm>>
        %dma_start3A_918 = tpu.memref_squeeze %dma_start3A_917 : memref<1x40x128xf32, #tpu.memory_space<hbm>> -> memref<40x128xf32, #tpu.memory_space<hbm>>
        %dma_start3A_919 = arith.constant 0 : i32
        %dma_start3A_920 = arith.constant 0 : i32
        %dma_start3A_921 = tpu.memref_slice %arg9[%dma_start3A_919, %dma_start3A_920] : memref<40x128xf32, #tpu.memory_space<vmem>> -> memref<40x128xf32, #tpu.memory_space<vmem>>
        tpu.enqueue_dma source(%dma_start3A_921 : memref<40x128xf32, #tpu.memory_space<vmem>>) target(%dma_start3A_918 : memref<40x128xf32, #tpu.memory_space<hbm>>) target_semaphore(%run_scoped3A_909 : memref<!tpu.dma_semaphore, #tpu.memory_space<semaphore_mem>>)
        %dma_wait3A_922 = arith.constant 0 : i32
        %dma_wait3A_923 = arith.constant 0 : i32
        %dma_wait3A_924 = tpu.memref_slice %arg9[%dma_wait3A_922, %dma_wait3A_923] : memref<40x128xf32, #tpu.memory_space<vmem>> -> memref<40x128xf32, #tpu.memory_space<vmem>>
        %dma_wait3A_925 = arith.constant 0 : i32
        %dma_wait3A_926 = tpu.memref_slice %arg6[%arg0, %add3A_908, %dma_wait3A_925] : memref<2x10000x128xf32, #tpu.memory_space<hbm>> -> memref<1x40x128xf32, #tpu.memory_space<hbm>>
        %dma_wait3A_927 = tpu.memref_squeeze %dma_wait3A_926 : memref<1x40x128xf32, #tpu.memory_space<hbm>> -> memref<40x128xf32, #tpu.memory_space<hbm>>
        %dma_wait3A_928 = arith.constant 0 : i32
        %dma_wait3A_929 = tpu.memref_slice %arg6[%arg0, %add3A_908, %dma_wait3A_928] : memref<2x10000x128xf32, #tpu.memory_space<hbm>> -> memref<1x40x128xf32, #tpu.memory_space<hbm>>
        %dma_wait3A_930 = tpu.memref_squeeze %dma_wait3A_929 : memref<1x40x128xf32, #tpu.memory_space<hbm>> -> memref<40x128xf32, #tpu.memory_space<hbm>>
        %dma_wait3A_931 = arith.constant 0 : i32
        %dma_wait3A_932 = arith.constant 0 : i32
        %dma_wait3A_933 = tpu.memref_slice %arg9[%dma_wait3A_931, %dma_wait3A_932] : memref<40x128xf32, #tpu.memory_space<vmem>> -> memref<40x128xf32, #tpu.memory_space<vmem>>
        tpu.wait_dma2 semaphore(%run_scoped3A_909 : memref<!tpu.dma_semaphore, #tpu.memory_space<semaphore_mem>>) src(%dma_wait3A_933 : memref<40x128xf32, #tpu.memory_space<vmem>>) dst(%dma_wait3A_930 : memref<40x128xf32, #tpu.memory_space<hbm>>)
        tpu.yield
      }) : () -> ()
    }
    %scan3A_888 = arith.constant 15 : i32
    %add3A_889 = arith.constant 600 : i32
    %add3A_890 = arith.addi %mul3A_2, %add3A_889 : i32
    "tpu.region"() ({
      %run_scoped3A_898 = tpu.sem_alloc : memref<!tpu.dma_semaphore, #tpu.memory_space<semaphore_mem>>
      %dma_start3A_899 = arith.constant 0 : i32
      %dma_start3A_900 = arith.constant 0 : i32
      %dma_start3A_901 = tpu.memref_slice %arg9[%dma_start3A_899, %dma_start3A_900] : memref<40x128xf32, #tpu.memory_space<vmem>> -> memref<24x128xf32, #tpu.memory_space<vmem>>
      %dma_start3A_902 = arith.constant 0 : i32
      %dma_start3A_903 = tpu.memref_slice %arg13[%add3A_890, %dma_start3A_902] : memref<10000x128xf32, #tpu.memory_space<vmem_shared>> -> memref<24x128xf32, #tpu.memory_space<vmem_shared>>
      %dma_start3A_904 = arith.constant 0 : i32
      %dma_start3A_905 = arith.constant 0 : i32
      %dma_start3A_906 = tpu.memref_slice %arg9[%dma_start3A_904, %dma_start3A_905] : memref<40x128xf32, #tpu.memory_space<vmem>> -> memref<24x128xf32, #tpu.memory_space<vmem>>
      %dma_start3A_907 = arith.constant 0 : i32
      %dma_start3A_908 = tpu.memref_slice %arg13[%add3A_890, %dma_start3A_907] : memref<10000x128xf32, #tpu.memory_space<vmem_shared>> -> memref<24x128xf32, #tpu.memory_space<vmem_shared>>
      tpu.enqueue_dma source(%dma_start3A_908 : memref<24x128xf32, #tpu.memory_space<vmem_shared>>) target(%dma_start3A_906 : memref<24x128xf32, #tpu.memory_space<vmem>>) target_semaphore(%run_scoped3A_898 : memref<!tpu.dma_semaphore, #tpu.memory_space<semaphore_mem>>)
      %dma_wait3A_909 = arith.constant 0 : i32
      %dma_wait3A_910 = arith.constant 0 : i32
      %dma_wait3A_911 = tpu.memref_slice %arg9[%dma_wait3A_909, %dma_wait3A_910] : memref<40x128xf32, #tpu.memory_space<vmem>> -> memref<24x128xf32, #tpu.memory_space<vmem>>
      %dma_wait3A_912 = arith.constant 0 : i32
      %dma_wait3A_913 = tpu.memref_slice %arg13[%add3A_890, %dma_wait3A_912] : memref<10000x128xf32, #tpu.memory_space<vmem_shared>> -> memref<24x128xf32, #tpu.memory_space<vmem_shared>>
      %dma_wait3A_914 = arith.constant 0 : i32
      %dma_wait3A_915 = arith.constant 0 : i32
      %dma_wait3A_916 = tpu.memref_slice %arg9[%dma_wait3A_914, %dma_wait3A_915] : memref<40x128xf32, #tpu.memory_space<vmem>> -> memref<24x128xf32, #tpu.memory_space<vmem>>
      %dma_wait3A_917 = arith.constant 0 : i32
      %dma_wait3A_918 = tpu.memref_slice %arg13[%add3A_890, %dma_wait3A_917] : memref<10000x128xf32, #tpu.memory_space<vmem_shared>> -> memref<24x128xf32, #tpu.memory_space<vmem_shared>>
      tpu.wait_dma2 semaphore(%run_scoped3A_898 : memref<!tpu.dma_semaphore, #tpu.memory_space<semaphore_mem>>) src(%dma_wait3A_918 : memref<24x128xf32, #tpu.memory_space<vmem_shared>>) dst(%dma_wait3A_916 : memref<24x128xf32, #tpu.memory_space<vmem>>)
      tpu.yield
    }) : () -> ()
    %add3A_891 = arith.constant 600 : i32
    %add3A_892 = arith.addi %mul3A_2, %add3A_891 : i32
    "tpu.region"() ({
      %run_scoped3A_898 = tpu.sem_alloc : memref<!tpu.dma_semaphore, #tpu.memory_space<semaphore_mem>>
      %dma_start3A_899 = arith.constant 0 : i32
      %dma_start3A_900 = arith.constant 0 : i32
      %dma_start3A_901 = tpu.memref_slice %arg9[%dma_start3A_899, %dma_start3A_900] : memref<40x128xf32, #tpu.memory_space<vmem>> -> memref<24x128xf32, #tpu.memory_space<vmem>>
      %dma_start3A_902 = arith.constant 0 : i32
      %dma_start3A_903 = tpu.memref_slice %arg6[%arg0, %add3A_892, %dma_start3A_902] : memref<2x10000x128xf32, #tpu.memory_space<hbm>> -> memref<1x24x128xf32, #tpu.memory_space<hbm>>
      %dma_start3A_904 = tpu.memref_squeeze %dma_start3A_903 : memref<1x24x128xf32, #tpu.memory_space<hbm>> -> memref<24x128xf32, #tpu.memory_space<hbm>>
      %dma_start3A_905 = arith.constant 0 : i32
      %dma_start3A_906 = tpu.memref_slice %arg6[%arg0, %add3A_892, %dma_start3A_905] : memref<2x10000x128xf32, #tpu.memory_space<hbm>> -> memref<1x24x128xf32, #tpu.memory_space<hbm>>
      %dma_start3A_907 = tpu.memref_squeeze %dma_start3A_906 : memref<1x24x128xf32, #tpu.memory_space<hbm>> -> memref<24x128xf32, #tpu.memory_space<hbm>>
      %dma_start3A_908 = arith.constant 0 : i32
      %dma_start3A_909 = arith.constant 0 : i32
      %dma_start3A_910 = tpu.memref_slice %arg9[%dma_start3A_908, %dma_start3A_909] : memref<40x128xf32, #tpu.memory_space<vmem>> -> memref<24x128xf32, #tpu.memory_space<vmem>>
      tpu.enqueue_dma source(%dma_start3A_910 : memref<24x128xf32, #tpu.memory_space<vmem>>) target(%dma_start3A_907 : memref<24x128xf32, #tpu.memory_space<hbm>>) target_semaphore(%run_scoped3A_898 : memref<!tpu.dma_semaphore, #tpu.memory_space<semaphore_mem>>)
      %dma_wait3A_911 = arith.constant 0 : i32
      %dma_wait3A_912 = arith.constant 0 : i32
      %dma_wait3A_913 = tpu.memref_slice %arg9[%dma_wait3A_911, %dma_wait3A_912] : memref<40x128xf32, #tpu.memory_space<vmem>> -> memref<24x128xf32, #tpu.memory_space<vmem>>
      %dma_wait3A_914 = arith.constant 0 : i32
      %dma_wait3A_915 = tpu.memref_slice %arg6[%arg0, %add3A_892, %dma_wait3A_914] : memref<2x10000x128xf32, #tpu.memory_space<hbm>> -> memref<1x24x128xf32, #tpu.memory_space<hbm>>
      %dma_wait3A_916 = tpu.memref_squeeze %dma_wait3A_915 : memref<1x24x128xf32, #tpu.memory_space<hbm>> -> memref<24x128xf32, #tpu.memory_space<hbm>>
      %dma_wait3A_917 = arith.constant 0 : i32
      %dma_wait3A_918 = tpu.memref_slice %arg6[%arg0, %add3A_892, %dma_wait3A_917] : memref<2x10000x128xf32, #tpu.memory_space<hbm>> -> memref<1x24x128xf32, #tpu.memory_space<hbm>>
      %dma_wait3A_919 = tpu.memref_squeeze %dma_wait3A_918 : memref<1x24x128xf32, #tpu.memory_space<hbm>> -> memref<24x128xf32, #tpu.memory_space<hbm>>
      %dma_wait3A_920 = arith.constant 0 : i32
      %dma_wait3A_921 = arith.constant 0 : i32
      %dma_wait3A_922 = tpu.memref_slice %arg9[%dma_wait3A_920, %dma_wait3A_921] : memref<40x128xf32, #tpu.memory_space<vmem>> -> memref<24x128xf32, #tpu.memory_space<vmem>>
      tpu.wait_dma2 semaphore(%run_scoped3A_898 : memref<!tpu.dma_semaphore, #tpu.memory_space<semaphore_mem>>) src(%dma_wait3A_922 : memref<24x128xf32, #tpu.memory_space<vmem>>) dst(%dma_wait3A_919 : memref<24x128xf32, #tpu.memory_space<hbm>>)
      tpu.yield
    }) : () -> ()
    %eq3A_893 = arith.constant 15 : i32
    %eq3A_894 = arith.cmpi eq, %arg1, %eq3A_893 : i32
    %convert_element_type3A_895 = arith.extui %eq3A_894 : i1 to i32
    %cond3A_896 = arith.constant 0 : i32
    %cond3A_897 = arith.cmpi ne, %convert_element_type3A_895, %cond3A_896 : i32
    scf.if %cond3A_897 {
      "tpu.region"() ({
        %run_scoped3A_898 = tpu.sem_alloc : memref<!tpu.dma_semaphore, #tpu.memory_space<semaphore_mem>>
        %dma_start3A_899 = arith.constant 0 : i32
        %dma_start3A_900 = arith.constant 0 : i32
        %dma_start3A_901 = tpu.memref_slice %arg9[%dma_start3A_899, %dma_start3A_900] : memref<40x128xf32, #tpu.memory_space<vmem>> -> memref<16x128xf32, #tpu.memory_space<vmem>>
        %dma_start3A_902 = arith.constant 9984 : i32
        %dma_start3A_903 = arith.constant 0 : i32
        %dma_start3A_904 = tpu.memref_slice %arg13[%dma_start3A_902, %dma_start3A_903] : memref<10000x128xf32, #tpu.memory_space<vmem_shared>> -> memref<16x128xf32, #tpu.memory_space<vmem_shared>>
        %dma_start3A_905 = arith.constant 0 : i32
        %dma_start3A_906 = arith.constant 0 : i32
        %dma_start3A_907 = tpu.memref_slice %arg9[%dma_start3A_905, %dma_start3A_906] : memref<40x128xf32, #tpu.memory_space<vmem>> -> memref<16x128xf32, #tpu.memory_space<vmem>>
        %dma_start3A_908 = arith.constant 9984 : i32
        %dma_start3A_909 = arith.constant 0 : i32
        %dma_start3A_910 = tpu.memref_slice %arg13[%dma_start3A_908, %dma_start3A_909] : memref<10000x128xf32, #tpu.memory_space<vmem_shared>> -> memref<16x128xf32, #tpu.memory_space<vmem_shared>>
        tpu.enqueue_dma source(%dma_start3A_910 : memref<16x128xf32, #tpu.memory_space<vmem_shared>>) target(%dma_start3A_907 : memref<16x128xf32, #tpu.memory_space<vmem>>) target_semaphore(%run_scoped3A_898 : memref<!tpu.dma_semaphore, #tpu.memory_space<semaphore_mem>>)
        %dma_wait3A_911 = arith.constant 0 : i32
        %dma_wait3A_912 = arith.constant 0 : i32
        %dma_wait3A_913 = tpu.memref_slice %arg9[%dma_wait3A_911, %dma_wait3A_912] : memref<40x128xf32, #tpu.memory_space<vmem>> -> memref<16x128xf32, #tpu.memory_space<vmem>>
        %dma_wait3A_914 = arith.constant 9984 : i32
        %dma_wait3A_915 = arith.constant 0 : i32
        %dma_wait3A_916 = tpu.memref_slice %arg13[%dma_wait3A_914, %dma_wait3A_915] : memref<10000x128xf32, #tpu.memory_space<vmem_shared>> -> memref<16x128xf32, #tpu.memory_space<vmem_shared>>
        %dma_wait3A_917 = arith.constant 0 : i32
        %dma_wait3A_918 = arith.constant 0 : i32
        %dma_wait3A_919 = tpu.memref_slice %arg9[%dma_wait3A_917, %dma_wait3A_918] : memref<40x128xf32, #tpu.memory_space<vmem>> -> memref<16x128xf32, #tpu.memory_space<vmem>>
        %dma_wait3A_920 = arith.constant 9984 : i32
        %dma_wait3A_921 = arith.constant 0 : i32
        %dma_wait3A_922 = tpu.memref_slice %arg13[%dma_wait3A_920, %dma_wait3A_921] : memref<10000x128xf32, #tpu.memory_space<vmem_shared>> -> memref<16x128xf32, #tpu.memory_space<vmem_shared>>
        tpu.wait_dma2 semaphore(%run_scoped3A_898 : memref<!tpu.dma_semaphore, #tpu.memory_space<semaphore_mem>>) src(%dma_wait3A_922 : memref<16x128xf32, #tpu.memory_space<vmem_shared>>) dst(%dma_wait3A_919 : memref<16x128xf32, #tpu.memory_space<vmem>>)
        tpu.yield
      }) : () -> ()
      "tpu.region"() ({
        %run_scoped3A_898 = tpu.sem_alloc : memref<!tpu.dma_semaphore, #tpu.memory_space<semaphore_mem>>
        %dma_start3A_899 = arith.constant 0 : i32
        %dma_start3A_900 = arith.constant 0 : i32
        %dma_start3A_901 = tpu.memref_slice %arg9[%dma_start3A_899, %dma_start3A_900] : memref<40x128xf32, #tpu.memory_space<vmem>> -> memref<16x128xf32, #tpu.memory_space<vmem>>
        %dma_start3A_902 = arith.constant 9984 : i32
        %dma_start3A_903 = arith.constant 0 : i32
        %dma_start3A_904 = tpu.memref_slice %arg6[%arg0, %dma_start3A_902, %dma_start3A_903] : memref<2x10000x128xf32, #tpu.memory_space<hbm>> -> memref<1x16x128xf32, #tpu.memory_space<hbm>>
        %dma_start3A_905 = tpu.memref_squeeze %dma_start3A_904 : memref<1x16x128xf32, #tpu.memory_space<hbm>> -> memref<16x128xf32, #tpu.memory_space<hbm>>
        %dma_start3A_906 = arith.constant 9984 : i32
        %dma_start3A_907 = arith.constant 0 : i32
        %dma_start3A_908 = tpu.memref_slice %arg6[%arg0, %dma_start3A_906, %dma_start3A_907] : memref<2x10000x128xf32, #tpu.memory_space<hbm>> -> memref<1x16x128xf32, #tpu.memory_space<hbm>>
        %dma_start3A_909 = tpu.memref_squeeze %dma_start3A_908 : memref<1x16x128xf32, #tpu.memory_space<hbm>> -> memref<16x128xf32, #tpu.memory_space<hbm>>
        %dma_start3A_910 = arith.constant 0 : i32
        %dma_start3A_911 = arith.constant 0 : i32
        %dma_start3A_912 = tpu.memref_slice %arg9[%dma_start3A_910, %dma_start3A_911] : memref<40x128xf32, #tpu.memory_space<vmem>> -> memref<16x128xf32, #tpu.memory_space<vmem>>
        tpu.enqueue_dma source(%dma_start3A_912 : memref<16x128xf32, #tpu.memory_space<vmem>>) target(%dma_start3A_909 : memref<16x128xf32, #tpu.memory_space<hbm>>) target_semaphore(%run_scoped3A_898 : memref<!tpu.dma_semaphore, #tpu.memory_space<semaphore_mem>>)
        %dma_wait3A_913 = arith.constant 0 : i32
        %dma_wait3A_914 = arith.constant 0 : i32
        %dma_wait3A_915 = tpu.memref_slice %arg9[%dma_wait3A_913, %dma_wait3A_914] : memref<40x128xf32, #tpu.memory_space<vmem>> -> memref<16x128xf32, #tpu.memory_space<vmem>>
        %dma_wait3A_916 = arith.constant 9984 : i32
        %dma_wait3A_917 = arith.constant 0 : i32
        %dma_wait3A_918 = tpu.memref_slice %arg6[%arg0, %dma_wait3A_916, %dma_wait3A_917] : memref<2x10000x128xf32, #tpu.memory_space<hbm>> -> memref<1x16x128xf32, #tpu.memory_space<hbm>>
        %dma_wait3A_919 = tpu.memref_squeeze %dma_wait3A_918 : memref<1x16x128xf32, #tpu.memory_space<hbm>> -> memref<16x128xf32, #tpu.memory_space<hbm>>
        %dma_wait3A_920 = arith.constant 9984 : i32
        %dma_wait3A_921 = arith.constant 0 : i32
        %dma_wait3A_922 = tpu.memref_slice %arg6[%arg0, %dma_wait3A_920, %dma_wait3A_921] : memref<2x10000x128xf32, #tpu.memory_space<hbm>> -> memref<1x16x128xf32, #tpu.memory_space<hbm>>
        %dma_wait3A_923 = tpu.memref_squeeze %dma_wait3A_922 : memref<1x16x128xf32, #tpu.memory_space<hbm>> -> memref<16x128xf32, #tpu.memory_space<hbm>>
        %dma_wait3A_924 = arith.constant 0 : i32
        %dma_wait3A_925 = arith.constant 0 : i32
        %dma_wait3A_926 = tpu.memref_slice %arg9[%dma_wait3A_924, %dma_wait3A_925] : memref<40x128xf32, #tpu.memory_space<vmem>> -> memref<16x128xf32, #tpu.memory_space<vmem>>
        tpu.wait_dma2 semaphore(%run_scoped3A_898 : memref<!tpu.dma_semaphore, #tpu.memory_space<semaphore_mem>>) src(%dma_wait3A_926 : memref<16x128xf32, #tpu.memory_space<vmem>>) dst(%dma_wait3A_923 : memref<16x128xf32, #tpu.memory_space<hbm>>)
        tpu.yield
      }) : () -> ()
    } else {
    }
    return
  }
}

#map = affine_map<(d0, d1) -> (0, 0)>
#map1 = affine_map<(d0, d1) -> (0, 0, 0, 0)>
#map2 = affine_map<(d0, d1) -> (0, 0, 0)>
module attributes {stable_mosaic.version = 14 : i64} {
  func.func @k(%arg0: i32, %arg1: i32, %arg2: memref<320000x16xf32, #tpu.memory_space<hbm>>, %arg3: memref<32x2x40x125xi32, #tpu.memory_space<hbm>>, %arg4: memref<125x16xf32, #tpu.memory_space<hbm>>, %arg5: memref<125x8xf32, #tpu.memory_space<hbm>>, %arg6: memref<125x8xf32, #tpu.memory_space<hbm>>, %arg7: memref<2x10000x16xf32, #tpu.memory_space<hbm>>, %arg8: memref<2x10000x8xf32, #tpu.memory_space<hbm>>, %arg9: memref<40x125xi32, #tpu.memory_space<vmem>>, %arg10: memref<125x16xf32, #tpu.memory_space<vmem>>, %arg11: memref<125x16xf32, #tpu.memory_space<vmem>>, %arg12: memref<125x8xf32, #tpu.memory_space<vmem>>, %arg13: memref<125x8xf32, #tpu.memory_space<vmem>>, %arg14: memref<10000x16xf32, #tpu.memory_space<vmem_shared>>, %arg15: memref<10000x8xf32, #tpu.memory_space<vmem_shared>>, %arg16: memref<!tpu.dma_semaphore, #tpu.memory_space<semaphore_mem>>, %arg17: memref<!tpu.dma_semaphore, #tpu.memory_space<semaphore_mem>>, %arg18: memref<!tpu.dma_semaphore, #tpu.memory_space<semaphore_mem>>, %arg19: memref<!tpu.dma_semaphore, #tpu.memory_space<semaphore_mem>>, %arg20: memref<!tpu.dma_semaphore, #tpu.memory_space<semaphore_mem>>) attributes {dimension_semantics = [#tpu.dimension_semantics<core_parallel>, #tpu.dimension_semantics<subcore_parallel>], iteration_bounds = array<i64: 2, 16>, scalar_prefetch = 0 : i64, scratch_operands = 12 : i64, tpu.core_type = #tpu.core_type<sc_vector_subcore>, window_params = [{transform_indices = #map}, {transform_indices = #map1}, {transform_indices = #map}, {transform_indices = #map}, {transform_indices = #map}, {transform_indices = #map2}, {transform_indices = #map2}]} {
    %mul3A = arith.constant 16 : i32
    %mul3A_0 = arith.muli %arg0, %mul3A : i32
    %add3A = arith.addi %mul3A_0, %arg1 : i32
    "tpu.region"() ({
      %run_scoped3A_203 = tpu.sem_alloc : memref<!tpu.dma_semaphore, #tpu.memory_space<semaphore_mem>>
      tpu.enqueue_dma source(%arg4 : memref<125x16xf32, #tpu.memory_space<hbm>>) target(%arg10 : memref<125x16xf32, #tpu.memory_space<vmem>>) target_semaphore(%run_scoped3A_203 : memref<!tpu.dma_semaphore, #tpu.memory_space<semaphore_mem>>)
      tpu.wait_dma2 semaphore(%run_scoped3A_203 : memref<!tpu.dma_semaphore, #tpu.memory_space<semaphore_mem>>) src(%arg4 : memref<125x16xf32, #tpu.memory_space<hbm>>) dst(%arg10 : memref<125x16xf32, #tpu.memory_space<vmem>>)
      tpu.yield
    }) : () -> ()
    "tpu.region"() ({
      %run_scoped3A_203 = tpu.sem_alloc : memref<!tpu.dma_semaphore, #tpu.memory_space<semaphore_mem>>
      tpu.enqueue_dma source(%arg5 : memref<125x8xf32, #tpu.memory_space<hbm>>) target(%arg12 : memref<125x8xf32, #tpu.memory_space<vmem>>) target_semaphore(%run_scoped3A_203 : memref<!tpu.dma_semaphore, #tpu.memory_space<semaphore_mem>>)
      tpu.wait_dma2 semaphore(%run_scoped3A_203 : memref<!tpu.dma_semaphore, #tpu.memory_space<semaphore_mem>>) src(%arg5 : memref<125x8xf32, #tpu.memory_space<hbm>>) dst(%arg12 : memref<125x8xf32, #tpu.memory_space<vmem>>)
      tpu.yield
    }) : () -> ()
    "tpu.region"() ({
      %run_scoped3A_203 = tpu.sem_alloc : memref<!tpu.dma_semaphore, #tpu.memory_space<semaphore_mem>>
      tpu.enqueue_dma source(%arg6 : memref<125x8xf32, #tpu.memory_space<hbm>>) target(%arg13 : memref<125x8xf32, #tpu.memory_space<vmem>>) target_semaphore(%run_scoped3A_203 : memref<!tpu.dma_semaphore, #tpu.memory_space<semaphore_mem>>)
      tpu.wait_dma2 semaphore(%run_scoped3A_203 : memref<!tpu.dma_semaphore, #tpu.memory_space<semaphore_mem>>) src(%arg6 : memref<125x8xf32, #tpu.memory_space<hbm>>) dst(%arg13 : memref<125x8xf32, #tpu.memory_space<vmem>>)
      tpu.yield
    }) : () -> ()
    %mul3A_1 = arith.constant 624 : i32
    %mul3A_2 = arith.muli %arg1, %mul3A_1 : i32
    %scan3A = arith.constant 0 : i32
    %scan3A_3 = arith.constant 15 : i32
    %scan3A_4 = arith.addi %scan3A, %scan3A_3 : i32
    %scan3A_5 = arith.constant 1 : i32
    scf.for %scan3A_203 = %scan3A to %scan3A_4 step %scan3A_5  : i32 {
      %mul3A_204 = arith.constant 1 : i32
      %mul3A_205 = arith.muli %scan3A_203, %mul3A_204 : i32
      %add3A_206 = arith.constant 0 : i32
      %add3A_207 = arith.addi %add3A_206, %mul3A_205 : i32
      %mul3A_208 = arith.constant 40 : i32
      %mul3A_209 = arith.muli %add3A_207, %mul3A_208 : i32
      %add3A_210 = arith.addi %mul3A_2, %mul3A_209 : i32
      "tpu.region"() ({
        %run_scoped3A_214 = tpu.sem_alloc : memref<!tpu.dma_semaphore, #tpu.memory_space<semaphore_mem>>
        %dma_start3A_215 = arith.constant 0 : i32
        %dma_start3A_216 = arith.constant 0 : i32
        %dma_start3A_217 = tpu.memref_slice %arg10[%dma_start3A_215, %dma_start3A_216] : memref<125x16xf32, #tpu.memory_space<vmem>> -> memref<40x16xf32, #tpu.memory_space<vmem>>
        %dma_start3A_218 = arith.constant 0 : i32
        %dma_start3A_219 = tpu.memref_slice %arg14[%add3A_210, %dma_start3A_218] : memref<10000x16xf32, #tpu.memory_space<vmem_shared>> -> memref<40x16xf32, #tpu.memory_space<vmem_shared>>
        %dma_start3A_220 = arith.constant 0 : i32
        %dma_start3A_221 = tpu.memref_slice %arg14[%add3A_210, %dma_start3A_220] : memref<10000x16xf32, #tpu.memory_space<vmem_shared>> -> memref<40x16xf32, #tpu.memory_space<vmem_shared>>
        %dma_start3A_222 = arith.constant 0 : i32
        %dma_start3A_223 = arith.constant 0 : i32
        %dma_start3A_224 = tpu.memref_slice %arg10[%dma_start3A_222, %dma_start3A_223] : memref<125x16xf32, #tpu.memory_space<vmem>> -> memref<40x16xf32, #tpu.memory_space<vmem>>
        tpu.enqueue_dma source(%dma_start3A_224 : memref<40x16xf32, #tpu.memory_space<vmem>>) target(%dma_start3A_221 : memref<40x16xf32, #tpu.memory_space<vmem_shared>>) target_semaphore(%run_scoped3A_214 : memref<!tpu.dma_semaphore, #tpu.memory_space<semaphore_mem>>)
        %dma_wait3A_225 = arith.constant 0 : i32
        %dma_wait3A_226 = arith.constant 0 : i32
        %dma_wait3A_227 = tpu.memref_slice %arg10[%dma_wait3A_225, %dma_wait3A_226] : memref<125x16xf32, #tpu.memory_space<vmem>> -> memref<40x16xf32, #tpu.memory_space<vmem>>
        %dma_wait3A_228 = arith.constant 0 : i32
        %dma_wait3A_229 = tpu.memref_slice %arg14[%add3A_210, %dma_wait3A_228] : memref<10000x16xf32, #tpu.memory_space<vmem_shared>> -> memref<40x16xf32, #tpu.memory_space<vmem_shared>>
        %dma_wait3A_230 = arith.constant 0 : i32
        %dma_wait3A_231 = tpu.memref_slice %arg14[%add3A_210, %dma_wait3A_230] : memref<10000x16xf32, #tpu.memory_space<vmem_shared>> -> memref<40x16xf32, #tpu.memory_space<vmem_shared>>
        %dma_wait3A_232 = arith.constant 0 : i32
        %dma_wait3A_233 = arith.constant 0 : i32
        %dma_wait3A_234 = tpu.memref_slice %arg10[%dma_wait3A_232, %dma_wait3A_233] : memref<125x16xf32, #tpu.memory_space<vmem>> -> memref<40x16xf32, #tpu.memory_space<vmem>>
        tpu.wait_dma2 semaphore(%run_scoped3A_214 : memref<!tpu.dma_semaphore, #tpu.memory_space<semaphore_mem>>) src(%dma_wait3A_234 : memref<40x16xf32, #tpu.memory_space<vmem>>) dst(%dma_wait3A_231 : memref<40x16xf32, #tpu.memory_space<vmem_shared>>)
        tpu.yield
      }) : () -> ()
      %mul3A_211 = arith.constant 40 : i32
      %mul3A_212 = arith.muli %add3A_207, %mul3A_211 : i32
      %add3A_213 = arith.addi %mul3A_2, %mul3A_212 : i32
      "tpu.region"() ({
        %run_scoped3A_214 = tpu.sem_alloc : memref<!tpu.dma_semaphore, #tpu.memory_space<semaphore_mem>>
        %dma_start3A_215 = arith.constant 0 : i32
        %dma_start3A_216 = arith.constant 0 : i32
        %dma_start3A_217 = tpu.memref_slice %arg13[%dma_start3A_215, %dma_start3A_216] : memref<125x8xf32, #tpu.memory_space<vmem>> -> memref<40x8xf32, #tpu.memory_space<vmem>>
        %dma_start3A_218 = arith.constant 0 : i32
        %dma_start3A_219 = tpu.memref_slice %arg15[%add3A_213, %dma_start3A_218] : memref<10000x8xf32, #tpu.memory_space<vmem_shared>> -> memref<40x8xf32, #tpu.memory_space<vmem_shared>>
        %dma_start3A_220 = arith.constant 0 : i32
        %dma_start3A_221 = tpu.memref_slice %arg15[%add3A_213, %dma_start3A_220] : memref<10000x8xf32, #tpu.memory_space<vmem_shared>> -> memref<40x8xf32, #tpu.memory_space<vmem_shared>>
        %dma_start3A_222 = arith.constant 0 : i32
        %dma_start3A_223 = arith.constant 0 : i32
        %dma_start3A_224 = tpu.memref_slice %arg13[%dma_start3A_222, %dma_start3A_223] : memref<125x8xf32, #tpu.memory_space<vmem>> -> memref<40x8xf32, #tpu.memory_space<vmem>>
        tpu.enqueue_dma source(%dma_start3A_224 : memref<40x8xf32, #tpu.memory_space<vmem>>) target(%dma_start3A_221 : memref<40x8xf32, #tpu.memory_space<vmem_shared>>) target_semaphore(%run_scoped3A_214 : memref<!tpu.dma_semaphore, #tpu.memory_space<semaphore_mem>>)
        %dma_wait3A_225 = arith.constant 0 : i32
        %dma_wait3A_226 = arith.constant 0 : i32
        %dma_wait3A_227 = tpu.memref_slice %arg13[%dma_wait3A_225, %dma_wait3A_226] : memref<125x8xf32, #tpu.memory_space<vmem>> -> memref<40x8xf32, #tpu.memory_space<vmem>>
        %dma_wait3A_228 = arith.constant 0 : i32
        %dma_wait3A_229 = tpu.memref_slice %arg15[%add3A_213, %dma_wait3A_228] : memref<10000x8xf32, #tpu.memory_space<vmem_shared>> -> memref<40x8xf32, #tpu.memory_space<vmem_shared>>
        %dma_wait3A_230 = arith.constant 0 : i32
        %dma_wait3A_231 = tpu.memref_slice %arg15[%add3A_213, %dma_wait3A_230] : memref<10000x8xf32, #tpu.memory_space<vmem_shared>> -> memref<40x8xf32, #tpu.memory_space<vmem_shared>>
        %dma_wait3A_232 = arith.constant 0 : i32
        %dma_wait3A_233 = arith.constant 0 : i32
        %dma_wait3A_234 = tpu.memref_slice %arg13[%dma_wait3A_232, %dma_wait3A_233] : memref<125x8xf32, #tpu.memory_space<vmem>> -> memref<40x8xf32, #tpu.memory_space<vmem>>
        tpu.wait_dma2 semaphore(%run_scoped3A_214 : memref<!tpu.dma_semaphore, #tpu.memory_space<semaphore_mem>>) src(%dma_wait3A_234 : memref<40x8xf32, #tpu.memory_space<vmem>>) dst(%dma_wait3A_231 : memref<40x8xf32, #tpu.memory_space<vmem_shared>>)
        tpu.yield
      }) : () -> ()
    }
    %scan3A_6 = arith.constant 15 : i32
    %add3A_7 = arith.constant 600 : i32
    %add3A_8 = arith.addi %mul3A_2, %add3A_7 : i32
    "tpu.region"() ({
      %run_scoped3A_203 = tpu.sem_alloc : memref<!tpu.dma_semaphore, #tpu.memory_space<semaphore_mem>>
      %dma_start3A_204 = arith.constant 0 : i32
      %dma_start3A_205 = arith.constant 0 : i32
      %dma_start3A_206 = tpu.memref_slice %arg10[%dma_start3A_204, %dma_start3A_205] : memref<125x16xf32, #tpu.memory_space<vmem>> -> memref<24x16xf32, #tpu.memory_space<vmem>>
      %dma_start3A_207 = arith.constant 0 : i32
      %dma_start3A_208 = tpu.memref_slice %arg14[%add3A_8, %dma_start3A_207] : memref<10000x16xf32, #tpu.memory_space<vmem_shared>> -> memref<24x16xf32, #tpu.memory_space<vmem_shared>>
      %dma_start3A_209 = arith.constant 0 : i32
      %dma_start3A_210 = tpu.memref_slice %arg14[%add3A_8, %dma_start3A_209] : memref<10000x16xf32, #tpu.memory_space<vmem_shared>> -> memref<24x16xf32, #tpu.memory_space<vmem_shared>>
      %dma_start3A_211 = arith.constant 0 : i32
      %dma_start3A_212 = arith.constant 0 : i32
      %dma_start3A_213 = tpu.memref_slice %arg10[%dma_start3A_211, %dma_start3A_212] : memref<125x16xf32, #tpu.memory_space<vmem>> -> memref<24x16xf32, #tpu.memory_space<vmem>>
      tpu.enqueue_dma source(%dma_start3A_213 : memref<24x16xf32, #tpu.memory_space<vmem>>) target(%dma_start3A_210 : memref<24x16xf32, #tpu.memory_space<vmem_shared>>) target_semaphore(%run_scoped3A_203 : memref<!tpu.dma_semaphore, #tpu.memory_space<semaphore_mem>>)
      %dma_wait3A_214 = arith.constant 0 : i32
      %dma_wait3A_215 = arith.constant 0 : i32
      %dma_wait3A_216 = tpu.memref_slice %arg10[%dma_wait3A_214, %dma_wait3A_215] : memref<125x16xf32, #tpu.memory_space<vmem>> -> memref<24x16xf32, #tpu.memory_space<vmem>>
      %dma_wait3A_217 = arith.constant 0 : i32
      %dma_wait3A_218 = tpu.memref_slice %arg14[%add3A_8, %dma_wait3A_217] : memref<10000x16xf32, #tpu.memory_space<vmem_shared>> -> memref<24x16xf32, #tpu.memory_space<vmem_shared>>
      %dma_wait3A_219 = arith.constant 0 : i32
      %dma_wait3A_220 = tpu.memref_slice %arg14[%add3A_8, %dma_wait3A_219] : memref<10000x16xf32, #tpu.memory_space<vmem_shared>> -> memref<24x16xf32, #tpu.memory_space<vmem_shared>>
      %dma_wait3A_221 = arith.constant 0 : i32
      %dma_wait3A_222 = arith.constant 0 : i32
      %dma_wait3A_223 = tpu.memref_slice %arg10[%dma_wait3A_221, %dma_wait3A_222] : memref<125x16xf32, #tpu.memory_space<vmem>> -> memref<24x16xf32, #tpu.memory_space<vmem>>
      tpu.wait_dma2 semaphore(%run_scoped3A_203 : memref<!tpu.dma_semaphore, #tpu.memory_space<semaphore_mem>>) src(%dma_wait3A_223 : memref<24x16xf32, #tpu.memory_space<vmem>>) dst(%dma_wait3A_220 : memref<24x16xf32, #tpu.memory_space<vmem_shared>>)
      tpu.yield
    }) : () -> ()
    %add3A_9 = arith.constant 600 : i32
    %add3A_10 = arith.addi %mul3A_2, %add3A_9 : i32
    "tpu.region"() ({
      %run_scoped3A_203 = tpu.sem_alloc : memref<!tpu.dma_semaphore, #tpu.memory_space<semaphore_mem>>
      %dma_start3A_204 = arith.constant 0 : i32
      %dma_start3A_205 = arith.constant 0 : i32
      %dma_start3A_206 = tpu.memref_slice %arg13[%dma_start3A_204, %dma_start3A_205] : memref<125x8xf32, #tpu.memory_space<vmem>> -> memref<24x8xf32, #tpu.memory_space<vmem>>
      %dma_start3A_207 = arith.constant 0 : i32
      %dma_start3A_208 = tpu.memref_slice %arg15[%add3A_10, %dma_start3A_207] : memref<10000x8xf32, #tpu.memory_space<vmem_shared>> -> memref<24x8xf32, #tpu.memory_space<vmem_shared>>
      %dma_start3A_209 = arith.constant 0 : i32
      %dma_start3A_210 = tpu.memref_slice %arg15[%add3A_10, %dma_start3A_209] : memref<10000x8xf32, #tpu.memory_space<vmem_shared>> -> memref<24x8xf32, #tpu.memory_space<vmem_shared>>
      %dma_start3A_211 = arith.constant 0 : i32
      %dma_start3A_212 = arith.constant 0 : i32
      %dma_start3A_213 = tpu.memref_slice %arg13[%dma_start3A_211, %dma_start3A_212] : memref<125x8xf32, #tpu.memory_space<vmem>> -> memref<24x8xf32, #tpu.memory_space<vmem>>
      tpu.enqueue_dma source(%dma_start3A_213 : memref<24x8xf32, #tpu.memory_space<vmem>>) target(%dma_start3A_210 : memref<24x8xf32, #tpu.memory_space<vmem_shared>>) target_semaphore(%run_scoped3A_203 : memref<!tpu.dma_semaphore, #tpu.memory_space<semaphore_mem>>)
      %dma_wait3A_214 = arith.constant 0 : i32
      %dma_wait3A_215 = arith.constant 0 : i32
      %dma_wait3A_216 = tpu.memref_slice %arg13[%dma_wait3A_214, %dma_wait3A_215] : memref<125x8xf32, #tpu.memory_space<vmem>> -> memref<24x8xf32, #tpu.memory_space<vmem>>
      %dma_wait3A_217 = arith.constant 0 : i32
      %dma_wait3A_218 = tpu.memref_slice %arg15[%add3A_10, %dma_wait3A_217] : memref<10000x8xf32, #tpu.memory_space<vmem_shared>> -> memref<24x8xf32, #tpu.memory_space<vmem_shared>>
      %dma_wait3A_219 = arith.constant 0 : i32
      %dma_wait3A_220 = tpu.memref_slice %arg15[%add3A_10, %dma_wait3A_219] : memref<10000x8xf32, #tpu.memory_space<vmem_shared>> -> memref<24x8xf32, #tpu.memory_space<vmem_shared>>
      %dma_wait3A_221 = arith.constant 0 : i32
      %dma_wait3A_222 = arith.constant 0 : i32
      %dma_wait3A_223 = tpu.memref_slice %arg13[%dma_wait3A_221, %dma_wait3A_222] : memref<125x8xf32, #tpu.memory_space<vmem>> -> memref<24x8xf32, #tpu.memory_space<vmem>>
      tpu.wait_dma2 semaphore(%run_scoped3A_203 : memref<!tpu.dma_semaphore, #tpu.memory_space<semaphore_mem>>) src(%dma_wait3A_223 : memref<24x8xf32, #tpu.memory_space<vmem>>) dst(%dma_wait3A_220 : memref<24x8xf32, #tpu.memory_space<vmem_shared>>)
      tpu.yield
    }) : () -> ()
    %eq3A = arith.constant 15 : i32
    %eq3A_11 = arith.cmpi eq, %arg1, %eq3A : i32
    %convert_element_type3A = arith.extui %eq3A_11 : i1 to i32
    %cond3A = arith.constant 0 : i32
    %cond3A_12 = arith.cmpi ne, %convert_element_type3A, %cond3A : i32
    scf.if %cond3A_12 {
      "tpu.region"() ({
        %run_scoped3A_203 = tpu.sem_alloc : memref<!tpu.dma_semaphore, #tpu.memory_space<semaphore_mem>>
        %dma_start3A_204 = arith.constant 0 : i32
        %dma_start3A_205 = arith.constant 0 : i32
        %dma_start3A_206 = tpu.memref_slice %arg10[%dma_start3A_204, %dma_start3A_205] : memref<125x16xf32, #tpu.memory_space<vmem>> -> memref<16x16xf32, #tpu.memory_space<vmem>>
        %dma_start3A_207 = arith.constant 9984 : i32
        %dma_start3A_208 = arith.constant 0 : i32
        %dma_start3A_209 = tpu.memref_slice %arg14[%dma_start3A_207, %dma_start3A_208] : memref<10000x16xf32, #tpu.memory_space<vmem_shared>> -> memref<16x16xf32, #tpu.memory_space<vmem_shared>>
        %dma_start3A_210 = arith.constant 9984 : i32
        %dma_start3A_211 = arith.constant 0 : i32
        %dma_start3A_212 = tpu.memref_slice %arg14[%dma_start3A_210, %dma_start3A_211] : memref<10000x16xf32, #tpu.memory_space<vmem_shared>> -> memref<16x16xf32, #tpu.memory_space<vmem_shared>>
        %dma_start3A_213 = arith.constant 0 : i32
        %dma_start3A_214 = arith.constant 0 : i32
        %dma_start3A_215 = tpu.memref_slice %arg10[%dma_start3A_213, %dma_start3A_214] : memref<125x16xf32, #tpu.memory_space<vmem>> -> memref<16x16xf32, #tpu.memory_space<vmem>>
        tpu.enqueue_dma source(%dma_start3A_215 : memref<16x16xf32, #tpu.memory_space<vmem>>) target(%dma_start3A_212 : memref<16x16xf32, #tpu.memory_space<vmem_shared>>) target_semaphore(%run_scoped3A_203 : memref<!tpu.dma_semaphore, #tpu.memory_space<semaphore_mem>>)
        %dma_wait3A_216 = arith.constant 0 : i32
        %dma_wait3A_217 = arith.constant 0 : i32
        %dma_wait3A_218 = tpu.memref_slice %arg10[%dma_wait3A_216, %dma_wait3A_217] : memref<125x16xf32, #tpu.memory_space<vmem>> -> memref<16x16xf32, #tpu.memory_space<vmem>>
        %dma_wait3A_219 = arith.constant 9984 : i32
        %dma_wait3A_220 = arith.constant 0 : i32
        %dma_wait3A_221 = tpu.memref_slice %arg14[%dma_wait3A_219, %dma_wait3A_220] : memref<10000x16xf32, #tpu.memory_space<vmem_shared>> -> memref<16x16xf32, #tpu.memory_space<vmem_shared>>
        %dma_wait3A_222 = arith.constant 9984 : i32
        %dma_wait3A_223 = arith.constant 0 : i32
        %dma_wait3A_224 = tpu.memref_slice %arg14[%dma_wait3A_222, %dma_wait3A_223] : memref<10000x16xf32, #tpu.memory_space<vmem_shared>> -> memref<16x16xf32, #tpu.memory_space<vmem_shared>>
        %dma_wait3A_225 = arith.constant 0 : i32
        %dma_wait3A_226 = arith.constant 0 : i32
        %dma_wait3A_227 = tpu.memref_slice %arg10[%dma_wait3A_225, %dma_wait3A_226] : memref<125x16xf32, #tpu.memory_space<vmem>> -> memref<16x16xf32, #tpu.memory_space<vmem>>
        tpu.wait_dma2 semaphore(%run_scoped3A_203 : memref<!tpu.dma_semaphore, #tpu.memory_space<semaphore_mem>>) src(%dma_wait3A_227 : memref<16x16xf32, #tpu.memory_space<vmem>>) dst(%dma_wait3A_224 : memref<16x16xf32, #tpu.memory_space<vmem_shared>>)
        tpu.yield
      }) : () -> ()
      "tpu.region"() ({
        %run_scoped3A_203 = tpu.sem_alloc : memref<!tpu.dma_semaphore, #tpu.memory_space<semaphore_mem>>
        %dma_start3A_204 = arith.constant 0 : i32
        %dma_start3A_205 = arith.constant 0 : i32
        %dma_start3A_206 = tpu.memref_slice %arg13[%dma_start3A_204, %dma_start3A_205] : memref<125x8xf32, #tpu.memory_space<vmem>> -> memref<16x8xf32, #tpu.memory_space<vmem>>
        %dma_start3A_207 = arith.constant 9984 : i32
        %dma_start3A_208 = arith.constant 0 : i32
        %dma_start3A_209 = tpu.memref_slice %arg15[%dma_start3A_207, %dma_start3A_208] : memref<10000x8xf32, #tpu.memory_space<vmem_shared>> -> memref<16x8xf32, #tpu.memory_space<vmem_shared>>
        %dma_start3A_210 = arith.constant 9984 : i32
        %dma_start3A_211 = arith.constant 0 : i32
        %dma_start3A_212 = tpu.memref_slice %arg15[%dma_start3A_210, %dma_start3A_211] : memref<10000x8xf32, #tpu.memory_space<vmem_shared>> -> memref<16x8xf32, #tpu.memory_space<vmem_shared>>
        %dma_start3A_213 = arith.constant 0 : i32
        %dma_start3A_214 = arith.constant 0 : i32
        %dma_start3A_215 = tpu.memref_slice %arg13[%dma_start3A_213, %dma_start3A_214] : memref<125x8xf32, #tpu.memory_space<vmem>> -> memref<16x8xf32, #tpu.memory_space<vmem>>
        tpu.enqueue_dma source(%dma_start3A_215 : memref<16x8xf32, #tpu.memory_space<vmem>>) target(%dma_start3A_212 : memref<16x8xf32, #tpu.memory_space<vmem_shared>>) target_semaphore(%run_scoped3A_203 : memref<!tpu.dma_semaphore, #tpu.memory_space<semaphore_mem>>)
        %dma_wait3A_216 = arith.constant 0 : i32
        %dma_wait3A_217 = arith.constant 0 : i32
        %dma_wait3A_218 = tpu.memref_slice %arg13[%dma_wait3A_216, %dma_wait3A_217] : memref<125x8xf32, #tpu.memory_space<vmem>> -> memref<16x8xf32, #tpu.memory_space<vmem>>
        %dma_wait3A_219 = arith.constant 9984 : i32
        %dma_wait3A_220 = arith.constant 0 : i32
        %dma_wait3A_221 = tpu.memref_slice %arg15[%dma_wait3A_219, %dma_wait3A_220] : memref<10000x8xf32, #tpu.memory_space<vmem_shared>> -> memref<16x8xf32, #tpu.memory_space<vmem_shared>>
        %dma_wait3A_222 = arith.constant 9984 : i32
        %dma_wait3A_223 = arith.constant 0 : i32
        %dma_wait3A_224 = tpu.memref_slice %arg15[%dma_wait3A_222, %dma_wait3A_223] : memref<10000x8xf32, #tpu.memory_space<vmem_shared>> -> memref<16x8xf32, #tpu.memory_space<vmem_shared>>
        %dma_wait3A_225 = arith.constant 0 : i32
        %dma_wait3A_226 = arith.constant 0 : i32
        %dma_wait3A_227 = tpu.memref_slice %arg13[%dma_wait3A_225, %dma_wait3A_226] : memref<125x8xf32, #tpu.memory_space<vmem>> -> memref<16x8xf32, #tpu.memory_space<vmem>>
        tpu.wait_dma2 semaphore(%run_scoped3A_203 : memref<!tpu.dma_semaphore, #tpu.memory_space<semaphore_mem>>) src(%dma_wait3A_227 : memref<16x8xf32, #tpu.memory_space<vmem>>) dst(%dma_wait3A_224 : memref<16x8xf32, #tpu.memory_space<vmem_shared>>)
        tpu.yield
      }) : () -> ()
    } else {
    }
    %barrier3A = arith.constant 0 : index
    tpu.barrier barrier_id(%barrier3A)
    %mul3A_13 = arith.constant 10000 : i32
    %mul3A_14 = arith.muli %add3A, %mul3A_13 : i32
    %run_scoped3A = arith.constant 0 : i32
    "tpu.region"() ({
      %run_scoped3A_203 = tpu.sem_alloc : memref<!tpu.dma_semaphore, #tpu.memory_space<semaphore_mem>>
      %dma_start3A_204 = arith.constant 0 : i32
      %dma_start3A_205 = arith.constant 0 : i32
      %dma_start3A_206 = tpu.memref_slice %arg3[%add3A, %run_scoped3A, %dma_start3A_204, %dma_start3A_205] : memref<32x2x40x125xi32, #tpu.memory_space<hbm>> -> memref<1x1x40x125xi32, #tpu.memory_space<hbm>>
      %dma_start3A_207 = tpu.memref_squeeze %dma_start3A_206 : memref<1x1x40x125xi32, #tpu.memory_space<hbm>> -> memref<40x125xi32, #tpu.memory_space<hbm>>
      %dma_start3A_208 = arith.constant 0 : i32
      %dma_start3A_209 = arith.constant 0 : i32
      %dma_start3A_210 = tpu.memref_slice %arg3[%add3A, %run_scoped3A, %dma_start3A_208, %dma_start3A_209] : memref<32x2x40x125xi32, #tpu.memory_space<hbm>> -> memref<1x1x40x125xi32, #tpu.memory_space<hbm>>
      %dma_start3A_211 = tpu.memref_squeeze %dma_start3A_210 : memref<1x1x40x125xi32, #tpu.memory_space<hbm>> -> memref<40x125xi32, #tpu.memory_space<hbm>>
      tpu.enqueue_dma source(%dma_start3A_211 : memref<40x125xi32, #tpu.memory_space<hbm>>) target(%arg9 : memref<40x125xi32, #tpu.memory_space<vmem>>) target_semaphore(%run_scoped3A_203 : memref<!tpu.dma_semaphore, #tpu.memory_space<semaphore_mem>>)
      %dma_wait3A_212 = arith.constant 0 : i32
      %dma_wait3A_213 = arith.constant 0 : i32
      %dma_wait3A_214 = tpu.memref_slice %arg3[%add3A, %run_scoped3A, %dma_wait3A_212, %dma_wait3A_213] : memref<32x2x40x125xi32, #tpu.memory_space<hbm>> -> memref<1x1x40x125xi32, #tpu.memory_space<hbm>>
      %dma_wait3A_215 = tpu.memref_squeeze %dma_wait3A_214 : memref<1x1x40x125xi32, #tpu.memory_space<hbm>> -> memref<40x125xi32, #tpu.memory_space<hbm>>
      %dma_wait3A_216 = arith.constant 0 : i32
      %dma_wait3A_217 = arith.constant 0 : i32
      %dma_wait3A_218 = tpu.memref_slice %arg3[%add3A, %run_scoped3A, %dma_wait3A_216, %dma_wait3A_217] : memref<32x2x40x125xi32, #tpu.memory_space<hbm>> -> memref<1x1x40x125xi32, #tpu.memory_space<hbm>>
      %dma_wait3A_219 = tpu.memref_squeeze %dma_wait3A_218 : memref<1x1x40x125xi32, #tpu.memory_space<hbm>> -> memref<40x125xi32, #tpu.memory_space<hbm>>
      tpu.wait_dma2 semaphore(%run_scoped3A_203 : memref<!tpu.dma_semaphore, #tpu.memory_space<semaphore_mem>>) src(%dma_wait3A_219 : memref<40x125xi32, #tpu.memory_space<hbm>>) dst(%arg9 : memref<40x125xi32, #tpu.memory_space<vmem>>)
      tpu.yield
    }) : () -> ()
    %add3A_15 = arith.constant 0 : i32
    %add3A_16 = arith.addi %mul3A_14, %add3A_15 : i32
    %dma_start3A = arith.constant 0 : i32
    %dma_start3A_17 = tpu.memref_slice %arg2[%add3A_16, %dma_start3A] : memref<320000x16xf32, #tpu.memory_space<hbm>> -> memref<125x16xf32, #tpu.memory_space<hbm>>
    %dma_start3A_18 = arith.constant 0 : i32
    %dma_start3A_19 = tpu.memref_slice %arg2[%add3A_16, %dma_start3A_18] : memref<320000x16xf32, #tpu.memory_space<hbm>> -> memref<125x16xf32, #tpu.memory_space<hbm>>
    tpu.enqueue_dma source(%dma_start3A_19 : memref<125x16xf32, #tpu.memory_space<hbm>>) target(%arg10 : memref<125x16xf32, #tpu.memory_space<vmem>>) target_semaphore(%arg16 : memref<!tpu.dma_semaphore, #tpu.memory_space<semaphore_mem>>)
    %add3A_20 = arith.constant 125 : i32
    %add3A_21 = arith.addi %mul3A_14, %add3A_20 : i32
    %dma_start3A_22 = arith.constant 0 : i32
    %dma_start3A_23 = tpu.memref_slice %arg2[%add3A_21, %dma_start3A_22] : memref<320000x16xf32, #tpu.memory_space<hbm>> -> memref<125x16xf32, #tpu.memory_space<hbm>>
    %dma_start3A_24 = arith.constant 0 : i32
    %dma_start3A_25 = tpu.memref_slice %arg2[%add3A_21, %dma_start3A_24] : memref<320000x16xf32, #tpu.memory_space<hbm>> -> memref<125x16xf32, #tpu.memory_space<hbm>>
    tpu.enqueue_dma source(%dma_start3A_25 : memref<125x16xf32, #tpu.memory_space<hbm>>) target(%arg11 : memref<125x16xf32, #tpu.memory_space<vmem>>) target_semaphore(%arg17 : memref<!tpu.dma_semaphore, #tpu.memory_space<semaphore_mem>>)
    %scan3A_26 = arith.constant 0 : i32
    %scan3A_27 = arith.constant 19 : i32
    %scan3A_28 = arith.addi %scan3A_26, %scan3A_27 : i32
    %scan3A_29 = arith.constant 1 : i32
    scf.for %scan3A_203 = %scan3A_26 to %scan3A_28 step %scan3A_29  : i32 {
      %mul3A_204 = arith.constant 1 : i32
      %mul3A_205 = arith.muli %scan3A_203, %mul3A_204 : i32
      %add3A_206 = arith.constant 0 : i32
      %add3A_207 = arith.addi %add3A_206, %mul3A_205 : i32
      %mul3A_208 = arith.constant 2 : i32
      %mul3A_209 = arith.muli %mul3A_208, %add3A_207 : i32
      %add3A_210 = arith.constant 0 : i32
      %add3A_211 = arith.addi %add3A_210, %mul3A_209 : i32
      %dma_wait3A_212 = arith.constant 0 : i32
      %dma_wait3A_213 = arith.constant 0 : i32
      %dma_wait3A_214 = tpu.memref_slice %arg2[%dma_wait3A_212, %dma_wait3A_213] : memref<320000x16xf32, #tpu.memory_space<hbm>> -> memref<125x16xf32, #tpu.memory_space<hbm>>
      %dma_wait3A_215 = arith.constant 0 : i32
      %dma_wait3A_216 = arith.constant 0 : i32
      %dma_wait3A_217 = tpu.memref_slice %arg2[%dma_wait3A_215, %dma_wait3A_216] : memref<320000x16xf32, #tpu.memory_space<hbm>> -> memref<125x16xf32, #tpu.memory_space<hbm>>
      tpu.wait_dma2 semaphore(%arg16 : memref<!tpu.dma_semaphore, #tpu.memory_space<semaphore_mem>>) src(%dma_wait3A_217 : memref<125x16xf32, #tpu.memory_space<hbm>>) dst(%arg10 : memref<125x16xf32, #tpu.memory_space<vmem>>)
      %mul3A_218 = arith.constant 2 : i32
      %mul3A_219 = arith.muli %mul3A_218, %add3A_207 : i32
      %dma_start3A_220 = arith.constant 0 : i32
      %dma_start3A_221 = tpu.memref_slice %arg9[%mul3A_219, %dma_start3A_220] : memref<40x125xi32, #tpu.memory_space<vmem>> -> memref<1x125xi32, #tpu.memory_space<vmem>>
      %dma_start3A_222 = tpu.memref_squeeze %dma_start3A_221 : memref<1x125xi32, #tpu.memory_space<vmem>> -> memref<125xi32, #tpu.memory_space<vmem>>
      %dma_start3A_223 = arith.constant 0 : i32
      %dma_start3A_224 = arith.constant 0 : i32
      %dma_start3A_225 = tpu.memref_slice %arg14[%dma_start3A_223, %dma_start3A_224] : memref<10000x16xf32, #tpu.memory_space<vmem_shared>> -> memref<10000x16xf32, #tpu.memory_space<vmem_shared>>
      tpu.enqueue_indirect_dma source(%arg10 : memref<125x16xf32, #tpu.memory_space<vmem>>) target(%dma_start3A_225 : memref<10000x16xf32, #tpu.memory_space<vmem_shared>>) offsets(%dma_start3A_222 : memref<125xi32, #tpu.memory_space<vmem>>) semaphore(%arg18 : memref<!tpu.dma_semaphore, #tpu.memory_space<semaphore_mem>>) {add = true}
      %mul3A_226 = arith.constant 2 : i32
      %mul3A_227 = arith.muli %mul3A_226, %add3A_207 : i32
      %dma_start3A_228 = arith.constant 0 : i32
      %dma_start3A_229 = tpu.memref_slice %arg9[%mul3A_227, %dma_start3A_228] : memref<40x125xi32, #tpu.memory_space<vmem>> -> memref<1x125xi32, #tpu.memory_space<vmem>>
      %dma_start3A_230 = tpu.memref_squeeze %dma_start3A_229 : memref<1x125xi32, #tpu.memory_space<vmem>> -> memref<125xi32, #tpu.memory_space<vmem>>
      %dma_start3A_231 = arith.constant 0 : i32
      %dma_start3A_232 = arith.constant 0 : i32
      %dma_start3A_233 = tpu.memref_slice %arg15[%dma_start3A_231, %dma_start3A_232] : memref<10000x8xf32, #tpu.memory_space<vmem_shared>> -> memref<10000x8xf32, #tpu.memory_space<vmem_shared>>
      tpu.enqueue_indirect_dma source(%arg12 : memref<125x8xf32, #tpu.memory_space<vmem>>) target(%dma_start3A_233 : memref<10000x8xf32, #tpu.memory_space<vmem_shared>>) offsets(%dma_start3A_230 : memref<125xi32, #tpu.memory_space<vmem>>) semaphore(%arg20 : memref<!tpu.dma_semaphore, #tpu.memory_space<semaphore_mem>>) {add = true}
      %dma_wait3A_234 = arith.constant 0 : i32
      %dma_wait3A_235 = arith.constant 0 : i32
      %dma_wait3A_236 = tpu.memref_slice %arg2[%dma_wait3A_234, %dma_wait3A_235] : memref<320000x16xf32, #tpu.memory_space<hbm>> -> memref<125x16xf32, #tpu.memory_space<hbm>>
      %dma_wait3A_237 = arith.constant 0 : i32
      %dma_wait3A_238 = arith.constant 0 : i32
      %dma_wait3A_239 = tpu.memref_slice %arg2[%dma_wait3A_237, %dma_wait3A_238] : memref<320000x16xf32, #tpu.memory_space<hbm>> -> memref<125x16xf32, #tpu.memory_space<hbm>>
      tpu.wait_dma2 semaphore(%arg17 : memref<!tpu.dma_semaphore, #tpu.memory_space<semaphore_mem>>) src(%dma_wait3A_239 : memref<125x16xf32, #tpu.memory_space<hbm>>) dst(%arg11 : memref<125x16xf32, #tpu.memory_space<vmem>>)
      %mul3A_240 = arith.constant 2 : i32
      %mul3A_241 = arith.muli %mul3A_240, %add3A_207 : i32
      %add3A_242 = arith.constant 1 : i32
      %add3A_243 = arith.addi %mul3A_241, %add3A_242 : i32
      %dma_start3A_244 = arith.constant 0 : i32
      %dma_start3A_245 = tpu.memref_slice %arg9[%add3A_243, %dma_start3A_244] : memref<40x125xi32, #tpu.memory_space<vmem>> -> memref<1x125xi32, #tpu.memory_space<vmem>>
      %dma_start3A_246 = tpu.memref_squeeze %dma_start3A_245 : memref<1x125xi32, #tpu.memory_space<vmem>> -> memref<125xi32, #tpu.memory_space<vmem>>
      %dma_start3A_247 = arith.constant 0 : i32
      %dma_start3A_248 = arith.constant 0 : i32
      %dma_start3A_249 = tpu.memref_slice %arg14[%dma_start3A_247, %dma_start3A_248] : memref<10000x16xf32, #tpu.memory_space<vmem_shared>> -> memref<10000x16xf32, #tpu.memory_space<vmem_shared>>
      tpu.enqueue_indirect_dma source(%arg11 : memref<125x16xf32, #tpu.memory_space<vmem>>) target(%dma_start3A_249 : memref<10000x16xf32, #tpu.memory_space<vmem_shared>>) offsets(%dma_start3A_246 : memref<125xi32, #tpu.memory_space<vmem>>) semaphore(%arg19 : memref<!tpu.dma_semaphore, #tpu.memory_space<semaphore_mem>>) {add = true}
      %mul3A_250 = arith.constant 2 : i32
      %mul3A_251 = arith.muli %mul3A_250, %add3A_207 : i32
      %add3A_252 = arith.constant 1 : i32
      %add3A_253 = arith.addi %mul3A_251, %add3A_252 : i32
      %dma_start3A_254 = arith.constant 0 : i32
      %dma_start3A_255 = tpu.memref_slice %arg9[%add3A_253, %dma_start3A_254] : memref<40x125xi32, #tpu.memory_space<vmem>> -> memref<1x125xi32, #tpu.memory_space<vmem>>
      %dma_start3A_256 = tpu.memref_squeeze %dma_start3A_255 : memref<1x125xi32, #tpu.memory_space<vmem>> -> memref<125xi32, #tpu.memory_space<vmem>>
      %dma_start3A_257 = arith.constant 0 : i32
      %dma_start3A_258 = arith.constant 0 : i32
      %dma_start3A_259 = tpu.memref_slice %arg15[%dma_start3A_257, %dma_start3A_258] : memref<10000x8xf32, #tpu.memory_space<vmem_shared>> -> memref<10000x8xf32, #tpu.memory_space<vmem_shared>>
      tpu.enqueue_indirect_dma source(%arg12 : memref<125x8xf32, #tpu.memory_space<vmem>>) target(%dma_start3A_259 : memref<10000x8xf32, #tpu.memory_space<vmem_shared>>) offsets(%dma_start3A_256 : memref<125xi32, #tpu.memory_space<vmem>>) semaphore(%arg20 : memref<!tpu.dma_semaphore, #tpu.memory_space<semaphore_mem>>) {add = true}
      %dma_wait3A_260 = arith.constant 0 : i32
      %dma_wait3A_261 = arith.constant 0 : i32
      %dma_wait3A_262 = tpu.memref_slice %arg9[%dma_wait3A_260, %dma_wait3A_261] : memref<40x125xi32, #tpu.memory_space<vmem>> -> memref<1x125xi32, #tpu.memory_space<vmem>>
      %dma_wait3A_263 = tpu.memref_squeeze %dma_wait3A_262 : memref<1x125xi32, #tpu.memory_space<vmem>> -> memref<125xi32, #tpu.memory_space<vmem>>
      %dma_wait3A_264 = arith.constant 0 : i32
      %dma_wait3A_265 = arith.constant 0 : i32
      %dma_wait3A_266 = tpu.memref_slice %arg14[%dma_wait3A_264, %dma_wait3A_265] : memref<10000x16xf32, #tpu.memory_space<vmem_shared>> -> memref<10000x16xf32, #tpu.memory_space<vmem_shared>>
      tpu.wait_indirect_dma semaphore(%arg18 : memref<!tpu.dma_semaphore, #tpu.memory_space<semaphore_mem>>) src(%arg10 : memref<125x16xf32, #tpu.memory_space<vmem>>) dst(%dma_wait3A_266 : memref<10000x16xf32, #tpu.memory_space<vmem_shared>>)
      %add3A_267 = arith.constant 2 : i32
      %add3A_268 = arith.addi %add3A_211, %add3A_267 : i32
      %mul3A_269 = arith.constant 125 : i32
      %mul3A_270 = arith.muli %add3A_268, %mul3A_269 : i32
      %add3A_271 = arith.addi %mul3A_14, %mul3A_270 : i32
      %dma_start3A_272 = arith.constant 0 : i32
      %dma_start3A_273 = tpu.memref_slice %arg2[%add3A_271, %dma_start3A_272] : memref<320000x16xf32, #tpu.memory_space<hbm>> -> memref<125x16xf32, #tpu.memory_space<hbm>>
      %dma_start3A_274 = arith.constant 0 : i32
      %dma_start3A_275 = tpu.memref_slice %arg2[%add3A_271, %dma_start3A_274] : memref<320000x16xf32, #tpu.memory_space<hbm>> -> memref<125x16xf32, #tpu.memory_space<hbm>>
      tpu.enqueue_dma source(%dma_start3A_275 : memref<125x16xf32, #tpu.memory_space<hbm>>) target(%arg10 : memref<125x16xf32, #tpu.memory_space<vmem>>) target_semaphore(%arg16 : memref<!tpu.dma_semaphore, #tpu.memory_space<semaphore_mem>>)
      %dma_wait3A_276 = arith.constant 0 : i32
      %dma_wait3A_277 = arith.constant 0 : i32
      %dma_wait3A_278 = tpu.memref_slice %arg9[%dma_wait3A_276, %dma_wait3A_277] : memref<40x125xi32, #tpu.memory_space<vmem>> -> memref<1x125xi32, #tpu.memory_space<vmem>>
      %dma_wait3A_279 = tpu.memref_squeeze %dma_wait3A_278 : memref<1x125xi32, #tpu.memory_space<vmem>> -> memref<125xi32, #tpu.memory_space<vmem>>
      %dma_wait3A_280 = arith.constant 0 : i32
      %dma_wait3A_281 = arith.constant 0 : i32
      %dma_wait3A_282 = tpu.memref_slice %arg14[%dma_wait3A_280, %dma_wait3A_281] : memref<10000x16xf32, #tpu.memory_space<vmem_shared>> -> memref<10000x16xf32, #tpu.memory_space<vmem_shared>>
      tpu.wait_indirect_dma semaphore(%arg19 : memref<!tpu.dma_semaphore, #tpu.memory_space<semaphore_mem>>) src(%arg11 : memref<125x16xf32, #tpu.memory_space<vmem>>) dst(%dma_wait3A_282 : memref<10000x16xf32, #tpu.memory_space<vmem_shared>>)
      %add3A_283 = arith.constant 3 : i32
      %add3A_284 = arith.addi %add3A_211, %add3A_283 : i32
      %mul3A_285 = arith.constant 125 : i32
      %mul3A_286 = arith.muli %add3A_284, %mul3A_285 : i32
      %add3A_287 = arith.addi %mul3A_14, %mul3A_286 : i32
      %dma_start3A_288 = arith.constant 0 : i32
      %dma_start3A_289 = tpu.memref_slice %arg2[%add3A_287, %dma_start3A_288] : memref<320000x16xf32, #tpu.memory_space<hbm>> -> memref<125x16xf32, #tpu.memory_space<hbm>>
      %dma_start3A_290 = arith.constant 0 : i32
      %dma_start3A_291 = tpu.memref_slice %arg2[%add3A_287, %dma_start3A_290] : memref<320000x16xf32, #tpu.memory_space<hbm>> -> memref<125x16xf32, #tpu.memory_space<hbm>>
      tpu.enqueue_dma source(%dma_start3A_291 : memref<125x16xf32, #tpu.memory_space<hbm>>) target(%arg11 : memref<125x16xf32, #tpu.memory_space<vmem>>) target_semaphore(%arg17 : memref<!tpu.dma_semaphore, #tpu.memory_space<semaphore_mem>>)
      %dma_wait3A_292 = arith.constant 0 : i32
      %dma_wait3A_293 = arith.constant 0 : i32
      %dma_wait3A_294 = tpu.memref_slice %arg9[%dma_wait3A_292, %dma_wait3A_293] : memref<40x125xi32, #tpu.memory_space<vmem>> -> memref<1x125xi32, #tpu.memory_space<vmem>>
      %dma_wait3A_295 = tpu.memref_squeeze %dma_wait3A_294 : memref<1x125xi32, #tpu.memory_space<vmem>> -> memref<125xi32, #tpu.memory_space<vmem>>
      %dma_wait3A_296 = arith.constant 0 : i32
      %dma_wait3A_297 = arith.constant 0 : i32
      %dma_wait3A_298 = tpu.memref_slice %arg15[%dma_wait3A_296, %dma_wait3A_297] : memref<10000x8xf32, #tpu.memory_space<vmem_shared>> -> memref<10000x8xf32, #tpu.memory_space<vmem_shared>>
      tpu.wait_indirect_dma semaphore(%arg20 : memref<!tpu.dma_semaphore, #tpu.memory_space<semaphore_mem>>) src(%arg12 : memref<125x8xf32, #tpu.memory_space<vmem>>) dst(%dma_wait3A_298 : memref<10000x8xf32, #tpu.memory_space<vmem_shared>>)
      %dma_wait3A_299 = arith.constant 0 : i32
      %dma_wait3A_300 = arith.constant 0 : i32
      %dma_wait3A_301 = tpu.memref_slice %arg9[%dma_wait3A_299, %dma_wait3A_300] : memref<40x125xi32, #tpu.memory_space<vmem>> -> memref<1x125xi32, #tpu.memory_space<vmem>>
      %dma_wait3A_302 = tpu.memref_squeeze %dma_wait3A_301 : memref<1x125xi32, #tpu.memory_space<vmem>> -> memref<125xi32, #tpu.memory_space<vmem>>
      %dma_wait3A_303 = arith.constant 0 : i32
      %dma_wait3A_304 = arith.constant 0 : i32
      %dma_wait3A_305 = tpu.memref_slice %arg15[%dma_wait3A_303, %dma_wait3A_304] : memref<10000x8xf32, #tpu.memory_space<vmem_shared>> -> memref<10000x8xf32, #tpu.memory_space<vmem_shared>>
      tpu.wait_indirect_dma semaphore(%arg20 : memref<!tpu.dma_semaphore, #tpu.memory_space<semaphore_mem>>) src(%arg12 : memref<125x8xf32, #tpu.memory_space<vmem>>) dst(%dma_wait3A_305 : memref<10000x8xf32, #tpu.memory_space<vmem_shared>>)
    }
    %scan3A_30 = arith.constant 19 : i32
    %dma_wait3A = arith.constant 0 : i32
    %dma_wait3A_31 = arith.constant 0 : i32
    %dma_wait3A_32 = tpu.memref_slice %arg2[%dma_wait3A, %dma_wait3A_31] : memref<320000x16xf32, #tpu.memory_space<hbm>> -> memref<125x16xf32, #tpu.memory_space<hbm>>
    %dma_wait3A_33 = arith.constant 0 : i32
    %dma_wait3A_34 = arith.constant 0 : i32
    %dma_wait3A_35 = tpu.memref_slice %arg2[%dma_wait3A_33, %dma_wait3A_34] : memref<320000x16xf32, #tpu.memory_space<hbm>> -> memref<125x16xf32, #tpu.memory_space<hbm>>
    tpu.wait_dma2 semaphore(%arg16 : memref<!tpu.dma_semaphore, #tpu.memory_space<semaphore_mem>>) src(%dma_wait3A_35 : memref<125x16xf32, #tpu.memory_space<hbm>>) dst(%arg10 : memref<125x16xf32, #tpu.memory_space<vmem>>)
    %dma_start3A_36 = arith.constant 38 : i32
    %dma_start3A_37 = arith.constant 0 : i32
    %dma_start3A_38 = tpu.memref_slice %arg9[%dma_start3A_36, %dma_start3A_37] : memref<40x125xi32, #tpu.memory_space<vmem>> -> memref<1x125xi32, #tpu.memory_space<vmem>>
    %dma_start3A_39 = tpu.memref_squeeze %dma_start3A_38 : memref<1x125xi32, #tpu.memory_space<vmem>> -> memref<125xi32, #tpu.memory_space<vmem>>
    %dma_start3A_40 = arith.constant 0 : i32
    %dma_start3A_41 = arith.constant 0 : i32
    %dma_start3A_42 = tpu.memref_slice %arg14[%dma_start3A_40, %dma_start3A_41] : memref<10000x16xf32, #tpu.memory_space<vmem_shared>> -> memref<10000x16xf32, #tpu.memory_space<vmem_shared>>
    tpu.enqueue_indirect_dma source(%arg10 : memref<125x16xf32, #tpu.memory_space<vmem>>) target(%dma_start3A_42 : memref<10000x16xf32, #tpu.memory_space<vmem_shared>>) offsets(%dma_start3A_39 : memref<125xi32, #tpu.memory_space<vmem>>) semaphore(%arg18 : memref<!tpu.dma_semaphore, #tpu.memory_space<semaphore_mem>>) {add = true}
    %dma_start3A_43 = arith.constant 38 : i32
    %dma_start3A_44 = arith.constant 0 : i32
    %dma_start3A_45 = tpu.memref_slice %arg9[%dma_start3A_43, %dma_start3A_44] : memref<40x125xi32, #tpu.memory_space<vmem>> -> memref<1x125xi32, #tpu.memory_space<vmem>>
    %dma_start3A_46 = tpu.memref_squeeze %dma_start3A_45 : memref<1x125xi32, #tpu.memory_space<vmem>> -> memref<125xi32, #tpu.memory_space<vmem>>
    %dma_start3A_47 = arith.constant 0 : i32
    %dma_start3A_48 = arith.constant 0 : i32
    %dma_start3A_49 = tpu.memref_slice %arg15[%dma_start3A_47, %dma_start3A_48] : memref<10000x8xf32, #tpu.memory_space<vmem_shared>> -> memref<10000x8xf32, #tpu.memory_space<vmem_shared>>
    tpu.enqueue_indirect_dma source(%arg12 : memref<125x8xf32, #tpu.memory_space<vmem>>) target(%dma_start3A_49 : memref<10000x8xf32, #tpu.memory_space<vmem_shared>>) offsets(%dma_start3A_46 : memref<125xi32, #tpu.memory_space<vmem>>) semaphore(%arg20 : memref<!tpu.dma_semaphore, #tpu.memory_space<semaphore_mem>>) {add = true}
    %dma_wait3A_50 = arith.constant 0 : i32
    %dma_wait3A_51 = arith.constant 0 : i32
    %dma_wait3A_52 = tpu.memref_slice %arg2[%dma_wait3A_50, %dma_wait3A_51] : memref<320000x16xf32, #tpu.memory_space<hbm>> -> memref<125x16xf32, #tpu.memory_space<hbm>>
    %dma_wait3A_53 = arith.constant 0 : i32
    %dma_wait3A_54 = arith.constant 0 : i32
    %dma_wait3A_55 = tpu.memref_slice %arg2[%dma_wait3A_53, %dma_wait3A_54] : memref<320000x16xf32, #tpu.memory_space<hbm>> -> memref<125x16xf32, #tpu.memory_space<hbm>>
    tpu.wait_dma2 semaphore(%arg17 : memref<!tpu.dma_semaphore, #tpu.memory_space<semaphore_mem>>) src(%dma_wait3A_55 : memref<125x16xf32, #tpu.memory_space<hbm>>) dst(%arg11 : memref<125x16xf32, #tpu.memory_space<vmem>>)
    %dma_start3A_56 = arith.constant 39 : i32
    %dma_start3A_57 = arith.constant 0 : i32
    %dma_start3A_58 = tpu.memref_slice %arg9[%dma_start3A_56, %dma_start3A_57] : memref<40x125xi32, #tpu.memory_space<vmem>> -> memref<1x125xi32, #tpu.memory_space<vmem>>
    %dma_start3A_59 = tpu.memref_squeeze %dma_start3A_58 : memref<1x125xi32, #tpu.memory_space<vmem>> -> memref<125xi32, #tpu.memory_space<vmem>>
    %dma_start3A_60 = arith.constant 0 : i32
    %dma_start3A_61 = arith.constant 0 : i32
    %dma_start3A_62 = tpu.memref_slice %arg14[%dma_start3A_60, %dma_start3A_61] : memref<10000x16xf32, #tpu.memory_space<vmem_shared>> -> memref<10000x16xf32, #tpu.memory_space<vmem_shared>>
    tpu.enqueue_indirect_dma source(%arg11 : memref<125x16xf32, #tpu.memory_space<vmem>>) target(%dma_start3A_62 : memref<10000x16xf32, #tpu.memory_space<vmem_shared>>) offsets(%dma_start3A_59 : memref<125xi32, #tpu.memory_space<vmem>>) semaphore(%arg19 : memref<!tpu.dma_semaphore, #tpu.memory_space<semaphore_mem>>) {add = true}
    %dma_start3A_63 = arith.constant 39 : i32
    %dma_start3A_64 = arith.constant 0 : i32
    %dma_start3A_65 = tpu.memref_slice %arg9[%dma_start3A_63, %dma_start3A_64] : memref<40x125xi32, #tpu.memory_space<vmem>> -> memref<1x125xi32, #tpu.memory_space<vmem>>
    %dma_start3A_66 = tpu.memref_squeeze %dma_start3A_65 : memref<1x125xi32, #tpu.memory_space<vmem>> -> memref<125xi32, #tpu.memory_space<vmem>>
    %dma_start3A_67 = arith.constant 0 : i32
    %dma_start3A_68 = arith.constant 0 : i32
    %dma_start3A_69 = tpu.memref_slice %arg15[%dma_start3A_67, %dma_start3A_68] : memref<10000x8xf32, #tpu.memory_space<vmem_shared>> -> memref<10000x8xf32, #tpu.memory_space<vmem_shared>>
    tpu.enqueue_indirect_dma source(%arg12 : memref<125x8xf32, #tpu.memory_space<vmem>>) target(%dma_start3A_69 : memref<10000x8xf32, #tpu.memory_space<vmem_shared>>) offsets(%dma_start3A_66 : memref<125xi32, #tpu.memory_space<vmem>>) semaphore(%arg20 : memref<!tpu.dma_semaphore, #tpu.memory_space<semaphore_mem>>) {add = true}
    %dma_wait3A_70 = arith.constant 0 : i32
    %dma_wait3A_71 = arith.constant 0 : i32
    %dma_wait3A_72 = tpu.memref_slice %arg9[%dma_wait3A_70, %dma_wait3A_71] : memref<40x125xi32, #tpu.memory_space<vmem>> -> memref<1x125xi32, #tpu.memory_space<vmem>>
    %dma_wait3A_73 = tpu.memref_squeeze %dma_wait3A_72 : memref<1x125xi32, #tpu.memory_space<vmem>> -> memref<125xi32, #tpu.memory_space<vmem>>
    %dma_wait3A_74 = arith.constant 0 : i32
    %dma_wait3A_75 = arith.constant 0 : i32
    %dma_wait3A_76 = tpu.memref_slice %arg14[%dma_wait3A_74, %dma_wait3A_75] : memref<10000x16xf32, #tpu.memory_space<vmem_shared>> -> memref<10000x16xf32, #tpu.memory_space<vmem_shared>>
    tpu.wait_indirect_dma semaphore(%arg18 : memref<!tpu.dma_semaphore, #tpu.memory_space<semaphore_mem>>) src(%arg10 : memref<125x16xf32, #tpu.memory_space<vmem>>) dst(%dma_wait3A_76 : memref<10000x16xf32, #tpu.memory_space<vmem_shared>>)
    %dma_wait3A_77 = arith.constant 0 : i32
    %dma_wait3A_78 = arith.constant 0 : i32
    %dma_wait3A_79 = tpu.memref_slice %arg9[%dma_wait3A_77, %dma_wait3A_78] : memref<40x125xi32, #tpu.memory_space<vmem>> -> memref<1x125xi32, #tpu.memory_space<vmem>>
    %dma_wait3A_80 = tpu.memref_squeeze %dma_wait3A_79 : memref<1x125xi32, #tpu.memory_space<vmem>> -> memref<125xi32, #tpu.memory_space<vmem>>
    %dma_wait3A_81 = arith.constant 0 : i32
    %dma_wait3A_82 = arith.constant 0 : i32
    %dma_wait3A_83 = tpu.memref_slice %arg14[%dma_wait3A_81, %dma_wait3A_82] : memref<10000x16xf32, #tpu.memory_space<vmem_shared>> -> memref<10000x16xf32, #tpu.memory_space<vmem_shared>>
    tpu.wait_indirect_dma semaphore(%arg19 : memref<!tpu.dma_semaphore, #tpu.memory_space<semaphore_mem>>) src(%arg11 : memref<125x16xf32, #tpu.memory_space<vmem>>) dst(%dma_wait3A_83 : memref<10000x16xf32, #tpu.memory_space<vmem_shared>>)
    %dma_wait3A_84 = arith.constant 0 : i32
    %dma_wait3A_85 = arith.constant 0 : i32
    %dma_wait3A_86 = tpu.memref_slice %arg9[%dma_wait3A_84, %dma_wait3A_85] : memref<40x125xi32, #tpu.memory_space<vmem>> -> memref<1x125xi32, #tpu.memory_space<vmem>>
    %dma_wait3A_87 = tpu.memref_squeeze %dma_wait3A_86 : memref<1x125xi32, #tpu.memory_space<vmem>> -> memref<125xi32, #tpu.memory_space<vmem>>
    %dma_wait3A_88 = arith.constant 0 : i32
    %dma_wait3A_89 = arith.constant 0 : i32
    %dma_wait3A_90 = tpu.memref_slice %arg15[%dma_wait3A_88, %dma_wait3A_89] : memref<10000x8xf32, #tpu.memory_space<vmem_shared>> -> memref<10000x8xf32, #tpu.memory_space<vmem_shared>>
    tpu.wait_indirect_dma semaphore(%arg20 : memref<!tpu.dma_semaphore, #tpu.memory_space<semaphore_mem>>) src(%arg12 : memref<125x8xf32, #tpu.memory_space<vmem>>) dst(%dma_wait3A_90 : memref<10000x8xf32, #tpu.memory_space<vmem_shared>>)
    %dma_wait3A_91 = arith.constant 0 : i32
    %dma_wait3A_92 = arith.constant 0 : i32
    %dma_wait3A_93 = tpu.memref_slice %arg9[%dma_wait3A_91, %dma_wait3A_92] : memref<40x125xi32, #tpu.memory_space<vmem>> -> memref<1x125xi32, #tpu.memory_space<vmem>>
    %dma_wait3A_94 = tpu.memref_squeeze %dma_wait3A_93 : memref<1x125xi32, #tpu.memory_space<vmem>> -> memref<125xi32, #tpu.memory_space<vmem>>
    %dma_wait3A_95 = arith.constant 0 : i32
    %dma_wait3A_96 = arith.constant 0 : i32
    %dma_wait3A_97 = tpu.memref_slice %arg15[%dma_wait3A_95, %dma_wait3A_96] : memref<10000x8xf32, #tpu.memory_space<vmem_shared>> -> memref<10000x8xf32, #tpu.memory_space<vmem_shared>>
    tpu.wait_indirect_dma semaphore(%arg20 : memref<!tpu.dma_semaphore, #tpu.memory_space<semaphore_mem>>) src(%arg12 : memref<125x8xf32, #tpu.memory_space<vmem>>) dst(%dma_wait3A_97 : memref<10000x8xf32, #tpu.memory_space<vmem_shared>>)
    %run_scoped3A_98 = arith.constant 1 : i32
    "tpu.region"() ({
      %run_scoped3A_203 = tpu.sem_alloc : memref<!tpu.dma_semaphore, #tpu.memory_space<semaphore_mem>>
      %dma_start3A_204 = arith.constant 0 : i32
      %dma_start3A_205 = arith.constant 0 : i32
      %dma_start3A_206 = tpu.memref_slice %arg3[%add3A, %run_scoped3A_98, %dma_start3A_204, %dma_start3A_205] : memref<32x2x40x125xi32, #tpu.memory_space<hbm>> -> memref<1x1x40x125xi32, #tpu.memory_space<hbm>>
      %dma_start3A_207 = tpu.memref_squeeze %dma_start3A_206 : memref<1x1x40x125xi32, #tpu.memory_space<hbm>> -> memref<40x125xi32, #tpu.memory_space<hbm>>
      %dma_start3A_208 = arith.constant 0 : i32
      %dma_start3A_209 = arith.constant 0 : i32
      %dma_start3A_210 = tpu.memref_slice %arg3[%add3A, %run_scoped3A_98, %dma_start3A_208, %dma_start3A_209] : memref<32x2x40x125xi32, #tpu.memory_space<hbm>> -> memref<1x1x40x125xi32, #tpu.memory_space<hbm>>
      %dma_start3A_211 = tpu.memref_squeeze %dma_start3A_210 : memref<1x1x40x125xi32, #tpu.memory_space<hbm>> -> memref<40x125xi32, #tpu.memory_space<hbm>>
      tpu.enqueue_dma source(%dma_start3A_211 : memref<40x125xi32, #tpu.memory_space<hbm>>) target(%arg9 : memref<40x125xi32, #tpu.memory_space<vmem>>) target_semaphore(%run_scoped3A_203 : memref<!tpu.dma_semaphore, #tpu.memory_space<semaphore_mem>>)
      %dma_wait3A_212 = arith.constant 0 : i32
      %dma_wait3A_213 = arith.constant 0 : i32
      %dma_wait3A_214 = tpu.memref_slice %arg3[%add3A, %run_scoped3A_98, %dma_wait3A_212, %dma_wait3A_213] : memref<32x2x40x125xi32, #tpu.memory_space<hbm>> -> memref<1x1x40x125xi32, #tpu.memory_space<hbm>>
      %dma_wait3A_215 = tpu.memref_squeeze %dma_wait3A_214 : memref<1x1x40x125xi32, #tpu.memory_space<hbm>> -> memref<40x125xi32, #tpu.memory_space<hbm>>
      %dma_wait3A_216 = arith.constant 0 : i32
      %dma_wait3A_217 = arith.constant 0 : i32
      %dma_wait3A_218 = tpu.memref_slice %arg3[%add3A, %run_scoped3A_98, %dma_wait3A_216, %dma_wait3A_217] : memref<32x2x40x125xi32, #tpu.memory_space<hbm>> -> memref<1x1x40x125xi32, #tpu.memory_space<hbm>>
      %dma_wait3A_219 = tpu.memref_squeeze %dma_wait3A_218 : memref<1x1x40x125xi32, #tpu.memory_space<hbm>> -> memref<40x125xi32, #tpu.memory_space<hbm>>
      tpu.wait_dma2 semaphore(%run_scoped3A_203 : memref<!tpu.dma_semaphore, #tpu.memory_space<semaphore_mem>>) src(%dma_wait3A_219 : memref<40x125xi32, #tpu.memory_space<hbm>>) dst(%arg9 : memref<40x125xi32, #tpu.memory_space<vmem>>)
      tpu.yield
    }) : () -> ()
    %add3A_99 = arith.constant 5000 : i32
    %add3A_100 = arith.addi %mul3A_14, %add3A_99 : i32
    %dma_start3A_101 = arith.constant 0 : i32
    %dma_start3A_102 = tpu.memref_slice %arg2[%add3A_100, %dma_start3A_101] : memref<320000x16xf32, #tpu.memory_space<hbm>> -> memref<125x16xf32, #tpu.memory_space<hbm>>
    %dma_start3A_103 = arith.constant 0 : i32
    %dma_start3A_104 = tpu.memref_slice %arg2[%add3A_100, %dma_start3A_103] : memref<320000x16xf32, #tpu.memory_space<hbm>> -> memref<125x16xf32, #tpu.memory_space<hbm>>
    tpu.enqueue_dma source(%dma_start3A_104 : memref<125x16xf32, #tpu.memory_space<hbm>>) target(%arg10 : memref<125x16xf32, #tpu.memory_space<vmem>>) target_semaphore(%arg16 : memref<!tpu.dma_semaphore, #tpu.memory_space<semaphore_mem>>)
    %add3A_105 = arith.constant 5125 : i32
    %add3A_106 = arith.addi %mul3A_14, %add3A_105 : i32
    %dma_start3A_107 = arith.constant 0 : i32
    %dma_start3A_108 = tpu.memref_slice %arg2[%add3A_106, %dma_start3A_107] : memref<320000x16xf32, #tpu.memory_space<hbm>> -> memref<125x16xf32, #tpu.memory_space<hbm>>
    %dma_start3A_109 = arith.constant 0 : i32
    %dma_start3A_110 = tpu.memref_slice %arg2[%add3A_106, %dma_start3A_109] : memref<320000x16xf32, #tpu.memory_space<hbm>> -> memref<125x16xf32, #tpu.memory_space<hbm>>
    tpu.enqueue_dma source(%dma_start3A_110 : memref<125x16xf32, #tpu.memory_space<hbm>>) target(%arg11 : memref<125x16xf32, #tpu.memory_space<vmem>>) target_semaphore(%arg17 : memref<!tpu.dma_semaphore, #tpu.memory_space<semaphore_mem>>)
    %scan3A_111 = arith.constant 0 : i32
    %scan3A_112 = arith.constant 19 : i32
    %scan3A_113 = arith.addi %scan3A_111, %scan3A_112 : i32
    %scan3A_114 = arith.constant 1 : i32
    scf.for %scan3A_203 = %scan3A_111 to %scan3A_113 step %scan3A_114  : i32 {
      %mul3A_204 = arith.constant 1 : i32
      %mul3A_205 = arith.muli %scan3A_203, %mul3A_204 : i32
      %add3A_206 = arith.constant 0 : i32
      %add3A_207 = arith.addi %add3A_206, %mul3A_205 : i32
      %mul3A_208 = arith.constant 2 : i32
      %mul3A_209 = arith.muli %mul3A_208, %add3A_207 : i32
      %add3A_210 = arith.constant 40 : i32
      %add3A_211 = arith.addi %add3A_210, %mul3A_209 : i32
      %dma_wait3A_212 = arith.constant 0 : i32
      %dma_wait3A_213 = arith.constant 0 : i32
      %dma_wait3A_214 = tpu.memref_slice %arg2[%dma_wait3A_212, %dma_wait3A_213] : memref<320000x16xf32, #tpu.memory_space<hbm>> -> memref<125x16xf32, #tpu.memory_space<hbm>>
      %dma_wait3A_215 = arith.constant 0 : i32
      %dma_wait3A_216 = arith.constant 0 : i32
      %dma_wait3A_217 = tpu.memref_slice %arg2[%dma_wait3A_215, %dma_wait3A_216] : memref<320000x16xf32, #tpu.memory_space<hbm>> -> memref<125x16xf32, #tpu.memory_space<hbm>>
      tpu.wait_dma2 semaphore(%arg16 : memref<!tpu.dma_semaphore, #tpu.memory_space<semaphore_mem>>) src(%dma_wait3A_217 : memref<125x16xf32, #tpu.memory_space<hbm>>) dst(%arg10 : memref<125x16xf32, #tpu.memory_space<vmem>>)
      %mul3A_218 = arith.constant 2 : i32
      %mul3A_219 = arith.muli %mul3A_218, %add3A_207 : i32
      %dma_start3A_220 = arith.constant 0 : i32
      %dma_start3A_221 = tpu.memref_slice %arg9[%mul3A_219, %dma_start3A_220] : memref<40x125xi32, #tpu.memory_space<vmem>> -> memref<1x125xi32, #tpu.memory_space<vmem>>
      %dma_start3A_222 = tpu.memref_squeeze %dma_start3A_221 : memref<1x125xi32, #tpu.memory_space<vmem>> -> memref<125xi32, #tpu.memory_space<vmem>>
      %dma_start3A_223 = arith.constant 0 : i32
      %dma_start3A_224 = arith.constant 0 : i32
      %dma_start3A_225 = tpu.memref_slice %arg14[%dma_start3A_223, %dma_start3A_224] : memref<10000x16xf32, #tpu.memory_space<vmem_shared>> -> memref<10000x16xf32, #tpu.memory_space<vmem_shared>>
      tpu.enqueue_indirect_dma source(%arg10 : memref<125x16xf32, #tpu.memory_space<vmem>>) target(%dma_start3A_225 : memref<10000x16xf32, #tpu.memory_space<vmem_shared>>) offsets(%dma_start3A_222 : memref<125xi32, #tpu.memory_space<vmem>>) semaphore(%arg18 : memref<!tpu.dma_semaphore, #tpu.memory_space<semaphore_mem>>) {add = true}
      %mul3A_226 = arith.constant 2 : i32
      %mul3A_227 = arith.muli %mul3A_226, %add3A_207 : i32
      %dma_start3A_228 = arith.constant 0 : i32
      %dma_start3A_229 = tpu.memref_slice %arg9[%mul3A_227, %dma_start3A_228] : memref<40x125xi32, #tpu.memory_space<vmem>> -> memref<1x125xi32, #tpu.memory_space<vmem>>
      %dma_start3A_230 = tpu.memref_squeeze %dma_start3A_229 : memref<1x125xi32, #tpu.memory_space<vmem>> -> memref<125xi32, #tpu.memory_space<vmem>>
      %dma_start3A_231 = arith.constant 0 : i32
      %dma_start3A_232 = arith.constant 0 : i32
      %dma_start3A_233 = tpu.memref_slice %arg15[%dma_start3A_231, %dma_start3A_232] : memref<10000x8xf32, #tpu.memory_space<vmem_shared>> -> memref<10000x8xf32, #tpu.memory_space<vmem_shared>>
      tpu.enqueue_indirect_dma source(%arg12 : memref<125x8xf32, #tpu.memory_space<vmem>>) target(%dma_start3A_233 : memref<10000x8xf32, #tpu.memory_space<vmem_shared>>) offsets(%dma_start3A_230 : memref<125xi32, #tpu.memory_space<vmem>>) semaphore(%arg20 : memref<!tpu.dma_semaphore, #tpu.memory_space<semaphore_mem>>) {add = true}
      %dma_wait3A_234 = arith.constant 0 : i32
      %dma_wait3A_235 = arith.constant 0 : i32
      %dma_wait3A_236 = tpu.memref_slice %arg2[%dma_wait3A_234, %dma_wait3A_235] : memref<320000x16xf32, #tpu.memory_space<hbm>> -> memref<125x16xf32, #tpu.memory_space<hbm>>
      %dma_wait3A_237 = arith.constant 0 : i32
      %dma_wait3A_238 = arith.constant 0 : i32
      %dma_wait3A_239 = tpu.memref_slice %arg2[%dma_wait3A_237, %dma_wait3A_238] : memref<320000x16xf32, #tpu.memory_space<hbm>> -> memref<125x16xf32, #tpu.memory_space<hbm>>
      tpu.wait_dma2 semaphore(%arg17 : memref<!tpu.dma_semaphore, #tpu.memory_space<semaphore_mem>>) src(%dma_wait3A_239 : memref<125x16xf32, #tpu.memory_space<hbm>>) dst(%arg11 : memref<125x16xf32, #tpu.memory_space<vmem>>)
      %mul3A_240 = arith.constant 2 : i32
      %mul3A_241 = arith.muli %mul3A_240, %add3A_207 : i32
      %add3A_242 = arith.constant 1 : i32
      %add3A_243 = arith.addi %mul3A_241, %add3A_242 : i32
      %dma_start3A_244 = arith.constant 0 : i32
      %dma_start3A_245 = tpu.memref_slice %arg9[%add3A_243, %dma_start3A_244] : memref<40x125xi32, #tpu.memory_space<vmem>> -> memref<1x125xi32, #tpu.memory_space<vmem>>
      %dma_start3A_246 = tpu.memref_squeeze %dma_start3A_245 : memref<1x125xi32, #tpu.memory_space<vmem>> -> memref<125xi32, #tpu.memory_space<vmem>>
      %dma_start3A_247 = arith.constant 0 : i32
      %dma_start3A_248 = arith.constant 0 : i32
      %dma_start3A_249 = tpu.memref_slice %arg14[%dma_start3A_247, %dma_start3A_248] : memref<10000x16xf32, #tpu.memory_space<vmem_shared>> -> memref<10000x16xf32, #tpu.memory_space<vmem_shared>>
      tpu.enqueue_indirect_dma source(%arg11 : memref<125x16xf32, #tpu.memory_space<vmem>>) target(%dma_start3A_249 : memref<10000x16xf32, #tpu.memory_space<vmem_shared>>) offsets(%dma_start3A_246 : memref<125xi32, #tpu.memory_space<vmem>>) semaphore(%arg19 : memref<!tpu.dma_semaphore, #tpu.memory_space<semaphore_mem>>) {add = true}
      %mul3A_250 = arith.constant 2 : i32
      %mul3A_251 = arith.muli %mul3A_250, %add3A_207 : i32
      %add3A_252 = arith.constant 1 : i32
      %add3A_253 = arith.addi %mul3A_251, %add3A_252 : i32
      %dma_start3A_254 = arith.constant 0 : i32
      %dma_start3A_255 = tpu.memref_slice %arg9[%add3A_253, %dma_start3A_254] : memref<40x125xi32, #tpu.memory_space<vmem>> -> memref<1x125xi32, #tpu.memory_space<vmem>>
      %dma_start3A_256 = tpu.memref_squeeze %dma_start3A_255 : memref<1x125xi32, #tpu.memory_space<vmem>> -> memref<125xi32, #tpu.memory_space<vmem>>
      %dma_start3A_257 = arith.constant 0 : i32
      %dma_start3A_258 = arith.constant 0 : i32
      %dma_start3A_259 = tpu.memref_slice %arg15[%dma_start3A_257, %dma_start3A_258] : memref<10000x8xf32, #tpu.memory_space<vmem_shared>> -> memref<10000x8xf32, #tpu.memory_space<vmem_shared>>
      tpu.enqueue_indirect_dma source(%arg12 : memref<125x8xf32, #tpu.memory_space<vmem>>) target(%dma_start3A_259 : memref<10000x8xf32, #tpu.memory_space<vmem_shared>>) offsets(%dma_start3A_256 : memref<125xi32, #tpu.memory_space<vmem>>) semaphore(%arg20 : memref<!tpu.dma_semaphore, #tpu.memory_space<semaphore_mem>>) {add = true}
      %dma_wait3A_260 = arith.constant 0 : i32
      %dma_wait3A_261 = arith.constant 0 : i32
      %dma_wait3A_262 = tpu.memref_slice %arg9[%dma_wait3A_260, %dma_wait3A_261] : memref<40x125xi32, #tpu.memory_space<vmem>> -> memref<1x125xi32, #tpu.memory_space<vmem>>
      %dma_wait3A_263 = tpu.memref_squeeze %dma_wait3A_262 : memref<1x125xi32, #tpu.memory_space<vmem>> -> memref<125xi32, #tpu.memory_space<vmem>>
      %dma_wait3A_264 = arith.constant 0 : i32
      %dma_wait3A_265 = arith.constant 0 : i32
      %dma_wait3A_266 = tpu.memref_slice %arg14[%dma_wait3A_264, %dma_wait3A_265] : memref<10000x16xf32, #tpu.memory_space<vmem_shared>> -> memref<10000x16xf32, #tpu.memory_space<vmem_shared>>
      tpu.wait_indirect_dma semaphore(%arg18 : memref<!tpu.dma_semaphore, #tpu.memory_space<semaphore_mem>>) src(%arg10 : memref<125x16xf32, #tpu.memory_space<vmem>>) dst(%dma_wait3A_266 : memref<10000x16xf32, #tpu.memory_space<vmem_shared>>)
      %add3A_267 = arith.constant 2 : i32
      %add3A_268 = arith.addi %add3A_211, %add3A_267 : i32
      %mul3A_269 = arith.constant 125 : i32
      %mul3A_270 = arith.muli %add3A_268, %mul3A_269 : i32
      %add3A_271 = arith.addi %mul3A_14, %mul3A_270 : i32
      %dma_start3A_272 = arith.constant 0 : i32
      %dma_start3A_273 = tpu.memref_slice %arg2[%add3A_271, %dma_start3A_272] : memref<320000x16xf32, #tpu.memory_space<hbm>> -> memref<125x16xf32, #tpu.memory_space<hbm>>
      %dma_start3A_274 = arith.constant 0 : i32
      %dma_start3A_275 = tpu.memref_slice %arg2[%add3A_271, %dma_start3A_274] : memref<320000x16xf32, #tpu.memory_space<hbm>> -> memref<125x16xf32, #tpu.memory_space<hbm>>
      tpu.enqueue_dma source(%dma_start3A_275 : memref<125x16xf32, #tpu.memory_space<hbm>>) target(%arg10 : memref<125x16xf32, #tpu.memory_space<vmem>>) target_semaphore(%arg16 : memref<!tpu.dma_semaphore, #tpu.memory_space<semaphore_mem>>)
      %dma_wait3A_276 = arith.constant 0 : i32
      %dma_wait3A_277 = arith.constant 0 : i32
      %dma_wait3A_278 = tpu.memref_slice %arg9[%dma_wait3A_276, %dma_wait3A_277] : memref<40x125xi32, #tpu.memory_space<vmem>> -> memref<1x125xi32, #tpu.memory_space<vmem>>
      %dma_wait3A_279 = tpu.memref_squeeze %dma_wait3A_278 : memref<1x125xi32, #tpu.memory_space<vmem>> -> memref<125xi32, #tpu.memory_space<vmem>>
      %dma_wait3A_280 = arith.constant 0 : i32
      %dma_wait3A_281 = arith.constant 0 : i32
      %dma_wait3A_282 = tpu.memref_slice %arg14[%dma_wait3A_280, %dma_wait3A_281] : memref<10000x16xf32, #tpu.memory_space<vmem_shared>> -> memref<10000x16xf32, #tpu.memory_space<vmem_shared>>
      tpu.wait_indirect_dma semaphore(%arg19 : memref<!tpu.dma_semaphore, #tpu.memory_space<semaphore_mem>>) src(%arg11 : memref<125x16xf32, #tpu.memory_space<vmem>>) dst(%dma_wait3A_282 : memref<10000x16xf32, #tpu.memory_space<vmem_shared>>)
      %add3A_283 = arith.constant 3 : i32
      %add3A_284 = arith.addi %add3A_211, %add3A_283 : i32
      %mul3A_285 = arith.constant 125 : i32
      %mul3A_286 = arith.muli %add3A_284, %mul3A_285 : i32
      %add3A_287 = arith.addi %mul3A_14, %mul3A_286 : i32
      %dma_start3A_288 = arith.constant 0 : i32
      %dma_start3A_289 = tpu.memref_slice %arg2[%add3A_287, %dma_start3A_288] : memref<320000x16xf32, #tpu.memory_space<hbm>> -> memref<125x16xf32, #tpu.memory_space<hbm>>
      %dma_start3A_290 = arith.constant 0 : i32
      %dma_start3A_291 = tpu.memref_slice %arg2[%add3A_287, %dma_start3A_290] : memref<320000x16xf32, #tpu.memory_space<hbm>> -> memref<125x16xf32, #tpu.memory_space<hbm>>
      tpu.enqueue_dma source(%dma_start3A_291 : memref<125x16xf32, #tpu.memory_space<hbm>>) target(%arg11 : memref<125x16xf32, #tpu.memory_space<vmem>>) target_semaphore(%arg17 : memref<!tpu.dma_semaphore, #tpu.memory_space<semaphore_mem>>)
      %dma_wait3A_292 = arith.constant 0 : i32
      %dma_wait3A_293 = arith.constant 0 : i32
      %dma_wait3A_294 = tpu.memref_slice %arg9[%dma_wait3A_292, %dma_wait3A_293] : memref<40x125xi32, #tpu.memory_space<vmem>> -> memref<1x125xi32, #tpu.memory_space<vmem>>
      %dma_wait3A_295 = tpu.memref_squeeze %dma_wait3A_294 : memref<1x125xi32, #tpu.memory_space<vmem>> -> memref<125xi32, #tpu.memory_space<vmem>>
      %dma_wait3A_296 = arith.constant 0 : i32
      %dma_wait3A_297 = arith.constant 0 : i32
      %dma_wait3A_298 = tpu.memref_slice %arg15[%dma_wait3A_296, %dma_wait3A_297] : memref<10000x8xf32, #tpu.memory_space<vmem_shared>> -> memref<10000x8xf32, #tpu.memory_space<vmem_shared>>
      tpu.wait_indirect_dma semaphore(%arg20 : memref<!tpu.dma_semaphore, #tpu.memory_space<semaphore_mem>>) src(%arg12 : memref<125x8xf32, #tpu.memory_space<vmem>>) dst(%dma_wait3A_298 : memref<10000x8xf32, #tpu.memory_space<vmem_shared>>)
      %dma_wait3A_299 = arith.constant 0 : i32
      %dma_wait3A_300 = arith.constant 0 : i32
      %dma_wait3A_301 = tpu.memref_slice %arg9[%dma_wait3A_299, %dma_wait3A_300] : memref<40x125xi32, #tpu.memory_space<vmem>> -> memref<1x125xi32, #tpu.memory_space<vmem>>
      %dma_wait3A_302 = tpu.memref_squeeze %dma_wait3A_301 : memref<1x125xi32, #tpu.memory_space<vmem>> -> memref<125xi32, #tpu.memory_space<vmem>>
      %dma_wait3A_303 = arith.constant 0 : i32
      %dma_wait3A_304 = arith.constant 0 : i32
      %dma_wait3A_305 = tpu.memref_slice %arg15[%dma_wait3A_303, %dma_wait3A_304] : memref<10000x8xf32, #tpu.memory_space<vmem_shared>> -> memref<10000x8xf32, #tpu.memory_space<vmem_shared>>
      tpu.wait_indirect_dma semaphore(%arg20 : memref<!tpu.dma_semaphore, #tpu.memory_space<semaphore_mem>>) src(%arg12 : memref<125x8xf32, #tpu.memory_space<vmem>>) dst(%dma_wait3A_305 : memref<10000x8xf32, #tpu.memory_space<vmem_shared>>)
    }
    %scan3A_115 = arith.constant 19 : i32
    %dma_wait3A_116 = arith.constant 0 : i32
    %dma_wait3A_117 = arith.constant 0 : i32
    %dma_wait3A_118 = tpu.memref_slice %arg2[%dma_wait3A_116, %dma_wait3A_117] : memref<320000x16xf32, #tpu.memory_space<hbm>> -> memref<125x16xf32, #tpu.memory_space<hbm>>
    %dma_wait3A_119 = arith.constant 0 : i32
    %dma_wait3A_120 = arith.constant 0 : i32
    %dma_wait3A_121 = tpu.memref_slice %arg2[%dma_wait3A_119, %dma_wait3A_120] : memref<320000x16xf32, #tpu.memory_space<hbm>> -> memref<125x16xf32, #tpu.memory_space<hbm>>
    tpu.wait_dma2 semaphore(%arg16 : memref<!tpu.dma_semaphore, #tpu.memory_space<semaphore_mem>>) src(%dma_wait3A_121 : memref<125x16xf32, #tpu.memory_space<hbm>>) dst(%arg10 : memref<125x16xf32, #tpu.memory_space<vmem>>)
    %dma_start3A_122 = arith.constant 38 : i32
    %dma_start3A_123 = arith.constant 0 : i32
    %dma_start3A_124 = tpu.memref_slice %arg9[%dma_start3A_122, %dma_start3A_123] : memref<40x125xi32, #tpu.memory_space<vmem>> -> memref<1x125xi32, #tpu.memory_space<vmem>>
    %dma_start3A_125 = tpu.memref_squeeze %dma_start3A_124 : memref<1x125xi32, #tpu.memory_space<vmem>> -> memref<125xi32, #tpu.memory_space<vmem>>
    %dma_start3A_126 = arith.constant 0 : i32
    %dma_start3A_127 = arith.constant 0 : i32
    %dma_start3A_128 = tpu.memref_slice %arg14[%dma_start3A_126, %dma_start3A_127] : memref<10000x16xf32, #tpu.memory_space<vmem_shared>> -> memref<10000x16xf32, #tpu.memory_space<vmem_shared>>
    tpu.enqueue_indirect_dma source(%arg10 : memref<125x16xf32, #tpu.memory_space<vmem>>) target(%dma_start3A_128 : memref<10000x16xf32, #tpu.memory_space<vmem_shared>>) offsets(%dma_start3A_125 : memref<125xi32, #tpu.memory_space<vmem>>) semaphore(%arg18 : memref<!tpu.dma_semaphore, #tpu.memory_space<semaphore_mem>>) {add = true}
    %dma_start3A_129 = arith.constant 38 : i32
    %dma_start3A_130 = arith.constant 0 : i32
    %dma_start3A_131 = tpu.memref_slice %arg9[%dma_start3A_129, %dma_start3A_130] : memref<40x125xi32, #tpu.memory_space<vmem>> -> memref<1x125xi32, #tpu.memory_space<vmem>>
    %dma_start3A_132 = tpu.memref_squeeze %dma_start3A_131 : memref<1x125xi32, #tpu.memory_space<vmem>> -> memref<125xi32, #tpu.memory_space<vmem>>
    %dma_start3A_133 = arith.constant 0 : i32
    %dma_start3A_134 = arith.constant 0 : i32
    %dma_start3A_135 = tpu.memref_slice %arg15[%dma_start3A_133, %dma_start3A_134] : memref<10000x8xf32, #tpu.memory_space<vmem_shared>> -> memref<10000x8xf32, #tpu.memory_space<vmem_shared>>
    tpu.enqueue_indirect_dma source(%arg12 : memref<125x8xf32, #tpu.memory_space<vmem>>) target(%dma_start3A_135 : memref<10000x8xf32, #tpu.memory_space<vmem_shared>>) offsets(%dma_start3A_132 : memref<125xi32, #tpu.memory_space<vmem>>) semaphore(%arg20 : memref<!tpu.dma_semaphore, #tpu.memory_space<semaphore_mem>>) {add = true}
    %dma_wait3A_136 = arith.constant 0 : i32
    %dma_wait3A_137 = arith.constant 0 : i32
    %dma_wait3A_138 = tpu.memref_slice %arg2[%dma_wait3A_136, %dma_wait3A_137] : memref<320000x16xf32, #tpu.memory_space<hbm>> -> memref<125x16xf32, #tpu.memory_space<hbm>>
    %dma_wait3A_139 = arith.constant 0 : i32
    %dma_wait3A_140 = arith.constant 0 : i32
    %dma_wait3A_141 = tpu.memref_slice %arg2[%dma_wait3A_139, %dma_wait3A_140] : memref<320000x16xf32, #tpu.memory_space<hbm>> -> memref<125x16xf32, #tpu.memory_space<hbm>>
    tpu.wait_dma2 semaphore(%arg17 : memref<!tpu.dma_semaphore, #tpu.memory_space<semaphore_mem>>) src(%dma_wait3A_141 : memref<125x16xf32, #tpu.memory_space<hbm>>) dst(%arg11 : memref<125x16xf32, #tpu.memory_space<vmem>>)
    %dma_start3A_142 = arith.constant 39 : i32
    %dma_start3A_143 = arith.constant 0 : i32
    %dma_start3A_144 = tpu.memref_slice %arg9[%dma_start3A_142, %dma_start3A_143] : memref<40x125xi32, #tpu.memory_space<vmem>> -> memref<1x125xi32, #tpu.memory_space<vmem>>
    %dma_start3A_145 = tpu.memref_squeeze %dma_start3A_144 : memref<1x125xi32, #tpu.memory_space<vmem>> -> memref<125xi32, #tpu.memory_space<vmem>>
    %dma_start3A_146 = arith.constant 0 : i32
    %dma_start3A_147 = arith.constant 0 : i32
    %dma_start3A_148 = tpu.memref_slice %arg14[%dma_start3A_146, %dma_start3A_147] : memref<10000x16xf32, #tpu.memory_space<vmem_shared>> -> memref<10000x16xf32, #tpu.memory_space<vmem_shared>>
    tpu.enqueue_indirect_dma source(%arg11 : memref<125x16xf32, #tpu.memory_space<vmem>>) target(%dma_start3A_148 : memref<10000x16xf32, #tpu.memory_space<vmem_shared>>) offsets(%dma_start3A_145 : memref<125xi32, #tpu.memory_space<vmem>>) semaphore(%arg19 : memref<!tpu.dma_semaphore, #tpu.memory_space<semaphore_mem>>) {add = true}
    %dma_start3A_149 = arith.constant 39 : i32
    %dma_start3A_150 = arith.constant 0 : i32
    %dma_start3A_151 = tpu.memref_slice %arg9[%dma_start3A_149, %dma_start3A_150] : memref<40x125xi32, #tpu.memory_space<vmem>> -> memref<1x125xi32, #tpu.memory_space<vmem>>
    %dma_start3A_152 = tpu.memref_squeeze %dma_start3A_151 : memref<1x125xi32, #tpu.memory_space<vmem>> -> memref<125xi32, #tpu.memory_space<vmem>>
    %dma_start3A_153 = arith.constant 0 : i32
    %dma_start3A_154 = arith.constant 0 : i32
    %dma_start3A_155 = tpu.memref_slice %arg15[%dma_start3A_153, %dma_start3A_154] : memref<10000x8xf32, #tpu.memory_space<vmem_shared>> -> memref<10000x8xf32, #tpu.memory_space<vmem_shared>>
    tpu.enqueue_indirect_dma source(%arg12 : memref<125x8xf32, #tpu.memory_space<vmem>>) target(%dma_start3A_155 : memref<10000x8xf32, #tpu.memory_space<vmem_shared>>) offsets(%dma_start3A_152 : memref<125xi32, #tpu.memory_space<vmem>>) semaphore(%arg20 : memref<!tpu.dma_semaphore, #tpu.memory_space<semaphore_mem>>) {add = true}
    %dma_wait3A_156 = arith.constant 0 : i32
    %dma_wait3A_157 = arith.constant 0 : i32
    %dma_wait3A_158 = tpu.memref_slice %arg9[%dma_wait3A_156, %dma_wait3A_157] : memref<40x125xi32, #tpu.memory_space<vmem>> -> memref<1x125xi32, #tpu.memory_space<vmem>>
    %dma_wait3A_159 = tpu.memref_squeeze %dma_wait3A_158 : memref<1x125xi32, #tpu.memory_space<vmem>> -> memref<125xi32, #tpu.memory_space<vmem>>
    %dma_wait3A_160 = arith.constant 0 : i32
    %dma_wait3A_161 = arith.constant 0 : i32
    %dma_wait3A_162 = tpu.memref_slice %arg14[%dma_wait3A_160, %dma_wait3A_161] : memref<10000x16xf32, #tpu.memory_space<vmem_shared>> -> memref<10000x16xf32, #tpu.memory_space<vmem_shared>>
    tpu.wait_indirect_dma semaphore(%arg18 : memref<!tpu.dma_semaphore, #tpu.memory_space<semaphore_mem>>) src(%arg10 : memref<125x16xf32, #tpu.memory_space<vmem>>) dst(%dma_wait3A_162 : memref<10000x16xf32, #tpu.memory_space<vmem_shared>>)
    %dma_wait3A_163 = arith.constant 0 : i32
    %dma_wait3A_164 = arith.constant 0 : i32
    %dma_wait3A_165 = tpu.memref_slice %arg9[%dma_wait3A_163, %dma_wait3A_164] : memref<40x125xi32, #tpu.memory_space<vmem>> -> memref<1x125xi32, #tpu.memory_space<vmem>>
    %dma_wait3A_166 = tpu.memref_squeeze %dma_wait3A_165 : memref<1x125xi32, #tpu.memory_space<vmem>> -> memref<125xi32, #tpu.memory_space<vmem>>
    %dma_wait3A_167 = arith.constant 0 : i32
    %dma_wait3A_168 = arith.constant 0 : i32
    %dma_wait3A_169 = tpu.memref_slice %arg14[%dma_wait3A_167, %dma_wait3A_168] : memref<10000x16xf32, #tpu.memory_space<vmem_shared>> -> memref<10000x16xf32, #tpu.memory_space<vmem_shared>>
    tpu.wait_indirect_dma semaphore(%arg19 : memref<!tpu.dma_semaphore, #tpu.memory_space<semaphore_mem>>) src(%arg11 : memref<125x16xf32, #tpu.memory_space<vmem>>) dst(%dma_wait3A_169 : memref<10000x16xf32, #tpu.memory_space<vmem_shared>>)
    %dma_wait3A_170 = arith.constant 0 : i32
    %dma_wait3A_171 = arith.constant 0 : i32
    %dma_wait3A_172 = tpu.memref_slice %arg9[%dma_wait3A_170, %dma_wait3A_171] : memref<40x125xi32, #tpu.memory_space<vmem>> -> memref<1x125xi32, #tpu.memory_space<vmem>>
    %dma_wait3A_173 = tpu.memref_squeeze %dma_wait3A_172 : memref<1x125xi32, #tpu.memory_space<vmem>> -> memref<125xi32, #tpu.memory_space<vmem>>
    %dma_wait3A_174 = arith.constant 0 : i32
    %dma_wait3A_175 = arith.constant 0 : i32
    %dma_wait3A_176 = tpu.memref_slice %arg15[%dma_wait3A_174, %dma_wait3A_175] : memref<10000x8xf32, #tpu.memory_space<vmem_shared>> -> memref<10000x8xf32, #tpu.memory_space<vmem_shared>>
    tpu.wait_indirect_dma semaphore(%arg20 : memref<!tpu.dma_semaphore, #tpu.memory_space<semaphore_mem>>) src(%arg12 : memref<125x8xf32, #tpu.memory_space<vmem>>) dst(%dma_wait3A_176 : memref<10000x8xf32, #tpu.memory_space<vmem_shared>>)
    %dma_wait3A_177 = arith.constant 0 : i32
    %dma_wait3A_178 = arith.constant 0 : i32
    %dma_wait3A_179 = tpu.memref_slice %arg9[%dma_wait3A_177, %dma_wait3A_178] : memref<40x125xi32, #tpu.memory_space<vmem>> -> memref<1x125xi32, #tpu.memory_space<vmem>>
    %dma_wait3A_180 = tpu.memref_squeeze %dma_wait3A_179 : memref<1x125xi32, #tpu.memory_space<vmem>> -> memref<125xi32, #tpu.memory_space<vmem>>
    %dma_wait3A_181 = arith.constant 0 : i32
    %dma_wait3A_182 = arith.constant 0 : i32
    %dma_wait3A_183 = tpu.memref_slice %arg15[%dma_wait3A_181, %dma_wait3A_182] : memref<10000x8xf32, #tpu.memory_space<vmem_shared>> -> memref<10000x8xf32, #tpu.memory_space<vmem_shared>>
    tpu.wait_indirect_dma semaphore(%arg20 : memref<!tpu.dma_semaphore, #tpu.memory_space<semaphore_mem>>) src(%arg12 : memref<125x8xf32, #tpu.memory_space<vmem>>) dst(%dma_wait3A_183 : memref<10000x8xf32, #tpu.memory_space<vmem_shared>>)
    %barrier3A_184 = arith.constant 0 : index
    tpu.barrier barrier_id(%barrier3A_184)
    %scan3A_185 = arith.constant 0 : i32
    %scan3A_186 = arith.constant 15 : i32
    %scan3A_187 = arith.addi %scan3A_185, %scan3A_186 : i32
    %scan3A_188 = arith.constant 1 : i32
    scf.for %scan3A_203 = %scan3A_185 to %scan3A_187 step %scan3A_188  : i32 {
      %mul3A_204 = arith.constant 1 : i32
      %mul3A_205 = arith.muli %scan3A_203, %mul3A_204 : i32
      %add3A_206 = arith.constant 0 : i32
      %add3A_207 = arith.addi %add3A_206, %mul3A_205 : i32
      %mul3A_208 = arith.constant 40 : i32
      %mul3A_209 = arith.muli %add3A_207, %mul3A_208 : i32
      %add3A_210 = arith.addi %mul3A_2, %mul3A_209 : i32
      "tpu.region"() ({
        %run_scoped3A_220 = tpu.sem_alloc : memref<!tpu.dma_semaphore, #tpu.memory_space<semaphore_mem>>
        %dma_start3A_221 = arith.constant 0 : i32
        %dma_start3A_222 = arith.constant 0 : i32
        %dma_start3A_223 = tpu.memref_slice %arg10[%dma_start3A_221, %dma_start3A_222] : memref<125x16xf32, #tpu.memory_space<vmem>> -> memref<40x16xf32, #tpu.memory_space<vmem>>
        %dma_start3A_224 = arith.constant 0 : i32
        %dma_start3A_225 = tpu.memref_slice %arg14[%add3A_210, %dma_start3A_224] : memref<10000x16xf32, #tpu.memory_space<vmem_shared>> -> memref<40x16xf32, #tpu.memory_space<vmem_shared>>
        %dma_start3A_226 = arith.constant 0 : i32
        %dma_start3A_227 = arith.constant 0 : i32
        %dma_start3A_228 = tpu.memref_slice %arg10[%dma_start3A_226, %dma_start3A_227] : memref<125x16xf32, #tpu.memory_space<vmem>> -> memref<40x16xf32, #tpu.memory_space<vmem>>
        %dma_start3A_229 = arith.constant 0 : i32
        %dma_start3A_230 = tpu.memref_slice %arg14[%add3A_210, %dma_start3A_229] : memref<10000x16xf32, #tpu.memory_space<vmem_shared>> -> memref<40x16xf32, #tpu.memory_space<vmem_shared>>
        tpu.enqueue_dma source(%dma_start3A_230 : memref<40x16xf32, #tpu.memory_space<vmem_shared>>) target(%dma_start3A_228 : memref<40x16xf32, #tpu.memory_space<vmem>>) target_semaphore(%run_scoped3A_220 : memref<!tpu.dma_semaphore, #tpu.memory_space<semaphore_mem>>)
        %dma_wait3A_231 = arith.constant 0 : i32
        %dma_wait3A_232 = arith.constant 0 : i32
        %dma_wait3A_233 = tpu.memref_slice %arg10[%dma_wait3A_231, %dma_wait3A_232] : memref<125x16xf32, #tpu.memory_space<vmem>> -> memref<40x16xf32, #tpu.memory_space<vmem>>
        %dma_wait3A_234 = arith.constant 0 : i32
        %dma_wait3A_235 = tpu.memref_slice %arg14[%add3A_210, %dma_wait3A_234] : memref<10000x16xf32, #tpu.memory_space<vmem_shared>> -> memref<40x16xf32, #tpu.memory_space<vmem_shared>>
        %dma_wait3A_236 = arith.constant 0 : i32
        %dma_wait3A_237 = arith.constant 0 : i32
        %dma_wait3A_238 = tpu.memref_slice %arg10[%dma_wait3A_236, %dma_wait3A_237] : memref<125x16xf32, #tpu.memory_space<vmem>> -> memref<40x16xf32, #tpu.memory_space<vmem>>
        %dma_wait3A_239 = arith.constant 0 : i32
        %dma_wait3A_240 = tpu.memref_slice %arg14[%add3A_210, %dma_wait3A_239] : memref<10000x16xf32, #tpu.memory_space<vmem_shared>> -> memref<40x16xf32, #tpu.memory_space<vmem_shared>>
        tpu.wait_dma2 semaphore(%run_scoped3A_220 : memref<!tpu.dma_semaphore, #tpu.memory_space<semaphore_mem>>) src(%dma_wait3A_240 : memref<40x16xf32, #tpu.memory_space<vmem_shared>>) dst(%dma_wait3A_238 : memref<40x16xf32, #tpu.memory_space<vmem>>)
        tpu.yield
      }) : () -> ()
      %mul3A_211 = arith.constant 40 : i32
      %mul3A_212 = arith.muli %add3A_207, %mul3A_211 : i32
      %add3A_213 = arith.addi %mul3A_2, %mul3A_212 : i32
      "tpu.region"() ({
        %run_scoped3A_220 = tpu.sem_alloc : memref<!tpu.dma_semaphore, #tpu.memory_space<semaphore_mem>>
        %dma_start3A_221 = arith.constant 0 : i32
        %dma_start3A_222 = arith.constant 0 : i32
        %dma_start3A_223 = tpu.memref_slice %arg10[%dma_start3A_221, %dma_start3A_222] : memref<125x16xf32, #tpu.memory_space<vmem>> -> memref<40x16xf32, #tpu.memory_space<vmem>>
        %dma_start3A_224 = arith.constant 0 : i32
        %dma_start3A_225 = tpu.memref_slice %arg7[%arg0, %add3A_213, %dma_start3A_224] : memref<2x10000x16xf32, #tpu.memory_space<hbm>> -> memref<1x40x16xf32, #tpu.memory_space<hbm>>
        %dma_start3A_226 = tpu.memref_squeeze %dma_start3A_225 : memref<1x40x16xf32, #tpu.memory_space<hbm>> -> memref<40x16xf32, #tpu.memory_space<hbm>>
        %dma_start3A_227 = arith.constant 0 : i32
        %dma_start3A_228 = tpu.memref_slice %arg7[%arg0, %add3A_213, %dma_start3A_227] : memref<2x10000x16xf32, #tpu.memory_space<hbm>> -> memref<1x40x16xf32, #tpu.memory_space<hbm>>
        %dma_start3A_229 = tpu.memref_squeeze %dma_start3A_228 : memref<1x40x16xf32, #tpu.memory_space<hbm>> -> memref<40x16xf32, #tpu.memory_space<hbm>>
        %dma_start3A_230 = arith.constant 0 : i32
        %dma_start3A_231 = arith.constant 0 : i32
        %dma_start3A_232 = tpu.memref_slice %arg10[%dma_start3A_230, %dma_start3A_231] : memref<125x16xf32, #tpu.memory_space<vmem>> -> memref<40x16xf32, #tpu.memory_space<vmem>>
        tpu.enqueue_dma source(%dma_start3A_232 : memref<40x16xf32, #tpu.memory_space<vmem>>) target(%dma_start3A_229 : memref<40x16xf32, #tpu.memory_space<hbm>>) target_semaphore(%run_scoped3A_220 : memref<!tpu.dma_semaphore, #tpu.memory_space<semaphore_mem>>)
        %dma_wait3A_233 = arith.constant 0 : i32
        %dma_wait3A_234 = arith.constant 0 : i32
        %dma_wait3A_235 = tpu.memref_slice %arg10[%dma_wait3A_233, %dma_wait3A_234] : memref<125x16xf32, #tpu.memory_space<vmem>> -> memref<40x16xf32, #tpu.memory_space<vmem>>
        %dma_wait3A_236 = arith.constant 0 : i32
        %dma_wait3A_237 = tpu.memref_slice %arg7[%arg0, %add3A_213, %dma_wait3A_236] : memref<2x10000x16xf32, #tpu.memory_space<hbm>> -> memref<1x40x16xf32, #tpu.memory_space<hbm>>
        %dma_wait3A_238 = tpu.memref_squeeze %dma_wait3A_237 : memref<1x40x16xf32, #tpu.memory_space<hbm>> -> memref<40x16xf32, #tpu.memory_space<hbm>>
        %dma_wait3A_239 = arith.constant 0 : i32
        %dma_wait3A_240 = tpu.memref_slice %arg7[%arg0, %add3A_213, %dma_wait3A_239] : memref<2x10000x16xf32, #tpu.memory_space<hbm>> -> memref<1x40x16xf32, #tpu.memory_space<hbm>>
        %dma_wait3A_241 = tpu.memref_squeeze %dma_wait3A_240 : memref<1x40x16xf32, #tpu.memory_space<hbm>> -> memref<40x16xf32, #tpu.memory_space<hbm>>
        %dma_wait3A_242 = arith.constant 0 : i32
        %dma_wait3A_243 = arith.constant 0 : i32
        %dma_wait3A_244 = tpu.memref_slice %arg10[%dma_wait3A_242, %dma_wait3A_243] : memref<125x16xf32, #tpu.memory_space<vmem>> -> memref<40x16xf32, #tpu.memory_space<vmem>>
        tpu.wait_dma2 semaphore(%run_scoped3A_220 : memref<!tpu.dma_semaphore, #tpu.memory_space<semaphore_mem>>) src(%dma_wait3A_244 : memref<40x16xf32, #tpu.memory_space<vmem>>) dst(%dma_wait3A_241 : memref<40x16xf32, #tpu.memory_space<hbm>>)
        tpu.yield
      }) : () -> ()
      %mul3A_214 = arith.constant 40 : i32
      %mul3A_215 = arith.muli %add3A_207, %mul3A_214 : i32
      %add3A_216 = arith.addi %mul3A_2, %mul3A_215 : i32
      "tpu.region"() ({
        %run_scoped3A_220 = tpu.sem_alloc : memref<!tpu.dma_semaphore, #tpu.memory_space<semaphore_mem>>
        %dma_start3A_221 = arith.constant 0 : i32
        %dma_start3A_222 = arith.constant 0 : i32
        %dma_start3A_223 = tpu.memref_slice %arg13[%dma_start3A_221, %dma_start3A_222] : memref<125x8xf32, #tpu.memory_space<vmem>> -> memref<40x8xf32, #tpu.memory_space<vmem>>
        %dma_start3A_224 = arith.constant 0 : i32
        %dma_start3A_225 = tpu.memref_slice %arg15[%add3A_216, %dma_start3A_224] : memref<10000x8xf32, #tpu.memory_space<vmem_shared>> -> memref<40x8xf32, #tpu.memory_space<vmem_shared>>
        %dma_start3A_226 = arith.constant 0 : i32
        %dma_start3A_227 = arith.constant 0 : i32
        %dma_start3A_228 = tpu.memref_slice %arg13[%dma_start3A_226, %dma_start3A_227] : memref<125x8xf32, #tpu.memory_space<vmem>> -> memref<40x8xf32, #tpu.memory_space<vmem>>
        %dma_start3A_229 = arith.constant 0 : i32
        %dma_start3A_230 = tpu.memref_slice %arg15[%add3A_216, %dma_start3A_229] : memref<10000x8xf32, #tpu.memory_space<vmem_shared>> -> memref<40x8xf32, #tpu.memory_space<vmem_shared>>
        tpu.enqueue_dma source(%dma_start3A_230 : memref<40x8xf32, #tpu.memory_space<vmem_shared>>) target(%dma_start3A_228 : memref<40x8xf32, #tpu.memory_space<vmem>>) target_semaphore(%run_scoped3A_220 : memref<!tpu.dma_semaphore, #tpu.memory_space<semaphore_mem>>)
        %dma_wait3A_231 = arith.constant 0 : i32
        %dma_wait3A_232 = arith.constant 0 : i32
        %dma_wait3A_233 = tpu.memref_slice %arg13[%dma_wait3A_231, %dma_wait3A_232] : memref<125x8xf32, #tpu.memory_space<vmem>> -> memref<40x8xf32, #tpu.memory_space<vmem>>
        %dma_wait3A_234 = arith.constant 0 : i32
        %dma_wait3A_235 = tpu.memref_slice %arg15[%add3A_216, %dma_wait3A_234] : memref<10000x8xf32, #tpu.memory_space<vmem_shared>> -> memref<40x8xf32, #tpu.memory_space<vmem_shared>>
        %dma_wait3A_236 = arith.constant 0 : i32
        %dma_wait3A_237 = arith.constant 0 : i32
        %dma_wait3A_238 = tpu.memref_slice %arg13[%dma_wait3A_236, %dma_wait3A_237] : memref<125x8xf32, #tpu.memory_space<vmem>> -> memref<40x8xf32, #tpu.memory_space<vmem>>
        %dma_wait3A_239 = arith.constant 0 : i32
        %dma_wait3A_240 = tpu.memref_slice %arg15[%add3A_216, %dma_wait3A_239] : memref<10000x8xf32, #tpu.memory_space<vmem_shared>> -> memref<40x8xf32, #tpu.memory_space<vmem_shared>>
        tpu.wait_dma2 semaphore(%run_scoped3A_220 : memref<!tpu.dma_semaphore, #tpu.memory_space<semaphore_mem>>) src(%dma_wait3A_240 : memref<40x8xf32, #tpu.memory_space<vmem_shared>>) dst(%dma_wait3A_238 : memref<40x8xf32, #tpu.memory_space<vmem>>)
        tpu.yield
      }) : () -> ()
      %mul3A_217 = arith.constant 40 : i32
      %mul3A_218 = arith.muli %add3A_207, %mul3A_217 : i32
      %add3A_219 = arith.addi %mul3A_2, %mul3A_218 : i32
      "tpu.region"() ({
        %run_scoped3A_220 = tpu.sem_alloc : memref<!tpu.dma_semaphore, #tpu.memory_space<semaphore_mem>>
        %dma_start3A_221 = arith.constant 0 : i32
        %dma_start3A_222 = arith.constant 0 : i32
        %dma_start3A_223 = tpu.memref_slice %arg13[%dma_start3A_221, %dma_start3A_222] : memref<125x8xf32, #tpu.memory_space<vmem>> -> memref<40x8xf32, #tpu.memory_space<vmem>>
        %dma_start3A_224 = arith.constant 0 : i32
        %dma_start3A_225 = tpu.memref_slice %arg8[%arg0, %add3A_219, %dma_start3A_224] : memref<2x10000x8xf32, #tpu.memory_space<hbm>> -> memref<1x40x8xf32, #tpu.memory_space<hbm>>
        %dma_start3A_226 = tpu.memref_squeeze %dma_start3A_225 : memref<1x40x8xf32, #tpu.memory_space<hbm>> -> memref<40x8xf32, #tpu.memory_space<hbm>>
        %dma_start3A_227 = arith.constant 0 : i32
        %dma_start3A_228 = tpu.memref_slice %arg8[%arg0, %add3A_219, %dma_start3A_227] : memref<2x10000x8xf32, #tpu.memory_space<hbm>> -> memref<1x40x8xf32, #tpu.memory_space<hbm>>
        %dma_start3A_229 = tpu.memref_squeeze %dma_start3A_228 : memref<1x40x8xf32, #tpu.memory_space<hbm>> -> memref<40x8xf32, #tpu.memory_space<hbm>>
        %dma_start3A_230 = arith.constant 0 : i32
        %dma_start3A_231 = arith.constant 0 : i32
        %dma_start3A_232 = tpu.memref_slice %arg13[%dma_start3A_230, %dma_start3A_231] : memref<125x8xf32, #tpu.memory_space<vmem>> -> memref<40x8xf32, #tpu.memory_space<vmem>>
        tpu.enqueue_dma source(%dma_start3A_232 : memref<40x8xf32, #tpu.memory_space<vmem>>) target(%dma_start3A_229 : memref<40x8xf32, #tpu.memory_space<hbm>>) target_semaphore(%run_scoped3A_220 : memref<!tpu.dma_semaphore, #tpu.memory_space<semaphore_mem>>)
        %dma_wait3A_233 = arith.constant 0 : i32
        %dma_wait3A_234 = arith.constant 0 : i32
        %dma_wait3A_235 = tpu.memref_slice %arg13[%dma_wait3A_233, %dma_wait3A_234] : memref<125x8xf32, #tpu.memory_space<vmem>> -> memref<40x8xf32, #tpu.memory_space<vmem>>
        %dma_wait3A_236 = arith.constant 0 : i32
        %dma_wait3A_237 = tpu.memref_slice %arg8[%arg0, %add3A_219, %dma_wait3A_236] : memref<2x10000x8xf32, #tpu.memory_space<hbm>> -> memref<1x40x8xf32, #tpu.memory_space<hbm>>
        %dma_wait3A_238 = tpu.memref_squeeze %dma_wait3A_237 : memref<1x40x8xf32, #tpu.memory_space<hbm>> -> memref<40x8xf32, #tpu.memory_space<hbm>>
        %dma_wait3A_239 = arith.constant 0 : i32
        %dma_wait3A_240 = tpu.memref_slice %arg8[%arg0, %add3A_219, %dma_wait3A_239] : memref<2x10000x8xf32, #tpu.memory_space<hbm>> -> memref<1x40x8xf32, #tpu.memory_space<hbm>>
        %dma_wait3A_241 = tpu.memref_squeeze %dma_wait3A_240 : memref<1x40x8xf32, #tpu.memory_space<hbm>> -> memref<40x8xf32, #tpu.memory_space<hbm>>
        %dma_wait3A_242 = arith.constant 0 : i32
        %dma_wait3A_243 = arith.constant 0 : i32
        %dma_wait3A_244 = tpu.memref_slice %arg13[%dma_wait3A_242, %dma_wait3A_243] : memref<125x8xf32, #tpu.memory_space<vmem>> -> memref<40x8xf32, #tpu.memory_space<vmem>>
        tpu.wait_dma2 semaphore(%run_scoped3A_220 : memref<!tpu.dma_semaphore, #tpu.memory_space<semaphore_mem>>) src(%dma_wait3A_244 : memref<40x8xf32, #tpu.memory_space<vmem>>) dst(%dma_wait3A_241 : memref<40x8xf32, #tpu.memory_space<hbm>>)
        tpu.yield
      }) : () -> ()
    }
    %scan3A_189 = arith.constant 15 : i32
    %add3A_190 = arith.constant 600 : i32
    %add3A_191 = arith.addi %mul3A_2, %add3A_190 : i32
    "tpu.region"() ({
      %run_scoped3A_203 = tpu.sem_alloc : memref<!tpu.dma_semaphore, #tpu.memory_space<semaphore_mem>>
      %dma_start3A_204 = arith.constant 0 : i32
      %dma_start3A_205 = arith.constant 0 : i32
      %dma_start3A_206 = tpu.memref_slice %arg10[%dma_start3A_204, %dma_start3A_205] : memref<125x16xf32, #tpu.memory_space<vmem>> -> memref<24x16xf32, #tpu.memory_space<vmem>>
      %dma_start3A_207 = arith.constant 0 : i32
      %dma_start3A_208 = tpu.memref_slice %arg14[%add3A_191, %dma_start3A_207] : memref<10000x16xf32, #tpu.memory_space<vmem_shared>> -> memref<24x16xf32, #tpu.memory_space<vmem_shared>>
      %dma_start3A_209 = arith.constant 0 : i32
      %dma_start3A_210 = arith.constant 0 : i32
      %dma_start3A_211 = tpu.memref_slice %arg10[%dma_start3A_209, %dma_start3A_210] : memref<125x16xf32, #tpu.memory_space<vmem>> -> memref<24x16xf32, #tpu.memory_space<vmem>>
      %dma_start3A_212 = arith.constant 0 : i32
      %dma_start3A_213 = tpu.memref_slice %arg14[%add3A_191, %dma_start3A_212] : memref<10000x16xf32, #tpu.memory_space<vmem_shared>> -> memref<24x16xf32, #tpu.memory_space<vmem_shared>>
      tpu.enqueue_dma source(%dma_start3A_213 : memref<24x16xf32, #tpu.memory_space<vmem_shared>>) target(%dma_start3A_211 : memref<24x16xf32, #tpu.memory_space<vmem>>) target_semaphore(%run_scoped3A_203 : memref<!tpu.dma_semaphore, #tpu.memory_space<semaphore_mem>>)
      %dma_wait3A_214 = arith.constant 0 : i32
      %dma_wait3A_215 = arith.constant 0 : i32
      %dma_wait3A_216 = tpu.memref_slice %arg10[%dma_wait3A_214, %dma_wait3A_215] : memref<125x16xf32, #tpu.memory_space<vmem>> -> memref<24x16xf32, #tpu.memory_space<vmem>>
      %dma_wait3A_217 = arith.constant 0 : i32
      %dma_wait3A_218 = tpu.memref_slice %arg14[%add3A_191, %dma_wait3A_217] : memref<10000x16xf32, #tpu.memory_space<vmem_shared>> -> memref<24x16xf32, #tpu.memory_space<vmem_shared>>
      %dma_wait3A_219 = arith.constant 0 : i32
      %dma_wait3A_220 = arith.constant 0 : i32
      %dma_wait3A_221 = tpu.memref_slice %arg10[%dma_wait3A_219, %dma_wait3A_220] : memref<125x16xf32, #tpu.memory_space<vmem>> -> memref<24x16xf32, #tpu.memory_space<vmem>>
      %dma_wait3A_222 = arith.constant 0 : i32
      %dma_wait3A_223 = tpu.memref_slice %arg14[%add3A_191, %dma_wait3A_222] : memref<10000x16xf32, #tpu.memory_space<vmem_shared>> -> memref<24x16xf32, #tpu.memory_space<vmem_shared>>
      tpu.wait_dma2 semaphore(%run_scoped3A_203 : memref<!tpu.dma_semaphore, #tpu.memory_space<semaphore_mem>>) src(%dma_wait3A_223 : memref<24x16xf32, #tpu.memory_space<vmem_shared>>) dst(%dma_wait3A_221 : memref<24x16xf32, #tpu.memory_space<vmem>>)
      tpu.yield
    }) : () -> ()
    %add3A_192 = arith.constant 600 : i32
    %add3A_193 = arith.addi %mul3A_2, %add3A_192 : i32
    "tpu.region"() ({
      %run_scoped3A_203 = tpu.sem_alloc : memref<!tpu.dma_semaphore, #tpu.memory_space<semaphore_mem>>
      %dma_start3A_204 = arith.constant 0 : i32
      %dma_start3A_205 = arith.constant 0 : i32
      %dma_start3A_206 = tpu.memref_slice %arg10[%dma_start3A_204, %dma_start3A_205] : memref<125x16xf32, #tpu.memory_space<vmem>> -> memref<24x16xf32, #tpu.memory_space<vmem>>
      %dma_start3A_207 = arith.constant 0 : i32
      %dma_start3A_208 = tpu.memref_slice %arg7[%arg0, %add3A_193, %dma_start3A_207] : memref<2x10000x16xf32, #tpu.memory_space<hbm>> -> memref<1x24x16xf32, #tpu.memory_space<hbm>>
      %dma_start3A_209 = tpu.memref_squeeze %dma_start3A_208 : memref<1x24x16xf32, #tpu.memory_space<hbm>> -> memref<24x16xf32, #tpu.memory_space<hbm>>
      %dma_start3A_210 = arith.constant 0 : i32
      %dma_start3A_211 = tpu.memref_slice %arg7[%arg0, %add3A_193, %dma_start3A_210] : memref<2x10000x16xf32, #tpu.memory_space<hbm>> -> memref<1x24x16xf32, #tpu.memory_space<hbm>>
      %dma_start3A_212 = tpu.memref_squeeze %dma_start3A_211 : memref<1x24x16xf32, #tpu.memory_space<hbm>> -> memref<24x16xf32, #tpu.memory_space<hbm>>
      %dma_start3A_213 = arith.constant 0 : i32
      %dma_start3A_214 = arith.constant 0 : i32
      %dma_start3A_215 = tpu.memref_slice %arg10[%dma_start3A_213, %dma_start3A_214] : memref<125x16xf32, #tpu.memory_space<vmem>> -> memref<24x16xf32, #tpu.memory_space<vmem>>
      tpu.enqueue_dma source(%dma_start3A_215 : memref<24x16xf32, #tpu.memory_space<vmem>>) target(%dma_start3A_212 : memref<24x16xf32, #tpu.memory_space<hbm>>) target_semaphore(%run_scoped3A_203 : memref<!tpu.dma_semaphore, #tpu.memory_space<semaphore_mem>>)
      %dma_wait3A_216 = arith.constant 0 : i32
      %dma_wait3A_217 = arith.constant 0 : i32
      %dma_wait3A_218 = tpu.memref_slice %arg10[%dma_wait3A_216, %dma_wait3A_217] : memref<125x16xf32, #tpu.memory_space<vmem>> -> memref<24x16xf32, #tpu.memory_space<vmem>>
      %dma_wait3A_219 = arith.constant 0 : i32
      %dma_wait3A_220 = tpu.memref_slice %arg7[%arg0, %add3A_193, %dma_wait3A_219] : memref<2x10000x16xf32, #tpu.memory_space<hbm>> -> memref<1x24x16xf32, #tpu.memory_space<hbm>>
      %dma_wait3A_221 = tpu.memref_squeeze %dma_wait3A_220 : memref<1x24x16xf32, #tpu.memory_space<hbm>> -> memref<24x16xf32, #tpu.memory_space<hbm>>
      %dma_wait3A_222 = arith.constant 0 : i32
      %dma_wait3A_223 = tpu.memref_slice %arg7[%arg0, %add3A_193, %dma_wait3A_222] : memref<2x10000x16xf32, #tpu.memory_space<hbm>> -> memref<1x24x16xf32, #tpu.memory_space<hbm>>
      %dma_wait3A_224 = tpu.memref_squeeze %dma_wait3A_223 : memref<1x24x16xf32, #tpu.memory_space<hbm>> -> memref<24x16xf32, #tpu.memory_space<hbm>>
      %dma_wait3A_225 = arith.constant 0 : i32
      %dma_wait3A_226 = arith.constant 0 : i32
      %dma_wait3A_227 = tpu.memref_slice %arg10[%dma_wait3A_225, %dma_wait3A_226] : memref<125x16xf32, #tpu.memory_space<vmem>> -> memref<24x16xf32, #tpu.memory_space<vmem>>
      tpu.wait_dma2 semaphore(%run_scoped3A_203 : memref<!tpu.dma_semaphore, #tpu.memory_space<semaphore_mem>>) src(%dma_wait3A_227 : memref<24x16xf32, #tpu.memory_space<vmem>>) dst(%dma_wait3A_224 : memref<24x16xf32, #tpu.memory_space<hbm>>)
      tpu.yield
    }) : () -> ()
    %add3A_194 = arith.constant 600 : i32
    %add3A_195 = arith.addi %mul3A_2, %add3A_194 : i32
    "tpu.region"() ({
      %run_scoped3A_203 = tpu.sem_alloc : memref<!tpu.dma_semaphore, #tpu.memory_space<semaphore_mem>>
      %dma_start3A_204 = arith.constant 0 : i32
      %dma_start3A_205 = arith.constant 0 : i32
      %dma_start3A_206 = tpu.memref_slice %arg13[%dma_start3A_204, %dma_start3A_205] : memref<125x8xf32, #tpu.memory_space<vmem>> -> memref<24x8xf32, #tpu.memory_space<vmem>>
      %dma_start3A_207 = arith.constant 0 : i32
      %dma_start3A_208 = tpu.memref_slice %arg15[%add3A_195, %dma_start3A_207] : memref<10000x8xf32, #tpu.memory_space<vmem_shared>> -> memref<24x8xf32, #tpu.memory_space<vmem_shared>>
      %dma_start3A_209 = arith.constant 0 : i32
      %dma_start3A_210 = arith.constant 0 : i32
      %dma_start3A_211 = tpu.memref_slice %arg13[%dma_start3A_209, %dma_start3A_210] : memref<125x8xf32, #tpu.memory_space<vmem>> -> memref<24x8xf32, #tpu.memory_space<vmem>>
      %dma_start3A_212 = arith.constant 0 : i32
      %dma_start3A_213 = tpu.memref_slice %arg15[%add3A_195, %dma_start3A_212] : memref<10000x8xf32, #tpu.memory_space<vmem_shared>> -> memref<24x8xf32, #tpu.memory_space<vmem_shared>>
      tpu.enqueue_dma source(%dma_start3A_213 : memref<24x8xf32, #tpu.memory_space<vmem_shared>>) target(%dma_start3A_211 : memref<24x8xf32, #tpu.memory_space<vmem>>) target_semaphore(%run_scoped3A_203 : memref<!tpu.dma_semaphore, #tpu.memory_space<semaphore_mem>>)
      %dma_wait3A_214 = arith.constant 0 : i32
      %dma_wait3A_215 = arith.constant 0 : i32
      %dma_wait3A_216 = tpu.memref_slice %arg13[%dma_wait3A_214, %dma_wait3A_215] : memref<125x8xf32, #tpu.memory_space<vmem>> -> memref<24x8xf32, #tpu.memory_space<vmem>>
      %dma_wait3A_217 = arith.constant 0 : i32
      %dma_wait3A_218 = tpu.memref_slice %arg15[%add3A_195, %dma_wait3A_217] : memref<10000x8xf32, #tpu.memory_space<vmem_shared>> -> memref<24x8xf32, #tpu.memory_space<vmem_shared>>
      %dma_wait3A_219 = arith.constant 0 : i32
      %dma_wait3A_220 = arith.constant 0 : i32
      %dma_wait3A_221 = tpu.memref_slice %arg13[%dma_wait3A_219, %dma_wait3A_220] : memref<125x8xf32, #tpu.memory_space<vmem>> -> memref<24x8xf32, #tpu.memory_space<vmem>>
      %dma_wait3A_222 = arith.constant 0 : i32
      %dma_wait3A_223 = tpu.memref_slice %arg15[%add3A_195, %dma_wait3A_222] : memref<10000x8xf32, #tpu.memory_space<vmem_shared>> -> memref<24x8xf32, #tpu.memory_space<vmem_shared>>
      tpu.wait_dma2 semaphore(%run_scoped3A_203 : memref<!tpu.dma_semaphore, #tpu.memory_space<semaphore_mem>>) src(%dma_wait3A_223 : memref<24x8xf32, #tpu.memory_space<vmem_shared>>) dst(%dma_wait3A_221 : memref<24x8xf32, #tpu.memory_space<vmem>>)
      tpu.yield
    }) : () -> ()
    %add3A_196 = arith.constant 600 : i32
    %add3A_197 = arith.addi %mul3A_2, %add3A_196 : i32
    "tpu.region"() ({
      %run_scoped3A_203 = tpu.sem_alloc : memref<!tpu.dma_semaphore, #tpu.memory_space<semaphore_mem>>
      %dma_start3A_204 = arith.constant 0 : i32
      %dma_start3A_205 = arith.constant 0 : i32
      %dma_start3A_206 = tpu.memref_slice %arg13[%dma_start3A_204, %dma_start3A_205] : memref<125x8xf32, #tpu.memory_space<vmem>> -> memref<24x8xf32, #tpu.memory_space<vmem>>
      %dma_start3A_207 = arith.constant 0 : i32
      %dma_start3A_208 = tpu.memref_slice %arg8[%arg0, %add3A_197, %dma_start3A_207] : memref<2x10000x8xf32, #tpu.memory_space<hbm>> -> memref<1x24x8xf32, #tpu.memory_space<hbm>>
      %dma_start3A_209 = tpu.memref_squeeze %dma_start3A_208 : memref<1x24x8xf32, #tpu.memory_space<hbm>> -> memref<24x8xf32, #tpu.memory_space<hbm>>
      %dma_start3A_210 = arith.constant 0 : i32
      %dma_start3A_211 = tpu.memref_slice %arg8[%arg0, %add3A_197, %dma_start3A_210] : memref<2x10000x8xf32, #tpu.memory_space<hbm>> -> memref<1x24x8xf32, #tpu.memory_space<hbm>>
      %dma_start3A_212 = tpu.memref_squeeze %dma_start3A_211 : memref<1x24x8xf32, #tpu.memory_space<hbm>> -> memref<24x8xf32, #tpu.memory_space<hbm>>
      %dma_start3A_213 = arith.constant 0 : i32
      %dma_start3A_214 = arith.constant 0 : i32
      %dma_start3A_215 = tpu.memref_slice %arg13[%dma_start3A_213, %dma_start3A_214] : memref<125x8xf32, #tpu.memory_space<vmem>> -> memref<24x8xf32, #tpu.memory_space<vmem>>
      tpu.enqueue_dma source(%dma_start3A_215 : memref<24x8xf32, #tpu.memory_space<vmem>>) target(%dma_start3A_212 : memref<24x8xf32, #tpu.memory_space<hbm>>) target_semaphore(%run_scoped3A_203 : memref<!tpu.dma_semaphore, #tpu.memory_space<semaphore_mem>>)
      %dma_wait3A_216 = arith.constant 0 : i32
      %dma_wait3A_217 = arith.constant 0 : i32
      %dma_wait3A_218 = tpu.memref_slice %arg13[%dma_wait3A_216, %dma_wait3A_217] : memref<125x8xf32, #tpu.memory_space<vmem>> -> memref<24x8xf32, #tpu.memory_space<vmem>>
      %dma_wait3A_219 = arith.constant 0 : i32
      %dma_wait3A_220 = tpu.memref_slice %arg8[%arg0, %add3A_197, %dma_wait3A_219] : memref<2x10000x8xf32, #tpu.memory_space<hbm>> -> memref<1x24x8xf32, #tpu.memory_space<hbm>>
      %dma_wait3A_221 = tpu.memref_squeeze %dma_wait3A_220 : memref<1x24x8xf32, #tpu.memory_space<hbm>> -> memref<24x8xf32, #tpu.memory_space<hbm>>
      %dma_wait3A_222 = arith.constant 0 : i32
      %dma_wait3A_223 = tpu.memref_slice %arg8[%arg0, %add3A_197, %dma_wait3A_222] : memref<2x10000x8xf32, #tpu.memory_space<hbm>> -> memref<1x24x8xf32, #tpu.memory_space<hbm>>
      %dma_wait3A_224 = tpu.memref_squeeze %dma_wait3A_223 : memref<1x24x8xf32, #tpu.memory_space<hbm>> -> memref<24x8xf32, #tpu.memory_space<hbm>>
      %dma_wait3A_225 = arith.constant 0 : i32
      %dma_wait3A_226 = arith.constant 0 : i32
      %dma_wait3A_227 = tpu.memref_slice %arg13[%dma_wait3A_225, %dma_wait3A_226] : memref<125x8xf32, #tpu.memory_space<vmem>> -> memref<24x8xf32, #tpu.memory_space<vmem>>
      tpu.wait_dma2 semaphore(%run_scoped3A_203 : memref<!tpu.dma_semaphore, #tpu.memory_space<semaphore_mem>>) src(%dma_wait3A_227 : memref<24x8xf32, #tpu.memory_space<vmem>>) dst(%dma_wait3A_224 : memref<24x8xf32, #tpu.memory_space<hbm>>)
      tpu.yield
    }) : () -> ()
    %eq3A_198 = arith.constant 15 : i32
    %eq3A_199 = arith.cmpi eq, %arg1, %eq3A_198 : i32
    %convert_element_type3A_200 = arith.extui %eq3A_199 : i1 to i32
    %cond3A_201 = arith.constant 0 : i32
    %cond3A_202 = arith.cmpi ne, %convert_element_type3A_200, %cond3A_201 : i32
    scf.if %cond3A_202 {
      "tpu.region"() ({
        %run_scoped3A_203 = tpu.sem_alloc : memref<!tpu.dma_semaphore, #tpu.memory_space<semaphore_mem>>
        %dma_start3A_204 = arith.constant 0 : i32
        %dma_start3A_205 = arith.constant 0 : i32
        %dma_start3A_206 = tpu.memref_slice %arg10[%dma_start3A_204, %dma_start3A_205] : memref<125x16xf32, #tpu.memory_space<vmem>> -> memref<16x16xf32, #tpu.memory_space<vmem>>
        %dma_start3A_207 = arith.constant 9984 : i32
        %dma_start3A_208 = arith.constant 0 : i32
        %dma_start3A_209 = tpu.memref_slice %arg14[%dma_start3A_207, %dma_start3A_208] : memref<10000x16xf32, #tpu.memory_space<vmem_shared>> -> memref<16x16xf32, #tpu.memory_space<vmem_shared>>
        %dma_start3A_210 = arith.constant 0 : i32
        %dma_start3A_211 = arith.constant 0 : i32
        %dma_start3A_212 = tpu.memref_slice %arg10[%dma_start3A_210, %dma_start3A_211] : memref<125x16xf32, #tpu.memory_space<vmem>> -> memref<16x16xf32, #tpu.memory_space<vmem>>
        %dma_start3A_213 = arith.constant 9984 : i32
        %dma_start3A_214 = arith.constant 0 : i32
        %dma_start3A_215 = tpu.memref_slice %arg14[%dma_start3A_213, %dma_start3A_214] : memref<10000x16xf32, #tpu.memory_space<vmem_shared>> -> memref<16x16xf32, #tpu.memory_space<vmem_shared>>
        tpu.enqueue_dma source(%dma_start3A_215 : memref<16x16xf32, #tpu.memory_space<vmem_shared>>) target(%dma_start3A_212 : memref<16x16xf32, #tpu.memory_space<vmem>>) target_semaphore(%run_scoped3A_203 : memref<!tpu.dma_semaphore, #tpu.memory_space<semaphore_mem>>)
        %dma_wait3A_216 = arith.constant 0 : i32
        %dma_wait3A_217 = arith.constant 0 : i32
        %dma_wait3A_218 = tpu.memref_slice %arg10[%dma_wait3A_216, %dma_wait3A_217] : memref<125x16xf32, #tpu.memory_space<vmem>> -> memref<16x16xf32, #tpu.memory_space<vmem>>
        %dma_wait3A_219 = arith.constant 9984 : i32
        %dma_wait3A_220 = arith.constant 0 : i32
        %dma_wait3A_221 = tpu.memref_slice %arg14[%dma_wait3A_219, %dma_wait3A_220] : memref<10000x16xf32, #tpu.memory_space<vmem_shared>> -> memref<16x16xf32, #tpu.memory_space<vmem_shared>>
        %dma_wait3A_222 = arith.constant 0 : i32
        %dma_wait3A_223 = arith.constant 0 : i32
        %dma_wait3A_224 = tpu.memref_slice %arg10[%dma_wait3A_222, %dma_wait3A_223] : memref<125x16xf32, #tpu.memory_space<vmem>> -> memref<16x16xf32, #tpu.memory_space<vmem>>
        %dma_wait3A_225 = arith.constant 9984 : i32
        %dma_wait3A_226 = arith.constant 0 : i32
        %dma_wait3A_227 = tpu.memref_slice %arg14[%dma_wait3A_225, %dma_wait3A_226] : memref<10000x16xf32, #tpu.memory_space<vmem_shared>> -> memref<16x16xf32, #tpu.memory_space<vmem_shared>>
        tpu.wait_dma2 semaphore(%run_scoped3A_203 : memref<!tpu.dma_semaphore, #tpu.memory_space<semaphore_mem>>) src(%dma_wait3A_227 : memref<16x16xf32, #tpu.memory_space<vmem_shared>>) dst(%dma_wait3A_224 : memref<16x16xf32, #tpu.memory_space<vmem>>)
        tpu.yield
      }) : () -> ()
      "tpu.region"() ({
        %run_scoped3A_203 = tpu.sem_alloc : memref<!tpu.dma_semaphore, #tpu.memory_space<semaphore_mem>>
        %dma_start3A_204 = arith.constant 0 : i32
        %dma_start3A_205 = arith.constant 0 : i32
        %dma_start3A_206 = tpu.memref_slice %arg10[%dma_start3A_204, %dma_start3A_205] : memref<125x16xf32, #tpu.memory_space<vmem>> -> memref<16x16xf32, #tpu.memory_space<vmem>>
        %dma_start3A_207 = arith.constant 9984 : i32
        %dma_start3A_208 = arith.constant 0 : i32
        %dma_start3A_209 = tpu.memref_slice %arg7[%arg0, %dma_start3A_207, %dma_start3A_208] : memref<2x10000x16xf32, #tpu.memory_space<hbm>> -> memref<1x16x16xf32, #tpu.memory_space<hbm>>
        %dma_start3A_210 = tpu.memref_squeeze %dma_start3A_209 : memref<1x16x16xf32, #tpu.memory_space<hbm>> -> memref<16x16xf32, #tpu.memory_space<hbm>>
        %dma_start3A_211 = arith.constant 9984 : i32
        %dma_start3A_212 = arith.constant 0 : i32
        %dma_start3A_213 = tpu.memref_slice %arg7[%arg0, %dma_start3A_211, %dma_start3A_212] : memref<2x10000x16xf32, #tpu.memory_space<hbm>> -> memref<1x16x16xf32, #tpu.memory_space<hbm>>
        %dma_start3A_214 = tpu.memref_squeeze %dma_start3A_213 : memref<1x16x16xf32, #tpu.memory_space<hbm>> -> memref<16x16xf32, #tpu.memory_space<hbm>>
        %dma_start3A_215 = arith.constant 0 : i32
        %dma_start3A_216 = arith.constant 0 : i32
        %dma_start3A_217 = tpu.memref_slice %arg10[%dma_start3A_215, %dma_start3A_216] : memref<125x16xf32, #tpu.memory_space<vmem>> -> memref<16x16xf32, #tpu.memory_space<vmem>>
        tpu.enqueue_dma source(%dma_start3A_217 : memref<16x16xf32, #tpu.memory_space<vmem>>) target(%dma_start3A_214 : memref<16x16xf32, #tpu.memory_space<hbm>>) target_semaphore(%run_scoped3A_203 : memref<!tpu.dma_semaphore, #tpu.memory_space<semaphore_mem>>)
        %dma_wait3A_218 = arith.constant 0 : i32
        %dma_wait3A_219 = arith.constant 0 : i32
        %dma_wait3A_220 = tpu.memref_slice %arg10[%dma_wait3A_218, %dma_wait3A_219] : memref<125x16xf32, #tpu.memory_space<vmem>> -> memref<16x16xf32, #tpu.memory_space<vmem>>
        %dma_wait3A_221 = arith.constant 9984 : i32
        %dma_wait3A_222 = arith.constant 0 : i32
        %dma_wait3A_223 = tpu.memref_slice %arg7[%arg0, %dma_wait3A_221, %dma_wait3A_222] : memref<2x10000x16xf32, #tpu.memory_space<hbm>> -> memref<1x16x16xf32, #tpu.memory_space<hbm>>
        %dma_wait3A_224 = tpu.memref_squeeze %dma_wait3A_223 : memref<1x16x16xf32, #tpu.memory_space<hbm>> -> memref<16x16xf32, #tpu.memory_space<hbm>>
        %dma_wait3A_225 = arith.constant 9984 : i32
        %dma_wait3A_226 = arith.constant 0 : i32
        %dma_wait3A_227 = tpu.memref_slice %arg7[%arg0, %dma_wait3A_225, %dma_wait3A_226] : memref<2x10000x16xf32, #tpu.memory_space<hbm>> -> memref<1x16x16xf32, #tpu.memory_space<hbm>>
        %dma_wait3A_228 = tpu.memref_squeeze %dma_wait3A_227 : memref<1x16x16xf32, #tpu.memory_space<hbm>> -> memref<16x16xf32, #tpu.memory_space<hbm>>
        %dma_wait3A_229 = arith.constant 0 : i32
        %dma_wait3A_230 = arith.constant 0 : i32
        %dma_wait3A_231 = tpu.memref_slice %arg10[%dma_wait3A_229, %dma_wait3A_230] : memref<125x16xf32, #tpu.memory_space<vmem>> -> memref<16x16xf32, #tpu.memory_space<vmem>>
        tpu.wait_dma2 semaphore(%run_scoped3A_203 : memref<!tpu.dma_semaphore, #tpu.memory_space<semaphore_mem>>) src(%dma_wait3A_231 : memref<16x16xf32, #tpu.memory_space<vmem>>) dst(%dma_wait3A_228 : memref<16x16xf32, #tpu.memory_space<hbm>>)
        tpu.yield
      }) : () -> ()
      "tpu.region"() ({
        %run_scoped3A_203 = tpu.sem_alloc : memref<!tpu.dma_semaphore, #tpu.memory_space<semaphore_mem>>
        %dma_start3A_204 = arith.constant 0 : i32
        %dma_start3A_205 = arith.constant 0 : i32
        %dma_start3A_206 = tpu.memref_slice %arg13[%dma_start3A_204, %dma_start3A_205] : memref<125x8xf32, #tpu.memory_space<vmem>> -> memref<16x8xf32, #tpu.memory_space<vmem>>
        %dma_start3A_207 = arith.constant 9984 : i32
        %dma_start3A_208 = arith.constant 0 : i32
        %dma_start3A_209 = tpu.memref_slice %arg15[%dma_start3A_207, %dma_start3A_208] : memref<10000x8xf32, #tpu.memory_space<vmem_shared>> -> memref<16x8xf32, #tpu.memory_space<vmem_shared>>
        %dma_start3A_210 = arith.constant 0 : i32
        %dma_start3A_211 = arith.constant 0 : i32
        %dma_start3A_212 = tpu.memref_slice %arg13[%dma_start3A_210, %dma_start3A_211] : memref<125x8xf32, #tpu.memory_space<vmem>> -> memref<16x8xf32, #tpu.memory_space<vmem>>
        %dma_start3A_213 = arith.constant 9984 : i32
        %dma_start3A_214 = arith.constant 0 : i32
        %dma_start3A_215 = tpu.memref_slice %arg15[%dma_start3A_213, %dma_start3A_214] : memref<10000x8xf32, #tpu.memory_space<vmem_shared>> -> memref<16x8xf32, #tpu.memory_space<vmem_shared>>
        tpu.enqueue_dma source(%dma_start3A_215 : memref<16x8xf32, #tpu.memory_space<vmem_shared>>) target(%dma_start3A_212 : memref<16x8xf32, #tpu.memory_space<vmem>>) target_semaphore(%run_scoped3A_203 : memref<!tpu.dma_semaphore, #tpu.memory_space<semaphore_mem>>)
        %dma_wait3A_216 = arith.constant 0 : i32
        %dma_wait3A_217 = arith.constant 0 : i32
        %dma_wait3A_218 = tpu.memref_slice %arg13[%dma_wait3A_216, %dma_wait3A_217] : memref<125x8xf32, #tpu.memory_space<vmem>> -> memref<16x8xf32, #tpu.memory_space<vmem>>
        %dma_wait3A_219 = arith.constant 9984 : i32
        %dma_wait3A_220 = arith.constant 0 : i32
        %dma_wait3A_221 = tpu.memref_slice %arg15[%dma_wait3A_219, %dma_wait3A_220] : memref<10000x8xf32, #tpu.memory_space<vmem_shared>> -> memref<16x8xf32, #tpu.memory_space<vmem_shared>>
        %dma_wait3A_222 = arith.constant 0 : i32
        %dma_wait3A_223 = arith.constant 0 : i32
        %dma_wait3A_224 = tpu.memref_slice %arg13[%dma_wait3A_222, %dma_wait3A_223] : memref<125x8xf32, #tpu.memory_space<vmem>> -> memref<16x8xf32, #tpu.memory_space<vmem>>
        %dma_wait3A_225 = arith.constant 9984 : i32
        %dma_wait3A_226 = arith.constant 0 : i32
        %dma_wait3A_227 = tpu.memref_slice %arg15[%dma_wait3A_225, %dma_wait3A_226] : memref<10000x8xf32, #tpu.memory_space<vmem_shared>> -> memref<16x8xf32, #tpu.memory_space<vmem_shared>>
        tpu.wait_dma2 semaphore(%run_scoped3A_203 : memref<!tpu.dma_semaphore, #tpu.memory_space<semaphore_mem>>) src(%dma_wait3A_227 : memref<16x8xf32, #tpu.memory_space<vmem_shared>>) dst(%dma_wait3A_224 : memref<16x8xf32, #tpu.memory_space<vmem>>)
        tpu.yield
      }) : () -> ()
      "tpu.region"() ({
        %run_scoped3A_203 = tpu.sem_alloc : memref<!tpu.dma_semaphore, #tpu.memory_space<semaphore_mem>>
        %dma_start3A_204 = arith.constant 0 : i32
        %dma_start3A_205 = arith.constant 0 : i32
        %dma_start3A_206 = tpu.memref_slice %arg13[%dma_start3A_204, %dma_start3A_205] : memref<125x8xf32, #tpu.memory_space<vmem>> -> memref<16x8xf32, #tpu.memory_space<vmem>>
        %dma_start3A_207 = arith.constant 9984 : i32
        %dma_start3A_208 = arith.constant 0 : i32
        %dma_start3A_209 = tpu.memref_slice %arg8[%arg0, %dma_start3A_207, %dma_start3A_208] : memref<2x10000x8xf32, #tpu.memory_space<hbm>> -> memref<1x16x8xf32, #tpu.memory_space<hbm>>
        %dma_start3A_210 = tpu.memref_squeeze %dma_start3A_209 : memref<1x16x8xf32, #tpu.memory_space<hbm>> -> memref<16x8xf32, #tpu.memory_space<hbm>>
        %dma_start3A_211 = arith.constant 9984 : i32
        %dma_start3A_212 = arith.constant 0 : i32
        %dma_start3A_213 = tpu.memref_slice %arg8[%arg0, %dma_start3A_211, %dma_start3A_212] : memref<2x10000x8xf32, #tpu.memory_space<hbm>> -> memref<1x16x8xf32, #tpu.memory_space<hbm>>
        %dma_start3A_214 = tpu.memref_squeeze %dma_start3A_213 : memref<1x16x8xf32, #tpu.memory_space<hbm>> -> memref<16x8xf32, #tpu.memory_space<hbm>>
        %dma_start3A_215 = arith.constant 0 : i32
        %dma_start3A_216 = arith.constant 0 : i32
        %dma_start3A_217 = tpu.memref_slice %arg13[%dma_start3A_215, %dma_start3A_216] : memref<125x8xf32, #tpu.memory_space<vmem>> -> memref<16x8xf32, #tpu.memory_space<vmem>>
        tpu.enqueue_dma source(%dma_start3A_217 : memref<16x8xf32, #tpu.memory_space<vmem>>) target(%dma_start3A_214 : memref<16x8xf32, #tpu.memory_space<hbm>>) target_semaphore(%run_scoped3A_203 : memref<!tpu.dma_semaphore, #tpu.memory_space<semaphore_mem>>)
        %dma_wait3A_218 = arith.constant 0 : i32
        %dma_wait3A_219 = arith.constant 0 : i32
        %dma_wait3A_220 = tpu.memref_slice %arg13[%dma_wait3A_218, %dma_wait3A_219] : memref<125x8xf32, #tpu.memory_space<vmem>> -> memref<16x8xf32, #tpu.memory_space<vmem>>
        %dma_wait3A_221 = arith.constant 9984 : i32
        %dma_wait3A_222 = arith.constant 0 : i32
        %dma_wait3A_223 = tpu.memref_slice %arg8[%arg0, %dma_wait3A_221, %dma_wait3A_222] : memref<2x10000x8xf32, #tpu.memory_space<hbm>> -> memref<1x16x8xf32, #tpu.memory_space<hbm>>
        %dma_wait3A_224 = tpu.memref_squeeze %dma_wait3A_223 : memref<1x16x8xf32, #tpu.memory_space<hbm>> -> memref<16x8xf32, #tpu.memory_space<hbm>>
        %dma_wait3A_225 = arith.constant 9984 : i32
        %dma_wait3A_226 = arith.constant 0 : i32
        %dma_wait3A_227 = tpu.memref_slice %arg8[%arg0, %dma_wait3A_225, %dma_wait3A_226] : memref<2x10000x8xf32, #tpu.memory_space<hbm>> -> memref<1x16x8xf32, #tpu.memory_space<hbm>>
        %dma_wait3A_228 = tpu.memref_squeeze %dma_wait3A_227 : memref<1x16x8xf32, #tpu.memory_space<hbm>> -> memref<16x8xf32, #tpu.memory_space<hbm>>
        %dma_wait3A_229 = arith.constant 0 : i32
        %dma_wait3A_230 = arith.constant 0 : i32
        %dma_wait3A_231 = tpu.memref_slice %arg13[%dma_wait3A_229, %dma_wait3A_230] : memref<125x8xf32, #tpu.memory_space<vmem>> -> memref<16x8xf32, #tpu.memory_space<vmem>>
        tpu.wait_dma2 semaphore(%run_scoped3A_203 : memref<!tpu.dma_semaphore, #tpu.memory_space<semaphore_mem>>) src(%dma_wait3A_231 : memref<16x8xf32, #tpu.memory_space<vmem>>) dst(%dma_wait3A_228 : memref<16x8xf32, #tpu.memory_space<hbm>>)
        tpu.yield
      }) : () -> ()
    } else {
    }
    return
  }
}

module attributes {stable_mosaic.version = 14 : i64} {
  func.func @body(%arg0: memref<10000x128xf32, #tpu.memory_space<vmem>>, %arg1: memref<2x10000x16xf32, #tpu.memory_space<vmem>>, %arg2: memref<2x10000x8xf32, #tpu.memory_space<vmem>>, %arg3: memref<16x128xf32, #tpu.memory_space<vmem>>, %arg4: memref<1x128xf32, #tpu.memory_space<vmem>>, %arg5: memref<128x128xf32, #tpu.memory_space<vmem>>, %arg6: memref<10000x128xf32, #tpu.memory_space<vmem>>, %arg7: memref<10000x1xf32, #tpu.memory_space<vmem>>) attributes {dimension_semantics = [], scalar_prefetch = 0 : i64, scratch_operands = 0 : i64, tpu.core_type = #tpu.core_type<tc>} {
    %get3A = arith.constant 0 : index
    %get3A_0 = arith.constant 0 : index
    %get3A_1 = arith.constant 0 : index
    %get3A_2 = vector.load %arg1[%get3A, %get3A_0, %get3A_1] : memref<2x10000x16xf32, #tpu.memory_space<vmem>>, vector<1x10000x16xf32>
    %get3A_3 = vector.shape_cast %get3A_2 : vector<1x10000x16xf32> to vector<10000x16xf32>
    %get3A_4 = arith.constant 1 : index
    %get3A_5 = arith.constant 0 : index
    %get3A_6 = arith.constant 0 : index
    %get3A_7 = vector.load %arg1[%get3A_4, %get3A_5, %get3A_6] : memref<2x10000x16xf32, #tpu.memory_space<vmem>>, vector<1x10000x16xf32>
    %get3A_8 = vector.shape_cast %get3A_7 : vector<1x10000x16xf32> to vector<10000x16xf32>
    %add3A = arith.addf %get3A_3, %get3A_8 : vector<10000x16xf32>
    %get3A_9 = arith.constant 0 : index
    %get3A_10 = arith.constant 0 : index
    %get3A_11 = arith.constant 0 : index
    %get3A_12 = vector.load %arg2[%get3A_9, %get3A_10, %get3A_11] : memref<2x10000x8xf32, #tpu.memory_space<vmem>>, vector<1x10000x1xf32>
    %get3A_13 = vector.shape_cast %get3A_12 : vector<1x10000x1xf32> to vector<10000x1xf32>
    %get3A_14 = arith.constant 1 : index
    %get3A_15 = arith.constant 0 : index
    %get3A_16 = arith.constant 0 : index
    %get3A_17 = vector.load %arg2[%get3A_14, %get3A_15, %get3A_16] : memref<2x10000x8xf32, #tpu.memory_space<vmem>>, vector<1x10000x1xf32>
    %get3A_18 = vector.shape_cast %get3A_17 : vector<1x10000x1xf32> to vector<10000x1xf32>
    %add3A_19 = arith.addf %get3A_13, %get3A_18 : vector<10000x1xf32>
    %get3A_20 = arith.constant 0 : index
    %get3A_21 = arith.constant 0 : index
    %get3A_22 = vector.load %arg3[%get3A_20, %get3A_21] : memref<16x128xf32, #tpu.memory_space<vmem>>, vector<16x128xf32>
    %dot_general3A = arith.constant dense<0.000000e+00> : vector<10000x128xf32>
    %dot_general3A_23 = tpu.matmul %add3A, %get3A_22, %dot_general3A {dimension_numbers = #tpu.dot_dimension_numbers<[1], [0], [0], [1], [0, 0, 1, 1], [], []>, transpose_lhs_hint = false} : vector<10000x16xf32>, vector<16x128xf32>, vector<10000x128xf32> -> vector<10000x128xf32>
    %get3A_24 = arith.constant 0 : index
    %get3A_25 = arith.constant 0 : index
    %get3A_26 = vector.load %arg4[%get3A_24, %get3A_25] : memref<1x128xf32, #tpu.memory_space<vmem>>, vector<1x128xf32>
    %mul3A = vector.broadcast %add3A_19 : vector<10000x1xf32> to vector<10000x128xf32>
    %mul3A_27 = vector.broadcast %get3A_26 : vector<1x128xf32> to vector<10000x128xf32>
    %mul3A_28 = arith.mulf %mul3A, %mul3A_27 : vector<10000x128xf32>
    %add3A_29 = arith.addf %dot_general3A_23, %mul3A_28 : vector<10000x128xf32>
    %get3A_30 = arith.constant 0 : index
    %get3A_31 = arith.constant 0 : index
    %get3A_32 = vector.load %arg0[%get3A_30, %get3A_31] : memref<10000x128xf32, #tpu.memory_space<vmem>>, vector<10000x128xf32>
    %add3A_33 = arith.addf %get3A_32, %add3A_29 : vector<10000x128xf32>
    %get3A_34 = arith.constant 0 : index
    %get3A_35 = arith.constant 0 : index
    %get3A_36 = vector.load %arg5[%get3A_34, %get3A_35] : memref<128x128xf32, #tpu.memory_space<vmem>>, vector<128x128xf32>
    %dot_general3A_37 = arith.constant dense<0.000000e+00> : vector<10000x128xf32>
    %dot_general3A_38 = tpu.matmul %add3A_33, %get3A_36, %dot_general3A_37 {dimension_numbers = #tpu.dot_dimension_numbers<[1], [0], [0], [1], [0, 0, 1, 1], [], []>, transpose_lhs_hint = false} : vector<10000x128xf32>, vector<128x128xf32>, vector<10000x128xf32> -> vector<10000x128xf32>
    %add3A_39 = arith.constant 1.000000e+00 : f32
    %add3A_40 = vector.broadcast %add3A_39 : f32 to vector<10000x1xf32>
    %add3A_41 = arith.addf %add3A_19, %add3A_40 : vector<10000x1xf32>
    %rsqrt3A = math.rsqrt %add3A_41 : vector<10000x1xf32>
    %mul3A_42 = vector.broadcast %rsqrt3A : vector<10000x1xf32> to vector<10000x128xf32>
    %mul3A_43 = arith.mulf %mul3A_42, %dot_general3A_38 : vector<10000x128xf32>
    %swap3A = arith.constant 0 : index
    %swap3A_44 = arith.constant 0 : index
    %swap3A_45 = vector.load %arg6[%swap3A, %swap3A_44] : memref<10000x128xf32, #tpu.memory_space<vmem>>, vector<10000x128xf32>
    tpu.vector_store %arg6[%swap3A, %swap3A_44], %mul3A_43 {strides = array<i32>} : memref<10000x128xf32, #tpu.memory_space<vmem>>, vector<10000x128xf32>,
    %swap3A_46 = arith.constant 0 : index
    %swap3A_47 = arith.constant 0 : index
    %swap3A_48 = vector.load %arg7[%swap3A_46, %swap3A_47] : memref<10000x1xf32, #tpu.memory_space<vmem>>, vector<10000x1xf32>
    tpu.vector_store %arg7[%swap3A_46, %swap3A_47], %rsqrt3A {strides = array<i32>} : memref<10000x1xf32, #tpu.memory_space<vmem>>, vector<10000x1xf32>,
    return
  }
}

module attributes {stable_mosaic.version = 14 : i64} {
  func.func @body(%arg0: memref<2x10000x128xf32, #tpu.memory_space<vmem>>, %arg1: memref<10000x128xf32, #tpu.memory_space<vmem>>, %arg2: memref<10000x1xf32, #tpu.memory_space<vmem>>, %arg3: memref<1x128xf32, #tpu.memory_space<vmem>>, %arg4: memref<10000x128xf32, #tpu.memory_space<vmem>>) attributes {dimension_semantics = [], scalar_prefetch = 0 : i64, scratch_operands = 0 : i64, tpu.core_type = #tpu.core_type<tc>} {
    %get3A = arith.constant 0 : index
    %get3A_0 = arith.constant 0 : index
    %get3A_1 = arith.constant 0 : index
    %get3A_2 = vector.load %arg0[%get3A, %get3A_0, %get3A_1] : memref<2x10000x128xf32, #tpu.memory_space<vmem>>, vector<1x10000x128xf32>
    %get3A_3 = vector.shape_cast %get3A_2 : vector<1x10000x128xf32> to vector<10000x128xf32>
    %get3A_4 = arith.constant 1 : index
    %get3A_5 = arith.constant 0 : index
    %get3A_6 = arith.constant 0 : index
    %get3A_7 = vector.load %arg0[%get3A_4, %get3A_5, %get3A_6] : memref<2x10000x128xf32, #tpu.memory_space<vmem>>, vector<1x10000x128xf32>
    %get3A_8 = vector.shape_cast %get3A_7 : vector<1x10000x128xf32> to vector<10000x128xf32>
    %add3A = arith.addf %get3A_3, %get3A_8 : vector<10000x128xf32>
    %get3A_9 = arith.constant 0 : index
    %get3A_10 = arith.constant 0 : index
    %get3A_11 = vector.load %arg1[%get3A_9, %get3A_10] : memref<10000x128xf32, #tpu.memory_space<vmem>>, vector<10000x128xf32>
    %add3A_12 = arith.addf %add3A, %get3A_11 : vector<10000x128xf32>
    %get3A_13 = arith.constant 0 : index
    %get3A_14 = arith.constant 0 : index
    %get3A_15 = vector.load %arg2[%get3A_13, %get3A_14] : memref<10000x1xf32, #tpu.memory_space<vmem>>, vector<10000x1xf32>
    %mul3A = vector.broadcast %get3A_15 : vector<10000x1xf32> to vector<10000x128xf32>
    %mul3A_16 = arith.mulf %mul3A, %add3A_12 : vector<10000x128xf32>
    %get3A_17 = arith.constant 0 : index
    %get3A_18 = arith.constant 0 : index
    %get3A_19 = vector.load %arg3[%get3A_17, %get3A_18] : memref<1x128xf32, #tpu.memory_space<vmem>>, vector<1x128xf32>
    %add3A_20 = vector.broadcast %get3A_19 : vector<1x128xf32> to vector<10000x128xf32>
    %add3A_21 = arith.addf %mul3A_16, %add3A_20 : vector<10000x128xf32>
    %max3A = arith.constant 0.000000e+00 : f32
    %max3A_22 = vector.broadcast %max3A : f32 to vector<10000x128xf32>
    %max3A_23 = arith.maximumf %add3A_21, %max3A_22 : vector<10000x128xf32>
    %swap3A = arith.constant 0 : index
    %swap3A_24 = arith.constant 0 : index
    %swap3A_25 = vector.load %arg4[%swap3A, %swap3A_24] : memref<10000x128xf32, #tpu.memory_space<vmem>>, vector<10000x128xf32>
    tpu.vector_store %arg4[%swap3A, %swap3A_24], %max3A_23 {strides = array<i32>} : memref<10000x128xf32, #tpu.memory_space<vmem>>, vector<10000x128xf32>,
    return
  }
}

</mosaic_0001>

<sc_bundles>
// kernel: kernel.6.cloned.1.call-start
scs
__scs_entry_jumppad:
0x0: {  	(pc) =	sbr.rel $0x88, $3  }
0x1: {  	(tag) =	ssettag $0x0;
	lr =	simm.s32 $0x1  }
0x2: {  	[smem:$0x3F9A] =	sst lr;
	_ =	strace $0xD0000000  }
0x3: {  	_ = 	snop  }
0x4: {  	_ = 	snop  }
0x5: {  	_ = 	snop  }
0x6: {  	_ = 	snop  }
0x7: {  	_ = 	snop  }
__scs_overlays_trampoline_lowered:
0x8: {  	[smem:$0x3FA9] =	sst s0  }
0x9: {  	[smem:$0x3FAA] =	sst s1  }
0xa: {  	[smem:$0x3FAB] =	sst s2  }
0xb: {  	[smem:$0x3FAC] =	sst s3  }
0xc: {  	[smem:$0x3FAD] =	sst s4  }
0xd: {  	[smem:$0x3FAE] =	sst s5  }
0xe: {  	[smem:$0x3FAF] =	sst s6  }
0xf: {  	[smem:$0x3FB0] =	sst s7  }
0x10: {  	[smem:$0x3FB1] =	sst s8  }
0x11: {  	[smem:$0x3FB2] =	sst s9;
	s0 =	simm.s32 @!p0 $0x0  }
0x12: {  	s1 =	sld [smem:$0x3F98];
	s0 =	simm.s32 @p0 $0x1  }
0x13: {  	[smem:$0x3FB3] =	sst s0;
	s0 =	simm.s32 @!p1 $0x0  }
0x14: {  	s2 =	sld [smem:$0x3F97];
	s0 =	simm.s32 @p1 $0x1  }
0x15: {  	[smem:$0x3FB4] =	sst s0;
	s0 =	simm.s32 @!p2 $0x0  }
0x16: {  	s3 =	sld [smem:$0x3FDB];
	s0 =	simm.s32 @p2 $0x1  }
0x17: {  	s4 =	simm.s32 $0x1BF5;
	[smem:$0x3FB6] =	sst s0  }
0x18: {  	s0 =	sld [smem:$0x3F99];
	_ =	swait.ge [sflag:s4], $0x0  }
0x19: {  	s7 =	sld [smem:$0x3F9A]  }
0x1a: {  	s8 =	sadd.s32 $0xFFFFE003, lr  }
0x1b: {  	s9 =	sadd.s32 $0xFFFFFEF7, lr;
	s5 =	simm.s32 $0xFFFFFFFF;
	p2 =	slt.u32 s8, $0xFFFFF086  }
0x1c: {  	p1 =	slt.u32 s9, $0xF7A;
	s5 =	simm.s32 @!p2 $0x0  }
0x1d: {  	s5 =	simm.s32 @p1 $0x1;
	p0 =	seq.s32 s7, s2  }
0x1e: {  	s7 =	smul.u32 @!p0 $0xF7A, s2;
	p2 =	seq.s32 @!p0 s5, $0x0  }
0x1f: {  	s9 =	smul.u32 $0xF7A, s1;
	s8 =	simm.s32 @!p0 $0x1BF5;
	p2 =	por !p2, p0  }
0x20: {  	[sflag:s8] =	ssyncset.s32 @!p0 $0xFFFFF086;
	s6 =	sadd.s32 @!p0 s3, s7;
	s7 =	simm.s32 @!p0 $0x108  }
0x21: {  	s3 =	sadd.s32 s3, s9;
	s6 =	sadd.s32 @!p0 $0x88, s6;
	s7 =	simm.s32 @p2 $0x1082  }
0x22: {  	[simem:s7], [sflag:s8] =	dma.local @!p0 [hbm:s6], $0xF7A  }
0x23: {  	s9 =	sor.u32 $0xD0000000, s2;
	s6 =	simm.s32 $0x108;
	_ =	swait.ge @!p0 [sflag:s8], $0x0  }
0x24: {  	s3 =	sadd.s32 $0x88, s3;
	s6 =	simm.s32 @!p1 $0x1082;
	[sflag:s4] =	ssyncset.s32 $0xFFFFF086  }
0x25: {  	[simem:s6], [sflag:s4] =	dma.local [hbm:s3], $0xF7A  }
0x26: {  	[smem:$0x3F9A] =	sst s1;
	(tag) =	ssettag s2;
	_ =	strace s9  }
0x27: {  	s1 =	sld [smem:$0x3FAA]  }
0x28: {  	s2 =	sld [smem:$0x3FAB]  }
0x29: {  	s4 =	sld [smem:$0x3FAD]  }
0x2a: {  	p0 =	seq.s32 s5, $0x0;
	s5 =	sld [smem:$0x3FAE]  }
0x2b: {  	s6 =	sld [smem:$0x3FAF]  }
0x2c: {  	s7 =	sld [smem:$0x3FB0]  }
0x2d: {  	s3 =	simm.s32 $0x108;
	s8 =	sld [smem:$0x3FB1]  }
0x2e: {  	s3 =	simm.s32 @!p0 $0x1082;
	s9 =	sld [smem:$0x3FB2]  }
0x2f: {  	lr =	sadd.s32 s0, s3;
	s0 =	sld [smem:$0x3FA9]  }
0x30: {  	s3 =	sld [smem:$0x3FAC]  }
0x31: {  	[smem:$0x3FB5] =	sst s10  }
0x32: {  	s10 =	sld [smem:$0x3FB3];
	_ =	sdelay $0x3  }
0x33: {  	p0 =	seq.s32 s10, $0x1;
	s10 =	sld [smem:$0x3FB5];
	_ =	sdelay $0x3  }
0x34: {  	[smem:$0x3FB5] =	sst s10  }
0x35: {  	s10 =	sld [smem:$0x3FB4];
	_ =	sdelay $0x3  }
0x36: {  	p1 =	seq.s32 s10, $0x1;
	s10 =	sld [smem:$0x3FB5];
	_ =	sdelay $0x3  }
0x37: {  	[smem:$0x3FB5] =	sst s10  }
0x38: {  	s10 =	sld [smem:$0x3FB6]  }
0x39: {  	_ = 	snop;
	(pc) =	sbr.ind lr, $3  }
0x3a: {  	_ = 	snop  }
0x3b: {  	_ = 	snop  }
0x3c: {  	p2 =	seq.s32 s10, $0x1;
	s10 =	sld [smem:$0x3FB5]  }
0x3d: {  	_ =	shalt  }
0x3e: {  	_ =	shalt  }
0x3f: {  	_ =	shalt  }
0x40: {  	_ =	shalt  }
0x41: {  	_ =	shalt  }
0x42: {  	_ =	shalt  }
0x43: {  	_ =	shalt  }
0x44: {  	_ =	shalt  }
0x45: {  	_ =	shalt  }
0x46: {  	_ =	shalt  }
0x47: {  	_ =	shalt  }
0x48: {  	_ =	shalt  }
0x49: {  	_ =	shalt  }
0x4a: {  	_ =	shalt  }
0x4b: {  	_ =	shalt  }
0x4c: {  	_ =	shalt  }
0x4d: {  	_ =	shalt  }
0x4e: {  	_ =	shalt  }
0x4f: {  	_ =	shalt  }
0x50: {  	_ =	shalt  }
0x51: {  	_ =	shalt  }
0x52: {  	_ =	shalt  }
0x53: {  	_ =	shalt  }
0x54: {  	_ =	shalt  }
0x55: {  	_ =	shalt  }
0x56: {  	_ =	shalt  }
0x57: {  	_ =	shalt  }
0x58: {  	_ =	shalt  }
0x59: {  	_ =	shalt  }
0x5a: {  	_ =	shalt  }
0x5b: {  	_ =	shalt  }
0x5c: {  	_ =	shalt  }
0x5d: {  	_ =	shalt  }
0x5e: {  	_ =	shalt  }
0x5f: {  	_ =	shalt  }
0x60: {  	_ =	shalt  }
0x61: {  	_ =	shalt  }
0x62: {  	_ =	shalt  }
0x63: {  	_ =	shalt  }
0x64: {  	_ =	shalt  }
0x65: {  	_ =	shalt  }
0x66: {  	_ =	shalt  }
0x67: {  	_ =	shalt  }
0x68: {  	_ =	shalt  }
0x69: {  	_ =	shalt  }
0x6a: {  	_ =	shalt  }
0x6b: {  	_ =	shalt  }
0x6c: {  	_ =	shalt  }
0x6d: {  	_ =	shalt  }
0x6e: {  	_ =	shalt  }
0x6f: {  	_ =	shalt  }
0x70: {  	_ =	shalt  }
0x71: {  	_ =	shalt  }
0x72: {  	_ =	shalt  }
0x73: {  	_ =	shalt  }
0x74: {  	_ =	shalt  }
0x75: {  	_ =	shalt  }
0x76: {  	_ =	shalt  }
0x77: {  	_ =	shalt  }
0x78: {  	_ =	shalt  }
0x79: {  	_ =	shalt  }
0x7a: {  	_ =	shalt  }
0x7b: {  	_ =	shalt  }
0x7c: {  	_ =	shalt  }
0x7d: {  	_ =	shalt  }
0x7e: {  	_ =	shalt  }
0x7f: {  	_ =	shalt  }
0x80: {  	_ =	shalt  }
0x81: {  	_ =	shalt  }
0x82: {  	_ =	shalt  }
0x83: {  	_ =	shalt  }
0x84: {  	_ =	shalt  }
0x85: {  	_ =	shalt  }
0x86: {  	_ =	shalt  }
0x87: {  	_ =	shalt  }
.Lfunc_end0:
.L_simem_size_0:
called_computation_lowered:
.L_overlay_start_0:
0x88: {  	s2 =	sld [smem:$0x3FD9]  }
0x89: {  	s3 =	sld [smem:$0x3FFE];
	_ =	sdelay $0x1  }
0x8a: {  	s1 =	srdreg.scid  }
0x8b: {  	s0 =	sand.u32 $0x1, s1  }
0x8c: {  	s17 =	sshll.u32 s0, $0xA;
	s2 =	sadd.s32 s3, s2  }
0x8d: {  	s2 =	sadd.s32 s2, s17  }
0x8e: {  	[smem:$0x3FC1] =	sst s2  }
0x8f: {  	_ = 	snop  }
0x90: {  	s2 =	sld [smem:$0x3FD0];
	(tm) =	ssettm $0x1  }
0x91: {  	s18 =	sld [smem:$0x3FFB];
	_ =	sdelay $0x3  }
0x92: {  	_ =	strace s18  }
0x93: {  	s3 =	sld [smem:$0x3FFC];
	_ =	sdelay $0x3  }
0x94: {  	_ =	strace s3  }
0x95: {  	s3 =	sld [smem:$0x3FFD];
	_ =	sdelay $0x3  }
0x96: {  	_ =	strace s3  }
0x97: {  	_ =	strace $0x8FFFFFFF  }
0x98: {  	s19 =	sld [smem:$0x3FDB];
	_ =	sdelay $0x1  }
0x99: {  	s4 =	simm.s32 $_scs_section_size  }
0x9a: {  	s5 =	simm.s32 $_size__tile_overlayer_lowered;
	s6 =	simm.s32 $_tile_overlayer_lowered  }
0x9b: {  	s22 =	simm.s32 $0x1BFF;
	s21 =	sshll.u32 s6, $0x1;
	s3 =	sadd.s32 s4, s19  }
0x9c: {  	s7 =	simm.s32 $0x0;
	s20 =	sshll.u32 s5, $0x1;
	s5 =	sadd.s32 s21, s3  }
0x9d: {  	[timem:s7], [sflag:s22] =	dma.local [hbm:s5], s20  }
0x9e: {  	_ =	swait.ge [sflag:s22], s20  }
0x9f: {  	s4 =	ssub.s32 $0x0, s20;
	[sflag:s22] =	ssyncset.done $0x0  }
0xa0: {  	[sflag:s22] =	ssyncadd.s32 s4;
	_ =	sdelay $0x1  }
0xa1: {  	s23 =	simm.s32 $0x1B8B  }
0xa2: {  	_ =	swait.ge [sflag:s23], $0x1  }
0xa3: {  	[sflag:s23] =	ssyncset.done $0x0  }
0xa4: {  	s25 =	simm.s32 $0x1B8E;
	s24 =	sld [smem:$0x3FFE];
	[sflag:s23] =	ssyncadd.s32 $0xFFFFFFFF  }
0xa5: {  	s26 =	simm.s32 $execute0_lowered;
	[smem:$0x3FD2] =	sst s25  }
0xa6: {  	s5 =	sshll.u32 s26, $0x1;
	_ =	strace $0x80000046;
	[dreg:$0x1] =	wrdreg $0xFFFFFFFF  }
0xa7: {  	s28 =	simm.s32 $_size_execute0_lowered;
	s3 =	sadd.s32 s3, s5;
	[dreg:$0x0] =	wrdreg $0x0  }
0xa8: {  	s5 =	sshll.u32 s28, $0x1;
	[dreg:$0x2] =	wrdreg s3  }
0xa9: {  	[dreg:$0x3] =	wrdreg s5  }
0xaa: {  	[dreg:$0x4] =	wrdreg $0xC0  }
0xab: {  	_ =	task [dreg:s7], $0x5FFFF  }
0xac: {  	[dreg:$0x1] =	wrdreg $0xFFFFFFFF  }
0xad: {  	[dreg:$0x0] =	wrdreg $0x60  }
0xae: {  	[dreg:$0x2] =	wrdreg s24  }
0xaf: {  	[dreg:$0x3] =	wrdreg s2  }
0xb0: {  	[dreg:$0x4] =	wrdreg $0x2B700  }
0xb1: {  	[dreg:$0x5] =	wrdreg $0x52800  }
0xb2: {  	[dreg:$0x6] =	wrdreg $0x9  }
0xb3: {  	_ =	task.clear_ibuf [dreg:s7], $0x7FFFF;
	_ =	strace $0x90000046  }
0xb4: {  	s29 =	simm.s32 $0x9;
	_ =	strace $0x80000048  }
0xb5: {  	_ =	swait.ge [sflag:s29], $0x1  }
0xb6: {  	[sflag:s29] =	ssyncadd.s32 $0xFFFFFFFF  }
0xb7: {  	_ =	strace $0x90000048  }
0xb8: {  	_ =	sfence  }
0xb9: {  	s30 =	sld [smem:$0x0];
	_ =	sdelay $0x2  }
0xba: {  	s31 =	sshll.u32 s1, $0xD;
	s1 =	sshrl.u32 s1, $0x2  }
0xbb: {  	s3 =	sand.u32 $0x4000, s31;
	s1 =	sadd.s32 s1, s30  }
0xbc: {  	s0 =	sor.u32 s3, s0;
	s1 =	sshll.u32 s1, $0x11  }
0xbd: {  	s0 =	sor.u32 s1, s0  }
0xbe: {  	s0 =	sadd.s32 $0x8F2B, s0  }
0xbf: {  	[sflag:s0] =	ssyncadd.remote.s32 $0x1  }
0xc0: {  	_ =	sfence.sel $0xFFFF  }
0xc1: {  	[dreg:$0x0] =	wrdreg $0xFFFFFFFF;
	(pc) =	sbr.abs _section_cstart, $3  }
0xc2: {  	[dreg:$0x1] =	wrdreg $0xFFFFFFFF  }
0xc3: {  	_ =	task.clear_ibuf [dreg:s7], $0x2FFFF;
	_ =	strace $0x9FFFFFFF  }
0xc4: {  	(tm) =	ssettm $0x7FFFFFFF  }
0xc5: {  	_ =	shalt  }
tec
execute0_lowered:
.L_overlay_start_1:
0x0: {  	(tag) =	ssettag $0x1  }
0x1: {  	s0 =	rddreg [dreg:$0x0]  }
0x2: {  	s4 =	rddreg [dreg:$0x1]  }
0x3: {  	s1 =	rddreg [dreg:$0x2]  }
0x4: {  	s2 =	rddreg [dreg:$0x3]  }
0x5: {  	s3 =	simm.s32 $0x0;
	s25 =	srdreg.scid;
	s16 =	stileid.u32  }
0x6: {  	[smem:$0x7FF] =	sst s3;
	s5 =	sadd.s32 $0x4E4800, s0;
	s6 =	sadd.s32 $0x16400, s0  }
0x7: {  	s23 =	sadd.s32 $0x16600, s0;
	s24 =	sadd.s32 $0x16800, s0;
	s8 =	smul.u32 $0x270, s16  }
0x8: {  	s7 =	sadd.s32 $0x16A00, s0;
	s0 =	sadd.s32 $0x20800, s0;
	s20 =	smul.u32 $0x2710, s16  }
0x9: {  	p0 =	sne.s32 s16, $0xF;
	_ =	strace $0x80000047;
	[dreg:$0x5] =	wrdreg s6  }
0xa: {  	s31 =	sadd.s32 $0x27000, s1;
	[dreg:$0x6] =	wrdreg s23;
	s6 =	sand.u32 $0x1, s25  }
0xb: {  	[dreg:$0x7] =	wrdreg s24;
	s9 =	ssub.s32 $0x2, s6;
	s10 =	sshll.u32 s6, $0x4  }
0xc: {  	s12 =	sadd.s32 $0x258, s8;
	s22 =	smul.u32 $0x13880, s6;
	s11 =	sshrl.u32 s9, $0x1  }
0xd: {  	s10 =	sor.u32 s16, s10;
	s26 =	sshll.u32 s12, $0x4;
	s14 =	sshll.u32 s12, $0x3  }
0xe: {  	s9 =	ssub.s32 s9, s11;
	s13 =	smul.u32 $0x27100, s10;
	s23 =	sadd.s32 s26, s1  }
0xf: {  	s15 =	smul.u32 $0x2800, s10;
	s25 =	sshrl.u32 s22, $0x3;
	s22 =	sadd.s32 $0x13800, s2  }
0x10: {  	s29 =	sadd.s32 s14, s2;
	s10 =	smul.u32 $0x4E20, s10;
	[dreg:$0x13] =	wrdreg s22  }
0x11: {  	s13 =	sshrl.u32 s13, $0x3;
	s30 =	sshrl.u32 s15, $0x3;
	s15 =	smul.u32 $0x27100, s6  }
0x12: {  	s10 =	sadd.s32 s5, s10;
	s6 =	smul.u32 $0x2710, s6;
	s13 =	sadd.s32 s5, s13  }
0x13: {  	s14 =	sadd.s32 s4, s30;
	[dreg:$0x9] =	wrdreg s10;
	s10 =	sadd.s32 s0, s25  }
0x14: {  	s17 =	sadd.s32 $0xFA, s13;
	s18 =	sadd.s32 $0x2710, s13;
	s19 =	sadd.s32 s15, s26  }
0x15: {  	s21 =	sadd.s32 $0x280A, s13;
	s24 =	sadd.s32 s20, s15;
	[dreg:$0x8] =	wrdreg s14  }
0x16: {  	s26 =	sadd.s32 s0, s12;
	s30 =	sshrl.u32 s15, $0x3;
	[dreg:$0xa] =	wrdreg s17  }
0x17: {  	s0 =	sadd.s32 s6, s0;
	s12 =	smul.u32 $0x4E00, s16;
	[dreg:$0xb] =	wrdreg s18  }
0x18: {  	s6 =	simm.s32 $0x2788;
	[dreg:$0xc] =	wrdreg s21;
	s4 =	sshrl.u32 s19, $0x3  }
0x19: {  	s11 =	sadd.s32 s25, s26;
	s17 =	sadd.s32 s8, s0;
	s18 =	sadd.s32 $0x2700, s10  }
0x1a: {  	s19 =	smax.u32 s9, $0x1;
	s10 =	simm.s32 $0x5;
	[dreg:$0xe] =	wrdreg s11  }
0x1b: {  	s4 =	sadd.s32 s7, s4;
	s11 =	smul.u32 $0x2700, s16;
	[dreg:$0x10] =	wrdreg s18  }
0x1c: {  	[dreg:$0x11] =	wrdreg s19;
	s0 =	sshrl.u32 s12, $0x2;
	s12 =	simm.s32 $0x7D  }
0x1d: {  	s18 =	simm.s32 $0x1380;
	s19 =	simm.s32 $0x0;
	[dreg:$0xd] =	wrdreg s4  }
0x1e: {  	s4 =	sshll.u32 s24, $0x1;
	s8 =	sadd.s32 s0, s2;
	s0 =	simm.s32 $0x1400  }
0x1f: {  	s4 =	sadd.s32 s5, s4;
	s5 =	sadd.s32 s7, s30;
	s13 =	sadd.s32 s11, s15  }
0x20: {  	s15 =	smul.u32 $0x9C00, s16;
	s30 =	sadd.s32 $0x280, s14;
	s11 =	simm.s32 $0x1  }
0x21: {  	s14 =	simm.s32 $0x3;
	s5 =	sadd.s32 $0x4E00, s5;
	s24 =	sadd.s32 $0x2EE, s4  }
0x22: {  	s25 =	sadd.s32 $0x1F4, s4;
	s26 =	sadd.s32 $0x29FE, s4;
	[dreg:$0x14] =	wrdreg s30  }
0x23: {  	s28 =	sadd.s32 $0x2904, s4;
	s4 =	simm.s32 $0x6;
	[dreg:$0xf] =	wrdreg s5  }
0x24: {  	s20 =	sshrl.u32 s15, $0x2;
	s5 =	sshrl.u32 s13, $0x3;
	s13 =	simm.s32 $0x2  }
0x25: {  	s15 =	simm.s32 $0x4;
	s9 =	sadd.s32 s20, s1;
	s21 =	sadd.s32 s5, s7  }
0x26: {  	s5 =	simm.s32 $0x23A0;
	s7 =	simm.s32 $0x1BD0;
	[dreg:$0x12] =	wrdreg s21  }
.LBB2_1:
0x27: {  	s20 =	rddreg [dreg:$0x5]  }
0x28: {  	[tilespmem:s0], [sflag:$0x6] =	stream.linear.gather [hbm4b:s20+s3], $0x7D0, $0x38;
	[tilespmem:$0x6608] =	vst v63  }
0x29: {  	_ =	swait.ge [sflag:s4], $0x7D0  }
0x2a: {  	[sflag:s4] =	ssyncset.done $0x0  }
0x2b: {  	s21 =	rddreg [dreg:$0x6];
	[sflag:s4] =	ssyncadd.s32 $0xFFFFF830  }
0x2c: {  	[tilespmem:s5], [sflag:$0x6] =	stream.linear.gather [hbm4b:s21+s3], $0x3E8, $0x38;
	[tilespmem:$0x6608] =	vst v63  }
0x2d: {  	_ =	swait.ge [sflag:s4], $0x3E8  }
0x2e: {  	[sflag:s4] =	ssyncset.done $0x0  }
0x2f: {  	s22 =	rddreg [dreg:$0x7];
	[sflag:s4] =	ssyncadd.s32 $0xFFFFFC18  }
0x30: {  	[tilespmem:s6], [sflag:$0x6] =	stream.linear.gather [hbm4b:s22+s3], $0x3E8, $0x38;
	[tilespmem:$0x6608] =	vst v63  }
0x31: {  	_ =	swait.ge [sflag:s4], $0x3E8  }
0x32: {  	[sflag:s4] =	ssyncset.done $0x0  }
0x33: {  	[sflag:s4] =	ssyncadd.s32 $0xFFFFFC18  }
0x34: {  	[spmem:s9] =	stream.linear.scatter [tilespmem:s0], [sflag:$0x6], $0x280, $0x38;
	[tilespmem:$0x6608] =	vst v63  }
0x35: {  	_ =	swait.ge [sflag:s4], $0x280  }
0x36: {  	[sflag:s4] =	ssyncset.done $0x0  }
0x37: {  	s30 =	sadd.s32 $0x0, s8;
	[sflag:s4] =	ssyncadd.s32 $0xFFFFFD80  }
0x38: {  	[spmem:s30] =	stream.linear.scatter [tilespmem:s6], [sflag:$0x6], $0x140, $0x38;
	[tilespmem:$0x6608] =	vst v63  }
0x39: {  	_ =	swait.ge [sflag:s4], $0x140  }
0x3a: {  	s20 =	simm.s32 $0x500;
	s21 =	smov.u32 s9;
	[sflag:s4] =	ssyncset.done $0x0  }
.LBB2_2:
0x3b: {  	p1 =	sne.s32 s20, $0x4600;
	[sflag:s4] =	ssyncadd.s32 $0xFFFFFEC0;
	s21 =	sadd.s32 $0x280, s21  }
0x3c: {  	[spmem:s21] =	stream.linear.scatter [tilespmem:s0], [sflag:$0x6], $0x280, $0x38;
	[tilespmem:$0x6608] =	vst v63  }
0x3d: {  	s22 =	smov.u32 s20;
	s20 =	sadd.s32 $0x500, s20;
	_ =	swait.ge [sflag:s4], $0x280  }
.Ltmp0:
0x3e: {  	s22 =	sshra.s32 s22, $0x2;
	[sflag:s4] =	ssyncset.done $0x0;
	(pc) =	sbr.rel @p1 .LBB2_2-.Ltmp0, $4  }
0x3f: {  	s22 =	sadd.s32 s22, s8;
	[sflag:s4] =	ssyncadd.s32 $0xFFFFFD80  }
0x40: {  	[spmem:s22] =	stream.linear.scatter [tilespmem:s6], [sflag:$0x6], $0x140, $0x38;
	[tilespmem:$0x6608] =	vst v63  }
0x41: {  	_ =	swait.ge [sflag:s4], $0x140  }
0x42: {  	[sflag:s4] =	ssyncset.done $0x0  }
0x43: {  	[sflag:s4] =	ssyncadd.s32 $0xFFFFFEC0  }
0x44: {  	[spmem:s23] =	stream.linear.scatter [tilespmem:s0], [sflag:$0x6], $0x180, $0x38;
	[tilespmem:$0x6608] =	vst v63  }
0x45: {  	_ =	swait.ge [sflag:s4], $0x180  }
0x46: {  	[sflag:s4] =	ssyncset.done $0x0  }
0x47: {  	[sflag:s4] =	ssyncadd.s32 $0xFFFFFE80  }
0x48: {  	[spmem:s29] =	stream.linear.scatter [tilespmem:s6], [sflag:$0x6], $0xC0, $0x38;
	[tilespmem:$0x6608] =	vst v63  }
0x49: {  	_ =	swait.ge [sflag:s4], $0xC0  }
0x4a: {  	[sflag:s4] =	ssyncset.done $0x0  }
0x4b: {  	s20 =	simm.s32 @!p0 $0x1400;
	[sflag:s4] =	ssyncadd.s32 $0xFFFFFF40  }
0x4c: {  	[spmem:s31] =	stream.linear.scatter @!p0 [tilespmem:s20], [sflag:$0x6], $0x100, $0x38;
	[tilespmem:$0x6608] =	vst v63  }
0x4d: {  	s20 =	simm.s32 @!p0 $0x6  }
0x4e: {  	_ =	swait.ge @!p0 [sflag:s20], $0x100  }
0x4f: {  	[sflag:s20] =	ssyncset.done @!p0 $0x0  }
0x50: {  	s21 =	simm.s32 @!p0 $0x2788;
	s22 =	rddreg [dreg:$0x13];
	[sflag:s20] =	ssyncadd.s32 @!p0 $0xFFFFFF00  }
0x51: {  	[spmem:s22] =	stream.linear.scatter @!p0 [tilespmem:s21], [sflag:$0x6], $0x80, $0x38;
	[tilespmem:$0x6608] =	vst v63  }
0x52: {  	_ =	swait.ge @!p0 [sflag:s20], $0x80  }
0x53: {  	[sflag:s20] =	ssyncset.done @!p0 $0x0  }
0x54: {  	[sflag:s20] =	ssyncadd.s32 @!p0 $0xFFFFFF80  }
0x55: {  	[bflag:$0x0] =	sbarrier.arrive $0xFFFF  }
0x56: {  	s30 =	smov.u32 s29;
	s20 =	simm.s32 $0x0;
	s29 =	rddreg [dreg:$0x8]  }
0x57: {  	[tilespmem:s20], [sflag:$0x6] =	stream.linear.gather [hbm4b:s29+s20], $0x1400, $0x38;
	[tilespmem:$0x6608] =	vst v63  }
0x58: {  	_ =	swait.ge [sflag:s4], $0x1400  }
0x59: {  	[sflag:s4] =	ssyncset.done $0x0  }
0x5a: {  	s22 =	rddreg [dreg:$0x9];
	[sflag:s4] =	ssyncadd.s32 $0xFFFFEC00  }
0x5b: {  	[tilespmem:s0], [sflag:$0x1] =	stream.linear.gather [hbm4b:s22+s20], $0x7D0, $0x38;
	[tilespmem:$0x6608] =	vst v63  }
0x5c: {  	s29 =	rddreg [dreg:$0xa]  }
0x5d: {  	[tilespmem:s7], [sflag:$0x2] =	stream.linear.gather [hbm4b:s29+s20], $0x7D0, $0x38;
	[tilespmem:$0x6608] =	vst v63  }
0x5e: {  	_ =	swait.ge [sflag:s11], $0x7D0  }
0x5f: {  	[sflag:s11] =	ssyncset.done $0x0  }
0x60: {  	s21 =	simm.s32 $0x0;
	[sflag:s11] =	ssyncadd.s32 $0xFFFFF830  }
0x61: {  	[spmem:s1] =	stream.indirect.scatter.add.f32 [tilespmem:s0], [sflag:$0x3], $0x10, s21, s12, $0xb8;
	[tilespmem:$0x6608] =	vst v63  }
0x62: {  	_ = 	snop  }
0x63: {  	[spmem:s2] =	stream.indirect.scatter.add.f32 [tilespmem:s5], [sflag:$0x5], $0x8, s21, s12, $0xb8;
	[tilespmem:$0x6608] =	vst v63  }
0x64: {  	_ =	swait.ge [sflag:s13], $0x7D0  }
0x65: {  	[sflag:s13] =	ssyncset.done $0x0  }
0x66: {  	s20 =	simm.s32 $0x80;
	[sflag:s13] =	ssyncadd.s32 $0xFFFFF830  }
0x67: {  	[spmem:s1] =	stream.indirect.scatter.add.f32 [tilespmem:s7], [sflag:$0x4], $0x10, s20, s12, $0xb8;
	[tilespmem:$0x6608] =	vst v63  }
0x68: {  	_ = 	snop  }
0x69: {  	[spmem:s2] =	stream.indirect.scatter.add.f32 [tilespmem:s5], [sflag:$0x5], $0x8, s20, s12, $0xb8;
	[tilespmem:$0x6608] =	vst v63  }
0x6a: {  	_ =	swait.ge [sflag:s14], $0x7D0  }
0x6b: {  	[sflag:s14] =	ssyncset.done $0x0  }
0x6c: {  	s22 =	sadd.s32 $0x0, s25;
	[sflag:s14] =	ssyncadd.s32 $0xFFFFF830  }
0x6d: {  	[tilespmem:s0], [sflag:$0x1] =	stream.linear.gather [hbm4b:s22+s3], $0x7D0, $0x38;
	[tilespmem:$0x6608] =	vst v63  }
0x6e: {  	_ =	swait.ge [sflag:s15], $0x7D0  }
0x6f: {  	[sflag:s15] =	ssyncset.done $0x0  }
0x70: {  	s29 =	sadd.s32 $0x0, s24;
	[sflag:s15] =	ssyncadd.s32 $0xFFFFF830  }
0x71: {  	[tilespmem:s7], [sflag:$0x2] =	stream.linear.gather [hbm4b:s29+s3], $0x7D0, $0x38;
	[tilespmem:$0x6608] =	vst v63  }
0x72: {  	_ =	swait.ge [sflag:s10], $0x3E8  }
0x73: {  	[sflag:s10] =	ssyncset.done $0x0  }
0x74: {  	[sflag:s10] =	ssyncadd.s32 $0xFFFFFC18  }
0x75: {  	_ =	swait.ge [sflag:s10], $0x3E8  }
0x76: {  	s16 =	smov.u32 s31;
	s31 =	simm.s32 $0x1F4;
	[sflag:s10] =	ssyncset.done $0x0  }
.LBB2_4:
0x77: {  	p1 =	sne.s32 s31, $0x2328;
	[sflag:s10] =	ssyncadd.s32 $0xFFFFFC18;
	s20 =	sadd.s32 $0x100, s20  }
0x78: {  	s21 =	smov.u32 s31;
	s31 =	sadd.s32 $0x1F4, s31;
	_ =	swait.ge [sflag:s11], $0x7D0  }
0x79: {  	[sflag:s11] =	ssyncset.done $0x0  }
0x7a: {  	s22 =	sadd.s32 $0xFFFFFF80, s20;
	[sflag:s11] =	ssyncadd.s32 $0xFFFFF830  }
0x7b: {  	[spmem:s1] =	stream.indirect.scatter.add.f32 [tilespmem:s0], [sflag:$0x3], $0x10, s22, s12, $0xb8;
	[tilespmem:$0x6608] =	vst v63  }
0x7c: {  	_ = 	snop  }
0x7d: {  	[spmem:s2] =	stream.indirect.scatter.add.f32 [tilespmem:s5], [sflag:$0x5], $0x8, s22, s12, $0xb8;
	[tilespmem:$0x6608] =	vst v63  }
0x7e: {  	_ =	swait.ge [sflag:s13], $0x7D0  }
0x7f: {  	[sflag:s13] =	ssyncset.done $0x0  }
0x80: {  	[sflag:s13] =	ssyncadd.s32 $0xFFFFF830  }
0x81: {  	[spmem:s1] =	stream.indirect.scatter.add.f32 [tilespmem:s7], [sflag:$0x4], $0x10, s20, s12, $0xb8;
	[tilespmem:$0x6608] =	vst v63  }
0x82: {  	_ = 	snop  }
0x83: {  	[spmem:s2] =	stream.indirect.scatter.add.f32 [tilespmem:s5], [sflag:$0x5], $0x8, s20, s12, $0xb8;
	[tilespmem:$0x6608] =	vst v63  }
0x84: {  	_ =	swait.ge [sflag:s14], $0x7D0  }
0x85: {  	[sflag:s14] =	ssyncset.done $0x0  }
0x86: {  	s22 =	sadd.s32 s21, s25;
	[sflag:s14] =	ssyncadd.s32 $0xFFFFF830  }
0x87: {  	[tilespmem:s0], [sflag:$0x1] =	stream.linear.gather [hbm4b:s22+s3], $0x7D0, $0x38;
	[tilespmem:$0x6608] =	vst v63  }
0x88: {  	_ =	swait.ge [sflag:s15], $0x7D0  }
0x89: {  	[sflag:s15] =	ssyncset.done $0x0  }
0x8a: {  	s21 =	sadd.s32 s21, s24;
	[sflag:s15] =	ssyncadd.s32 $0xFFFFF830  }
0x8b: {  	[tilespmem:s7], [sflag:$0x2] =	stream.linear.gather [hbm4b:s21+s3], $0x7D0, $0x38;
	[tilespmem:$0x6608] =	vst v63  }
.Ltmp1:
0x8c: {  	_ =	swait.ge [sflag:s10], $0x3E8;
	(pc) =	sbr.rel @p1 .LBB2_4-.Ltmp1, $4  }
0x8d: {  	[sflag:s10] =	ssyncset.done $0x0  }
0x8e: {  	[sflag:s10] =	ssyncadd.s32 $0xFFFFFC18  }
0x8f: {  	_ =	swait.ge [sflag:s10], $0x3E8  }
0x90: {  	[sflag:s10] =	ssyncset.done $0x0  }
0x91: {  	[sflag:s10] =	ssyncadd.s32 $0xFFFFFC18  }
0x92: {  	_ =	swait.ge [sflag:s11], $0x7D0  }
0x93: {  	[sflag:s11] =	ssyncset.done $0x0  }
0x94: {  	s20 =	simm.s32 $0x1300;
	[sflag:s11] =	ssyncadd.s32 $0xFFFFF830  }
0x95: {  	[spmem:s1] =	stream.indirect.scatter.add.f32 [tilespmem:s0], [sflag:$0x3], $0x10, s20, s12, $0xb8;
	[tilespmem:$0x6608] =	vst v63  }
0x96: {  	_ = 	snop  }
0x97: {  	[spmem:s2] =	stream.indirect.scatter.add.f32 [tilespmem:s5], [sflag:$0x5], $0x8, s20, s12, $0xb8;
	[tilespmem:$0x6608] =	vst v63  }
0x98: {  	_ =	swait.ge [sflag:s13], $0x7D0  }
0x99: {  	[sflag:s13] =	ssyncset.done $0x0  }
0x9a: {  	[sflag:s13] =	ssyncadd.s32 $0xFFFFF830  }
0x9b: {  	[spmem:s1] =	stream.indirect.scatter.add.f32 [tilespmem:s7], [sflag:$0x4], $0x10, s18, s12, $0xb8;
	[tilespmem:$0x6608] =	vst v63  }
0x9c: {  	_ = 	snop  }
0x9d: {  	[spmem:s2] =	stream.indirect.scatter.add.f32 [tilespmem:s5], [sflag:$0x5], $0x8, s18, s12, $0xb8;
	[tilespmem:$0x6608] =	vst v63  }
0x9e: {  	_ =	swait.ge [sflag:s14], $0x7D0  }
0x9f: {  	[sflag:s14] =	ssyncset.done $0x0  }
0xa0: {  	[sflag:s14] =	ssyncadd.s32 $0xFFFFF830  }
0xa1: {  	_ =	swait.ge [sflag:s15], $0x7D0  }
0xa2: {  	[sflag:s15] =	ssyncset.done $0x0  }
0xa3: {  	[sflag:s15] =	ssyncadd.s32 $0xFFFFF830  }
0xa4: {  	_ =	swait.ge [sflag:s10], $0x3E8  }
0xa5: {  	[sflag:s10] =	ssyncset.done $0x0  }
0xa6: {  	[sflag:s10] =	ssyncadd.s32 $0xFFFFFC18  }
0xa7: {  	_ =	swait.ge [sflag:s10], $0x3E8  }
0xa8: {  	[sflag:s10] =	ssyncset.done $0x0  }
0xa9: {  	s20 =	simm.s32 $0x0;
	s21 =	rddreg [dreg:$0x14];
	[sflag:s10] =	ssyncadd.s32 $0xFFFFFC18  }
0xaa: {  	[tilespmem:s20], [sflag:$0x6] =	stream.linear.gather [hbm4b:s21+s20], $0x1400, $0x38;
	[tilespmem:$0x6608] =	vst v63  }
0xab: {  	_ =	swait.ge [sflag:s4], $0x1400  }
0xac: {  	[sflag:s4] =	ssyncset.done $0x0  }
0xad: {  	s22 =	rddreg [dreg:$0xb];
	[sflag:s4] =	ssyncadd.s32 $0xFFFFEC00  }
0xae: {  	[tilespmem:s0], [sflag:$0x1] =	stream.linear.gather [hbm4b:s22+s20], $0x7D0, $0x38;
	[tilespmem:$0x6608] =	vst v63  }
0xaf: {  	s29 =	smov.u32 s23;
	s23 =	rddreg [dreg:$0xc]  }
0xb0: {  	[tilespmem:s7], [sflag:$0x2] =	stream.linear.gather [hbm4b:s23+s20], $0x7D0, $0x38;
	[tilespmem:$0x6608] =	vst v63  }
0xb1: {  	_ =	swait.ge [sflag:s11], $0x7D0  }
0xb2: {  	[sflag:s11] =	ssyncset.done $0x0  }
0xb3: {  	s21 =	simm.s32 $0x0;
	[sflag:s11] =	ssyncadd.s32 $0xFFFFF830  }
0xb4: {  	[spmem:s1] =	stream.indirect.scatter.add.f32 [tilespmem:s0], [sflag:$0x3], $0x10, s21, s12, $0xb8;
	[tilespmem:$0x6608] =	vst v63  }
0xb5: {  	_ = 	snop  }
0xb6: {  	[spmem:s2] =	stream.indirect.scatter.add.f32 [tilespmem:s5], [sflag:$0x5], $0x8, s21, s12, $0xb8;
	[tilespmem:$0x6608] =	vst v63  }
0xb7: {  	_ =	swait.ge [sflag:s13], $0x7D0  }
0xb8: {  	[sflag:s13] =	ssyncset.done $0x0  }
0xb9: {  	s20 =	simm.s32 $0x80;
	[sflag:s13] =	ssyncadd.s32 $0xFFFFF830  }
0xba: {  	[spmem:s1] =	stream.indirect.scatter.add.f32 [tilespmem:s7], [sflag:$0x4], $0x10, s20, s12, $0xb8;
	[tilespmem:$0x6608] =	vst v63  }
0xbb: {  	_ = 	snop  }
0xbc: {  	[spmem:s2] =	stream.indirect.scatter.add.f32 [tilespmem:s5], [sflag:$0x5], $0x8, s20, s12, $0xb8;
	[tilespmem:$0x6608] =	vst v63  }
0xbd: {  	_ =	swait.ge [sflag:s14], $0x7D0  }
0xbe: {  	[sflag:s14] =	ssyncset.done $0x0  }
0xbf: {  	s22 =	sadd.s32 $0x0, s28;
	[sflag:s14] =	ssyncadd.s32 $0xFFFFF830  }
0xc0: {  	[tilespmem:s0], [sflag:$0x1] =	stream.linear.gather [hbm4b:s22+s3], $0x7D0, $0x38;
	[tilespmem:$0x6608] =	vst v63  }
0xc1: {  	_ =	swait.ge [sflag:s15], $0x7D0  }
0xc2: {  	[sflag:s15] =	ssyncset.done $0x0  }
0xc3: {  	s23 =	sadd.s32 $0x0, s26;
	[sflag:s15] =	ssyncadd.s32 $0xFFFFF830  }
0xc4: {  	[tilespmem:s7], [sflag:$0x2] =	stream.linear.gather [hbm4b:s23+s3], $0x7D0, $0x38;
	[tilespmem:$0x6608] =	vst v63  }
0xc5: {  	_ =	swait.ge [sflag:s10], $0x3E8  }
0xc6: {  	[sflag:s10] =	ssyncset.done $0x0  }
0xc7: {  	[sflag:s10] =	ssyncadd.s32 $0xFFFFFC18  }
0xc8: {  	_ =	swait.ge [sflag:s10], $0x3E8  }
0xc9: {  	s31 =	simm.s32 $0x1F4;
	[sflag:s10] =	ssyncset.done $0x0  }
.LBB2_6:
0xca: {  	p1 =	sne.s32 s31, $0x2328;
	[sflag:s10] =	ssyncadd.s32 $0xFFFFFC18;
	s20 =	sadd.s32 $0x100, s20  }
0xcb: {  	s21 =	smov.u32 s31;
	s31 =	sadd.s32 $0x1F4, s31;
	_ =	swait.ge [sflag:s11], $0x7D0  }
0xcc: {  	[sflag:s11] =	ssyncset.done $0x0  }
0xcd: {  	s22 =	sadd.s32 $0xFFFFFF80, s20;
	[sflag:s11] =	ssyncadd.s32 $0xFFFFF830  }
0xce: {  	[spmem:s1] =	stream.indirect.scatter.add.f32 [tilespmem:s0], [sflag:$0x3], $0x10, s22, s12, $0xb8;
	[tilespmem:$0x6608] =	vst v63  }
0xcf: {  	_ = 	snop  }
0xd0: {  	[spmem:s2] =	stream.indirect.scatter.add.f32 [tilespmem:s5], [sflag:$0x5], $0x8, s22, s12, $0xb8;
	[tilespmem:$0x6608] =	vst v63  }
0xd1: {  	_ =	swait.ge [sflag:s13], $0x7D0  }
0xd2: {  	[sflag:s13] =	ssyncset.done $0x0  }
0xd3: {  	[sflag:s13] =	ssyncadd.s32 $0xFFFFF830  }
0xd4: {  	[spmem:s1] =	stream.indirect.scatter.add.f32 [tilespmem:s7], [sflag:$0x4], $0x10, s20, s12, $0xb8;
	[tilespmem:$0x6608] =	vst v63  }
0xd5: {  	_ = 	snop  }
0xd6: {  	[spmem:s2] =	stream.indirect.scatter.add.f32 [tilespmem:s5], [sflag:$0x5], $0x8, s20, s12, $0xb8;
	[tilespmem:$0x6608] =	vst v63  }
0xd7: {  	_ =	swait.ge [sflag:s14], $0x7D0  }
0xd8: {  	[sflag:s14] =	ssyncset.done $0x0  }
0xd9: {  	s22 =	sadd.s32 s21, s28;
	[sflag:s14] =	ssyncadd.s32 $0xFFFFF830  }
0xda: {  	[tilespmem:s0], [sflag:$0x1] =	stream.linear.gather [hbm4b:s22+s3], $0x7D0, $0x38;
	[tilespmem:$0x6608] =	vst v63  }
0xdb: {  	_ =	swait.ge [sflag:s15], $0x7D0  }
0xdc: {  	[sflag:s15] =	ssyncset.done $0x0  }
0xdd: {  	s21 =	sadd.s32 s21, s26;
	[sflag:s15] =	ssyncadd.s32 $0xFFFFF830  }
0xde: {  	[tilespmem:s7], [sflag:$0x2] =	stream.linear.gather [hbm4b:s21+s3], $0x7D0, $0x38;
	[tilespmem:$0x6608] =	vst v63  }
.Ltmp2:
0xdf: {  	_ =	swait.ge [sflag:s10], $0x3E8;
	(pc) =	sbr.rel @p1 .LBB2_6-.Ltmp2, $4  }
0xe0: {  	[sflag:s10] =	ssyncset.done $0x0  }
0xe1: {  	[sflag:s10] =	ssyncadd.s32 $0xFFFFFC18  }
0xe2: {  	_ =	swait.ge [sflag:s10], $0x3E8  }
0xe3: {  	[sflag:s10] =	ssyncset.done $0x0  }
0xe4: {  	[sflag:s10] =	ssyncadd.s32 $0xFFFFFC18  }
0xe5: {  	_ =	swait.ge [sflag:s11], $0x7D0  }
0xe6: {  	[sflag:s11] =	ssyncset.done $0x0  }
0xe7: {  	s20 =	simm.s32 $0x1300;
	[sflag:s11] =	ssyncadd.s32 $0xFFFFF830  }
0xe8: {  	[spmem:s1] =	stream.indirect.scatter.add.f32 [tilespmem:s0], [sflag:$0x3], $0x10, s20, s12, $0xb8;
	[tilespmem:$0x6608] =	vst v63  }
0xe9: {  	_ = 	snop  }
0xea: {  	[spmem:s2] =	stream.indirect.scatter.add.f32 [tilespmem:s5], [sflag:$0x5], $0x8, s20, s12, $0xb8;
	[tilespmem:$0x6608] =	vst v63  }
0xeb: {  	_ =	swait.ge [sflag:s13], $0x7D0  }
0xec: {  	[sflag:s13] =	ssyncset.done $0x0  }
0xed: {  	[sflag:s13] =	ssyncadd.s32 $0xFFFFF830  }
0xee: {  	[spmem:s1] =	stream.indirect.scatter.add.f32 [tilespmem:s7], [sflag:$0x4], $0x10, s18, s12, $0xb8;
	[tilespmem:$0x6608] =	vst v63  }
0xef: {  	_ = 	snop  }
0xf0: {  	[spmem:s2] =	stream.indirect.scatter.add.f32 [tilespmem:s5], [sflag:$0x5], $0x8, s18, s12, $0xb8;
	[tilespmem:$0x6608] =	vst v63  }
0xf1: {  	_ =	swait.ge [sflag:s14], $0x7D0  }
0xf2: {  	[sflag:s14] =	ssyncset.done $0x0  }
0xf3: {  	[sflag:s14] =	ssyncadd.s32 $0xFFFFF830  }
0xf4: {  	_ =	swait.ge [sflag:s15], $0x7D0  }
0xf5: {  	[sflag:s15] =	ssyncset.done $0x0  }
0xf6: {  	[sflag:s15] =	ssyncadd.s32 $0xFFFFF830  }
0xf7: {  	_ =	swait.ge [sflag:s10], $0x3E8  }
0xf8: {  	[sflag:s10] =	ssyncset.done $0x0  }
0xf9: {  	[sflag:s10] =	ssyncadd.s32 $0xFFFFFC18  }
0xfa: {  	_ =	swait.ge [sflag:s10], $0x3E8  }
0xfb: {  	[sflag:s10] =	ssyncset.done $0x0  }
0xfc: {  	[sflag:s10] =	ssyncadd.s32 $0xFFFFFC18  }
0xfd: {  	[bflag:$0x0] =	sbarrier.arrive $0xFFFF  }
0xfe: {  	[tilespmem:s0], [sflag:$0x6] =	stream.linear.gather [spmem:s9], $0x280, $0x38;
	[tilespmem:$0x6608] =	vst v63  }
0xff: {  	_ =	swait.ge [sflag:s4], $0x280  }
0x100: {  	[sflag:s4] =	ssyncset.done $0x0  }
0x101: {  	s21 =	rddreg [dreg:$0x12];
	[sflag:s4] =	ssyncadd.s32 $0xFFFFFD80  }
0x102: {  	[hbm4b:s21+s3] =	stream.linear.scatter [tilespmem:s0], [sflag:$0x6], $0x280, $0x38;
	[tilespmem:$0x6608] =	vst v63  }
0x103: {  	_ =	swait.ge [sflag:s4], $0x280  }
0x104: {  	[sflag:s4] =	ssyncset.done $0x0  }
0x105: {  	[sflag:s4] =	ssyncadd.s32 $0xFFFFFD80  }
0x106: {  	[tilespmem:s6], [sflag:$0x6] =	stream.linear.gather [spmem:s8], $0x140, $0x38;
	[tilespmem:$0x6608] =	vst v63  }
0x107: {  	_ =	swait.ge [sflag:s4], $0x140  }
0x108: {  	[sflag:s4] =	ssyncset.done $0x0  }
0x109: {  	s23 =	sadd.s32 $0x0, s17;
	[sflag:s4] =	ssyncadd.s32 $0xFFFFFEC0  }
0x10a: {  	[hbm4b:s23+s3] =	stream.linear.scatter [tilespmem:s6], [sflag:$0x6], $0x140, $0x38;
	[tilespmem:$0x6608] =	vst v63  }
0x10b: {  	s22 =	smov.u32 s9;
	s20 =	simm.s32 $0x28;
	_ =	swait.ge [sflag:s4], $0x140  }
0x10c: {  	s31 =	sadd.s32 $0x50, s21;
	s21 =	smov.u32 s8;
	[sflag:s4] =	ssyncset.done $0x0  }
.LBB2_8:
0x10d: {  	[sflag:s4] =	ssyncadd.s32 $0xFFFFFEC0  }
0x10e: {  	s21 =	sadd.s32 $0x140, s21;
	s22 =	sadd.s32 $0x280, s22;
	s23 =	smov.u32 s20  }
0x10f: {  	[tilespmem:s0], [sflag:$0x6] =	stream.linear.gather [spmem:s22], $0x280, $0x38;
	[tilespmem:$0x6608] =	vst v63  }
0x110: {  	p1 =	sne.s32 s20, $0x230;
	s20 =	sadd.s32 $0x28, s20;
	_ =	swait.ge [sflag:s4], $0x280  }
0x111: {  	[sflag:s4] =	ssyncset.done $0x0  }
0x112: {  	[sflag:s4] =	ssyncadd.s32 $0xFFFFFD80  }
0x113: {  	[hbm4b:s31+s3] =	stream.linear.scatter [tilespmem:s0], [sflag:$0x6], $0x280, $0x38;
	[tilespmem:$0x6608] =	vst v63  }
0x114: {  	_ =	swait.ge [sflag:s4], $0x280  }
0x115: {  	[sflag:s4] =	ssyncset.done $0x0  }
0x116: {  	[sflag:s4] =	ssyncadd.s32 $0xFFFFFD80  }
0x117: {  	[tilespmem:s6], [sflag:$0x6] =	stream.linear.gather [spmem:s21], $0x140, $0x38;
	[tilespmem:$0x6608] =	vst v63  }
0x118: {  	_ =	swait.ge [sflag:s4], $0x140  }
.Ltmp3:
0x119: {  	[sflag:s4] =	ssyncset.done $0x0;
	(pc) =	sbr.rel @p1 .LBB2_8-.Ltmp3, $4  }
0x11a: {  	s23 =	sadd.s32 s23, s17;
	[sflag:s4] =	ssyncadd.s32 $0xFFFFFEC0  }
0x11b: {  	[hbm4b:s23+s3] =	stream.linear.scatter [tilespmem:s6], [sflag:$0x6], $0x140, $0x38;
	[tilespmem:$0x6608] =	vst v63  }
0x11c: {  	_ =	swait.ge [sflag:s4], $0x140  }
0x11d: {  	s31 =	sadd.s32 $0x50, s31;
	[sflag:s4] =	ssyncset.done $0x0  }
0x11e: {  	[sflag:s4] =	ssyncadd.s32 $0xFFFFFEC0  }
0x11f: {  	[tilespmem:s0], [sflag:$0x6] =	stream.linear.gather [spmem:s29], $0x180, $0x38;
	[tilespmem:$0x6608] =	vst v63  }
0x120: {  	_ =	swait.ge [sflag:s4], $0x180  }
0x121: {  	[sflag:s4] =	ssyncset.done $0x0  }
0x122: {  	s20 =	rddreg [dreg:$0xd];
	[sflag:s4] =	ssyncadd.s32 $0xFFFFFE80  }
0x123: {  	[hbm4b:s20+s3] =	stream.linear.scatter [tilespmem:s0], [sflag:$0x6], $0x180, $0x38;
	[tilespmem:$0x6608] =	vst v63  }
0x124: {  	_ =	swait.ge [sflag:s4], $0x180  }
0x125: {  	[sflag:s4] =	ssyncset.done $0x0  }
0x126: {  	[sflag:s4] =	ssyncadd.s32 $0xFFFFFE80  }
0x127: {  	[tilespmem:s6], [sflag:$0x6] =	stream.linear.gather [spmem:s30], $0xC0, $0x38;
	[tilespmem:$0x6608] =	vst v63  }
0x128: {  	_ =	swait.ge [sflag:s4], $0xC0  }
0x129: {  	[sflag:s4] =	ssyncset.done $0x0  }
0x12a: {  	s22 =	rddreg [dreg:$0xe];
	[sflag:s4] =	ssyncadd.s32 $0xFFFFFF40  }
0x12b: {  	[hbm4b:s22+s3] =	stream.linear.scatter [tilespmem:s6], [sflag:$0x6], $0xC0, $0x38;
	[tilespmem:$0x6608] =	vst v63  }
0x12c: {  	_ =	swait.ge [sflag:s4], $0xC0  }
0x12d: {  	[sflag:s4] =	ssyncset.done $0x0  }
0x12e: {  	s21 =	simm.s32 @!p0 $0x6;
	s20 =	simm.s32 @!p0 $0x1400;
	[sflag:s4] =	ssyncadd.s32 $0xFFFFFF40  }
0x12f: {  	[tilespmem:s20], [sflag:$0x6] =	stream.linear.gather @!p0 [spmem:s16], $0x100, $0x38;
	[tilespmem:$0x6608] =	vst v63  }
0x130: {  	_ =	swait.ge @!p0 [sflag:s21], $0x100  }
0x131: {  	s23 =	smov.u32 s29;
	s29 =	smov.u32 s30;
	[sflag:s21] =	ssyncset.done @!p0 $0x0  }
0x132: {  	s22 =	simm.s32 @!p0 $0x0;
	s30 =	rddreg [dreg:$0xf];
	[sflag:s21] =	ssyncadd.s32 @!p0 $0xFFFFFF00  }
0x133: {  	[hbm4b:s30+s22] =	stream.linear.scatter @!p0 [tilespmem:s20], [sflag:$0x6], $0x100, $0x38;
	[tilespmem:$0x6608] =	vst v63  }
0x134: {  	_ =	swait.ge @!p0 [sflag:s21], $0x100  }
0x135: {  	s31 =	smov.u32 s16;
	[sflag:s21] =	ssyncset.done @!p0 $0x0  }
0x136: {  	s20 =	simm.s32 @!p0 $0x2788;
	s16 =	rddreg [dreg:$0x13];
	[sflag:s21] =	ssyncadd.s32 @!p0 $0xFFFFFF00  }
0x137: {  	[tilespmem:s20], [sflag:$0x6] =	stream.linear.gather @!p0 [spmem:s16], $0x80, $0x38;
	[tilespmem:$0x6608] =	vst v63  }
0x138: {  	_ =	swait.ge @!p0 [sflag:s21], $0x80  }
0x139: {  	[sflag:s21] =	ssyncset.done @!p0 $0x0  }
0x13a: {  	s30 =	rddreg [dreg:$0x10];
	[sflag:s21] =	ssyncadd.s32 @!p0 $0xFFFFFF80  }
0x13b: {  	[hbm4b:s30+s22] =	stream.linear.scatter @!p0 [tilespmem:s20], [sflag:$0x6], $0x80, $0x38;
	[tilespmem:$0x6608] =	vst v63  }
0x13c: {  	_ =	swait.ge @!p0 [sflag:s21], $0x80  }
0x13d: {  	s19 =	sadd.s32 $0x1, s19;
	s30 =	rddreg [dreg:$0x11]  }
0x13e: {  	p1 =	sne.s32 s19, s30  }
.Ltmp4:
0x13f: {  	_ = 	snop;
	(pc) =	sbr.rel @p1 .LBB2_1-.Ltmp4, $3  }
0x140: {  	_ =	sdelay $0x1  }
0x141: {  	[sflag:s21] =	ssyncset.done @!p0 $0x0  }
0x142: {  	[sflag:s21] =	ssyncadd.s32 @!p0 $0xFFFFFF80  }
0x143: {  	_ =	sfence.sel $0x180000  }
0x144: {  	[bflag:$0x0] =	sbarrier.arrive $0xFFFF  }
0x145: {  	_ =	strace $0x90000047  }
0x146: {  	s0 =	stileid.u32;
	[bflag:$0x2] =	sbarrier.arrive $0xFFFF  }
0x147: {  	p0 =	sne.s32 s0, $0x0;
	s0 =	rddreg [dreg:$0x4]  }
0x148: {  	s0 =	sadd.s32 @!p0 $0x100000, s0  }
0x149: {  	[sflag:s0] =	ssyncadd.tile.s32 @!p0 $0x1;
	_ =	shalt  }
.Lfunc_end2:
_tile_overlayer_lowered:
.L_overlay_start_2:
0x14a: {  	(tag) =	ssettag $0x2  }
0x14b: {  	s0 =	rddreg [dreg:$0x0];
	s2 =	stileid.u32  }
0x14c: {  	s1 =	rddreg [dreg:$0x1];
	p0 =	sne.s32 s2, $0x0  }
0x14d: {  	s3 =	rddreg [dreg:$0x2];
	[bflag:$0x3] =	sbarrier.arrive $0xFFFF;
	s2 =	simm.s32 @!p0 $0x1C06  }
0x14e: {  	[timem:s3], [sflag:s2] =	dma.local @!p0 [hbm:s0], s1  }
0x14f: {  	s0 =	simm.s32 @!p0 $0x6  }
0x150: {  	_ =	swait.ge @!p0 [sflag:s0], s1  }
0x151: {  	s1 =	ssub.s32 @!p0 $0x0, s1;
	[sflag:s0] =	ssyncset.done @!p0 $0x0  }
0x152: {  	[sflag:s0] =	ssyncadd.s32 @!p0 s1  }
0x153: {  	[bflag:$0x3] =	sbarrier.arrive $0xFFFF  }
0x154: {  	_ =	shalt  }

// kernel: kernel.9.cloned.1.call-start
scs
__scs_entry_jumppad:
0x0: {  	(pc) =	sbr.rel $0x88, $3  }
0x1: {  	(tag) =	ssettag $0x0;
	lr =	simm.s32 $0x1  }
0x2: {  	[smem:$0x3F9A] =	sst lr;
	_ =	strace $0xD0000000  }
0x3: {  	_ = 	snop  }
0x4: {  	_ = 	snop  }
0x5: {  	_ = 	snop  }
0x6: {  	_ = 	snop  }
0x7: {  	_ = 	snop  }
__scs_overlays_trampoline_lowered:
0x8: {  	[smem:$0x3FA9] =	sst s0  }
0x9: {  	[smem:$0x3FAA] =	sst s1  }
0xa: {  	[smem:$0x3FAB] =	sst s2  }
0xb: {  	[smem:$0x3FAC] =	sst s3  }
0xc: {  	[smem:$0x3FAD] =	sst s4  }
0xd: {  	[smem:$0x3FAE] =	sst s5  }
0xe: {  	[smem:$0x3FAF] =	sst s6  }
0xf: {  	[smem:$0x3FB0] =	sst s7  }
0x10: {  	[smem:$0x3FB1] =	sst s8  }
0x11: {  	[smem:$0x3FB2] =	sst s9;
	s0 =	simm.s32 @!p0 $0x0  }
0x12: {  	s1 =	sld [smem:$0x3F98];
	s0 =	simm.s32 @p0 $0x1  }
0x13: {  	[smem:$0x3FB3] =	sst s0;
	s0 =	simm.s32 @!p1 $0x0  }
0x14: {  	s2 =	sld [smem:$0x3F97];
	s0 =	simm.s32 @p1 $0x1  }
0x15: {  	[smem:$0x3FB4] =	sst s0;
	s0 =	simm.s32 @!p2 $0x0  }
0x16: {  	s3 =	sld [smem:$0x3FDB];
	s0 =	simm.s32 @p2 $0x1  }
0x17: {  	s4 =	simm.s32 $0x1BF5;
	[smem:$0x3FB6] =	sst s0  }
0x18: {  	s0 =	sld [smem:$0x3F99];
	_ =	swait.ge [sflag:s4], $0x0  }
0x19: {  	s7 =	sld [smem:$0x3F9A]  }
0x1a: {  	s8 =	sadd.s32 $0xFFFFE003, lr  }
0x1b: {  	s9 =	sadd.s32 $0xFFFFFEF7, lr;
	s5 =	simm.s32 $0xFFFFFFFF;
	p2 =	slt.u32 s8, $0xFFFFF086  }
0x1c: {  	p1 =	slt.u32 s9, $0xF7A;
	s5 =	simm.s32 @!p2 $0x0  }
0x1d: {  	s5 =	simm.s32 @p1 $0x1;
	p0 =	seq.s32 s7, s2  }
0x1e: {  	s7 =	smul.u32 @!p0 $0xF7A, s2;
	p2 =	seq.s32 @!p0 s5, $0x0  }
0x1f: {  	s9 =	smul.u32 $0xF7A, s1;
	s8 =	simm.s32 @!p0 $0x1BF5;
	p2 =	por !p2, p0  }
0x20: {  	[sflag:s8] =	ssyncset.s32 @!p0 $0xFFFFF086;
	s6 =	sadd.s32 @!p0 s3, s7;
	s7 =	simm.s32 @!p0 $0x108  }
0x21: {  	s3 =	sadd.s32 s3, s9;
	s6 =	sadd.s32 @!p0 $0x88, s6;
	s7 =	simm.s32 @p2 $0x1082  }
0x22: {  	[simem:s7], [sflag:s8] =	dma.local @!p0 [hbm:s6], $0xF7A  }
0x23: {  	s9 =	sor.u32 $0xD0000000, s2;
	s6 =	simm.s32 $0x108;
	_ =	swait.ge @!p0 [sflag:s8], $0x0  }
0x24: {  	s3 =	sadd.s32 $0x88, s3;
	s6 =	simm.s32 @!p1 $0x1082;
	[sflag:s4] =	ssyncset.s32 $0xFFFFF086  }
0x25: {  	[simem:s6], [sflag:s4] =	dma.local [hbm:s3], $0xF7A  }
0x26: {  	[smem:$0x3F9A] =	sst s1;
	(tag) =	ssettag s2;
	_ =	strace s9  }
0x27: {  	s1 =	sld [smem:$0x3FAA]  }
0x28: {  	s2 =	sld [smem:$0x3FAB]  }
0x29: {  	s4 =	sld [smem:$0x3FAD]  }
0x2a: {  	p0 =	seq.s32 s5, $0x0;
	s5 =	sld [smem:$0x3FAE]  }
0x2b: {  	s6 =	sld [smem:$0x3FAF]  }
0x2c: {  	s7 =	sld [smem:$0x3FB0]  }
0x2d: {  	s3 =	simm.s32 $0x108;
	s8 =	sld [smem:$0x3FB1]  }
0x2e: {  	s3 =	simm.s32 @!p0 $0x1082;
	s9 =	sld [smem:$0x3FB2]  }
0x2f: {  	lr =	sadd.s32 s0, s3;
	s0 =	sld [smem:$0x3FA9]  }
0x30: {  	s3 =	sld [smem:$0x3FAC]  }
0x31: {  	[smem:$0x3FB5] =	sst s10  }
0x32: {  	s10 =	sld [smem:$0x3FB3];
	_ =	sdelay $0x3  }
0x33: {  	p0 =	seq.s32 s10, $0x1;
	s10 =	sld [smem:$0x3FB5];
	_ =	sdelay $0x3  }
0x34: {  	[smem:$0x3FB5] =	sst s10  }
0x35: {  	s10 =	sld [smem:$0x3FB4];
	_ =	sdelay $0x3  }
0x36: {  	p1 =	seq.s32 s10, $0x1;
	s10 =	sld [smem:$0x3FB5];
	_ =	sdelay $0x3  }
0x37: {  	[smem:$0x3FB5] =	sst s10  }
0x38: {  	s10 =	sld [smem:$0x3FB6]  }
0x39: {  	_ = 	snop;
	(pc) =	sbr.ind lr, $3  }
0x3a: {  	_ = 	snop  }
0x3b: {  	_ = 	snop  }
0x3c: {  	p2 =	seq.s32 s10, $0x1;
	s10 =	sld [smem:$0x3FB5]  }
0x3d: {  	_ =	shalt  }
0x3e: {  	_ =	shalt  }
0x3f: {  	_ =	shalt  }
0x40: {  	_ =	shalt  }
0x41: {  	_ =	shalt  }
0x42: {  	_ =	shalt  }
0x43: {  	_ =	shalt  }
0x44: {  	_ =	shalt  }
0x45: {  	_ =	shalt  }
0x46: {  	_ =	shalt  }
0x47: {  	_ =	shalt  }
0x48: {  	_ =	shalt  }
0x49: {  	_ =	shalt  }
0x4a: {  	_ =	shalt  }
0x4b: {  	_ =	shalt  }
0x4c: {  	_ =	shalt  }
0x4d: {  	_ =	shalt  }
0x4e: {  	_ =	shalt  }
0x4f: {  	_ =	shalt  }
0x50: {  	_ =	shalt  }
0x51: {  	_ =	shalt  }
0x52: {  	_ =	shalt  }
0x53: {  	_ =	shalt  }
0x54: {  	_ =	shalt  }
0x55: {  	_ =	shalt  }
0x56: {  	_ =	shalt  }
0x57: {  	_ =	shalt  }
0x58: {  	_ =	shalt  }
0x59: {  	_ =	shalt  }
0x5a: {  	_ =	shalt  }
0x5b: {  	_ =	shalt  }
0x5c: {  	_ =	shalt  }
0x5d: {  	_ =	shalt  }
0x5e: {  	_ =	shalt  }
0x5f: {  	_ =	shalt  }
0x60: {  	_ =	shalt  }
0x61: {  	_ =	shalt  }
0x62: {  	_ =	shalt  }
0x63: {  	_ =	shalt  }
0x64: {  	_ =	shalt  }
0x65: {  	_ =	shalt  }
0x66: {  	_ =	shalt  }
0x67: {  	_ =	shalt  }
0x68: {  	_ =	shalt  }
0x69: {  	_ =	shalt  }
0x6a: {  	_ =	shalt  }
0x6b: {  	_ =	shalt  }
0x6c: {  	_ =	shalt  }
0x6d: {  	_ =	shalt  }
0x6e: {  	_ =	shalt  }
0x6f: {  	_ =	shalt  }
0x70: {  	_ =	shalt  }
0x71: {  	_ =	shalt  }
0x72: {  	_ =	shalt  }
0x73: {  	_ =	shalt  }
0x74: {  	_ =	shalt  }
0x75: {  	_ =	shalt  }
0x76: {  	_ =	shalt  }
0x77: {  	_ =	shalt  }
0x78: {  	_ =	shalt  }
0x79: {  	_ =	shalt  }
0x7a: {  	_ =	shalt  }
0x7b: {  	_ =	shalt  }
0x7c: {  	_ =	shalt  }
0x7d: {  	_ =	shalt  }
0x7e: {  	_ =	shalt  }
0x7f: {  	_ =	shalt  }
0x80: {  	_ =	shalt  }
0x81: {  	_ =	shalt  }
0x82: {  	_ =	shalt  }
0x83: {  	_ =	shalt  }
0x84: {  	_ =	shalt  }
0x85: {  	_ =	shalt  }
0x86: {  	_ =	shalt  }
0x87: {  	_ =	shalt  }
.Lfunc_end0:
.L_simem_size_0:
called_computation.1_lowered:
.L_overlay_start_0:
0x88: {  	s2 =	sld [smem:$0x3FD9]  }
0x89: {  	s3 =	sld [smem:$0x3FFE];
	_ =	sdelay $0x1  }
0x8a: {  	s1 =	srdreg.scid  }
0x8b: {  	s0 =	sand.u32 $0x1, s1  }
0x8c: {  	s17 =	sshll.u32 s0, $0xA;
	s2 =	sadd.s32 s3, s2  }
0x8d: {  	s2 =	sadd.s32 s2, s17  }
0x8e: {  	[smem:$0x3FC1] =	sst s2  }
0x8f: {  	_ = 	snop  }
0x90: {  	s2 =	sld [smem:$0x3FD0];
	(tm) =	ssettm $0x1  }
0x91: {  	s18 =	sld [smem:$0x3FFB];
	_ =	sdelay $0x3  }
0x92: {  	_ =	strace s18  }
0x93: {  	s3 =	sld [smem:$0x3FFC];
	_ =	sdelay $0x3  }
0x94: {  	_ =	strace s3  }
0x95: {  	s3 =	sld [smem:$0x3FFD];
	_ =	sdelay $0x3  }
0x96: {  	_ =	strace s3  }
0x97: {  	_ =	strace $0x8FFFFFFF  }
0x98: {  	s19 =	sld [smem:$0x3FDB];
	_ =	sdelay $0x1  }
0x99: {  	s4 =	simm.s32 $_scs_section_size  }
0x9a: {  	s5 =	simm.s32 $_size__tile_overlayer_lowered;
	s6 =	simm.s32 $_tile_overlayer_lowered  }
0x9b: {  	s22 =	simm.s32 $0x1BFF;
	s21 =	sshll.u32 s6, $0x1;
	s3 =	sadd.s32 s4, s19  }
0x9c: {  	s7 =	simm.s32 $0x0;
	s20 =	sshll.u32 s5, $0x1;
	s5 =	sadd.s32 s21, s3  }
0x9d: {  	[timem:s7], [sflag:s22] =	dma.local [hbm:s5], s20  }
0x9e: {  	_ =	swait.ge [sflag:s22], s20  }
0x9f: {  	s4 =	ssub.s32 $0x0, s20;
	[sflag:s22] =	ssyncset.done $0x0  }
0xa0: {  	[sflag:s22] =	ssyncadd.s32 s4;
	_ =	sdelay $0x1  }
0xa1: {  	s23 =	simm.s32 $0x1B8B  }
0xa2: {  	_ =	swait.ge [sflag:s23], $0x1  }
0xa3: {  	[sflag:s23] =	ssyncset.done $0x0  }
0xa4: {  	s25 =	simm.s32 $0x1B8E;
	s24 =	sld [smem:$0x3FFE];
	[sflag:s23] =	ssyncadd.s32 $0xFFFFFFFF  }
0xa5: {  	s26 =	simm.s32 $execute0_lowered;
	[smem:$0x3FD2] =	sst s25  }
0xa6: {  	s5 =	sshll.u32 s26, $0x1;
	_ =	strace $0x80000049;
	[dreg:$0x1] =	wrdreg $0xFFFFFFFF  }
0xa7: {  	s28 =	simm.s32 $_size_execute0_lowered;
	s3 =	sadd.s32 s3, s5;
	[dreg:$0x0] =	wrdreg $0x0  }
0xa8: {  	s5 =	sshll.u32 s28, $0x1;
	[dreg:$0x2] =	wrdreg s3  }
0xa9: {  	[dreg:$0x3] =	wrdreg s5  }
0xaa: {  	[dreg:$0x4] =	wrdreg $0xC0  }
0xab: {  	_ =	task [dreg:s7], $0x5FFFF  }
0xac: {  	[dreg:$0x1] =	wrdreg $0xFFFFFFFF  }
0xad: {  	[dreg:$0x0] =	wrdreg $0x60  }
0xae: {  	[dreg:$0x2] =	wrdreg s2  }
0xaf: {  	[dreg:$0x3] =	wrdreg s24  }
0xb0: {  	[dreg:$0x4] =	wrdreg $0x5FA00  }
0xb1: {  	[dreg:$0x5] =	wrdreg $0x9  }
0xb2: {  	_ =	task.clear_ibuf [dreg:s7], $0x6FFFF;
	_ =	strace $0x90000049  }
0xb3: {  	s29 =	simm.s32 $0x9;
	_ =	strace $0x8000004B  }
0xb4: {  	_ =	swait.ge [sflag:s29], $0x1  }
0xb5: {  	[sflag:s29] =	ssyncadd.s32 $0xFFFFFFFF  }
0xb6: {  	_ =	strace $0x9000004B  }
0xb7: {  	_ =	sfence  }
0xb8: {  	s30 =	sld [smem:$0x0];
	_ =	sdelay $0x2  }
0xb9: {  	s31 =	sshll.u32 s1, $0xD;
	s1 =	sshrl.u32 s1, $0x2  }
0xba: {  	s3 =	sand.u32 $0x4000, s31;
	s1 =	sadd.s32 s1, s30  }
0xbb: {  	s0 =	sor.u32 s3, s0;
	s1 =	sshll.u32 s1, $0x11  }
0xbc: {  	s0 =	sor.u32 s1, s0  }
0xbd: {  	s0 =	sadd.s32 $0x8F2B, s0  }
0xbe: {  	[sflag:s0] =	ssyncadd.remote.s32 $0x1  }
0xbf: {  	_ =	sfence.sel $0xFFFF  }
0xc0: {  	[dreg:$0x0] =	wrdreg $0xFFFFFFFF;
	(pc) =	sbr.abs _section_cstart, $3  }
0xc1: {  	[dreg:$0x1] =	wrdreg $0xFFFFFFFF  }
0xc2: {  	_ =	task.clear_ibuf [dreg:s7], $0x2FFFF;
	_ =	strace $0x9FFFFFFF  }
0xc3: {  	(tm) =	ssettm $0x7FFFFFFF  }
tec
execute0_lowered:
.L_overlay_start_1:
0x0: {  	(tag) =	ssettag $0x1  }
0x1: {  	s1 =	rddreg [dreg:$0x0]  }
0x2: {  	s0 =	rddreg [dreg:$0x1]  }
0x3: {  	s2 =	rddreg [dreg:$0x2]  }
0x4: {  	s3 =	simm.s32 $0x0;
	s4 =	srdreg.scid;
	s13 =	stileid.u32  }
0x5: {  	[smem:$0x7FF] =	sst s3;
	s5 =	sadd.s32 $0x2800, s0;
	s4 =	sand.u32 $0x1, s4  }
0x6: {  	s9 =	smul.u32 $0x13800, s13;
	s10 =	sadd.s32 $0x16400, s0;
	s18 =	sadd.s32 $0x138000, s2  }
0x7: {  	_ =	strace $0x8000004A;
	s7 =	sshll.u32 s4, $0x4;
	[dreg:$0x4] =	wrdreg s10  }
0x8: {  	s8 =	ssub.s32 $0x2, s4;
	s4 =	smul.u32 $0x138800, s4;
	[dreg:$0x6] =	wrdreg s18  }
0x9: {  	s7 =	sor.u32 s13, s7;
	s12 =	sshrl.u32 s8, $0x1;
	s14 =	sadd.s32 $0x12C00, s9  }
0xa: {  	s7 =	smul.u32 $0x2710, s7;
	s8 =	ssub.s32 s8, s12;
	s16 =	sadd.s32 s14, s2  }
0xb: {  	s24 =	sadd.s32 s4, s14;
	s25 =	sshrl.u32 s4, $0x3;
	s4 =	sadd.s32 s9, s4  }
0xc: {  	s9 =	smax.u32 s8, $0x1;
	[dreg:$0x5] =	wrdreg s16;
	s7 =	sshrl.u32 s7, $0x3  }
0xd: {  	s6 =	sadd.s32 $0xC600, s0;
	[dreg:$0x13] =	wrdreg s9;
	s11 =	sadd.s32 s5, s7  }
0xe: {  	s15 =	sadd.s32 s6, s7;
	s17 =	sadd.s32 $0xFA, s7;
	[dreg:$0x7] =	wrdreg s11  }
0xf: {  	[dreg:$0x8] =	wrdreg s15;
	s12 =	sadd.s32 s5, s17  }
0x10: {  	s19 =	sadd.s32 $0x1F4, s7;
	s11 =	sadd.s32 s6, s17;
	[dreg:$0x9] =	wrdreg s12  }
0x11: {  	s21 =	sadd.s32 $0x2EE, s7;
	s20 =	sadd.s32 s5, s19;
	[dreg:$0xa] =	wrdreg s11  }
0x12: {  	s0 =	sadd.s32 $0x16800, s0;
	s22 =	sadd.s32 s5, s21;
	[dreg:$0xb] =	wrdreg s20  }
0x13: {  	s7 =	sadd.s32 $0x3E8, s7;
	s23 =	sadd.s32 s6, s21;
	[dreg:$0xd] =	wrdreg s22  }
0x14: {  	s26 =	smul.u32 $0x4E000, s13;
	s5 =	sadd.s32 s5, s7;
	[dreg:$0xe] =	wrdreg s23  }
0x15: {  	s11 =	sadd.s32 s6, s19;
	[dreg:$0xf] =	wrdreg s5;
	s5 =	sshrl.u32 s24, $0x3  }
0x16: {  	s6 =	sadd.s32 s6, s7;
	s7 =	sshrl.u32 s26, $0x2;
	[dreg:$0xc] =	wrdreg s11  }
0x17: {  	[dreg:$0x10] =	wrdreg s6;
	s5 =	sadd.s32 s0, s5;
	s6 =	sadd.s32 s0, s25  }
0x18: {  	s21 =	sadd.s32 s7, s2;
	[dreg:$0x11] =	wrdreg s5;
	s5 =	sadd.s32 $0x27000, s6  }
0x19: {  	s31 =	simm.s32 $0x50;
	s10 =	sadd.s32 $0x2800, s21;
	[dreg:$0x12] =	wrdreg s5  }
0x1a: {  	s28 =	simm.s32 $0x6;
	s11 =	sadd.s32 $0x3C00, s21;
	[dreg:$0x15] =	wrdreg s10  }
0x1b: {  	s29 =	simm.s32 $0x7;
	s12 =	sadd.s32 $0x5000, s21;
	[dreg:$0x16] =	wrdreg s11  }
0x1c: {  	p0 =	sne.s32 s13, $0xF;
	s13 =	sadd.s32 $0x6400, s21;
	[dreg:$0x17] =	wrdreg s12  }
0x1d: {  	s30 =	simm.s32 $0x8;
	s14 =	sadd.s32 $0x7800, s21;
	[dreg:$0x18] =	wrdreg s13  }
0x1e: {  	s4 =	sshrl.u32 s4, $0x3;
	s15 =	sadd.s32 $0x8C00, s21;
	[dreg:$0x19] =	wrdreg s14  }
0x1f: {  	s8 =	simm.s32 $0x780;
	s17 =	sadd.s32 $0xA000, s21;
	[dreg:$0x1a] =	wrdreg s15  }
0x20: {  	s9 =	simm.s32 $0x7A8;
	s19 =	sadd.s32 $0xB400, s21;
	[dreg:$0x1b] =	wrdreg s17  }
0x21: {  	s24 =	sadd.s32 s4, s0;
	s20 =	sadd.s32 $0xC800, s21;
	[dreg:$0x1c] =	wrdreg s19  }
0x22: {  	s4 =	simm.s32 $0x7D0;
	s22 =	sadd.s32 $0xDC00, s21;
	[dreg:$0x1d] =	wrdreg s20  }
0x23: {  	s7 =	simm.s32 $0x0;
	s23 =	sadd.s32 $0xF000, s21;
	[dreg:$0x1e] =	wrdreg s22  }
0x24: {  	s25 =	sadd.s32 $0x10400, s21;
	s26 =	sadd.s32 $0x11800, s21;
	[dreg:$0x1f] =	wrdreg s23  }
0x25: {  	s6 =	simm.s32 $0xF78;
	s5 =	sadd.s32 $0x1400, s21;
	[smem:$0x7FC] =	sst s25  }
0x26: {  	[smem:$0x7FD] =	sst s26;
	s11 =	simm.s32 $0xFA0;
	s12 =	simm.s32 $0x9  }
0x27: {  	s14 =	simm.s32 $0x28;
	s15 =	simm.s32 $0x23A0;
	s17 =	simm.s32 $0x37A0  }
0x28: {  	s19 =	simm.s32 $0x4BA0;
	s20 =	simm.s32 $0x1;
	s22 =	simm.s32 $0x2  }
0x29: {  	s23 =	simm.s32 $0x3;
	s25 =	simm.s32 $0x4;
	s26 =	simm.s32 $0x5  }
0x2a: {  	s10 =	simm.s32 $0xF50;
	[dreg:$0x14] =	wrdreg s5;
	s5 =	simm.s32 $0xF28  }
.LBB2_1:
0x2b: {  	s13 =	rddreg [dreg:$0x4]  }
0x2c: {  	[tilespmem:s11], [sflag:$0x9] =	stream.linear.gather [hbm4b:s13+s3], $0x1400, $0x38;
	[tilespmem:$0x19820] =	vst v63  }
0x2d: {  	_ =	swait.ge [sflag:s12], $0x1400  }
0x2e: {  	[sflag:s12] =	ssyncset.done $0x0  }
0x2f: {  	[sflag:s12] =	ssyncadd.s32 $0xFFFFEC00  }
0x30: {  	[spmem:s21] =	stream.linear.scatter [tilespmem:s11], [sflag:$0x9], $0x1400, $0x38;
	[tilespmem:$0x19820] =	vst v63  }
0x31: {  	_ =	swait.ge [sflag:s12], $0x1400  }
0x32: {  	[sflag:s12] =	ssyncset.done $0x0  }
0x33: {  	s0 =	rddreg [dreg:$0x14];
	[sflag:s12] =	ssyncadd.s32 $0xFFFFEC00  }
0x34: {  	[spmem:s0] =	stream.linear.scatter [tilespmem:s11], [sflag:$0x9], $0x1400, $0x38;
	[tilespmem:$0x19820] =	vst v63  }
0x35: {  	_ =	swait.ge [sflag:s12], $0x1400  }
0x36: {  	[sflag:s12] =	ssyncset.done $0x0  }
0x37: {  	s13 =	rddreg [dreg:$0x15];
	[sflag:s12] =	ssyncadd.s32 $0xFFFFEC00  }
0x38: {  	[spmem:s13] =	stream.linear.scatter [tilespmem:s11], [sflag:$0x9], $0x1400, $0x38;
	[tilespmem:$0x19820] =	vst v63  }
0x39: {  	_ =	swait.ge [sflag:s12], $0x1400  }
0x3a: {  	[sflag:s12] =	ssyncset.done $0x0  }
0x3b: {  	s13 =	rddreg [dreg:$0x16];
	[sflag:s12] =	ssyncadd.s32 $0xFFFFEC00  }
0x3c: {  	[spmem:s13] =	stream.linear.scatter [tilespmem:s11], [sflag:$0x9], $0x1400, $0x38;
	[tilespmem:$0x19820] =	vst v63  }
0x3d: {  	_ =	swait.ge [sflag:s12], $0x1400  }
0x3e: {  	[sflag:s12] =	ssyncset.done $0x0  }
0x3f: {  	s13 =	rddreg [dreg:$0x17];
	[sflag:s12] =	ssyncadd.s32 $0xFFFFEC00  }
0x40: {  	[spmem:s13] =	stream.linear.scatter [tilespmem:s11], [sflag:$0x9], $0x1400, $0x38;
	[tilespmem:$0x19820] =	vst v63  }
0x41: {  	_ =	swait.ge [sflag:s12], $0x1400  }
0x42: {  	[sflag:s12] =	ssyncset.done $0x0  }
0x43: {  	s13 =	rddreg [dreg:$0x18];
	[sflag:s12] =	ssyncadd.s32 $0xFFFFEC00  }
0x44: {  	[spmem:s13] =	stream.linear.scatter [tilespmem:s11], [sflag:$0x9], $0x1400, $0x38;
	[tilespmem:$0x19820] =	vst v63  }
0x45: {  	_ =	swait.ge [sflag:s12], $0x1400  }
0x46: {  	[sflag:s12] =	ssyncset.done $0x0  }
0x47: {  	s13 =	rddreg [dreg:$0x19];
	[sflag:s12] =	ssyncadd.s32 $0xFFFFEC00  }
0x48: {  	[spmem:s13] =	stream.linear.scatter [tilespmem:s11], [sflag:$0x9], $0x1400, $0x38;
	[tilespmem:$0x19820] =	vst v63  }
0x49: {  	_ =	swait.ge [sflag:s12], $0x1400  }
0x4a: {  	[sflag:s12] =	ssyncset.done $0x0  }
0x4b: {  	s13 =	rddreg [dreg:$0x1a];
	[sflag:s12] =	ssyncadd.s32 $0xFFFFEC00  }
0x4c: {  	[spmem:s13] =	stream.linear.scatter [tilespmem:s11], [sflag:$0x9], $0x1400, $0x38;
	[tilespmem:$0x19820] =	vst v63  }
0x4d: {  	_ =	swait.ge [sflag:s12], $0x1400  }
0x4e: {  	[sflag:s12] =	ssyncset.done $0x0  }
0x4f: {  	s13 =	rddreg [dreg:$0x1b];
	[sflag:s12] =	ssyncadd.s32 $0xFFFFEC00  }
0x50: {  	[spmem:s13] =	stream.linear.scatter [tilespmem:s11], [sflag:$0x9], $0x1400, $0x38;
	[tilespmem:$0x19820] =	vst v63  }
0x51: {  	_ =	swait.ge [sflag:s12], $0x1400  }
0x52: {  	[sflag:s12] =	ssyncset.done $0x0  }
0x53: {  	s13 =	rddreg [dreg:$0x1c];
	[sflag:s12] =	ssyncadd.s32 $0xFFFFEC00  }
0x54: {  	[spmem:s13] =	stream.linear.scatter [tilespmem:s11], [sflag:$0x9], $0x1400, $0x38;
	[tilespmem:$0x19820] =	vst v63  }
0x55: {  	_ =	swait.ge [sflag:s12], $0x1400  }
0x56: {  	[sflag:s12] =	ssyncset.done $0x0  }
0x57: {  	s13 =	rddreg [dreg:$0x1d];
	[sflag:s12] =	ssyncadd.s32 $0xFFFFEC00  }
0x58: {  	[spmem:s13] =	stream.linear.scatter [tilespmem:s11], [sflag:$0x9], $0x1400, $0x38;
	[tilespmem:$0x19820] =	vst v63  }
0x59: {  	_ =	swait.ge [sflag:s12], $0x1400  }
0x5a: {  	[sflag:s12] =	ssyncset.done $0x0  }
0x5b: {  	s13 =	rddreg [dreg:$0x1e];
	[sflag:s12] =	ssyncadd.s32 $0xFFFFEC00  }
0x5c: {  	[spmem:s13] =	stream.linear.scatter [tilespmem:s11], [sflag:$0x9], $0x1400, $0x38;
	[tilespmem:$0x19820] =	vst v63  }
0x5d: {  	_ =	swait.ge [sflag:s12], $0x1400  }
0x5e: {  	[sflag:s12] =	ssyncset.done $0x0  }
0x5f: {  	s13 =	rddreg [dreg:$0x1f];
	[sflag:s12] =	ssyncadd.s32 $0xFFFFEC00  }
0x60: {  	[spmem:s13] =	stream.linear.scatter [tilespmem:s11], [sflag:$0x9], $0x1400, $0x38;
	[tilespmem:$0x19820] =	vst v63  }
0x61: {  	_ =	swait.ge [sflag:s12], $0x1400  }
0x62: {  	s13 =	sld [smem:$0x7FC]  }
0x63: {  	[sflag:s12] =	ssyncset.done $0x0  }
0x64: {  	[sflag:s12] =	ssyncadd.s32 $0xFFFFEC00  }
0x65: {  	[spmem:s13] =	stream.linear.scatter [tilespmem:s11], [sflag:$0x9], $0x1400, $0x38;
	[tilespmem:$0x19820] =	vst v63  }
0x66: {  	_ =	swait.ge [sflag:s12], $0x1400  }
0x67: {  	s13 =	sld [smem:$0x7FD]  }
0x68: {  	[sflag:s12] =	ssyncset.done $0x0  }
0x69: {  	[sflag:s12] =	ssyncadd.s32 $0xFFFFEC00  }
0x6a: {  	[spmem:s13] =	stream.linear.scatter [tilespmem:s11], [sflag:$0x9], $0x1400, $0x38;
	[tilespmem:$0x19820] =	vst v63  }
0x6b: {  	_ =	swait.ge [sflag:s12], $0x1400  }
0x6c: {  	[sflag:s12] =	ssyncset.done $0x0  }
0x6d: {  	[sflag:s12] =	ssyncadd.s32 $0xFFFFEC00  }
0x6e: {  	[spmem:s16] =	stream.linear.scatter [tilespmem:s11], [sflag:$0x9], $0xC00, $0x38;
	[tilespmem:$0x19820] =	vst v63  }
0x6f: {  	_ =	swait.ge [sflag:s12], $0xC00  }
0x70: {  	[sflag:s12] =	ssyncset.done $0x0  }
0x71: {  	s13 =	simm.s32 @!p0 $0xFA0;
	[sflag:s12] =	ssyncadd.s32 $0xFFFFF400  }
0x72: {  	[spmem:s18] =	stream.linear.scatter @!p0 [tilespmem:s13], [sflag:$0x9], $0x800, $0x38;
	[tilespmem:$0x19820] =	vst v63  }
0x73: {  	s13 =	simm.s32 @!p0 $0x9  }
0x74: {  	_ =	swait.ge @!p0 [sflag:s13], $0x800  }
0x75: {  	[sflag:s13] =	ssyncset.done @!p0 $0x0  }
0x76: {  	[sflag:s13] =	ssyncadd.s32 @!p0 $0xFFFFF800  }
0x77: {  	[bflag:$0x0] =	sbarrier.arrive $0xFFFF  }
0x78: {  	s18 =	rddreg [dreg:$0x7]  }
0x79: {  	[tilespmem:s3], [sflag:$0x9] =	stream.linear.gather [hbm4b:s18+s3], $0x7D0, $0x38;
	[tilespmem:$0x19820] =	vst v63  }
0x7a: {  	_ =	swait.ge [sflag:s12], $0x7D0  }
0x7b: {  	[sflag:s12] =	ssyncset.done $0x0  }
0x7c: {  	s13 =	rddreg [dreg:$0x8];
	[sflag:s12] =	ssyncadd.s32 $0xFFFFF830  }
0x7d: {  	[tilespmem:s4], [sflag:$0x9] =	stream.linear.gather [hbm4b:s13+s3], $0x7D0, $0x38;
	[tilespmem:$0x19820] =	vst v63  }
0x7e: {  	_ =	swait.ge [sflag:s12], $0x7D0  }
0x7f: {  	[sflag:s12] =	ssyncset.done $0x0  }
0x80: {  	[sflag:s12] =	ssyncadd.s32 $0xFFFFF830  }
0x81: {  	[tilespmem:s11], [sflag:$0x1] =	stream.indirect.gather [hbm4b:s1+s14], $0x80, s3, s14, $0xb8;
	[tilespmem:$0x19820] =	vst v63  }
0x82: {  	_ = 	snop  }
0x83: {  	[tilespmem:s15], [sflag:$0x2] =	stream.indirect.gather [hbm4b:s1+s14], $0x80, s14, s14, $0xb8;
	[tilespmem:$0x19820] =	vst v63  }
0x84: {  	_ = 	snop  }
0x85: {  	[tilespmem:s17], [sflag:$0x3] =	stream.indirect.gather [hbm4b:s1+s14], $0x80, s31, s14, $0xb8;
	[tilespmem:$0x19820] =	vst v63  }
0x86: {  	s16 =	simm.s32 $0x78  }
0x87: {  	[tilespmem:s19], [sflag:$0x4] =	stream.indirect.gather [hbm4b:s1+s14], $0x80, s16, s14, $0xb8;
	[tilespmem:$0x19820] =	vst v63  }
0x88: {  	_ =	swait.ge [sflag:s20], $0x1400  }
0x89: {  	[sflag:s20] =	ssyncset.done $0x0  }
0x8a: {  	s18 =	simm.s32 $0x7D0;
	[sflag:s20] =	ssyncadd.s32 $0xFFFFEC00  }
0x8b: {  	[spmem:s2] =	stream.indirect.scatter.add.f32 [tilespmem:s11], [sflag:$0x5], $0x80, s18, s14, $0xb8;
	[tilespmem:$0x19820] =	vst v63  }
0x8c: {  	_ =	swait.ge [sflag:s22], $0x1400  }
0x8d: {  	[sflag:s22] =	ssyncset.done $0x0  }
0x8e: {  	s0 =	simm.s32 $0x7F8;
	[sflag:s22] =	ssyncadd.s32 $0xFFFFEC00  }
0x8f: {  	[spmem:s2] =	stream.indirect.scatter.add.f32 [tilespmem:s15], [sflag:$0x6], $0x80, s0, s14, $0xb8;
	[tilespmem:$0x19820] =	vst v63  }
0x90: {  	_ =	swait.ge [sflag:s23], $0x1400  }
0x91: {  	[sflag:s23] =	ssyncset.done $0x0  }
0x92: {  	s16 =	simm.s32 $0x820;
	[sflag:s23] =	ssyncadd.s32 $0xFFFFEC00  }
0x93: {  	[spmem:s2] =	stream.indirect.scatter.add.f32 [tilespmem:s17], [sflag:$0x7], $0x80, s16, s14, $0xb8;
	[tilespmem:$0x19820] =	vst v63  }
0x94: {  	_ =	swait.ge [sflag:s25], $0x1400  }
0x95: {  	[sflag:s25] =	ssyncset.done $0x0  }
0x96: {  	s18 =	simm.s32 $0x848;
	[sflag:s25] =	ssyncadd.s32 $0xFFFFEC00  }
0x97: {  	[spmem:s2] =	stream.indirect.scatter.add.f32 [tilespmem:s19], [sflag:$0x8], $0x80, s18, s14, $0xb8;
	[tilespmem:$0x19820] =	vst v63  }
0x98: {  	_ =	swait.ge [sflag:s26], $0x1400  }
0x99: {  	[sflag:s26] =	ssyncset.done $0x0  }
0x9a: {  	s0 =	simm.s32 $0xA0;
	[sflag:s26] =	ssyncadd.s32 $0xFFFFEC00  }
0x9b: {  	[tilespmem:s11], [sflag:$0x1] =	stream.indirect.gather [hbm4b:s1+s14], $0x80, s0, s14, $0xb8;
	[tilespmem:$0x19820] =	vst v63  }
0x9c: {  	_ =	swait.ge [sflag:s28], $0x1400  }
0x9d: {  	[sflag:s28] =	ssyncset.done $0x0  }
0x9e: {  	s16 =	simm.s32 $0xC8;
	[sflag:s28] =	ssyncadd.s32 $0xFFFFEC00  }
0x9f: {  	[tilespmem:s15], [sflag:$0x2] =	stream.indirect.gather [hbm4b:s1+s14], $0x80, s16, s14, $0xb8;
	[tilespmem:$0x19820] =	vst v63  }
0xa0: {  	_ =	swait.ge [sflag:s29], $0x1400  }
0xa1: {  	[sflag:s29] =	ssyncset.done $0x0  }
0xa2: {  	s18 =	simm.s32 $0xF0;
	[sflag:s29] =	ssyncadd.s32 $0xFFFFEC00  }
0xa3: {  	[tilespmem:s17], [sflag:$0x3] =	stream.indirect.gather [hbm4b:s1+s14], $0x80, s18, s14, $0xb8;
	[tilespmem:$0x19820] =	vst v63  }
0xa4: {  	_ =	swait.ge [sflag:s30], $0x1400  }
0xa5: {  	[sflag:s30] =	ssyncset.done $0x0  }
0xa6: {  	s13 =	simm.s32 $0x280;
	s16 =	simm.s32 $0x118;
	[sflag:s30] =	ssyncadd.s32 $0xFFFFEC00  }
.LBB2_2:
0xa7: {  	[tilespmem:s19], [sflag:$0x4] =	stream.indirect.gather [hbm4b:s1+s14], $0x80, s16, s14, $0xb8;
	[tilespmem:$0x19820] =	vst v63  }
0xa8: {  	s16 =	smov.u32 s13  }
0xa9: {  	p1 =	sne.s32 s13, $0x1900;
	s13 =	sadd.s32 $0x280, s13;
	_ =	swait.ge [sflag:s20], $0x1400  }
0xaa: {  	s16 =	sshra.s32 s16, $0x2;
	[sflag:s20] =	ssyncset.done $0x0  }
0xab: {  	s18 =	sadd.s32 $0x7D0, s16;
	[sflag:s20] =	ssyncadd.s32 $0xFFFFEC00  }
0xac: {  	[spmem:s2] =	stream.indirect.scatter.add.f32 [tilespmem:s11], [sflag:$0x5], $0x80, s18, s14, $0xb8;
	[tilespmem:$0x19820] =	vst v63  }
0xad: {  	_ =	swait.ge [sflag:s22], $0x1400  }
0xae: {  	[sflag:s22] =	ssyncset.done $0x0  }
0xaf: {  	s18 =	sadd.s32 $0x7F8, s16;
	[sflag:s22] =	ssyncadd.s32 $0xFFFFEC00  }
0xb0: {  	[spmem:s2] =	stream.indirect.scatter.add.f32 [tilespmem:s15], [sflag:$0x6], $0x80, s18, s14, $0xb8;
	[tilespmem:$0x19820] =	vst v63  }
0xb1: {  	_ =	swait.ge [sflag:s23], $0x1400  }
0xb2: {  	[sflag:s23] =	ssyncset.done $0x0  }
0xb3: {  	s18 =	sadd.s32 $0x820, s16;
	[sflag:s23] =	ssyncadd.s32 $0xFFFFEC00  }
0xb4: {  	[spmem:s2] =	stream.indirect.scatter.add.f32 [tilespmem:s17], [sflag:$0x7], $0x80, s18, s14, $0xb8;
	[tilespmem:$0x19820] =	vst v63  }
0xb5: {  	_ =	swait.ge [sflag:s25], $0x1400  }
0xb6: {  	[sflag:s25] =	ssyncset.done $0x0  }
0xb7: {  	s18 =	sadd.s32 $0x848, s16;
	[sflag:s25] =	ssyncadd.s32 $0xFFFFEC00  }
0xb8: {  	[spmem:s2] =	stream.indirect.scatter.add.f32 [tilespmem:s19], [sflag:$0x8], $0x80, s18, s14, $0xb8;
	[tilespmem:$0x19820] =	vst v63  }
0xb9: {  	_ =	swait.ge [sflag:s26], $0x1400  }
0xba: {  	[sflag:s26] =	ssyncset.done $0x0  }
0xbb: {  	s18 =	sadd.s32 $0xA0, s16;
	[sflag:s26] =	ssyncadd.s32 $0xFFFFEC00  }
0xbc: {  	[tilespmem:s11], [sflag:$0x1] =	stream.indirect.gather [hbm4b:s1+s14], $0x80, s18, s14, $0xb8;
	[tilespmem:$0x19820] =	vst v63  }
0xbd: {  	_ =	swait.ge [sflag:s28], $0x1400  }
0xbe: {  	[sflag:s28] =	ssyncset.done $0x0  }
0xbf: {  	s18 =	sadd.s32 $0xC8, s16;
	[sflag:s28] =	ssyncadd.s32 $0xFFFFEC00  }
0xc0: {  	[tilespmem:s15], [sflag:$0x2] =	stream.indirect.gather [hbm4b:s1+s14], $0x80, s18, s14, $0xb8;
	[tilespmem:$0x19820] =	vst v63  }
0xc1: {  	_ =	swait.ge [sflag:s29], $0x1400  }
0xc2: {  	[sflag:s29] =	ssyncset.done $0x0  }
.Ltmp0:
0xc3: {  	s18 =	sadd.s32 $0xF0, s16;
	[sflag:s29] =	ssyncadd.s32 $0xFFFFEC00;
	(pc) =	sbr.rel @p1 .LBB2_2-.Ltmp0, $4  }
0xc4: {  	[tilespmem:s17], [sflag:$0x3] =	stream.indirect.gather [hbm4b:s1+s14], $0x80, s18, s14, $0xb8;
	[tilespmem:$0x19820] =	vst v63  }
0xc5: {  	_ =	swait.ge [sflag:s30], $0x1400  }
0xc6: {  	[sflag:s30] =	ssyncset.done $0x0  }
0xc7: {  	s16 =	sadd.s32 $0x118, s16;
	[sflag:s30] =	ssyncadd.s32 $0xFFFFEC00  }
0xc8: {  	[tilespmem:s19], [sflag:$0x4] =	stream.indirect.gather [hbm4b:s1+s14], $0x80, s16, s14, $0xb8;
	[tilespmem:$0x19820] =	vst v63  }
0xc9: {  	_ =	swait.ge [sflag:s20], $0x1400  }
0xca: {  	[sflag:s20] =	ssyncset.done $0x0  }
0xcb: {  	s0 =	simm.s32 $0xEB0;
	[sflag:s20] =	ssyncadd.s32 $0xFFFFEC00  }
0xcc: {  	[spmem:s2] =	stream.indirect.scatter.add.f32 [tilespmem:s11], [sflag:$0x5], $0x80, s0, s14, $0xb8;
	[tilespmem:$0x19820] =	vst v63  }
0xcd: {  	_ =	swait.ge [sflag:s22], $0x1400  }
0xce: {  	[sflag:s22] =	ssyncset.done $0x0  }
0xcf: {  	s18 =	simm.s32 $0xED8;
	[sflag:s22] =	ssyncadd.s32 $0xFFFFEC00  }
0xd0: {  	[spmem:s2] =	stream.indirect.scatter.add.f32 [tilespmem:s15], [sflag:$0x6], $0x80, s18, s14, $0xb8;
	[tilespmem:$0x19820] =	vst v63  }
0xd1: {  	_ =	swait.ge [sflag:s23], $0x1400  }
0xd2: {  	[sflag:s23] =	ssyncset.done $0x0  }
0xd3: {  	s13 =	simm.s32 $0xF00;
	[sflag:s23] =	ssyncadd.s32 $0xFFFFEC00  }
0xd4: {  	[spmem:s2] =	stream.indirect.scatter.add.f32 [tilespmem:s17], [sflag:$0x7], $0x80, s13, s14, $0xb8;
	[tilespmem:$0x19820] =	vst v63  }
0xd5: {  	_ =	swait.ge [sflag:s25], $0x1400  }
0xd6: {  	[sflag:s25] =	ssyncset.done $0x0  }
0xd7: {  	[sflag:s25] =	ssyncadd.s32 $0xFFFFEC00  }
0xd8: {  	[spmem:s2] =	stream.indirect.scatter.add.f32 [tilespmem:s19], [sflag:$0x8], $0x80, s5, s14, $0xb8;
	[tilespmem:$0x19820] =	vst v63  }
0xd9: {  	_ =	swait.ge [sflag:s26], $0x1400  }
0xda: {  	[sflag:s26] =	ssyncset.done $0x0  }
0xdb: {  	[sflag:s26] =	ssyncadd.s32 $0xFFFFEC00  }
0xdc: {  	[tilespmem:s11], [sflag:$0x1] =	stream.indirect.gather [hbm4b:s1+s14], $0x80, s8, s14, $0xb8;
	[tilespmem:$0x19820] =	vst v63  }
0xdd: {  	_ =	swait.ge [sflag:s28], $0x1400  }
0xde: {  	[sflag:s28] =	ssyncset.done $0x0  }
0xdf: {  	[sflag:s28] =	ssyncadd.s32 $0xFFFFEC00  }
0xe0: {  	[tilespmem:s15], [sflag:$0x2] =	stream.indirect.gather [hbm4b:s1+s14], $0x80, s9, s14, $0xb8;
	[tilespmem:$0x19820] =	vst v63  }
0xe1: {  	_ =	swait.ge [sflag:s29], $0x1400  }
0xe2: {  	[sflag:s29] =	ssyncset.done $0x0  }
0xe3: {  	[sflag:s29] =	ssyncadd.s32 $0xFFFFEC00  }
0xe4: {  	_ =	swait.ge [sflag:s30], $0x1400  }
0xe5: {  	[sflag:s30] =	ssyncset.done $0x0  }
0xe6: {  	[sflag:s30] =	ssyncadd.s32 $0xFFFFEC00  }
0xe7: {  	_ =	swait.ge [sflag:s20], $0x1400  }
0xe8: {  	[sflag:s20] =	ssyncset.done $0x0  }
0xe9: {  	[sflag:s20] =	ssyncadd.s32 $0xFFFFEC00  }
0xea: {  	[spmem:s2] =	stream.indirect.scatter.add.f32 [tilespmem:s11], [sflag:$0x5], $0x80, s10, s14, $0xb8;
	[tilespmem:$0x19820] =	vst v63  }
0xeb: {  	_ =	swait.ge [sflag:s22], $0x1400  }
0xec: {  	[sflag:s22] =	ssyncset.done $0x0  }
0xed: {  	[sflag:s22] =	ssyncadd.s32 $0xFFFFEC00  }
0xee: {  	[spmem:s2] =	stream.indirect.scatter.add.f32 [tilespmem:s15], [sflag:$0x6], $0x80, s6, s14, $0xb8;
	[tilespmem:$0x19820] =	vst v63  }
0xef: {  	_ =	swait.ge [sflag:s26], $0x1400  }
0xf0: {  	[sflag:s26] =	ssyncset.done $0x0  }
0xf1: {  	[sflag:s26] =	ssyncadd.s32 $0xFFFFEC00  }
0xf2: {  	_ =	swait.ge [sflag:s28], $0x1400  }
0xf3: {  	[sflag:s28] =	ssyncset.done $0x0  }
0xf4: {  	s13 =	simm.s32 $0x0;
	s16 =	rddreg [dreg:$0x9];
	[sflag:s28] =	ssyncadd.s32 $0xFFFFEC00  }
0xf5: {  	[tilespmem:s13], [sflag:$0x9] =	stream.linear.gather [hbm4b:s16+s13], $0x7D0, $0x38;
	[tilespmem:$0x19820] =	vst v63  }
0xf6: {  	_ =	swait.ge [sflag:s12], $0x7D0  }
0xf7: {  	[sflag:s12] =	ssyncset.done $0x0  }
0xf8: {  	s18 =	rddreg [dreg:$0xa];
	[sflag:s12] =	ssyncadd.s32 $0xFFFFF830  }
0xf9: {  	[tilespmem:s4], [sflag:$0x9] =	stream.linear.gather [hbm4b:s18+s13], $0x7D0, $0x38;
	[tilespmem:$0x19820] =	vst v63  }
0xfa: {  	_ =	swait.ge [sflag:s12], $0x7D0  }
0xfb: {  	[sflag:s12] =	ssyncset.done $0x0  }
0xfc: {  	[sflag:s12] =	ssyncadd.s32 $0xFFFFF830  }
0xfd: {  	[tilespmem:s11], [sflag:$0x1] =	stream.indirect.gather [hbm4b:s1+s14], $0x80, s13, s14, $0xb8;
	[tilespmem:$0x19820] =	vst v63  }
0xfe: {  	_ = 	snop  }
0xff: {  	[tilespmem:s15], [sflag:$0x2] =	stream.indirect.gather [hbm4b:s1+s14], $0x80, s14, s14, $0xb8;
	[tilespmem:$0x19820] =	vst v63  }
0x100: {  	_ = 	snop  }
0x101: {  	[tilespmem:s17], [sflag:$0x3] =	stream.indirect.gather [hbm4b:s1+s14], $0x80, s31, s14, $0xb8;
	[tilespmem:$0x19820] =	vst v63  }
0x102: {  	s16 =	simm.s32 $0x78  }
0x103: {  	[tilespmem:s19], [sflag:$0x4] =	stream.indirect.gather [hbm4b:s1+s14], $0x80, s16, s14, $0xb8;
	[tilespmem:$0x19820] =	vst v63  }
0x104: {  	_ =	swait.ge [sflag:s20], $0x1400  }
0x105: {  	[sflag:s20] =	ssyncset.done $0x0  }
0x106: {  	s18 =	simm.s32 $0x7D0;
	[sflag:s20] =	ssyncadd.s32 $0xFFFFEC00  }
0x107: {  	[spmem:s2] =	stream.indirect.scatter.add.f32 [tilespmem:s11], [sflag:$0x5], $0x80, s18, s14, $0xb8;
	[tilespmem:$0x19820] =	vst v63  }
0x108: {  	_ =	swait.ge [sflag:s22], $0x1400  }
0x109: {  	[sflag:s22] =	ssyncset.done $0x0  }
0x10a: {  	s0 =	simm.s32 $0x7F8;
	[sflag:s22] =	ssyncadd.s32 $0xFFFFEC00  }
0x10b: {  	[spmem:s2] =	stream.indirect.scatter.add.f32 [tilespmem:s15], [sflag:$0x6], $0x80, s0, s14, $0xb8;
	[tilespmem:$0x19820] =	vst v63  }
0x10c: {  	_ =	swait.ge [sflag:s23], $0x1400  }
0x10d: {  	[sflag:s23] =	ssyncset.done $0x0  }
0x10e: {  	s16 =	simm.s32 $0x820;
	[sflag:s23] =	ssyncadd.s32 $0xFFFFEC00  }
0x10f: {  	[spmem:s2] =	stream.indirect.scatter.add.f32 [tilespmem:s17], [sflag:$0x7], $0x80, s16, s14, $0xb8;
	[tilespmem:$0x19820] =	vst v63  }
0x110: {  	_ =	swait.ge [sflag:s25], $0x1400  }
0x111: {  	[sflag:s25] =	ssyncset.done $0x0  }
0x112: {  	s18 =	simm.s32 $0x848;
	[sflag:s25] =	ssyncadd.s32 $0xFFFFEC00  }
0x113: {  	[spmem:s2] =	stream.indirect.scatter.add.f32 [tilespmem:s19], [sflag:$0x8], $0x80, s18, s14, $0xb8;
	[tilespmem:$0x19820] =	vst v63  }
0x114: {  	_ =	swait.ge [sflag:s26], $0x1400  }
0x115: {  	[sflag:s26] =	ssyncset.done $0x0  }
0x116: {  	s0 =	simm.s32 $0xA0;
	[sflag:s26] =	ssyncadd.s32 $0xFFFFEC00  }
0x117: {  	[tilespmem:s11], [sflag:$0x1] =	stream.indirect.gather [hbm4b:s1+s14], $0x80, s0, s14, $0xb8;
	[tilespmem:$0x19820] =	vst v63  }
0x118: {  	_ =	swait.ge [sflag:s28], $0x1400  }
0x119: {  	[sflag:s28] =	ssyncset.done $0x0  }
0x11a: {  	s16 =	simm.s32 $0xC8;
	[sflag:s28] =	ssyncadd.s32 $0xFFFFEC00  }
0x11b: {  	[tilespmem:s15], [sflag:$0x2] =	stream.indirect.gather [hbm4b:s1+s14], $0x80, s16, s14, $0xb8;
	[tilespmem:$0x19820] =	vst v63  }
0x11c: {  	_ =	swait.ge [sflag:s29], $0x1400  }
0x11d: {  	[sflag:s29] =	ssyncset.done $0x0  }
0x11e: {  	s18 =	simm.s32 $0xF0;
	[sflag:s29] =	ssyncadd.s32 $0xFFFFEC00  }
0x11f: {  	[tilespmem:s17], [sflag:$0x3] =	stream.indirect.gather [hbm4b:s1+s14], $0x80, s18, s14, $0xb8;
	[tilespmem:$0x19820] =	vst v63  }
0x120: {  	_ =	swait.ge [sflag:s30], $0x1400  }
0x121: {  	[sflag:s30] =	ssyncset.done $0x0  }
0x122: {  	s13 =	simm.s32 $0x280;
	s16 =	simm.s32 $0x118;
	[sflag:s30] =	ssyncadd.s32 $0xFFFFEC00  }
.LBB2_4:
0x123: {  	[tilespmem:s19], [sflag:$0x4] =	stream.indirect.gather [hbm4b:s1+s14], $0x80, s16, s14, $0xb8;
	[tilespmem:$0x19820] =	vst v63  }
0x124: {  	s16 =	smov.u32 s13  }
0x125: {  	p1 =	sne.s32 s13, $0x1900;
	s13 =	sadd.s32 $0x280, s13;
	_ =	swait.ge [sflag:s20], $0x1400  }
0x126: {  	s16 =	sshra.s32 s16, $0x2;
	[sflag:s20] =	ssyncset.done $0x0  }
0x127: {  	s18 =	sadd.s32 $0x7D0, s16;
	[sflag:s20] =	ssyncadd.s32 $0xFFFFEC00  }
0x128: {  	[spmem:s2] =	stream.indirect.scatter.add.f32 [tilespmem:s11], [sflag:$0x5], $0x80, s18, s14, $0xb8;
	[tilespmem:$0x19820] =	vst v63  }
0x129: {  	_ =	swait.ge [sflag:s22], $0x1400  }
0x12a: {  	[sflag:s22] =	ssyncset.done $0x0  }
0x12b: {  	s18 =	sadd.s32 $0x7F8, s16;
	[sflag:s22] =	ssyncadd.s32 $0xFFFFEC00  }
0x12c: {  	[spmem:s2] =	stream.indirect.scatter.add.f32 [tilespmem:s15], [sflag:$0x6], $0x80, s18, s14, $0xb8;
	[tilespmem:$0x19820] =	vst v63  }
0x12d: {  	_ =	swait.ge [sflag:s23], $0x1400  }
0x12e: {  	[sflag:s23] =	ssyncset.done $0x0  }
0x12f: {  	s18 =	sadd.s32 $0x820, s16;
	[sflag:s23] =	ssyncadd.s32 $0xFFFFEC00  }
0x130: {  	[spmem:s2] =	stream.indirect.scatter.add.f32 [tilespmem:s17], [sflag:$0x7], $0x80, s18, s14, $0xb8;
	[tilespmem:$0x19820] =	vst v63  }
0x131: {  	_ =	swait.ge [sflag:s25], $0x1400  }
0x132: {  	[sflag:s25] =	ssyncset.done $0x0  }
0x133: {  	s18 =	sadd.s32 $0x848, s16;
	[sflag:s25] =	ssyncadd.s32 $0xFFFFEC00  }
0x134: {  	[spmem:s2] =	stream.indirect.scatter.add.f32 [tilespmem:s19], [sflag:$0x8], $0x80, s18, s14, $0xb8;
	[tilespmem:$0x19820] =	vst v63  }
0x135: {  	_ =	swait.ge [sflag:s26], $0x1400  }
0x136: {  	[sflag:s26] =	ssyncset.done $0x0  }
0x137: {  	s18 =	sadd.s32 $0xA0, s16;
	[sflag:s26] =	ssyncadd.s32 $0xFFFFEC00  }
0x138: {  	[tilespmem:s11], [sflag:$0x1] =	stream.indirect.gather [hbm4b:s1+s14], $0x80, s18, s14, $0xb8;
	[tilespmem:$0x19820] =	vst v63  }
0x139: {  	_ =	swait.ge [sflag:s28], $0x1400  }
0x13a: {  	[sflag:s28] =	ssyncset.done $0x0  }
0x13b: {  	s18 =	sadd.s32 $0xC8, s16;
	[sflag:s28] =	ssyncadd.s32 $0xFFFFEC00  }
0x13c: {  	[tilespmem:s15], [sflag:$0x2] =	stream.indirect.gather [hbm4b:s1+s14], $0x80, s18, s14, $0xb8;
	[tilespmem:$0x19820] =	vst v63  }
0x13d: {  	_ =	swait.ge [sflag:s29], $0x1400  }
0x13e: {  	[sflag:s29] =	ssyncset.done $0x0  }
.Ltmp1:
0x13f: {  	s18 =	sadd.s32 $0xF0, s16;
	[sflag:s29] =	ssyncadd.s32 $0xFFFFEC00;
	(pc) =	sbr.rel @p1 .LBB2_4-.Ltmp1, $4  }
0x140: {  	[tilespmem:s17], [sflag:$0x3] =	stream.indirect.gather [hbm4b:s1+s14], $0x80, s18, s14, $0xb8;
	[tilespmem:$0x19820] =	vst v63  }
0x141: {  	_ =	swait.ge [sflag:s30], $0x1400  }
0x142: {  	[sflag:s30] =	ssyncset.done $0x0  }
0x143: {  	s16 =	sadd.s32 $0x118, s16;
	[sflag:s30] =	ssyncadd.s32 $0xFFFFEC00  }
0x144: {  	[tilespmem:s19], [sflag:$0x4] =	stream.indirect.gather [hbm4b:s1+s14], $0x80, s16, s14, $0xb8;
	[tilespmem:$0x19820] =	vst v63  }
0x145: {  	_ =	swait.ge [sflag:s20], $0x1400  }
0x146: {  	[sflag:s20] =	ssyncset.done $0x0  }
0x147: {  	s0 =	simm.s32 $0xEB0;
	[sflag:s20] =	ssyncadd.s32 $0xFFFFEC00  }
0x148: {  	[spmem:s2] =	stream.indirect.scatter.add.f32 [tilespmem:s11], [sflag:$0x5], $0x80, s0, s14, $0xb8;
	[tilespmem:$0x19820] =	vst v63  }
0x149: {  	_ =	swait.ge [sflag:s22], $0x1400  }
0x14a: {  	[sflag:s22] =	ssyncset.done $0x0  }
0x14b: {  	s18 =	simm.s32 $0xED8;
	[sflag:s22] =	ssyncadd.s32 $0xFFFFEC00  }
0x14c: {  	[spmem:s2] =	stream.indirect.scatter.add.f32 [tilespmem:s15], [sflag:$0x6], $0x80, s18, s14, $0xb8;
	[tilespmem:$0x19820] =	vst v63  }
0x14d: {  	_ =	swait.ge [sflag:s23], $0x1400  }
0x14e: {  	[sflag:s23] =	ssyncset.done $0x0  }
0x14f: {  	s13 =	simm.s32 $0xF00;
	[sflag:s23] =	ssyncadd.s32 $0xFFFFEC00  }
0x150: {  	[spmem:s2] =	stream.indirect.scatter.add.f32 [tilespmem:s17], [sflag:$0x7], $0x80, s13, s14, $0xb8;
	[tilespmem:$0x19820] =	vst v63  }
0x151: {  	_ =	swait.ge [sflag:s25], $0x1400  }
0x152: {  	[sflag:s25] =	ssyncset.done $0x0  }
0x153: {  	[sflag:s25] =	ssyncadd.s32 $0xFFFFEC00  }
0x154: {  	[spmem:s2] =	stream.indirect.scatter.add.f32 [tilespmem:s19], [sflag:$0x8], $0x80, s5, s14, $0xb8;
	[tilespmem:$0x19820] =	vst v63  }
0x155: {  	_ =	swait.ge [sflag:s26], $0x1400  }
0x156: {  	[sflag:s26] =	ssyncset.done $0x0  }
0x157: {  	[sflag:s26] =	ssyncadd.s32 $0xFFFFEC00  }
0x158: {  	[tilespmem:s11], [sflag:$0x1] =	stream.indirect.gather [hbm4b:s1+s14], $0x80, s8, s14, $0xb8;
	[tilespmem:$0x19820] =	vst v63  }
0x159: {  	_ =	swait.ge [sflag:s28], $0x1400  }
0x15a: {  	[sflag:s28] =	ssyncset.done $0x0  }
0x15b: {  	[sflag:s28] =	ssyncadd.s32 $0xFFFFEC00  }
0x15c: {  	[tilespmem:s15], [sflag:$0x2] =	stream.indirect.gather [hbm4b:s1+s14], $0x80, s9, s14, $0xb8;
	[tilespmem:$0x19820] =	vst v63  }
0x15d: {  	_ =	swait.ge [sflag:s29], $0x1400  }
0x15e: {  	[sflag:s29] =	ssyncset.done $0x0  }
0x15f: {  	[sflag:s29] =	ssyncadd.s32 $0xFFFFEC00  }
0x160: {  	_ =	swait.ge [sflag:s30], $0x1400  }
0x161: {  	[sflag:s30] =	ssyncset.done $0x0  }
0x162: {  	[sflag:s30] =	ssyncadd.s32 $0xFFFFEC00  }
0x163: {  	_ =	swait.ge [sflag:s20], $0x1400  }
0x164: {  	[sflag:s20] =	ssyncset.done $0x0  }
0x165: {  	[sflag:s20] =	ssyncadd.s32 $0xFFFFEC00  }
0x166: {  	[spmem:s2] =	stream.indirect.scatter.add.f32 [tilespmem:s11], [sflag:$0x5], $0x80, s10, s14, $0xb8;
	[tilespmem:$0x19820] =	vst v63  }
0x167: {  	_ =	swait.ge [sflag:s22], $0x1400  }
0x168: {  	[sflag:s22] =	ssyncset.done $0x0  }
0x169: {  	[sflag:s22] =	ssyncadd.s32 $0xFFFFEC00  }
0x16a: {  	[spmem:s2] =	stream.indirect.scatter.add.f32 [tilespmem:s15], [sflag:$0x6], $0x80, s6, s14, $0xb8;
	[tilespmem:$0x19820] =	vst v63  }
0x16b: {  	_ =	swait.ge [sflag:s26], $0x1400  }
0x16c: {  	[sflag:s26] =	ssyncset.done $0x0  }
0x16d: {  	[sflag:s26] =	ssyncadd.s32 $0xFFFFEC00  }
0x16e: {  	_ =	swait.ge [sflag:s28], $0x1400  }
0x16f: {  	[sflag:s28] =	ssyncset.done $0x0  }
0x170: {  	s13 =	simm.s32 $0x0;
	s16 =	rddreg [dreg:$0xb];
	[sflag:s28] =	ssyncadd.s32 $0xFFFFEC00  }
0x171: {  	[tilespmem:s13], [sflag:$0x9] =	stream.linear.gather [hbm4b:s16+s13], $0x7D0, $0x38;
	[tilespmem:$0x19820] =	vst v63  }
0x172: {  	_ =	swait.ge [sflag:s12], $0x7D0  }
0x173: {  	[sflag:s12] =	ssyncset.done $0x0  }
0x174: {  	s18 =	rddreg [dreg:$0xc];
	[sflag:s12] =	ssyncadd.s32 $0xFFFFF830  }
0x175: {  	[tilespmem:s4], [sflag:$0x9] =	stream.linear.gather [hbm4b:s18+s13], $0x7D0, $0x38;
	[tilespmem:$0x19820] =	vst v63  }
0x176: {  	_ =	swait.ge [sflag:s12], $0x7D0  }
0x177: {  	[sflag:s12] =	ssyncset.done $0x0  }
0x178: {  	[sflag:s12] =	ssyncadd.s32 $0xFFFFF830  }
0x179: {  	[tilespmem:s11], [sflag:$0x1] =	stream.indirect.gather [hbm4b:s1+s14], $0x80, s13, s14, $0xb8;
	[tilespmem:$0x19820] =	vst v63  }
0x17a: {  	_ = 	snop  }
0x17b: {  	[tilespmem:s15], [sflag:$0x2] =	stream.indirect.gather [hbm4b:s1+s14], $0x80, s14, s14, $0xb8;
	[tilespmem:$0x19820] =	vst v63  }
0x17c: {  	_ = 	snop  }
0x17d: {  	[tilespmem:s17], [sflag:$0x3] =	stream.indirect.gather [hbm4b:s1+s14], $0x80, s31, s14, $0xb8;
	[tilespmem:$0x19820] =	vst v63  }
0x17e: {  	s16 =	simm.s32 $0x78  }
0x17f: {  	[tilespmem:s19], [sflag:$0x4] =	stream.indirect.gather [hbm4b:s1+s14], $0x80, s16, s14, $0xb8;
	[tilespmem:$0x19820] =	vst v63  }
0x180: {  	_ =	swait.ge [sflag:s20], $0x1400  }
0x181: {  	[sflag:s20] =	ssyncset.done $0x0  }
0x182: {  	s18 =	simm.s32 $0x7D0;
	[sflag:s20] =	ssyncadd.s32 $0xFFFFEC00  }
0x183: {  	[spmem:s2] =	stream.indirect.scatter.add.f32 [tilespmem:s11], [sflag:$0x5], $0x80, s18, s14, $0xb8;
	[tilespmem:$0x19820] =	vst v63  }
0x184: {  	_ =	swait.ge [sflag:s22], $0x1400  }
0x185: {  	[sflag:s22] =	ssyncset.done $0x0  }
0x186: {  	s0 =	simm.s32 $0x7F8;
	[sflag:s22] =	ssyncadd.s32 $0xFFFFEC00  }
0x187: {  	[spmem:s2] =	stream.indirect.scatter.add.f32 [tilespmem:s15], [sflag:$0x6], $0x80, s0, s14, $0xb8;
	[tilespmem:$0x19820] =	vst v63  }
0x188: {  	_ =	swait.ge [sflag:s23], $0x1400  }
0x189: {  	[sflag:s23] =	ssyncset.done $0x0  }
0x18a: {  	s16 =	simm.s32 $0x820;
	[sflag:s23] =	ssyncadd.s32 $0xFFFFEC00  }
0x18b: {  	[spmem:s2] =	stream.indirect.scatter.add.f32 [tilespmem:s17], [sflag:$0x7], $0x80, s16, s14, $0xb8;
	[tilespmem:$0x19820] =	vst v63  }
0x18c: {  	_ =	swait.ge [sflag:s25], $0x1400  }
0x18d: {  	[sflag:s25] =	ssyncset.done $0x0  }
0x18e: {  	s18 =	simm.s32 $0x848;
	[sflag:s25] =	ssyncadd.s32 $0xFFFFEC00  }
0x18f: {  	[spmem:s2] =	stream.indirect.scatter.add.f32 [tilespmem:s19], [sflag:$0x8], $0x80, s18, s14, $0xb8;
	[tilespmem:$0x19820] =	vst v63  }
0x190: {  	_ =	swait.ge [sflag:s26], $0x1400  }
0x191: {  	[sflag:s26] =	ssyncset.done $0x0  }
0x192: {  	s0 =	simm.s32 $0xA0;
	[sflag:s26] =	ssyncadd.s32 $0xFFFFEC00  }
0x193: {  	[tilespmem:s11], [sflag:$0x1] =	stream.indirect.gather [hbm4b:s1+s14], $0x80, s0, s14, $0xb8;
	[tilespmem:$0x19820] =	vst v63  }
0x194: {  	_ =	swait.ge [sflag:s28], $0x1400  }
0x195: {  	[sflag:s28] =	ssyncset.done $0x0  }
0x196: {  	s16 =	simm.s32 $0xC8;
	[sflag:s28] =	ssyncadd.s32 $0xFFFFEC00  }
0x197: {  	[tilespmem:s15], [sflag:$0x2] =	stream.indirect.gather [hbm4b:s1+s14], $0x80, s16, s14, $0xb8;
	[tilespmem:$0x19820] =	vst v63  }
0x198: {  	_ =	swait.ge [sflag:s29], $0x1400  }
0x199: {  	[sflag:s29] =	ssyncset.done $0x0  }
0x19a: {  	s18 =	simm.s32 $0xF0;
	[sflag:s29] =	ssyncadd.s32 $0xFFFFEC00  }
0x19b: {  	[tilespmem:s17], [sflag:$0x3] =	stream.indirect.gather [hbm4b:s1+s14], $0x80, s18, s14, $0xb8;
	[tilespmem:$0x19820] =	vst v63  }
0x19c: {  	_ =	swait.ge [sflag:s30], $0x1400  }
0x19d: {  	[sflag:s30] =	ssyncset.done $0x0  }
0x19e: {  	s13 =	simm.s32 $0x280;
	s16 =	simm.s32 $0x118;
	[sflag:s30] =	ssyncadd.s32 $0xFFFFEC00  }
.LBB2_6:
0x19f: {  	[tilespmem:s19], [sflag:$0x4] =	stream.indirect.gather [hbm4b:s1+s14], $0x80, s16, s14, $0xb8;
	[tilespmem:$0x19820] =	vst v63  }
0x1a0: {  	s16 =	smov.u32 s13  }
0x1a1: {  	p1 =	sne.s32 s13, $0x1900;
	s13 =	sadd.s32 $0x280, s13;
	_ =	swait.ge [sflag:s20], $0x1400  }
0x1a2: {  	s16 =	sshra.s32 s16, $0x2;
	[sflag:s20] =	ssyncset.done $0x0  }
0x1a3: {  	s18 =	sadd.s32 $0x7D0, s16;
	[sflag:s20] =	ssyncadd.s32 $0xFFFFEC00  }
0x1a4: {  	[spmem:s2] =	stream.indirect.scatter.add.f32 [tilespmem:s11], [sflag:$0x5], $0x80, s18, s14, $0xb8;
	[tilespmem:$0x19820] =	vst v63  }
0x1a5: {  	_ =	swait.ge [sflag:s22], $0x1400  }
0x1a6: {  	[sflag:s22] =	ssyncset.done $0x0  }
0x1a7: {  	s18 =	sadd.s32 $0x7F8, s16;
	[sflag:s22] =	ssyncadd.s32 $0xFFFFEC00  }
0x1a8: {  	[spmem:s2] =	stream.indirect.scatter.add.f32 [tilespmem:s15], [sflag:$0x6], $0x80, s18, s14, $0xb8;
	[tilespmem:$0x19820] =	vst v63  }
0x1a9: {  	_ =	swait.ge [sflag:s23], $0x1400  }
0x1aa: {  	[sflag:s23] =	ssyncset.done $0x0  }
0x1ab: {  	s18 =	sadd.s32 $0x820, s16;
	[sflag:s23] =	ssyncadd.s32 $0xFFFFEC00  }
0x1ac: {  	[spmem:s2] =	stream.indirect.scatter.add.f32 [tilespmem:s17], [sflag:$0x7], $0x80, s18, s14, $0xb8;
	[tilespmem:$0x19820] =	vst v63  }
0x1ad: {  	_ =	swait.ge [sflag:s25], $0x1400  }
0x1ae: {  	[sflag:s25] =	ssyncset.done $0x0  }
0x1af: {  	s18 =	sadd.s32 $0x848, s16;
	[sflag:s25] =	ssyncadd.s32 $0xFFFFEC00  }
0x1b0: {  	[spmem:s2] =	stream.indirect.scatter.add.f32 [tilespmem:s19], [sflag:$0x8], $0x80, s18, s14, $0xb8;
	[tilespmem:$0x19820] =	vst v63  }
0x1b1: {  	_ =	swait.ge [sflag:s26], $0x1400  }
0x1b2: {  	[sflag:s26] =	ssyncset.done $0x0  }
0x1b3: {  	s18 =	sadd.s32 $0xA0, s16;
	[sflag:s26] =	ssyncadd.s32 $0xFFFFEC00  }
0x1b4: {  	[tilespmem:s11], [sflag:$0x1] =	stream.indirect.gather [hbm4b:s1+s14], $0x80, s18, s14, $0xb8;
	[tilespmem:$0x19820] =	vst v63  }
0x1b5: {  	_ =	swait.ge [sflag:s28], $0x1400  }
0x1b6: {  	[sflag:s28] =	ssyncset.done $0x0  }
0x1b7: {  	s18 =	sadd.s32 $0xC8, s16;
	[sflag:s28] =	ssyncadd.s32 $0xFFFFEC00  }
0x1b8: {  	[tilespmem:s15], [sflag:$0x2] =	stream.indirect.gather [hbm4b:s1+s14], $0x80, s18, s14, $0xb8;
	[tilespmem:$0x19820] =	vst v63  }
0x1b9: {  	_ =	swait.ge [sflag:s29], $0x1400  }
0x1ba: {  	[sflag:s29] =	ssyncset.done $0x0  }
.Ltmp2:
0x1bb: {  	s18 =	sadd.s32 $0xF0, s16;
	[sflag:s29] =	ssyncadd.s32 $0xFFFFEC00;
	(pc) =	sbr.rel @p1 .LBB2_6-.Ltmp2, $4  }
0x1bc: {  	[tilespmem:s17], [sflag:$0x3] =	stream.indirect.gather [hbm4b:s1+s14], $0x80, s18, s14, $0xb8;
	[tilespmem:$0x19820] =	vst v63  }
0x1bd: {  	_ =	swait.ge [sflag:s30], $0x1400  }
0x1be: {  	[sflag:s30] =	ssyncset.done $0x0  }
0x1bf: {  	s16 =	sadd.s32 $0x118, s16;
	[sflag:s30] =	ssyncadd.s32 $0xFFFFEC00  }
0x1c0: {  	[tilespmem:s19], [sflag:$0x4] =	stream.indirect.gather [hbm4b:s1+s14], $0x80, s16, s14, $0xb8;
	[tilespmem:$0x19820] =	vst v63  }
0x1c1: {  	_ =	swait.ge [sflag:s20], $0x1400  }
0x1c2: {  	[sflag:s20] =	ssyncset.done $0x0  }
0x1c3: {  	s0 =	simm.s32 $0xEB0;
	[sflag:s20] =	ssyncadd.s32 $0xFFFFEC00  }
0x1c4: {  	[spmem:s2] =	stream.indirect.scatter.add.f32 [tilespmem:s11], [sflag:$0x5], $0x80, s0, s14, $0xb8;
	[tilespmem:$0x19820] =	vst v63  }
0x1c5: {  	_ =	swait.ge [sflag:s22], $0x1400  }
0x1c6: {  	[sflag:s22] =	ssyncset.done $0x0  }
0x1c7: {  	s18 =	simm.s32 $0xED8;
	[sflag:s22] =	ssyncadd.s32 $0xFFFFEC00  }
0x1c8: {  	[spmem:s2] =	stream.indirect.scatter.add.f32 [tilespmem:s15], [sflag:$0x6], $0x80, s18, s14, $0xb8;
	[tilespmem:$0x19820] =	vst v63  }
0x1c9: {  	_ =	swait.ge [sflag:s23], $0x1400  }
0x1ca: {  	[sflag:s23] =	ssyncset.done $0x0  }
0x1cb: {  	s13 =	simm.s32 $0xF00;
	[sflag:s23] =	ssyncadd.s32 $0xFFFFEC00  }
0x1cc: {  	[spmem:s2] =	stream.indirect.scatter.add.f32 [tilespmem:s17], [sflag:$0x7], $0x80, s13, s14, $0xb8;
	[tilespmem:$0x19820] =	vst v63  }
0x1cd: {  	_ =	swait.ge [sflag:s25], $0x1400  }
0x1ce: {  	[sflag:s25] =	ssyncset.done $0x0  }
0x1cf: {  	[sflag:s25] =	ssyncadd.s32 $0xFFFFEC00  }
0x1d0: {  	[spmem:s2] =	stream.indirect.scatter.add.f32 [tilespmem:s19], [sflag:$0x8], $0x80, s5, s14, $0xb8;
	[tilespmem:$0x19820] =	vst v63  }
0x1d1: {  	_ =	swait.ge [sflag:s26], $0x1400  }
0x1d2: {  	[sflag:s26] =	ssyncset.done $0x0  }
0x1d3: {  	[sflag:s26] =	ssyncadd.s32 $0xFFFFEC00  }
0x1d4: {  	[tilespmem:s11], [sflag:$0x1] =	stream.indirect.gather [hbm4b:s1+s14], $0x80, s8, s14, $0xb8;
	[tilespmem:$0x19820] =	vst v63  }
0x1d5: {  	_ =	swait.ge [sflag:s28], $0x1400  }
0x1d6: {  	[sflag:s28] =	ssyncset.done $0x0  }
0x1d7: {  	[sflag:s28] =	ssyncadd.s32 $0xFFFFEC00  }
0x1d8: {  	[tilespmem:s15], [sflag:$0x2] =	stream.indirect.gather [hbm4b:s1+s14], $0x80, s9, s14, $0xb8;
	[tilespmem:$0x19820] =	vst v63  }
0x1d9: {  	_ =	swait.ge [sflag:s29], $0x1400  }
0x1da: {  	[sflag:s29] =	ssyncset.done $0x0  }
0x1db: {  	[sflag:s29] =	ssyncadd.s32 $0xFFFFEC00  }
0x1dc: {  	_ =	swait.ge [sflag:s30], $0x1400  }
0x1dd: {  	[sflag:s30] =	ssyncset.done $0x0  }
0x1de: {  	[sflag:s30] =	ssyncadd.s32 $0xFFFFEC00  }
0x1df: {  	_ =	swait.ge [sflag:s20], $0x1400  }
0x1e0: {  	[sflag:s20] =	ssyncset.done $0x0  }
0x1e1: {  	[sflag:s20] =	ssyncadd.s32 $0xFFFFEC00  }
0x1e2: {  	[spmem:s2] =	stream.indirect.scatter.add.f32 [tilespmem:s11], [sflag:$0x5], $0x80, s10, s14, $0xb8;
	[tilespmem:$0x19820] =	vst v63  }
0x1e3: {  	_ =	swait.ge [sflag:s22], $0x1400  }
0x1e4: {  	[sflag:s22] =	ssyncset.done $0x0  }
0x1e5: {  	[sflag:s22] =	ssyncadd.s32 $0xFFFFEC00  }
0x1e6: {  	[spmem:s2] =	stream.indirect.scatter.add.f32 [tilespmem:s15], [sflag:$0x6], $0x80, s6, s14, $0xb8;
	[tilespmem:$0x19820] =	vst v63  }
0x1e7: {  	_ =	swait.ge [sflag:s26], $0x1400  }
0x1e8: {  	[sflag:s26] =	ssyncset.done $0x0  }
0x1e9: {  	[sflag:s26] =	ssyncadd.s32 $0xFFFFEC00  }
0x1ea: {  	_ =	swait.ge [sflag:s28], $0x1400  }
0x1eb: {  	[sflag:s28] =	ssyncset.done $0x0  }
0x1ec: {  	s13 =	simm.s32 $0x0;
	s16 =	rddreg [dreg:$0xd];
	[sflag:s28] =	ssyncadd.s32 $0xFFFFEC00  }
0x1ed: {  	[tilespmem:s13], [sflag:$0x9] =	stream.linear.gather [hbm4b:s16+s13], $0x7D0, $0x38;
	[tilespmem:$0x19820] =	vst v63  }
0x1ee: {  	_ =	swait.ge [sflag:s12], $0x7D0  }
0x1ef: {  	[sflag:s12] =	ssyncset.done $0x0  }
0x1f0: {  	s18 =	rddreg [dreg:$0xe];
	[sflag:s12] =	ssyncadd.s32 $0xFFFFF830  }
0x1f1: {  	[tilespmem:s4], [sflag:$0x9] =	stream.linear.gather [hbm4b:s18+s13], $0x7D0, $0x38;
	[tilespmem:$0x19820] =	vst v63  }
0x1f2: {  	_ =	swait.ge [sflag:s12], $0x7D0  }
0x1f3: {  	[sflag:s12] =	ssyncset.done $0x0  }
0x1f4: {  	[sflag:s12] =	ssyncadd.s32 $0xFFFFF830  }
0x1f5: {  	[tilespmem:s11], [sflag:$0x1] =	stream.indirect.gather [hbm4b:s1+s14], $0x80, s13, s14, $0xb8;
	[tilespmem:$0x19820] =	vst v63  }
0x1f6: {  	_ = 	snop  }
0x1f7: {  	[tilespmem:s15], [sflag:$0x2] =	stream.indirect.gather [hbm4b:s1+s14], $0x80, s14, s14, $0xb8;
	[tilespmem:$0x19820] =	vst v63  }
0x1f8: {  	_ = 	snop  }
0x1f9: {  	[tilespmem:s17], [sflag:$0x3] =	stream.indirect.gather [hbm4b:s1+s14], $0x80, s31, s14, $0xb8;
	[tilespmem:$0x19820] =	vst v63  }
0x1fa: {  	s16 =	simm.s32 $0x78  }
0x1fb: {  	[tilespmem:s19], [sflag:$0x4] =	stream.indirect.gather [hbm4b:s1+s14], $0x80, s16, s14, $0xb8;
	[tilespmem:$0x19820] =	vst v63  }
0x1fc: {  	_ =	swait.ge [sflag:s20], $0x1400  }
0x1fd: {  	[sflag:s20] =	ssyncset.done $0x0  }
0x1fe: {  	s18 =	simm.s32 $0x7D0;
	[sflag:s20] =	ssyncadd.s32 $0xFFFFEC00  }
0x1ff: {  	[spmem:s2] =	stream.indirect.scatter.add.f32 [tilespmem:s11], [sflag:$0x5], $0x80, s18, s14, $0xb8;
	[tilespmem:$0x19820] =	vst v63  }
0x200: {  	_ =	swait.ge [sflag:s22], $0x1400  }
0x201: {  	[sflag:s22] =	ssyncset.done $0x0  }
0x202: {  	s0 =	simm.s32 $0x7F8;
	[sflag:s22] =	ssyncadd.s32 $0xFFFFEC00  }
0x203: {  	[spmem:s2] =	stream.indirect.scatter.add.f32 [tilespmem:s15], [sflag:$0x6], $0x80, s0, s14, $0xb8;
	[tilespmem:$0x19820] =	vst v63  }
0x204: {  	_ =	swait.ge [sflag:s23], $0x1400  }
0x205: {  	[sflag:s23] =	ssyncset.done $0x0  }
0x206: {  	s16 =	simm.s32 $0x820;
	[sflag:s23] =	ssyncadd.s32 $0xFFFFEC00  }
0x207: {  	[spmem:s2] =	stream.indirect.scatter.add.f32 [tilespmem:s17], [sflag:$0x7], $0x80, s16, s14, $0xb8;
	[tilespmem:$0x19820] =	vst v63  }
0x208: {  	_ =	swait.ge [sflag:s25], $0x1400  }
0x209: {  	[sflag:s25] =	ssyncset.done $0x0  }
0x20a: {  	s18 =	simm.s32 $0x848;
	[sflag:s25] =	ssyncadd.s32 $0xFFFFEC00  }
0x20b: {  	[spmem:s2] =	stream.indirect.scatter.add.f32 [tilespmem:s19], [sflag:$0x8], $0x80, s18, s14, $0xb8;
	[tilespmem:$0x19820] =	vst v63  }
0x20c: {  	_ =	swait.ge [sflag:s26], $0x1400  }
0x20d: {  	[sflag:s26] =	ssyncset.done $0x0  }
0x20e: {  	s0 =	simm.s32 $0xA0;
	[sflag:s26] =	ssyncadd.s32 $0xFFFFEC00  }
0x20f: {  	[tilespmem:s11], [sflag:$0x1] =	stream.indirect.gather [hbm4b:s1+s14], $0x80, s0, s14, $0xb8;
	[tilespmem:$0x19820] =	vst v63  }
0x210: {  	_ =	swait.ge [sflag:s28], $0x1400  }
0x211: {  	[sflag:s28] =	ssyncset.done $0x0  }
0x212: {  	s16 =	simm.s32 $0xC8;
	[sflag:s28] =	ssyncadd.s32 $0xFFFFEC00  }
0x213: {  	[tilespmem:s15], [sflag:$0x2] =	stream.indirect.gather [hbm4b:s1+s14], $0x80, s16, s14, $0xb8;
	[tilespmem:$0x19820] =	vst v63  }
0x214: {  	_ =	swait.ge [sflag:s29], $0x1400  }
0x215: {  	[sflag:s29] =	ssyncset.done $0x0  }
0x216: {  	s18 =	simm.s32 $0xF0;
	[sflag:s29] =	ssyncadd.s32 $0xFFFFEC00  }
0x217: {  	[tilespmem:s17], [sflag:$0x3] =	stream.indirect.gather [hbm4b:s1+s14], $0x80, s18, s14, $0xb8;
	[tilespmem:$0x19820] =	vst v63  }
0x218: {  	_ =	swait.ge [sflag:s30], $0x1400  }
0x219: {  	[sflag:s30] =	ssyncset.done $0x0  }
0x21a: {  	s13 =	simm.s32 $0x280;
	s16 =	simm.s32 $0x118;
	[sflag:s30] =	ssyncadd.s32 $0xFFFFEC00  }
.LBB2_8:
0x21b: {  	[tilespmem:s19], [sflag:$0x4] =	stream.indirect.gather [hbm4b:s1+s14], $0x80, s16, s14, $0xb8;
	[tilespmem:$0x19820] =	vst v63  }
0x21c: {  	s16 =	smov.u32 s13  }
0x21d: {  	p1 =	sne.s32 s13, $0x1900;
	s13 =	sadd.s32 $0x280, s13;
	_ =	swait.ge [sflag:s20], $0x1400  }
0x21e: {  	s16 =	sshra.s32 s16, $0x2;
	[sflag:s20] =	ssyncset.done $0x0  }
0x21f: {  	s18 =	sadd.s32 $0x7D0, s16;
	[sflag:s20] =	ssyncadd.s32 $0xFFFFEC00  }
0x220: {  	[spmem:s2] =	stream.indirect.scatter.add.f32 [tilespmem:s11], [sflag:$0x5], $0x80, s18, s14, $0xb8;
	[tilespmem:$0x19820] =	vst v63  }
0x221: {  	_ =	swait.ge [sflag:s22], $0x1400  }
0x222: {  	[sflag:s22] =	ssyncset.done $0x0  }
0x223: {  	s18 =	sadd.s32 $0x7F8, s16;
	[sflag:s22] =	ssyncadd.s32 $0xFFFFEC00  }
0x224: {  	[spmem:s2] =	stream.indirect.scatter.add.f32 [tilespmem:s15], [sflag:$0x6], $0x80, s18, s14, $0xb8;
	[tilespmem:$0x19820] =	vst v63  }
0x225: {  	_ =	swait.ge [sflag:s23], $0x1400  }
0x226: {  	[sflag:s23] =	ssyncset.done $0x0  }
0x227: {  	s18 =	sadd.s32 $0x820, s16;
	[sflag:s23] =	ssyncadd.s32 $0xFFFFEC00  }
0x228: {  	[spmem:s2] =	stream.indirect.scatter.add.f32 [tilespmem:s17], [sflag:$0x7], $0x80, s18, s14, $0xb8;
	[tilespmem:$0x19820] =	vst v63  }
0x229: {  	_ =	swait.ge [sflag:s25], $0x1400  }
0x22a: {  	[sflag:s25] =	ssyncset.done $0x0  }
0x22b: {  	s18 =	sadd.s32 $0x848, s16;
	[sflag:s25] =	ssyncadd.s32 $0xFFFFEC00  }
0x22c: {  	[spmem:s2] =	stream.indirect.scatter.add.f32 [tilespmem:s19], [sflag:$0x8], $0x80, s18, s14, $0xb8;
	[tilespmem:$0x19820] =	vst v63  }
0x22d: {  	_ =	swait.ge [sflag:s26], $0x1400  }
0x22e: {  	[sflag:s26] =	ssyncset.done $0x0  }
0x22f: {  	s18 =	sadd.s32 $0xA0, s16;
	[sflag:s26] =	ssyncadd.s32 $0xFFFFEC00  }
0x230: {  	[tilespmem:s11], [sflag:$0x1] =	stream.indirect.gather [hbm4b:s1+s14], $0x80, s18, s14, $0xb8;
	[tilespmem:$0x19820] =	vst v63  }
0x231: {  	_ =	swait.ge [sflag:s28], $0x1400  }
0x232: {  	[sflag:s28] =	ssyncset.done $0x0  }
0x233: {  	s18 =	sadd.s32 $0xC8, s16;
	[sflag:s28] =	ssyncadd.s32 $0xFFFFEC00  }
0x234: {  	[tilespmem:s15], [sflag:$0x2] =	stream.indirect.gather [hbm4b:s1+s14], $0x80, s18, s14, $0xb8;
	[tilespmem:$0x19820] =	vst v63  }
0x235: {  	_ =	swait.ge [sflag:s29], $0x1400  }
0x236: {  	[sflag:s29] =	ssyncset.done $0x0  }
.Ltmp3:
0x237: {  	s18 =	sadd.s32 $0xF0, s16;
	[sflag:s29] =	ssyncadd.s32 $0xFFFFEC00;
	(pc) =	sbr.rel @p1 .LBB2_8-.Ltmp3, $4  }
0x238: {  	[tilespmem:s17], [sflag:$0x3] =	stream.indirect.gather [hbm4b:s1+s14], $0x80, s18, s14, $0xb8;
	[tilespmem:$0x19820] =	vst v63  }
0x239: {  	_ =	swait.ge [sflag:s30], $0x1400  }
0x23a: {  	[sflag:s30] =	ssyncset.done $0x0  }
0x23b: {  	s16 =	sadd.s32 $0x118, s16;
	[sflag:s30] =	ssyncadd.s32 $0xFFFFEC00  }
0x23c: {  	[tilespmem:s19], [sflag:$0x4] =	stream.indirect.gather [hbm4b:s1+s14], $0x80, s16, s14, $0xb8;
	[tilespmem:$0x19820] =	vst v63  }
0x23d: {  	_ =	swait.ge [sflag:s20], $0x1400  }
0x23e: {  	[sflag:s20] =	ssyncset.done $0x0  }
0x23f: {  	s0 =	simm.s32 $0xEB0;
	[sflag:s20] =	ssyncadd.s32 $0xFFFFEC00  }
0x240: {  	[spmem:s2] =	stream.indirect.scatter.add.f32 [tilespmem:s11], [sflag:$0x5], $0x80, s0, s14, $0xb8;
	[tilespmem:$0x19820] =	vst v63  }
0x241: {  	_ =	swait.ge [sflag:s22], $0x1400  }
0x242: {  	[sflag:s22] =	ssyncset.done $0x0  }
0x243: {  	s18 =	simm.s32 $0xED8;
	[sflag:s22] =	ssyncadd.s32 $0xFFFFEC00  }
0x244: {  	[spmem:s2] =	stream.indirect.scatter.add.f32 [tilespmem:s15], [sflag:$0x6], $0x80, s18, s14, $0xb8;
	[tilespmem:$0x19820] =	vst v63  }
0x245: {  	_ =	swait.ge [sflag:s23], $0x1400  }
0x246: {  	[sflag:s23] =	ssyncset.done $0x0  }
0x247: {  	s13 =	simm.s32 $0xF00;
	[sflag:s23] =	ssyncadd.s32 $0xFFFFEC00  }
0x248: {  	[spmem:s2] =	stream.indirect.scatter.add.f32 [tilespmem:s17], [sflag:$0x7], $0x80, s13, s14, $0xb8;
	[tilespmem:$0x19820] =	vst v63  }
0x249: {  	_ =	swait.ge [sflag:s25], $0x1400  }
0x24a: {  	[sflag:s25] =	ssyncset.done $0x0  }
0x24b: {  	[sflag:s25] =	ssyncadd.s32 $0xFFFFEC00  }
0x24c: {  	[spmem:s2] =	stream.indirect.scatter.add.f32 [tilespmem:s19], [sflag:$0x8], $0x80, s5, s14, $0xb8;
	[tilespmem:$0x19820] =	vst v63  }
0x24d: {  	_ =	swait.ge [sflag:s26], $0x1400  }
0x24e: {  	[sflag:s26] =	ssyncset.done $0x0  }
0x24f: {  	[sflag:s26] =	ssyncadd.s32 $0xFFFFEC00  }
0x250: {  	[tilespmem:s11], [sflag:$0x1] =	stream.indirect.gather [hbm4b:s1+s14], $0x80, s8, s14, $0xb8;
	[tilespmem:$0x19820] =	vst v63  }
0x251: {  	_ =	swait.ge [sflag:s28], $0x1400  }
0x252: {  	[sflag:s28] =	ssyncset.done $0x0  }
0x253: {  	[sflag:s28] =	ssyncadd.s32 $0xFFFFEC00  }
0x254: {  	[tilespmem:s15], [sflag:$0x2] =	stream.indirect.gather [hbm4b:s1+s14], $0x80, s9, s14, $0xb8;
	[tilespmem:$0x19820] =	vst v63  }
0x255: {  	_ =	swait.ge [sflag:s29], $0x1400  }
0x256: {  	[sflag:s29] =	ssyncset.done $0x0  }
0x257: {  	[sflag:s29] =	ssyncadd.s32 $0xFFFFEC00  }
0x258: {  	_ =	swait.ge [sflag:s30], $0x1400  }
0x259: {  	[sflag:s30] =	ssyncset.done $0x0  }
0x25a: {  	[sflag:s30] =	ssyncadd.s32 $0xFFFFEC00  }
0x25b: {  	_ =	swait.ge [sflag:s20], $0x1400  }
0x25c: {  	[sflag:s20] =	ssyncset.done $0x0  }
0x25d: {  	[sflag:s20] =	ssyncadd.s32 $0xFFFFEC00  }
0x25e: {  	[spmem:s2] =	stream.indirect.scatter.add.f32 [tilespmem:s11], [sflag:$0x5], $0x80, s10, s14, $0xb8;
	[tilespmem:$0x19820] =	vst v63  }
0x25f: {  	_ =	swait.ge [sflag:s22], $0x1400  }
0x260: {  	[sflag:s22] =	ssyncset.done $0x0  }
0x261: {  	[sflag:s22] =	ssyncadd.s32 $0xFFFFEC00  }
0x262: {  	[spmem:s2] =	stream.indirect.scatter.add.f32 [tilespmem:s15], [sflag:$0x6], $0x80, s6, s14, $0xb8;
	[tilespmem:$0x19820] =	vst v63  }
0x263: {  	_ =	swait.ge [sflag:s26], $0x1400  }
0x264: {  	[sflag:s26] =	ssyncset.done $0x0  }
0x265: {  	[sflag:s26] =	ssyncadd.s32 $0xFFFFEC00  }
0x266: {  	_ =	swait.ge [sflag:s28], $0x1400  }
0x267: {  	[sflag:s28] =	ssyncset.done $0x0  }
0x268: {  	s13 =	simm.s32 $0x0;
	s16 =	rddreg [dreg:$0xf];
	[sflag:s28] =	ssyncadd.s32 $0xFFFFEC00  }
0x269: {  	[tilespmem:s13], [sflag:$0x9] =	stream.linear.gather [hbm4b:s16+s13], $0x7D0, $0x38;
	[tilespmem:$0x19820] =	vst v63  }
0x26a: {  	_ =	swait.ge [sflag:s12], $0x7D0  }
0x26b: {  	[sflag:s12] =	ssyncset.done $0x0  }
0x26c: {  	s18 =	rddreg [dreg:$0x10];
	[sflag:s12] =	ssyncadd.s32 $0xFFFFF830  }
0x26d: {  	[tilespmem:s4], [sflag:$0x9] =	stream.linear.gather [hbm4b:s18+s13], $0x7D0, $0x38;
	[tilespmem:$0x19820] =	vst v63  }
0x26e: {  	_ =	swait.ge [sflag:s12], $0x7D0  }
0x26f: {  	[sflag:s12] =	ssyncset.done $0x0  }
0x270: {  	[sflag:s12] =	ssyncadd.s32 $0xFFFFF830  }
0x271: {  	[tilespmem:s11], [sflag:$0x1] =	stream.indirect.gather [hbm4b:s1+s14], $0x80, s13, s14, $0xb8;
	[tilespmem:$0x19820] =	vst v63  }
0x272: {  	_ = 	snop  }
0x273: {  	[tilespmem:s15], [sflag:$0x2] =	stream.indirect.gather [hbm4b:s1+s14], $0x80, s14, s14, $0xb8;
	[tilespmem:$0x19820] =	vst v63  }
0x274: {  	_ = 	snop  }
0x275: {  	[tilespmem:s17], [sflag:$0x3] =	stream.indirect.gather [hbm4b:s1+s14], $0x80, s31, s14, $0xb8;
	[tilespmem:$0x19820] =	vst v63  }
0x276: {  	s16 =	simm.s32 $0x78  }
0x277: {  	[tilespmem:s19], [sflag:$0x4] =	stream.indirect.gather [hbm4b:s1+s14], $0x80, s16, s14, $0xb8;
	[tilespmem:$0x19820] =	vst v63  }
0x278: {  	_ =	swait.ge [sflag:s20], $0x1400  }
0x279: {  	[sflag:s20] =	ssyncset.done $0x0  }
0x27a: {  	s18 =	simm.s32 $0x7D0;
	[sflag:s20] =	ssyncadd.s32 $0xFFFFEC00  }
0x27b: {  	[spmem:s2] =	stream.indirect.scatter.add.f32 [tilespmem:s11], [sflag:$0x5], $0x80, s18, s14, $0xb8;
	[tilespmem:$0x19820] =	vst v63  }
0x27c: {  	_ =	swait.ge [sflag:s22], $0x1400  }
0x27d: {  	[sflag:s22] =	ssyncset.done $0x0  }
0x27e: {  	s31 =	simm.s32 $0x7F8;
	[sflag:s22] =	ssyncadd.s32 $0xFFFFEC00  }
0x27f: {  	[spmem:s2] =	stream.indirect.scatter.add.f32 [tilespmem:s15], [sflag:$0x6], $0x80, s31, s14, $0xb8;
	[tilespmem:$0x19820] =	vst v63  }
0x280: {  	_ =	swait.ge [sflag:s23], $0x1400  }
0x281: {  	[sflag:s23] =	ssyncset.done $0x0  }
0x282: {  	s0 =	simm.s32 $0x820;
	[sflag:s23] =	ssyncadd.s32 $0xFFFFEC00  }
0x283: {  	[spmem:s2] =	stream.indirect.scatter.add.f32 [tilespmem:s17], [sflag:$0x7], $0x80, s0, s14, $0xb8;
	[tilespmem:$0x19820] =	vst v63  }
0x284: {  	_ =	swait.ge [sflag:s25], $0x1400  }
0x285: {  	[sflag:s25] =	ssyncset.done $0x0  }
0x286: {  	s4 =	simm.s32 $0x848;
	[sflag:s25] =	ssyncadd.s32 $0xFFFFEC00  }
0x287: {  	[spmem:s2] =	stream.indirect.scatter.add.f32 [tilespmem:s19], [sflag:$0x8], $0x80, s4, s14, $0xb8;
	[tilespmem:$0x19820] =	vst v63  }
0x288: {  	_ =	swait.ge [sflag:s26], $0x1400  }
0x289: {  	[sflag:s26] =	ssyncset.done $0x0  }
0x28a: {  	s16 =	simm.s32 $0xA0;
	[sflag:s26] =	ssyncadd.s32 $0xFFFFEC00  }
0x28b: {  	[tilespmem:s11], [sflag:$0x1] =	stream.indirect.gather [hbm4b:s1+s14], $0x80, s16, s14, $0xb8;
	[tilespmem:$0x19820] =	vst v63  }
0x28c: {  	_ =	swait.ge [sflag:s28], $0x1400  }
0x28d: {  	[sflag:s28] =	ssyncset.done $0x0  }
0x28e: {  	s18 =	simm.s32 $0xC8;
	[sflag:s28] =	ssyncadd.s32 $0xFFFFEC00  }
0x28f: {  	[tilespmem:s15], [sflag:$0x2] =	stream.indirect.gather [hbm4b:s1+s14], $0x80, s18, s14, $0xb8;
	[tilespmem:$0x19820] =	vst v63  }
0x290: {  	_ =	swait.ge [sflag:s29], $0x1400  }
0x291: {  	[sflag:s29] =	ssyncset.done $0x0  }
0x292: {  	s31 =	simm.s32 $0xF0;
	[sflag:s29] =	ssyncadd.s32 $0xFFFFEC00  }
0x293: {  	[tilespmem:s17], [sflag:$0x3] =	stream.indirect.gather [hbm4b:s1+s14], $0x80, s31, s14, $0xb8;
	[tilespmem:$0x19820] =	vst v63  }
0x294: {  	_ =	swait.ge [sflag:s30], $0x1400  }
0x295: {  	[sflag:s30] =	ssyncset.done $0x0  }
0x296: {  	s13 =	simm.s32 $0x280;
	s16 =	simm.s32 $0x118;
	[sflag:s30] =	ssyncadd.s32 $0xFFFFEC00  }
.LBB2_10:
0x297: {  	[tilespmem:s19], [sflag:$0x4] =	stream.indirect.gather [hbm4b:s1+s14], $0x80, s16, s14, $0xb8;
	[tilespmem:$0x19820] =	vst v63  }
0x298: {  	s16 =	smov.u32 s13  }
0x299: {  	p1 =	sne.s32 s13, $0x1900;
	s13 =	sadd.s32 $0x280, s13;
	_ =	swait.ge [sflag:s20], $0x1400  }
0x29a: {  	s16 =	sshra.s32 s16, $0x2;
	[sflag:s20] =	ssyncset.done $0x0  }
0x29b: {  	s18 =	sadd.s32 $0x7D0, s16;
	[sflag:s20] =	ssyncadd.s32 $0xFFFFEC00  }
0x29c: {  	[spmem:s2] =	stream.indirect.scatter.add.f32 [tilespmem:s11], [sflag:$0x5], $0x80, s18, s14, $0xb8;
	[tilespmem:$0x19820] =	vst v63  }
0x29d: {  	_ =	swait.ge [sflag:s22], $0x1400  }
0x29e: {  	[sflag:s22] =	ssyncset.done $0x0  }
0x29f: {  	s18 =	sadd.s32 $0x7F8, s16;
	[sflag:s22] =	ssyncadd.s32 $0xFFFFEC00  }
0x2a0: {  	[spmem:s2] =	stream.indirect.scatter.add.f32 [tilespmem:s15], [sflag:$0x6], $0x80, s18, s14, $0xb8;
	[tilespmem:$0x19820] =	vst v63  }
0x2a1: {  	_ =	swait.ge [sflag:s23], $0x1400  }
0x2a2: {  	[sflag:s23] =	ssyncset.done $0x0  }
0x2a3: {  	s18 =	sadd.s32 $0x820, s16;
	[sflag:s23] =	ssyncadd.s32 $0xFFFFEC00  }
0x2a4: {  	[spmem:s2] =	stream.indirect.scatter.add.f32 [tilespmem:s17], [sflag:$0x7], $0x80, s18, s14, $0xb8;
	[tilespmem:$0x19820] =	vst v63  }
0x2a5: {  	_ =	swait.ge [sflag:s25], $0x1400  }
0x2a6: {  	[sflag:s25] =	ssyncset.done $0x0  }
0x2a7: {  	s18 =	sadd.s32 $0x848, s16;
	[sflag:s25] =	ssyncadd.s32 $0xFFFFEC00  }
0x2a8: {  	[spmem:s2] =	stream.indirect.scatter.add.f32 [tilespmem:s19], [sflag:$0x8], $0x80, s18, s14, $0xb8;
	[tilespmem:$0x19820] =	vst v63  }
0x2a9: {  	_ =	swait.ge [sflag:s26], $0x1400  }
0x2aa: {  	[sflag:s26] =	ssyncset.done $0x0  }
0x2ab: {  	s18 =	sadd.s32 $0xA0, s16;
	[sflag:s26] =	ssyncadd.s32 $0xFFFFEC00  }
0x2ac: {  	[tilespmem:s11], [sflag:$0x1] =	stream.indirect.gather [hbm4b:s1+s14], $0x80, s18, s14, $0xb8;
	[tilespmem:$0x19820] =	vst v63  }
0x2ad: {  	_ =	swait.ge [sflag:s28], $0x1400  }
0x2ae: {  	[sflag:s28] =	ssyncset.done $0x0  }
0x2af: {  	s18 =	sadd.s32 $0xC8, s16;
	[sflag:s28] =	ssyncadd.s32 $0xFFFFEC00  }
0x2b0: {  	[tilespmem:s15], [sflag:$0x2] =	stream.indirect.gather [hbm4b:s1+s14], $0x80, s18, s14, $0xb8;
	[tilespmem:$0x19820] =	vst v63  }
0x2b1: {  	_ =	swait.ge [sflag:s29], $0x1400  }
0x2b2: {  	[sflag:s29] =	ssyncset.done $0x0  }
.Ltmp4:
0x2b3: {  	s18 =	sadd.s32 $0xF0, s16;
	[sflag:s29] =	ssyncadd.s32 $0xFFFFEC00;
	(pc) =	sbr.rel @p1 .LBB2_10-.Ltmp4, $4  }
0x2b4: {  	[tilespmem:s17], [sflag:$0x3] =	stream.indirect.gather [hbm4b:s1+s14], $0x80, s18, s14, $0xb8;
	[tilespmem:$0x19820] =	vst v63  }
0x2b5: {  	_ =	swait.ge [sflag:s30], $0x1400  }
0x2b6: {  	[sflag:s30] =	ssyncset.done $0x0  }
0x2b7: {  	s16 =	sadd.s32 $0x118, s16;
	[sflag:s30] =	ssyncadd.s32 $0xFFFFEC00  }
0x2b8: {  	[tilespmem:s19], [sflag:$0x4] =	stream.indirect.gather [hbm4b:s1+s14], $0x80, s16, s14, $0xb8;
	[tilespmem:$0x19820] =	vst v63  }
0x2b9: {  	_ =	swait.ge [sflag:s20], $0x1400  }
0x2ba: {  	[sflag:s20] =	ssyncset.done $0x0  }
0x2bb: {  	s0 =	simm.s32 $0xEB0;
	[sflag:s20] =	ssyncadd.s32 $0xFFFFEC00  }
0x2bc: {  	[spmem:s2] =	stream.indirect.scatter.add.f32 [tilespmem:s11], [sflag:$0x5], $0x80, s0, s14, $0xb8;
	[tilespmem:$0x19820] =	vst v63  }
0x2bd: {  	_ =	swait.ge [sflag:s22], $0x1400  }
0x2be: {  	[sflag:s22] =	ssyncset.done $0x0  }
0x2bf: {  	s18 =	simm.s32 $0xED8;
	[sflag:s22] =	ssyncadd.s32 $0xFFFFEC00  }
0x2c0: {  	[spmem:s2] =	stream.indirect.scatter.add.f32 [tilespmem:s15], [sflag:$0x6], $0x80, s18, s14, $0xb8;
	[tilespmem:$0x19820] =	vst v63  }
0x2c1: {  	_ =	swait.ge [sflag:s23], $0x1400  }
0x2c2: {  	[sflag:s23] =	ssyncset.done $0x0  }
0x2c3: {  	s31 =	simm.s32 $0xF00;
	[sflag:s23] =	ssyncadd.s32 $0xFFFFEC00  }
0x2c4: {  	[spmem:s2] =	stream.indirect.scatter.add.f32 [tilespmem:s17], [sflag:$0x7], $0x80, s31, s14, $0xb8;
	[tilespmem:$0x19820] =	vst v63  }
0x2c5: {  	_ =	swait.ge [sflag:s25], $0x1400  }
0x2c6: {  	[sflag:s25] =	ssyncset.done $0x0  }
0x2c7: {  	[sflag:s25] =	ssyncadd.s32 $0xFFFFEC00  }
0x2c8: {  	[spmem:s2] =	stream.indirect.scatter.add.f32 [tilespmem:s19], [sflag:$0x8], $0x80, s5, s14, $0xb8;
	[tilespmem:$0x19820] =	vst v63  }
0x2c9: {  	_ =	swait.ge [sflag:s26], $0x1400  }
0x2ca: {  	[sflag:s26] =	ssyncset.done $0x0  }
0x2cb: {  	[sflag:s26] =	ssyncadd.s32 $0xFFFFEC00  }
0x2cc: {  	[tilespmem:s11], [sflag:$0x1] =	stream.indirect.gather [hbm4b:s1+s14], $0x80, s8, s14, $0xb8;
	[tilespmem:$0x19820] =	vst v63  }
0x2cd: {  	_ =	swait.ge [sflag:s28], $0x1400  }
0x2ce: {  	[sflag:s28] =	ssyncset.done $0x0  }
0x2cf: {  	[sflag:s28] =	ssyncadd.s32 $0xFFFFEC00  }
0x2d0: {  	[tilespmem:s15], [sflag:$0x2] =	stream.indirect.gather [hbm4b:s1+s14], $0x80, s9, s14, $0xb8;
	[tilespmem:$0x19820] =	vst v63  }
0x2d1: {  	_ =	swait.ge [sflag:s29], $0x1400  }
0x2d2: {  	[sflag:s29] =	ssyncset.done $0x0  }
0x2d3: {  	[sflag:s29] =	ssyncadd.s32 $0xFFFFEC00  }
0x2d4: {  	_ =	swait.ge [sflag:s30], $0x1400  }
0x2d5: {  	[sflag:s30] =	ssyncset.done $0x0  }
0x2d6: {  	[sflag:s30] =	ssyncadd.s32 $0xFFFFEC00  }
0x2d7: {  	_ =	swait.ge [sflag:s20], $0x1400  }
0x2d8: {  	[sflag:s20] =	ssyncset.done $0x0  }
0x2d9: {  	[sflag:s20] =	ssyncadd.s32 $0xFFFFEC00  }
0x2da: {  	[spmem:s2] =	stream.indirect.scatter.add.f32 [tilespmem:s11], [sflag:$0x5], $0x80, s10, s14, $0xb8;
	[tilespmem:$0x19820] =	vst v63  }
0x2db: {  	_ =	swait.ge [sflag:s22], $0x1400  }
0x2dc: {  	[sflag:s22] =	ssyncset.done $0x0  }
0x2dd: {  	[sflag:s22] =	ssyncadd.s32 $0xFFFFEC00  }
0x2de: {  	[spmem:s2] =	stream.indirect.scatter.add.f32 [tilespmem:s15], [sflag:$0x6], $0x80, s6, s14, $0xb8;
	[tilespmem:$0x19820] =	vst v63  }
0x2df: {  	_ =	swait.ge [sflag:s26], $0x1400  }
0x2e0: {  	[sflag:s26] =	ssyncset.done $0x0  }
0x2e1: {  	[sflag:s26] =	ssyncadd.s32 $0xFFFFEC00  }
0x2e2: {  	_ =	swait.ge [sflag:s28], $0x1400  }
0x2e3: {  	[sflag:s28] =	ssyncset.done $0x0  }
0x2e4: {  	[sflag:s28] =	ssyncadd.s32 $0xFFFFEC00  }
0x2e5: {  	[bflag:$0x0] =	sbarrier.arrive $0xFFFF  }
0x2e6: {  	[tilespmem:s11], [sflag:$0x9] =	stream.linear.gather [spmem:s21], $0x1400, $0x38;
	[tilespmem:$0x19820] =	vst v63  }
0x2e7: {  	_ =	swait.ge [sflag:s12], $0x1400  }
0x2e8: {  	[sflag:s12] =	ssyncset.done $0x0  }
0x2e9: {  	s13 =	sadd.s32 $0x0, s24;
	[sflag:s12] =	ssyncadd.s32 $0xFFFFEC00  }
0x2ea: {  	[hbm4b:s13+s3] =	stream.linear.scatter [tilespmem:s11], [sflag:$0x9], $0x1400, $0x38;
	[tilespmem:$0x19820] =	vst v63  }
0x2eb: {  	_ =	swait.ge [sflag:s12], $0x1400  }
0x2ec: {  	s16 =	smov.u32 s21;
	s13 =	simm.s32 $0x280;
	[sflag:s12] =	ssyncset.done $0x0  }
.LBB2_12:
0x2ed: {  	p1 =	sne.s32 s13, $0x2300;
	[sflag:s12] =	ssyncadd.s32 $0xFFFFEC00;
	s16 =	sadd.s32 $0x1400, s16  }
0x2ee: {  	[tilespmem:s11], [sflag:$0x9] =	stream.linear.gather [spmem:s16], $0x1400, $0x38;
	[tilespmem:$0x19820] =	vst v63  }
0x2ef: {  	s18 =	smov.u32 s13;
	s13 =	sadd.s32 $0x280, s13;
	_ =	swait.ge [sflag:s12], $0x1400  }
.Ltmp5:
0x2f0: {  	[sflag:s12] =	ssyncset.done $0x0;
	(pc) =	sbr.rel @p1 .LBB2_12-.Ltmp5, $4  }
0x2f1: {  	s18 =	sadd.s32 s18, s24;
	[sflag:s12] =	ssyncadd.s32 $0xFFFFEC00  }
0x2f2: {  	[hbm4b:s18+s3] =	stream.linear.scatter [tilespmem:s11], [sflag:$0x9], $0x1400, $0x38;
	[tilespmem:$0x19820] =	vst v63  }
0x2f3: {  	_ =	swait.ge [sflag:s12], $0x1400  }
0x2f4: {  	[sflag:s12] =	ssyncset.done $0x0  }
0x2f5: {  	[sflag:s12] =	ssyncadd.s32 $0xFFFFEC00;
	s31 =	rddreg [dreg:$0x5]  }
0x2f6: {  	[tilespmem:s11], [sflag:$0x9] =	stream.linear.gather [spmem:s31], $0xC00, $0x38;
	[tilespmem:$0x19820] =	vst v63  }
0x2f7: {  	_ =	swait.ge [sflag:s12], $0xC00  }
0x2f8: {  	[sflag:s12] =	ssyncset.done $0x0  }
0x2f9: {  	s0 =	rddreg [dreg:$0x11];
	[sflag:s12] =	ssyncadd.s32 $0xFFFFF400  }
0x2fa: {  	[hbm4b:s0+s3] =	stream.linear.scatter [tilespmem:s11], [sflag:$0x9], $0xC00, $0x38;
	[tilespmem:$0x19820] =	vst v63  }
0x2fb: {  	_ =	swait.ge [sflag:s12], $0xC00  }
0x2fc: {  	s13 =	simm.s32 @!p0 $0xFA0;
	[sflag:s12] =	ssyncset.done $0x0  }
0x2fd: {  	s16 =	simm.s32 @!p0 $0x9;
	s0 =	rddreg [dreg:$0x6];
	[sflag:s12] =	ssyncadd.s32 $0xFFFFF400  }
0x2fe: {  	[tilespmem:s13], [sflag:$0x9] =	stream.linear.gather @!p0 [spmem:s0], $0x800, $0x38;
	[tilespmem:$0x19820] =	vst v63  }
0x2ff: {  	_ =	swait.ge @!p0 [sflag:s16], $0x800  }
0x300: {  	[sflag:s16] =	ssyncset.done @!p0 $0x0  }
0x301: {  	s18 =	simm.s32 @!p0 $0x0;
	s4 =	rddreg [dreg:$0x12];
	[sflag:s16] =	ssyncadd.s32 @!p0 $0xFFFFF800  }
0x302: {  	[hbm4b:s4+s18] =	stream.linear.scatter @!p0 [tilespmem:s13], [sflag:$0x9], $0x800, $0x38;
	[tilespmem:$0x19820] =	vst v63  }
0x303: {  	_ =	swait.ge @!p0 [sflag:s16], $0x800  }
0x304: {  	s7 =	sadd.s32 $0x1, s7;
	s13 =	rddreg [dreg:$0x13]  }
0x305: {  	p1 =	sne.s32 s7, s13  }
.Ltmp6:
0x306: {  	_ = 	snop;
	(pc) =	sbr.rel @p1 .LBB2_1-.Ltmp6, $3  }
0x307: {  	_ =	sdelay $0x1  }
0x308: {  	s18 =	smov.u32 s0;
	s4 =	simm.s32 $0x7D0;
	[sflag:s16] =	ssyncset.done @!p0 $0x0  }
0x309: {  	[sflag:s16] =	ssyncadd.s32 @!p0 $0xFFFFF800;
	s16 =	smov.u32 s31;
	s31 =	simm.s32 $0x50  }
0x30a: {  	_ =	sfence.sel $0x180000  }
0x30b: {  	[bflag:$0x0] =	sbarrier.arrive $0xFFFF  }
0x30c: {  	_ =	strace $0x9000004A  }
0x30d: {  	s0 =	stileid.u32;
	[bflag:$0x2] =	sbarrier.arrive $0xFFFF  }
0x30e: {  	p0 =	sne.s32 s0, $0x0;
	s0 =	rddreg [dreg:$0x3]  }
0x30f: {  	s0 =	sadd.s32 @!p0 $0x100000, s0  }
0x310: {  	[sflag:s0] =	ssyncadd.tile.s32 @!p0 $0x1;
	_ =	shalt  }
.Lfunc_end2:
_tile_overlayer_lowered:
.L_overlay_start_2:
0x311: {  	(tag) =	ssettag $0x2  }
0x312: {  	s0 =	rddreg [dreg:$0x0];
	s2 =	stileid.u32  }
0x313: {  	s1 =	rddreg [dreg:$0x1];
	p0 =	sne.s32 s2, $0x0  }
0x314: {  	s3 =	rddreg [dreg:$0x2];
	[bflag:$0x3] =	sbarrier.arrive $0xFFFF;
	s2 =	simm.s32 @!p0 $0x1C09  }
0x315: {  	[timem:s3], [sflag:s2] =	dma.local @!p0 [hbm:s0], s1  }
0x316: {  	s0 =	simm.s32 @!p0 $0x9  }
0x317: {  	_ =	swait.ge @!p0 [sflag:s0], s1  }
0x318: {  	s1 =	ssub.s32 @!p0 $0x0, s1;
	[sflag:s0] =	ssyncset.done @!p0 $0x0  }
0x319: {  	[sflag:s0] =	ssyncadd.s32 @!p0 s1  }
0x31a: {  	[bflag:$0x3] =	sbarrier.arrive $0xFFFF  }
0x31b: {  	_ =	shalt  }

</sc_bundles>
